<compile_context>
chip_gen: v7x
topology: tpu7x:2x2x1
jax: 0.10.2.dev20260603
libtpu: 0.0.44.dev20260713+nightly
codegen_flags: <defaults>
</compile_context>

<pallas_src>
import functools

import jax
import jax.numpy as jnp
from jax import lax
from jax.experimental import pallas as pl
from jax.experimental.pallas import tpu as pltpu
from jax.experimental.pallas import tpu_sc as plsc

BATCH = 16384
EMBED_DIM = 32
N_USERS = 1000000
NUM_WORKERS = 32
B_PER_W = BATCH // NUM_WORKERS
CHUNK = 128
N_CHUNKS = B_PER_W // CHUNK
BIAS_ROWS = 7816
WAVE = 4
N_WAVES = B_PER_W // WAVE


def _sc_body(uidx_hbm, iidx_hbm, uembT_hbm, iembT_hbm, ubias_hbm, ibias_hbm,
             out_hbm,
             uidx_v, iidx_v, cols_v, brow_v, brow_idx_v,
             ub_v, ib_v, work_v, work2_v, dot_v, out_v, sem_a, sem_b):
    wid = lax.axis_index("s") * 2 + lax.axis_index("c")
    base = wid * B_PER_W

    pltpu.sync_copy(uidx_hbm.at[pl.ds(base, B_PER_W)],
                    uidx_v.at[pl.ds(0, B_PER_W)])
    pltpu.sync_copy(iidx_hbm.at[pl.ds(base, B_PER_W)],
                    iidx_v.at[pl.ds(0, B_PER_W)])

    iota = lax.iota(jnp.int32, 16)
    zero16 = iota * 0

    def fetch_wave(q, parity, buf, wsem):
        off8 = pl.multiple_of(q * 8, 8)
        lane0 = parity * WAVE
        uvec = uidx_v[pl.ds(off8, 16)]
        ivec = iidx_v[pl.ds(off8, 16)]
        copies = []
        for l in range(WAVE):
            u = uvec[lane0 + l]
            i = ivec[lane0 + l]
            cbu = pl.multiple_of((u >> 7) * CHUNK, CHUNK)
            cbi = pl.multiple_of((i >> 7) * CHUNK, CHUNK)
            copies.append(pltpu.make_async_copy(
                uembT_hbm.at[:, pl.ds(cbu, CHUNK)], cols_v.at[buf, 0, l],
                wsem))
            copies.append(pltpu.make_async_copy(
                iembT_hbm.at[:, pl.ds(cbi, CHUNK)], cols_v.at[buf, 1, l],
                wsem))
        for c in copies:
            c.start()

    def drain_wave(buf, wsem):
        for l in range(WAVE):
            pltpu.make_async_copy(
                uembT_hbm.at[:, pl.ds(0, CHUNK)], cols_v.at[buf, 0, l],
                wsem).wait()
            pltpu.make_async_copy(
                uembT_hbm.at[:, pl.ds(0, CHUNK)], cols_v.at[buf, 1, l],
                wsem).wait()

    def extract_wave(q, parity, buf):
        off8 = pl.multiple_of(q * 8, 8)
        lane0 = parity * WAVE
        uvec = uidx_v[pl.ds(off8, 16)]
        ivec = iidx_v[pl.ds(off8, 16)]
        for l in range(WAVE):
            cu = zero16 + (uvec[lane0 + l] & 127)
            ci = zero16 + (ivec[lane0 + l] & 127)
            u_lo = plsc.load_gather(cols_v, [zero16 + buf, zero16, zero16 + l,
                                             iota, cu])
            u_hi = plsc.load_gather(cols_v, [zero16 + buf, zero16, zero16 + l,
                                             iota + 16, cu])
            v_lo = plsc.load_gather(cols_v, [zero16 + buf, zero16 + 1,
                                             zero16 + l, iota, ci])
            v_hi = plsc.load_gather(cols_v, [zero16 + buf, zero16 + 1,
                                             zero16 + l, iota + 16, ci])
            poff = pl.multiple_of((q * 8 + parity * WAVE + l) * 16, 16)
            work_v[pl.ds(poff, 16)] = u_lo * v_lo + u_hi * v_hi

    def pair_body(p, carry):
        fetch_wave(p, 1, 1, sem_b)
        drain_wave(0, sem_a)
        extract_wave(p, 0, 0)

        @pl.when(p < N_WAVES // 2 - 1)
        def _():
            fetch_wave(p + 1, 0, 0, sem_a)

        drain_wave(1, sem_b)
        extract_wave(p, 1, 1)
        return carry

    fetch_wave(0, 0, 0, sem_a)
    lax.fori_loop(0, N_WAVES // 2, pair_body, 0)

    def bias_for_table(bias_hbm, idx_v, dst_v):
        for j in range(N_CHUNKS):
            for g in range(CHUNK // 16):
                v = idx_v[pl.ds(j * CHUNK + g * 16, 16)]
                brow_idx_v[pl.ds(g * 16, 16)] = v >> 7
            pltpu.make_async_copy(
                bias_hbm.at[brow_idx_v], brow_v, sem_a).start()
            pltpu.make_async_copy(
                bias_hbm.at[brow_idx_v], brow_v, sem_a).wait()
            for g in range(CHUNK // 16):
                v = idx_v[pl.ds(j * CHUNK + g * 16, 16)]
                rowv = g * 16 + iota
                dst_v[pl.ds(j * CHUNK + g * 16, 16)] = plsc.load_gather(
                    brow_v, [rowv, v & 127])

    bias_for_table(ubias_hbm, uidx_v, ub_v)
    bias_for_table(ibias_hbm, iidx_v, ib_v)

    def fold(src, dst, n_out):
        def body(i, carry):
            src_base = i * 32
            a = plsc.load_gather(src, [src_base + iota * 2])
            b = plsc.load_gather(src, [src_base + iota * 2 + 1])
            dst[pl.ds(pl.multiple_of(i * 16, 16), 16)] = a + b
            return carry

        lax.fori_loop(0, n_out // 16, body, 0, unroll=4)

    fold(work_v, work2_v, 4096)
    fold(work2_v, work_v, 2048)
    fold(work_v, work2_v, 1024)
    fold(work2_v, dot_v, 512)

    def sig_body(g, carry):
        off = pl.multiple_of(g * 16, 16)
        x = dot_v[pl.ds(off, 16)] + ub_v[pl.ds(off, 16)] + ib_v[pl.ds(off, 16)]
        out_v[pl.ds(off, 16)] = 1.0 / (1.0 + jnp.exp(-x))
        return carry

    lax.fori_loop(0, B_PER_W // 16, sig_body, 0, unroll=4)

    pltpu.sync_copy(out_v, out_hbm.at[pl.ds(base, B_PER_W)])


@jax.jit
def _mf_sc(uidx, iidx, uembT, iembT, ubias2d, ibias2d):
    mesh = plsc.VectorSubcoreMesh(core_axis_name="c", subcore_axis_name="s")
    f = functools.partial(
        pl.kernel,
        mesh=mesh,
        compiler_params=pltpu.CompilerParams(
            needs_layout_passes=False, use_tc_tiling_on_sc=True),
        out_type=jax.ShapeDtypeStruct((BATCH,), jnp.float32),
        scratch_types=[
            pltpu.VMEM((B_PER_W + 16,), jnp.int32),
            pltpu.VMEM((B_PER_W + 16,), jnp.int32),
            pltpu.VMEM((2, 2, WAVE, EMBED_DIM, CHUNK), jnp.float32),
            pltpu.VMEM((CHUNK, CHUNK), jnp.float32),
            pltpu.VMEM((CHUNK,), jnp.int32),
            pltpu.VMEM((B_PER_W,), jnp.float32),
            pltpu.VMEM((B_PER_W,), jnp.float32),
            pltpu.VMEM((B_PER_W * 16,), jnp.float32),
            pltpu.VMEM((B_PER_W * 8,), jnp.float32),
            pltpu.VMEM((B_PER_W,), jnp.float32),
            pltpu.VMEM((B_PER_W,), jnp.float32),
            pltpu.SemaphoreType.DMA,
            pltpu.SemaphoreType.DMA,
        ],
    )(_sc_body)
    return f(uidx, iidx, uembT, iembT, ubias2d, ibias2d)


def kernel(user_idx, item_idx, user_emb, item_emb, user_bias, item_bias):
    uidx = user_idx.astype(jnp.int32)
    iidx = item_idx.astype(jnp.int32)
    uembT = jnp.swapaxes(user_emb, 0, 1)
    iembT = jnp.swapaxes(item_emb, 0, 1)
    pad = jnp.zeros((BIAS_ROWS * CHUNK - N_USERS,), jnp.float32)
    ubias2d = jnp.concatenate([user_bias.reshape(-1), pad]).reshape(
        BIAS_ROWS, CHUNK)
    ibias2d = jnp.concatenate([item_bias.reshape(-1), pad]).reshape(
        BIAS_ROWS, CHUNK)
    return _mf_sc(uidx, iidx, uembT, iembT, ubias2d, ibias2d)

# --- scband reference (transcript-rebuilt; emitter-appended) ---
"""Pipeline reference for scband-matrix-factorization-50611894616553 (READ-ONLY COPY).

The authoritative reference and input builder live on the scoring server;
editing this copy changes nothing except your own understanding.
"""

import jax, jax.numpy as jnp
import numpy as np

N_USERS = 1000000
N_ITEMS = 1000000
EMBED_DIM = 32
BATCH = 16384


def setup_inputs(seed: int = 0) -> dict:
    key = jax.random.key(seed)
    k1, k2, k3, k4 = jax.random.split(key, 4)
    user_idx = jax.random.randint(k1, (BATCH,), 0, N_USERS, dtype=jnp.int64 if jax.config.jax_enable_x64 else jnp.int32)
    item_idx = jax.random.randint(k2, (BATCH,), 0, N_ITEMS, dtype=jnp.int64 if jax.config.jax_enable_x64 else jnp.int32)
    # xavier_normal for (num_embeddings, dim): std = sqrt(2 / (fan_in + fan_out))
    std_u = float(np.sqrt(2.0 / (N_USERS + EMBED_DIM)))
    std_i = float(np.sqrt(2.0 / (N_ITEMS + EMBED_DIM)))
    user_emb = jax.random.normal(k3, (N_USERS, EMBED_DIM), dtype=jnp.float32) * std_u
    item_emb = jax.random.normal(k4, (N_ITEMS, EMBED_DIM), dtype=jnp.float32) * std_i
    user_bias = jnp.zeros((N_USERS, 1), dtype=jnp.float32)
    item_bias = jnp.zeros((N_ITEMS, 1), dtype=jnp.float32)
    return {
        "user_idx": user_idx,
        "item_idx": item_idx,
        "user_emb": user_emb,
        "item_emb": item_emb,
        "user_bias": user_bias,
        "item_bias": item_bias,
    }


def reference(user_idx, item_idx, user_emb, item_emb, user_bias, item_bias):
    u = jnp.take(user_emb, user_idx, axis=0)          # (B, D)
    v = jnp.take(item_emb, item_idx, axis=0)          # (B, D)
    dot = jnp.sum(u * v, axis=1)                      # (B,)
    bias = jnp.take(user_bias, user_idx, axis=0)[:, 0] + jnp.take(item_bias, item_idx, axis=0)[:, 0]
    return jax.nn.sigmoid(dot + bias)

if __name__ == "__main__":
    import jax
    _d = setup_inputs()
    print(jax.jit(kernel)(*tuple(_d.values())))

</pallas_src>

<mosaic_0001>
#map = affine_map<(d0, d1) -> (0)>
#map1 = affine_map<(d0, d1) -> (0, 0)>
module attributes {stable_mosaic.version = 14 : i64} {
  func.func @_sc_body(%arg0: i32, %arg1: i32, %arg2: memref<16384xi32, #tpu.memory_space<hbm>>, %arg3: memref<16384xi32, #tpu.memory_space<hbm>>, %arg4: memref<32x1000000xf32, #tpu.memory_space<hbm>>, %arg5: memref<32x1000000xf32, #tpu.memory_space<hbm>>, %arg6: memref<7816x128xf32, #tpu.memory_space<hbm>>, %arg7: memref<7816x128xf32, #tpu.memory_space<hbm>>, %arg8: memref<16384xf32, #tpu.memory_space<hbm>>, %arg9: memref<528xi32, #tpu.memory_space<vmem>>, %arg10: memref<528xi32, #tpu.memory_space<vmem>>, %arg11: memref<2x2x4x32x128xf32, #tpu.memory_space<vmem>>, %arg12: memref<128x128xf32, #tpu.memory_space<vmem>>, %arg13: memref<128xi32, #tpu.memory_space<vmem>>, %arg14: memref<512xf32, #tpu.memory_space<vmem>>, %arg15: memref<512xf32, #tpu.memory_space<vmem>>, %arg16: memref<8192xf32, #tpu.memory_space<vmem>>, %arg17: memref<4096xf32, #tpu.memory_space<vmem>>, %arg18: memref<512xf32, #tpu.memory_space<vmem>>, %arg19: memref<512xf32, #tpu.memory_space<vmem>>, %arg20: memref<!tpu.dma_semaphore, #tpu.memory_space<semaphore_mem>>, %arg21: memref<!tpu.dma_semaphore, #tpu.memory_space<semaphore_mem>>) attributes {dimension_semantics = [#tpu.dimension_semantics<core_parallel>, #tpu.dimension_semantics<subcore_parallel>], iteration_bounds = array<i64: 2, 16>, scalar_prefetch = 0 : i64, scratch_operands = 13 : i64, tpu.core_type = #tpu.core_type<sc_vector_subcore>, window_params = [{transform_indices = #map}, {transform_indices = #map}, {transform_indices = #map1}, {transform_indices = #map1}, {transform_indices = #map1}, {transform_indices = #map1}, {transform_indices = #map}]} {
    %mul3A = arith.constant 2 : i32
    %mul3A_0 = arith.muli %arg1, %mul3A : i32
    %add3A = arith.addi %mul3A_0, %arg0 : i32
    %mul3A_1 = arith.constant 512 : i32
    %mul3A_2 = arith.muli %add3A, %mul3A_1 : i32
    "tpu.region"() ({
      %run_scoped3A = tpu.sem_alloc : memref<!tpu.dma_semaphore, #tpu.memory_space<semaphore_mem>>
      %dma_start3A_1413 = arith.constant 0 : i32
      %dma_start3A_1414 = tpu.memref_slice %arg9[%dma_start3A_1413] : memref<528xi32, #tpu.memory_space<vmem>> -> memref<512xi32, #tpu.memory_space<vmem>>
      %dma_start3A_1415 = tpu.memref_slice %arg2[%mul3A_2] : memref<16384xi32, #tpu.memory_space<hbm>> -> memref<512xi32, #tpu.memory_space<hbm>>
      %dma_start3A_1416 = arith.constant 0 : i32
      %dma_start3A_1417 = tpu.memref_slice %arg9[%dma_start3A_1416] : memref<528xi32, #tpu.memory_space<vmem>> -> memref<512xi32, #tpu.memory_space<vmem>>
      %dma_start3A_1418 = tpu.memref_slice %arg2[%mul3A_2] : memref<16384xi32, #tpu.memory_space<hbm>> -> memref<512xi32, #tpu.memory_space<hbm>>
      tpu.enqueue_dma source(%dma_start3A_1418 : memref<512xi32, #tpu.memory_space<hbm>>) target(%dma_start3A_1417 : memref<512xi32, #tpu.memory_space<vmem>>) target_semaphore(%run_scoped3A : memref<!tpu.dma_semaphore, #tpu.memory_space<semaphore_mem>>)
      %dma_wait3A_1419 = arith.constant 0 : i32
      %dma_wait3A_1420 = tpu.memref_slice %arg9[%dma_wait3A_1419] : memref<528xi32, #tpu.memory_space<vmem>> -> memref<512xi32, #tpu.memory_space<vmem>>
      %dma_wait3A_1421 = tpu.memref_slice %arg2[%mul3A_2] : memref<16384xi32, #tpu.memory_space<hbm>> -> memref<512xi32, #tpu.memory_space<hbm>>
      %dma_wait3A_1422 = arith.constant 0 : i32
      %dma_wait3A_1423 = tpu.memref_slice %arg9[%dma_wait3A_1422] : memref<528xi32, #tpu.memory_space<vmem>> -> memref<512xi32, #tpu.memory_space<vmem>>
      %dma_wait3A_1424 = tpu.memref_slice %arg2[%mul3A_2] : memref<16384xi32, #tpu.memory_space<hbm>> -> memref<512xi32, #tpu.memory_space<hbm>>
      tpu.wait_dma2 semaphore(%run_scoped3A : memref<!tpu.dma_semaphore, #tpu.memory_space<semaphore_mem>>) src(%dma_wait3A_1424 : memref<512xi32, #tpu.memory_space<hbm>>) dst(%dma_wait3A_1423 : memref<512xi32, #tpu.memory_space<vmem>>)
      tpu.yield
    }) : () -> ()
    "tpu.region"() ({
      %run_scoped3A = tpu.sem_alloc : memref<!tpu.dma_semaphore, #tpu.memory_space<semaphore_mem>>
      %dma_start3A_1413 = arith.constant 0 : i32
      %dma_start3A_1414 = tpu.memref_slice %arg10[%dma_start3A_1413] : memref<528xi32, #tpu.memory_space<vmem>> -> memref<512xi32, #tpu.memory_space<vmem>>
      %dma_start3A_1415 = tpu.memref_slice %arg3[%mul3A_2] : memref<16384xi32, #tpu.memory_space<hbm>> -> memref<512xi32, #tpu.memory_space<hbm>>
      %dma_start3A_1416 = arith.constant 0 : i32
      %dma_start3A_1417 = tpu.memref_slice %arg10[%dma_start3A_1416] : memref<528xi32, #tpu.memory_space<vmem>> -> memref<512xi32, #tpu.memory_space<vmem>>
      %dma_start3A_1418 = tpu.memref_slice %arg3[%mul3A_2] : memref<16384xi32, #tpu.memory_space<hbm>> -> memref<512xi32, #tpu.memory_space<hbm>>
      tpu.enqueue_dma source(%dma_start3A_1418 : memref<512xi32, #tpu.memory_space<hbm>>) target(%dma_start3A_1417 : memref<512xi32, #tpu.memory_space<vmem>>) target_semaphore(%run_scoped3A : memref<!tpu.dma_semaphore, #tpu.memory_space<semaphore_mem>>)
      %dma_wait3A_1419 = arith.constant 0 : i32
      %dma_wait3A_1420 = tpu.memref_slice %arg10[%dma_wait3A_1419] : memref<528xi32, #tpu.memory_space<vmem>> -> memref<512xi32, #tpu.memory_space<vmem>>
      %dma_wait3A_1421 = tpu.memref_slice %arg3[%mul3A_2] : memref<16384xi32, #tpu.memory_space<hbm>> -> memref<512xi32, #tpu.memory_space<hbm>>
      %dma_wait3A_1422 = arith.constant 0 : i32
      %dma_wait3A_1423 = tpu.memref_slice %arg10[%dma_wait3A_1422] : memref<528xi32, #tpu.memory_space<vmem>> -> memref<512xi32, #tpu.memory_space<vmem>>
      %dma_wait3A_1424 = tpu.memref_slice %arg3[%mul3A_2] : memref<16384xi32, #tpu.memory_space<hbm>> -> memref<512xi32, #tpu.memory_space<hbm>>
      tpu.wait_dma2 semaphore(%run_scoped3A : memref<!tpu.dma_semaphore, #tpu.memory_space<semaphore_mem>>) src(%dma_wait3A_1424 : memref<512xi32, #tpu.memory_space<hbm>>) dst(%dma_wait3A_1423 : memref<512xi32, #tpu.memory_space<vmem>>)
      tpu.yield
    }) : () -> ()
    %iota3A = tpu.iota {dimensions = array<i32: 0>} : vector<16xi32>
    %mul3A_3 = arith.constant 0 : i32
    %mul3A_4 = vector.broadcast %mul3A_3 : i32 to vector<16xi32>
    %mul3A_5 = arith.muli %iota3A, %mul3A_4 : vector<16xi32>
    %multiple_of3A = arith.constant 0 : i32
    %multiple_of3A_6 = tpu.assume_multiple %multiple_of3A, 8 : i32
    %get3A = arith.index_cast %multiple_of3A_6 : i32 to index
    %get3A_7 = tpu.vector_load %arg9[%get3A] {strides = array<i32>} : memref<528xi32, #tpu.memory_space<vmem>>, vector<16xi32>,
    %get3A_8 = arith.index_cast %multiple_of3A_6 : i32 to index
    %get3A_9 = tpu.vector_load %arg10[%get3A_8] {strides = array<i32>} : memref<528xi32, #tpu.memory_space<vmem>>, vector<16xi32>,
    %slice3A = vector.extract_strided_slice %get3A_7 {offsets = [0], sizes = [1], strides = [1]} : vector<16xi32> to vector<1xi32>
    %squeeze3A = vector.extract %slice3A[0] : i32 from vector<1xi32>
    %slice3A_10 = vector.extract_strided_slice %get3A_9 {offsets = [0], sizes = [1], strides = [1]} : vector<16xi32> to vector<1xi32>
    %squeeze3A_11 = vector.extract %slice3A_10[0] : i32 from vector<1xi32>
    %shift_right_arithmetic3A = arith.constant 7 : i32
    %shift_right_arithmetic3A_12 = arith.shrsi %squeeze3A, %shift_right_arithmetic3A : i32
    %mul3A_13 = arith.constant 128 : i32
    %mul3A_14 = arith.muli %shift_right_arithmetic3A_12, %mul3A_13 : i32
    %multiple_of3A_15 = tpu.assume_multiple %mul3A_14, 128 : i32
    %shift_right_arithmetic3A_16 = arith.constant 7 : i32
    %shift_right_arithmetic3A_17 = arith.shrsi %squeeze3A_11, %shift_right_arithmetic3A_16 : i32
    %mul3A_18 = arith.constant 128 : i32
    %mul3A_19 = arith.muli %shift_right_arithmetic3A_17, %mul3A_18 : i32
    %multiple_of3A_20 = tpu.assume_multiple %mul3A_19, 128 : i32
    %slice3A_21 = vector.extract_strided_slice %get3A_7 {offsets = [1], sizes = [1], strides = [1]} : vector<16xi32> to vector<1xi32>
    %squeeze3A_22 = vector.extract %slice3A_21[0] : i32 from vector<1xi32>
    %slice3A_23 = vector.extract_strided_slice %get3A_9 {offsets = [1], sizes = [1], strides = [1]} : vector<16xi32> to vector<1xi32>
    %squeeze3A_24 = vector.extract %slice3A_23[0] : i32 from vector<1xi32>
    %shift_right_arithmetic3A_25 = arith.constant 7 : i32
    %shift_right_arithmetic3A_26 = arith.shrsi %squeeze3A_22, %shift_right_arithmetic3A_25 : i32
    %mul3A_27 = arith.constant 128 : i32
    %mul3A_28 = arith.muli %shift_right_arithmetic3A_26, %mul3A_27 : i32
    %multiple_of3A_29 = tpu.assume_multiple %mul3A_28, 128 : i32
    %shift_right_arithmetic3A_30 = arith.constant 7 : i32
    %shift_right_arithmetic3A_31 = arith.shrsi %squeeze3A_24, %shift_right_arithmetic3A_30 : i32
    %mul3A_32 = arith.constant 128 : i32
    %mul3A_33 = arith.muli %shift_right_arithmetic3A_31, %mul3A_32 : i32
    %multiple_of3A_34 = tpu.assume_multiple %mul3A_33, 128 : i32
    %slice3A_35 = vector.extract_strided_slice %get3A_7 {offsets = [2], sizes = [1], strides = [1]} : vector<16xi32> to vector<1xi32>
    %squeeze3A_36 = vector.extract %slice3A_35[0] : i32 from vector<1xi32>
    %slice3A_37 = vector.extract_strided_slice %get3A_9 {offsets = [2], sizes = [1], strides = [1]} : vector<16xi32> to vector<1xi32>
    %squeeze3A_38 = vector.extract %slice3A_37[0] : i32 from vector<1xi32>
    %shift_right_arithmetic3A_39 = arith.constant 7 : i32
    %shift_right_arithmetic3A_40 = arith.shrsi %squeeze3A_36, %shift_right_arithmetic3A_39 : i32
    %mul3A_41 = arith.constant 128 : i32
    %mul3A_42 = arith.muli %shift_right_arithmetic3A_40, %mul3A_41 : i32
    %multiple_of3A_43 = tpu.assume_multiple %mul3A_42, 128 : i32
    %shift_right_arithmetic3A_44 = arith.constant 7 : i32
    %shift_right_arithmetic3A_45 = arith.shrsi %squeeze3A_38, %shift_right_arithmetic3A_44 : i32
    %mul3A_46 = arith.constant 128 : i32
    %mul3A_47 = arith.muli %shift_right_arithmetic3A_45, %mul3A_46 : i32
    %multiple_of3A_48 = tpu.assume_multiple %mul3A_47, 128 : i32
    %slice3A_49 = vector.extract_strided_slice %get3A_7 {offsets = [3], sizes = [1], strides = [1]} : vector<16xi32> to vector<1xi32>
    %squeeze3A_50 = vector.extract %slice3A_49[0] : i32 from vector<1xi32>
    %slice3A_51 = vector.extract_strided_slice %get3A_9 {offsets = [3], sizes = [1], strides = [1]} : vector<16xi32> to vector<1xi32>
    %squeeze3A_52 = vector.extract %slice3A_51[0] : i32 from vector<1xi32>
    %shift_right_arithmetic3A_53 = arith.constant 7 : i32
    %shift_right_arithmetic3A_54 = arith.shrsi %squeeze3A_50, %shift_right_arithmetic3A_53 : i32
    %mul3A_55 = arith.constant 128 : i32
    %mul3A_56 = arith.muli %shift_right_arithmetic3A_54, %mul3A_55 : i32
    %multiple_of3A_57 = tpu.assume_multiple %mul3A_56, 128 : i32
    %shift_right_arithmetic3A_58 = arith.constant 7 : i32
    %shift_right_arithmetic3A_59 = arith.shrsi %squeeze3A_52, %shift_right_arithmetic3A_58 : i32
    %mul3A_60 = arith.constant 128 : i32
    %mul3A_61 = arith.muli %shift_right_arithmetic3A_59, %mul3A_60 : i32
    %multiple_of3A_62 = tpu.assume_multiple %mul3A_61, 128 : i32
    %dma_start3A = arith.constant 0 : i32
    %dma_start3A_63 = arith.constant 0 : i32
    %dma_start3A_64 = arith.constant 0 : i32
    %dma_start3A_65 = arith.constant 0 : i32
    %dma_start3A_66 = arith.constant 0 : i32
    %dma_start3A_67 = tpu.memref_slice %arg11[%dma_start3A, %dma_start3A_63, %dma_start3A_64, %dma_start3A_65, %dma_start3A_66] : memref<2x2x4x32x128xf32, #tpu.memory_space<vmem>> -> memref<1x1x1x32x128xf32, #tpu.memory_space<vmem>>
    %dma_start3A_68 = tpu.memref_squeeze %dma_start3A_67 : memref<1x1x1x32x128xf32, #tpu.memory_space<vmem>> -> memref<32x128xf32, #tpu.memory_space<vmem>>
    %dma_start3A_69 = arith.constant 0 : i32
    %dma_start3A_70 = tpu.memref_slice %arg4[%dma_start3A_69, %multiple_of3A_15] : memref<32x1000000xf32, #tpu.memory_space<hbm>> -> memref<32x128xf32, #tpu.memory_space<hbm>>
    %dma_start3A_71 = arith.constant 0 : i32
    %dma_start3A_72 = arith.constant 0 : i32
    %dma_start3A_73 = tpu.memref_slice %arg11[%dma_start3A, %dma_start3A_63, %dma_start3A_64, %dma_start3A_71, %dma_start3A_72] : memref<2x2x4x32x128xf32, #tpu.memory_space<vmem>> -> memref<1x1x1x32x128xf32, #tpu.memory_space<vmem>>
    %dma_start3A_74 = tpu.memref_squeeze %dma_start3A_73 : memref<1x1x1x32x128xf32, #tpu.memory_space<vmem>> -> memref<32x128xf32, #tpu.memory_space<vmem>>
    %dma_start3A_75 = arith.constant 0 : i32
    %dma_start3A_76 = tpu.memref_slice %arg4[%dma_start3A_75, %multiple_of3A_15] : memref<32x1000000xf32, #tpu.memory_space<hbm>> -> memref<32x128xf32, #tpu.memory_space<hbm>>
    tpu.enqueue_dma source(%dma_start3A_76 : memref<32x128xf32, #tpu.memory_space<hbm>>) target(%dma_start3A_74 : memref<32x128xf32, #tpu.memory_space<vmem>>) target_semaphore(%arg20 : memref<!tpu.dma_semaphore, #tpu.memory_space<semaphore_mem>>)
    %dma_start3A_77 = arith.constant 0 : i32
    %dma_start3A_78 = arith.constant 1 : i32
    %dma_start3A_79 = arith.constant 0 : i32
    %dma_start3A_80 = arith.constant 0 : i32
    %dma_start3A_81 = arith.constant 0 : i32
    %dma_start3A_82 = tpu.memref_slice %arg11[%dma_start3A_77, %dma_start3A_78, %dma_start3A_79, %dma_start3A_80, %dma_start3A_81] : memref<2x2x4x32x128xf32, #tpu.memory_space<vmem>> -> memref<1x1x1x32x128xf32, #tpu.memory_space<vmem>>
    %dma_start3A_83 = tpu.memref_squeeze %dma_start3A_82 : memref<1x1x1x32x128xf32, #tpu.memory_space<vmem>> -> memref<32x128xf32, #tpu.memory_space<vmem>>
    %dma_start3A_84 = arith.constant 0 : i32
    %dma_start3A_85 = tpu.memref_slice %arg5[%dma_start3A_84, %multiple_of3A_20] : memref<32x1000000xf32, #tpu.memory_space<hbm>> -> memref<32x128xf32, #tpu.memory_space<hbm>>
    %dma_start3A_86 = arith.constant 0 : i32
    %dma_start3A_87 = arith.constant 0 : i32
    %dma_start3A_88 = tpu.memref_slice %arg11[%dma_start3A_77, %dma_start3A_78, %dma_start3A_79, %dma_start3A_86, %dma_start3A_87] : memref<2x2x4x32x128xf32, #tpu.memory_space<vmem>> -> memref<1x1x1x32x128xf32, #tpu.memory_space<vmem>>
    %dma_start3A_89 = tpu.memref_squeeze %dma_start3A_88 : memref<1x1x1x32x128xf32, #tpu.memory_space<vmem>> -> memref<32x128xf32, #tpu.memory_space<vmem>>
    %dma_start3A_90 = arith.constant 0 : i32
    %dma_start3A_91 = tpu.memref_slice %arg5[%dma_start3A_90, %multiple_of3A_20] : memref<32x1000000xf32, #tpu.memory_space<hbm>> -> memref<32x128xf32, #tpu.memory_space<hbm>>
    tpu.enqueue_dma source(%dma_start3A_91 : memref<32x128xf32, #tpu.memory_space<hbm>>) target(%dma_start3A_89 : memref<32x128xf32, #tpu.memory_space<vmem>>) target_semaphore(%arg20 : memref<!tpu.dma_semaphore, #tpu.memory_space<semaphore_mem>>)
    %dma_start3A_92 = arith.constant 0 : i32
    %dma_start3A_93 = arith.constant 0 : i32
    %dma_start3A_94 = arith.constant 1 : i32
    %dma_start3A_95 = arith.constant 0 : i32
    %dma_start3A_96 = arith.constant 0 : i32
    %dma_start3A_97 = tpu.memref_slice %arg11[%dma_start3A_92, %dma_start3A_93, %dma_start3A_94, %dma_start3A_95, %dma_start3A_96] : memref<2x2x4x32x128xf32, #tpu.memory_space<vmem>> -> memref<1x1x1x32x128xf32, #tpu.memory_space<vmem>>
    %dma_start3A_98 = tpu.memref_squeeze %dma_start3A_97 : memref<1x1x1x32x128xf32, #tpu.memory_space<vmem>> -> memref<32x128xf32, #tpu.memory_space<vmem>>
    %dma_start3A_99 = arith.constant 0 : i32
    %dma_start3A_100 = tpu.memref_slice %arg4[%dma_start3A_99, %multiple_of3A_29] : memref<32x1000000xf32, #tpu.memory_space<hbm>> -> memref<32x128xf32, #tpu.memory_space<hbm>>
    %dma_start3A_101 = arith.constant 0 : i32
    %dma_start3A_102 = arith.constant 0 : i32
    %dma_start3A_103 = tpu.memref_slice %arg11[%dma_start3A_92, %dma_start3A_93, %dma_start3A_94, %dma_start3A_101, %dma_start3A_102] : memref<2x2x4x32x128xf32, #tpu.memory_space<vmem>> -> memref<1x1x1x32x128xf32, #tpu.memory_space<vmem>>
    %dma_start3A_104 = tpu.memref_squeeze %dma_start3A_103 : memref<1x1x1x32x128xf32, #tpu.memory_space<vmem>> -> memref<32x128xf32, #tpu.memory_space<vmem>>
    %dma_start3A_105 = arith.constant 0 : i32
    %dma_start3A_106 = tpu.memref_slice %arg4[%dma_start3A_105, %multiple_of3A_29] : memref<32x1000000xf32, #tpu.memory_space<hbm>> -> memref<32x128xf32, #tpu.memory_space<hbm>>
    tpu.enqueue_dma source(%dma_start3A_106 : memref<32x128xf32, #tpu.memory_space<hbm>>) target(%dma_start3A_104 : memref<32x128xf32, #tpu.memory_space<vmem>>) target_semaphore(%arg20 : memref<!tpu.dma_semaphore, #tpu.memory_space<semaphore_mem>>)
    %dma_start3A_107 = arith.constant 0 : i32
    %dma_start3A_108 = arith.constant 1 : i32
    %dma_start3A_109 = arith.constant 1 : i32
    %dma_start3A_110 = arith.constant 0 : i32
    %dma_start3A_111 = arith.constant 0 : i32
    %dma_start3A_112 = tpu.memref_slice %arg11[%dma_start3A_107, %dma_start3A_108, %dma_start3A_109, %dma_start3A_110, %dma_start3A_111] : memref<2x2x4x32x128xf32, #tpu.memory_space<vmem>> -> memref<1x1x1x32x128xf32, #tpu.memory_space<vmem>>
    %dma_start3A_113 = tpu.memref_squeeze %dma_start3A_112 : memref<1x1x1x32x128xf32, #tpu.memory_space<vmem>> -> memref<32x128xf32, #tpu.memory_space<vmem>>
    %dma_start3A_114 = arith.constant 0 : i32
    %dma_start3A_115 = tpu.memref_slice %arg5[%dma_start3A_114, %multiple_of3A_34] : memref<32x1000000xf32, #tpu.memory_space<hbm>> -> memref<32x128xf32, #tpu.memory_space<hbm>>
    %dma_start3A_116 = arith.constant 0 : i32
    %dma_start3A_117 = arith.constant 0 : i32
    %dma_start3A_118 = tpu.memref_slice %arg11[%dma_start3A_107, %dma_start3A_108, %dma_start3A_109, %dma_start3A_116, %dma_start3A_117] : memref<2x2x4x32x128xf32, #tpu.memory_space<vmem>> -> memref<1x1x1x32x128xf32, #tpu.memory_space<vmem>>
    %dma_start3A_119 = tpu.memref_squeeze %dma_start3A_118 : memref<1x1x1x32x128xf32, #tpu.memory_space<vmem>> -> memref<32x128xf32, #tpu.memory_space<vmem>>
    %dma_start3A_120 = arith.constant 0 : i32
    %dma_start3A_121 = tpu.memref_slice %arg5[%dma_start3A_120, %multiple_of3A_34] : memref<32x1000000xf32, #tpu.memory_space<hbm>> -> memref<32x128xf32, #tpu.memory_space<hbm>>
    tpu.enqueue_dma source(%dma_start3A_121 : memref<32x128xf32, #tpu.memory_space<hbm>>) target(%dma_start3A_119 : memref<32x128xf32, #tpu.memory_space<vmem>>) target_semaphore(%arg20 : memref<!tpu.dma_semaphore, #tpu.memory_space<semaphore_mem>>)
    %dma_start3A_122 = arith.constant 0 : i32
    %dma_start3A_123 = arith.constant 0 : i32
    %dma_start3A_124 = arith.constant 2 : i32
    %dma_start3A_125 = arith.constant 0 : i32
    %dma_start3A_126 = arith.constant 0 : i32
    %dma_start3A_127 = tpu.memref_slice %arg11[%dma_start3A_122, %dma_start3A_123, %dma_start3A_124, %dma_start3A_125, %dma_start3A_126] : memref<2x2x4x32x128xf32, #tpu.memory_space<vmem>> -> memref<1x1x1x32x128xf32, #tpu.memory_space<vmem>>
    %dma_start3A_128 = tpu.memref_squeeze %dma_start3A_127 : memref<1x1x1x32x128xf32, #tpu.memory_space<vmem>> -> memref<32x128xf32, #tpu.memory_space<vmem>>
    %dma_start3A_129 = arith.constant 0 : i32
    %dma_start3A_130 = tpu.memref_slice %arg4[%dma_start3A_129, %multiple_of3A_43] : memref<32x1000000xf32, #tpu.memory_space<hbm>> -> memref<32x128xf32, #tpu.memory_space<hbm>>
    %dma_start3A_131 = arith.constant 0 : i32
    %dma_start3A_132 = arith.constant 0 : i32
    %dma_start3A_133 = tpu.memref_slice %arg11[%dma_start3A_122, %dma_start3A_123, %dma_start3A_124, %dma_start3A_131, %dma_start3A_132] : memref<2x2x4x32x128xf32, #tpu.memory_space<vmem>> -> memref<1x1x1x32x128xf32, #tpu.memory_space<vmem>>
    %dma_start3A_134 = tpu.memref_squeeze %dma_start3A_133 : memref<1x1x1x32x128xf32, #tpu.memory_space<vmem>> -> memref<32x128xf32, #tpu.memory_space<vmem>>
    %dma_start3A_135 = arith.constant 0 : i32
    %dma_start3A_136 = tpu.memref_slice %arg4[%dma_start3A_135, %multiple_of3A_43] : memref<32x1000000xf32, #tpu.memory_space<hbm>> -> memref<32x128xf32, #tpu.memory_space<hbm>>
    tpu.enqueue_dma source(%dma_start3A_136 : memref<32x128xf32, #tpu.memory_space<hbm>>) target(%dma_start3A_134 : memref<32x128xf32, #tpu.memory_space<vmem>>) target_semaphore(%arg20 : memref<!tpu.dma_semaphore, #tpu.memory_space<semaphore_mem>>)
    %dma_start3A_137 = arith.constant 0 : i32
    %dma_start3A_138 = arith.constant 1 : i32
    %dma_start3A_139 = arith.constant 2 : i32
    %dma_start3A_140 = arith.constant 0 : i32
    %dma_start3A_141 = arith.constant 0 : i32
    %dma_start3A_142 = tpu.memref_slice %arg11[%dma_start3A_137, %dma_start3A_138, %dma_start3A_139, %dma_start3A_140, %dma_start3A_141] : memref<2x2x4x32x128xf32, #tpu.memory_space<vmem>> -> memref<1x1x1x32x128xf32, #tpu.memory_space<vmem>>
    %dma_start3A_143 = tpu.memref_squeeze %dma_start3A_142 : memref<1x1x1x32x128xf32, #tpu.memory_space<vmem>> -> memref<32x128xf32, #tpu.memory_space<vmem>>
    %dma_start3A_144 = arith.constant 0 : i32
    %dma_start3A_145 = tpu.memref_slice %arg5[%dma_start3A_144, %multiple_of3A_48] : memref<32x1000000xf32, #tpu.memory_space<hbm>> -> memref<32x128xf32, #tpu.memory_space<hbm>>
    %dma_start3A_146 = arith.constant 0 : i32
    %dma_start3A_147 = arith.constant 0 : i32
    %dma_start3A_148 = tpu.memref_slice %arg11[%dma_start3A_137, %dma_start3A_138, %dma_start3A_139, %dma_start3A_146, %dma_start3A_147] : memref<2x2x4x32x128xf32, #tpu.memory_space<vmem>> -> memref<1x1x1x32x128xf32, #tpu.memory_space<vmem>>
    %dma_start3A_149 = tpu.memref_squeeze %dma_start3A_148 : memref<1x1x1x32x128xf32, #tpu.memory_space<vmem>> -> memref<32x128xf32, #tpu.memory_space<vmem>>
    %dma_start3A_150 = arith.constant 0 : i32
    %dma_start3A_151 = tpu.memref_slice %arg5[%dma_start3A_150, %multiple_of3A_48] : memref<32x1000000xf32, #tpu.memory_space<hbm>> -> memref<32x128xf32, #tpu.memory_space<hbm>>
    tpu.enqueue_dma source(%dma_start3A_151 : memref<32x128xf32, #tpu.memory_space<hbm>>) target(%dma_start3A_149 : memref<32x128xf32, #tpu.memory_space<vmem>>) target_semaphore(%arg20 : memref<!tpu.dma_semaphore, #tpu.memory_space<semaphore_mem>>)
    %dma_start3A_152 = arith.constant 0 : i32
    %dma_start3A_153 = arith.constant 0 : i32
    %dma_start3A_154 = arith.constant 3 : i32
    %dma_start3A_155 = arith.constant 0 : i32
    %dma_start3A_156 = arith.constant 0 : i32
    %dma_start3A_157 = tpu.memref_slice %arg11[%dma_start3A_152, %dma_start3A_153, %dma_start3A_154, %dma_start3A_155, %dma_start3A_156] : memref<2x2x4x32x128xf32, #tpu.memory_space<vmem>> -> memref<1x1x1x32x128xf32, #tpu.memory_space<vmem>>
    %dma_start3A_158 = tpu.memref_squeeze %dma_start3A_157 : memref<1x1x1x32x128xf32, #tpu.memory_space<vmem>> -> memref<32x128xf32, #tpu.memory_space<vmem>>
    %dma_start3A_159 = arith.constant 0 : i32
    %dma_start3A_160 = tpu.memref_slice %arg4[%dma_start3A_159, %multiple_of3A_57] : memref<32x1000000xf32, #tpu.memory_space<hbm>> -> memref<32x128xf32, #tpu.memory_space<hbm>>
    %dma_start3A_161 = arith.constant 0 : i32
    %dma_start3A_162 = arith.constant 0 : i32
    %dma_start3A_163 = tpu.memref_slice %arg11[%dma_start3A_152, %dma_start3A_153, %dma_start3A_154, %dma_start3A_161, %dma_start3A_162] : memref<2x2x4x32x128xf32, #tpu.memory_space<vmem>> -> memref<1x1x1x32x128xf32, #tpu.memory_space<vmem>>
    %dma_start3A_164 = tpu.memref_squeeze %dma_start3A_163 : memref<1x1x1x32x128xf32, #tpu.memory_space<vmem>> -> memref<32x128xf32, #tpu.memory_space<vmem>>
    %dma_start3A_165 = arith.constant 0 : i32
    %dma_start3A_166 = tpu.memref_slice %arg4[%dma_start3A_165, %multiple_of3A_57] : memref<32x1000000xf32, #tpu.memory_space<hbm>> -> memref<32x128xf32, #tpu.memory_space<hbm>>
    tpu.enqueue_dma source(%dma_start3A_166 : memref<32x128xf32, #tpu.memory_space<hbm>>) target(%dma_start3A_164 : memref<32x128xf32, #tpu.memory_space<vmem>>) target_semaphore(%arg20 : memref<!tpu.dma_semaphore, #tpu.memory_space<semaphore_mem>>)
    %dma_start3A_167 = arith.constant 0 : i32
    %dma_start3A_168 = arith.constant 1 : i32
    %dma_start3A_169 = arith.constant 3 : i32
    %dma_start3A_170 = arith.constant 0 : i32
    %dma_start3A_171 = arith.constant 0 : i32
    %dma_start3A_172 = tpu.memref_slice %arg11[%dma_start3A_167, %dma_start3A_168, %dma_start3A_169, %dma_start3A_170, %dma_start3A_171] : memref<2x2x4x32x128xf32, #tpu.memory_space<vmem>> -> memref<1x1x1x32x128xf32, #tpu.memory_space<vmem>>
    %dma_start3A_173 = tpu.memref_squeeze %dma_start3A_172 : memref<1x1x1x32x128xf32, #tpu.memory_space<vmem>> -> memref<32x128xf32, #tpu.memory_space<vmem>>
    %dma_start3A_174 = arith.constant 0 : i32
    %dma_start3A_175 = tpu.memref_slice %arg5[%dma_start3A_174, %multiple_of3A_62] : memref<32x1000000xf32, #tpu.memory_space<hbm>> -> memref<32x128xf32, #tpu.memory_space<hbm>>
    %dma_start3A_176 = arith.constant 0 : i32
    %dma_start3A_177 = arith.constant 0 : i32
    %dma_start3A_178 = tpu.memref_slice %arg11[%dma_start3A_167, %dma_start3A_168, %dma_start3A_169, %dma_start3A_176, %dma_start3A_177] : memref<2x2x4x32x128xf32, #tpu.memory_space<vmem>> -> memref<1x1x1x32x128xf32, #tpu.memory_space<vmem>>
    %dma_start3A_179 = tpu.memref_squeeze %dma_start3A_178 : memref<1x1x1x32x128xf32, #tpu.memory_space<vmem>> -> memref<32x128xf32, #tpu.memory_space<vmem>>
    %dma_start3A_180 = arith.constant 0 : i32
    %dma_start3A_181 = tpu.memref_slice %arg5[%dma_start3A_180, %multiple_of3A_62] : memref<32x1000000xf32, #tpu.memory_space<hbm>> -> memref<32x128xf32, #tpu.memory_space<hbm>>
    tpu.enqueue_dma source(%dma_start3A_181 : memref<32x128xf32, #tpu.memory_space<hbm>>) target(%dma_start3A_179 : memref<32x128xf32, #tpu.memory_space<vmem>>) target_semaphore(%arg20 : memref<!tpu.dma_semaphore, #tpu.memory_space<semaphore_mem>>)
    %scan3A = arith.constant 0 : i32
    %scan3A_182 = arith.constant 0 : i32
    %scan3A_183 = arith.constant 64 : i32
    %scan3A_184 = arith.addi %scan3A_182, %scan3A_183 : i32
    %scan3A_185 = arith.constant 1 : i32
    scf.for %scan3A_1413 = %scan3A_182 to %scan3A_184 step %scan3A_185  : i32 {
      %mul3A_1414 = arith.constant 8 : i32
      %mul3A_1415 = arith.muli %scan3A_1413, %mul3A_1414 : i32
      %multiple_of3A_1416 = tpu.assume_multiple %mul3A_1415, 8 : i32
      %get3A_1417 = arith.index_cast %multiple_of3A_1416 : i32 to index
      %get3A_1418 = tpu.vector_load %arg9[%get3A_1417] {strides = array<i32>} : memref<528xi32, #tpu.memory_space<vmem>>, vector<16xi32>,
      %get3A_1419 = arith.index_cast %multiple_of3A_1416 : i32 to index
      %get3A_1420 = tpu.vector_load %arg10[%get3A_1419] {strides = array<i32>} : memref<528xi32, #tpu.memory_space<vmem>>, vector<16xi32>,
      %slice3A_1421 = vector.extract_strided_slice %get3A_1418 {offsets = [4], sizes = [1], strides = [1]} : vector<16xi32> to vector<1xi32>
      %squeeze3A_1422 = vector.extract %slice3A_1421[0] : i32 from vector<1xi32>
      %slice3A_1423 = vector.extract_strided_slice %get3A_1420 {offsets = [4], sizes = [1], strides = [1]} : vector<16xi32> to vector<1xi32>
      %squeeze3A_1424 = vector.extract %slice3A_1423[0] : i32 from vector<1xi32>
      %shift_right_arithmetic3A_1425 = arith.constant 7 : i32
      %shift_right_arithmetic3A_1426 = arith.shrsi %squeeze3A_1422, %shift_right_arithmetic3A_1425 : i32
      %mul3A_1427 = arith.constant 128 : i32
      %mul3A_1428 = arith.muli %shift_right_arithmetic3A_1426, %mul3A_1427 : i32
      %multiple_of3A_1429 = tpu.assume_multiple %mul3A_1428, 128 : i32
      %shift_right_arithmetic3A_1430 = arith.constant 7 : i32
      %shift_right_arithmetic3A_1431 = arith.shrsi %squeeze3A_1424, %shift_right_arithmetic3A_1430 : i32
      %mul3A_1432 = arith.constant 128 : i32
      %mul3A_1433 = arith.muli %shift_right_arithmetic3A_1431, %mul3A_1432 : i32
      %multiple_of3A_1434 = tpu.assume_multiple %mul3A_1433, 128 : i32
      %slice3A_1435 = vector.extract_strided_slice %get3A_1418 {offsets = [5], sizes = [1], strides = [1]} : vector<16xi32> to vector<1xi32>
      %squeeze3A_1436 = vector.extract %slice3A_1435[0] : i32 from vector<1xi32>
      %slice3A_1437 = vector.extract_strided_slice %get3A_1420 {offsets = [5], sizes = [1], strides = [1]} : vector<16xi32> to vector<1xi32>
      %squeeze3A_1438 = vector.extract %slice3A_1437[0] : i32 from vector<1xi32>
      %shift_right_arithmetic3A_1439 = arith.constant 7 : i32
      %shift_right_arithmetic3A_1440 = arith.shrsi %squeeze3A_1436, %shift_right_arithmetic3A_1439 : i32
      %mul3A_1441 = arith.constant 128 : i32
      %mul3A_1442 = arith.muli %shift_right_arithmetic3A_1440, %mul3A_1441 : i32
      %multiple_of3A_1443 = tpu.assume_multiple %mul3A_1442, 128 : i32
      %shift_right_arithmetic3A_1444 = arith.constant 7 : i32
      %shift_right_arithmetic3A_1445 = arith.shrsi %squeeze3A_1438, %shift_right_arithmetic3A_1444 : i32
      %mul3A_1446 = arith.constant 128 : i32
      %mul3A_1447 = arith.muli %shift_right_arithmetic3A_1445, %mul3A_1446 : i32
      %multiple_of3A_1448 = tpu.assume_multiple %mul3A_1447, 128 : i32
      %slice3A_1449 = vector.extract_strided_slice %get3A_1418 {offsets = [6], sizes = [1], strides = [1]} : vector<16xi32> to vector<1xi32>
      %squeeze3A_1450 = vector.extract %slice3A_1449[0] : i32 from vector<1xi32>
      %slice3A_1451 = vector.extract_strided_slice %get3A_1420 {offsets = [6], sizes = [1], strides = [1]} : vector<16xi32> to vector<1xi32>
      %squeeze3A_1452 = vector.extract %slice3A_1451[0] : i32 from vector<1xi32>
      %shift_right_arithmetic3A_1453 = arith.constant 7 : i32
      %shift_right_arithmetic3A_1454 = arith.shrsi %squeeze3A_1450, %shift_right_arithmetic3A_1453 : i32
      %mul3A_1455 = arith.constant 128 : i32
      %mul3A_1456 = arith.muli %shift_right_arithmetic3A_1454, %mul3A_1455 : i32
      %multiple_of3A_1457 = tpu.assume_multiple %mul3A_1456, 128 : i32
      %shift_right_arithmetic3A_1458 = arith.constant 7 : i32
      %shift_right_arithmetic3A_1459 = arith.shrsi %squeeze3A_1452, %shift_right_arithmetic3A_1458 : i32
      %mul3A_1460 = arith.constant 128 : i32
      %mul3A_1461 = arith.muli %shift_right_arithmetic3A_1459, %mul3A_1460 : i32
      %multiple_of3A_1462 = tpu.assume_multiple %mul3A_1461, 128 : i32
      %slice3A_1463 = vector.extract_strided_slice %get3A_1418 {offsets = [7], sizes = [1], strides = [1]} : vector<16xi32> to vector<1xi32>
      %squeeze3A_1464 = vector.extract %slice3A_1463[0] : i32 from vector<1xi32>
      %slice3A_1465 = vector.extract_strided_slice %get3A_1420 {offsets = [7], sizes = [1], strides = [1]} : vector<16xi32> to vector<1xi32>
      %squeeze3A_1466 = vector.extract %slice3A_1465[0] : i32 from vector<1xi32>
      %shift_right_arithmetic3A_1467 = arith.constant 7 : i32
      %shift_right_arithmetic3A_1468 = arith.shrsi %squeeze3A_1464, %shift_right_arithmetic3A_1467 : i32
      %mul3A_1469 = arith.constant 128 : i32
      %mul3A_1470 = arith.muli %shift_right_arithmetic3A_1468, %mul3A_1469 : i32
      %multiple_of3A_1471 = tpu.assume_multiple %mul3A_1470, 128 : i32
      %shift_right_arithmetic3A_1472 = arith.constant 7 : i32
      %shift_right_arithmetic3A_1473 = arith.shrsi %squeeze3A_1466, %shift_right_arithmetic3A_1472 : i32
      %mul3A_1474 = arith.constant 128 : i32
      %mul3A_1475 = arith.muli %shift_right_arithmetic3A_1473, %mul3A_1474 : i32
      %multiple_of3A_1476 = tpu.assume_multiple %mul3A_1475, 128 : i32
      %dma_start3A_1477 = arith.constant 1 : i32
      %dma_start3A_1478 = arith.constant 0 : i32
      %dma_start3A_1479 = arith.constant 0 : i32
      %dma_start3A_1480 = arith.constant 0 : i32
      %dma_start3A_1481 = arith.constant 0 : i32
      %dma_start3A_1482 = tpu.memref_slice %arg11[%dma_start3A_1477, %dma_start3A_1478, %dma_start3A_1479, %dma_start3A_1480, %dma_start3A_1481] : memref<2x2x4x32x128xf32, #tpu.memory_space<vmem>> -> memref<1x1x1x32x128xf32, #tpu.memory_space<vmem>>
      %dma_start3A_1483 = tpu.memref_squeeze %dma_start3A_1482 : memref<1x1x1x32x128xf32, #tpu.memory_space<vmem>> -> memref<32x128xf32, #tpu.memory_space<vmem>>
      %dma_start3A_1484 = arith.constant 0 : i32
      %dma_start3A_1485 = tpu.memref_slice %arg4[%dma_start3A_1484, %multiple_of3A_1429] : memref<32x1000000xf32, #tpu.memory_space<hbm>> -> memref<32x128xf32, #tpu.memory_space<hbm>>
      %dma_start3A_1486 = arith.constant 0 : i32
      %dma_start3A_1487 = arith.constant 0 : i32
      %dma_start3A_1488 = tpu.memref_slice %arg11[%dma_start3A_1477, %dma_start3A_1478, %dma_start3A_1479, %dma_start3A_1486, %dma_start3A_1487] : memref<2x2x4x32x128xf32, #tpu.memory_space<vmem>> -> memref<1x1x1x32x128xf32, #tpu.memory_space<vmem>>
      %dma_start3A_1489 = tpu.memref_squeeze %dma_start3A_1488 : memref<1x1x1x32x128xf32, #tpu.memory_space<vmem>> -> memref<32x128xf32, #tpu.memory_space<vmem>>
      %dma_start3A_1490 = arith.constant 0 : i32
      %dma_start3A_1491 = tpu.memref_slice %arg4[%dma_start3A_1490, %multiple_of3A_1429] : memref<32x1000000xf32, #tpu.memory_space<hbm>> -> memref<32x128xf32, #tpu.memory_space<hbm>>
      tpu.enqueue_dma source(%dma_start3A_1491 : memref<32x128xf32, #tpu.memory_space<hbm>>) target(%dma_start3A_1489 : memref<32x128xf32, #tpu.memory_space<vmem>>) target_semaphore(%arg21 : memref<!tpu.dma_semaphore, #tpu.memory_space<semaphore_mem>>)
      %dma_start3A_1492 = arith.constant 1 : i32
      %dma_start3A_1493 = arith.constant 1 : i32
      %dma_start3A_1494 = arith.constant 0 : i32
      %dma_start3A_1495 = arith.constant 0 : i32
      %dma_start3A_1496 = arith.constant 0 : i32
      %dma_start3A_1497 = tpu.memref_slice %arg11[%dma_start3A_1492, %dma_start3A_1493, %dma_start3A_1494, %dma_start3A_1495, %dma_start3A_1496] : memref<2x2x4x32x128xf32, #tpu.memory_space<vmem>> -> memref<1x1x1x32x128xf32, #tpu.memory_space<vmem>>
      %dma_start3A_1498 = tpu.memref_squeeze %dma_start3A_1497 : memref<1x1x1x32x128xf32, #tpu.memory_space<vmem>> -> memref<32x128xf32, #tpu.memory_space<vmem>>
      %dma_start3A_1499 = arith.constant 0 : i32
      %dma_start3A_1500 = tpu.memref_slice %arg5[%dma_start3A_1499, %multiple_of3A_1434] : memref<32x1000000xf32, #tpu.memory_space<hbm>> -> memref<32x128xf32, #tpu.memory_space<hbm>>
      %dma_start3A_1501 = arith.constant 0 : i32
      %dma_start3A_1502 = arith.constant 0 : i32
      %dma_start3A_1503 = tpu.memref_slice %arg11[%dma_start3A_1492, %dma_start3A_1493, %dma_start3A_1494, %dma_start3A_1501, %dma_start3A_1502] : memref<2x2x4x32x128xf32, #tpu.memory_space<vmem>> -> memref<1x1x1x32x128xf32, #tpu.memory_space<vmem>>
      %dma_start3A_1504 = tpu.memref_squeeze %dma_start3A_1503 : memref<1x1x1x32x128xf32, #tpu.memory_space<vmem>> -> memref<32x128xf32, #tpu.memory_space<vmem>>
      %dma_start3A_1505 = arith.constant 0 : i32
      %dma_start3A_1506 = tpu.memref_slice %arg5[%dma_start3A_1505, %multiple_of3A_1434] : memref<32x1000000xf32, #tpu.memory_space<hbm>> -> memref<32x128xf32, #tpu.memory_space<hbm>>
      tpu.enqueue_dma source(%dma_start3A_1506 : memref<32x128xf32, #tpu.memory_space<hbm>>) target(%dma_start3A_1504 : memref<32x128xf32, #tpu.memory_space<vmem>>) target_semaphore(%arg21 : memref<!tpu.dma_semaphore, #tpu.memory_space<semaphore_mem>>)
      %dma_start3A_1507 = arith.constant 1 : i32
      %dma_start3A_1508 = arith.constant 0 : i32
      %dma_start3A_1509 = arith.constant 1 : i32
      %dma_start3A_1510 = arith.constant 0 : i32
      %dma_start3A_1511 = arith.constant 0 : i32
      %dma_start3A_1512 = tpu.memref_slice %arg11[%dma_start3A_1507, %dma_start3A_1508, %dma_start3A_1509, %dma_start3A_1510, %dma_start3A_1511] : memref<2x2x4x32x128xf32, #tpu.memory_space<vmem>> -> memref<1x1x1x32x128xf32, #tpu.memory_space<vmem>>
      %dma_start3A_1513 = tpu.memref_squeeze %dma_start3A_1512 : memref<1x1x1x32x128xf32, #tpu.memory_space<vmem>> -> memref<32x128xf32, #tpu.memory_space<vmem>>
      %dma_start3A_1514 = arith.constant 0 : i32
      %dma_start3A_1515 = tpu.memref_slice %arg4[%dma_start3A_1514, %multiple_of3A_1443] : memref<32x1000000xf32, #tpu.memory_space<hbm>> -> memref<32x128xf32, #tpu.memory_space<hbm>>
      %dma_start3A_1516 = arith.constant 0 : i32
      %dma_start3A_1517 = arith.constant 0 : i32
      %dma_start3A_1518 = tpu.memref_slice %arg11[%dma_start3A_1507, %dma_start3A_1508, %dma_start3A_1509, %dma_start3A_1516, %dma_start3A_1517] : memref<2x2x4x32x128xf32, #tpu.memory_space<vmem>> -> memref<1x1x1x32x128xf32, #tpu.memory_space<vmem>>
      %dma_start3A_1519 = tpu.memref_squeeze %dma_start3A_1518 : memref<1x1x1x32x128xf32, #tpu.memory_space<vmem>> -> memref<32x128xf32, #tpu.memory_space<vmem>>
      %dma_start3A_1520 = arith.constant 0 : i32
      %dma_start3A_1521 = tpu.memref_slice %arg4[%dma_start3A_1520, %multiple_of3A_1443] : memref<32x1000000xf32, #tpu.memory_space<hbm>> -> memref<32x128xf32, #tpu.memory_space<hbm>>
      tpu.enqueue_dma source(%dma_start3A_1521 : memref<32x128xf32, #tpu.memory_space<hbm>>) target(%dma_start3A_1519 : memref<32x128xf32, #tpu.memory_space<vmem>>) target_semaphore(%arg21 : memref<!tpu.dma_semaphore, #tpu.memory_space<semaphore_mem>>)
      %dma_start3A_1522 = arith.constant 1 : i32
      %dma_start3A_1523 = arith.constant 1 : i32
      %dma_start3A_1524 = arith.constant 1 : i32
      %dma_start3A_1525 = arith.constant 0 : i32
      %dma_start3A_1526 = arith.constant 0 : i32
      %dma_start3A_1527 = tpu.memref_slice %arg11[%dma_start3A_1522, %dma_start3A_1523, %dma_start3A_1524, %dma_start3A_1525, %dma_start3A_1526] : memref<2x2x4x32x128xf32, #tpu.memory_space<vmem>> -> memref<1x1x1x32x128xf32, #tpu.memory_space<vmem>>
      %dma_start3A_1528 = tpu.memref_squeeze %dma_start3A_1527 : memref<1x1x1x32x128xf32, #tpu.memory_space<vmem>> -> memref<32x128xf32, #tpu.memory_space<vmem>>
      %dma_start3A_1529 = arith.constant 0 : i32
      %dma_start3A_1530 = tpu.memref_slice %arg5[%dma_start3A_1529, %multiple_of3A_1448] : memref<32x1000000xf32, #tpu.memory_space<hbm>> -> memref<32x128xf32, #tpu.memory_space<hbm>>
      %dma_start3A_1531 = arith.constant 0 : i32
      %dma_start3A_1532 = arith.constant 0 : i32
      %dma_start3A_1533 = tpu.memref_slice %arg11[%dma_start3A_1522, %dma_start3A_1523, %dma_start3A_1524, %dma_start3A_1531, %dma_start3A_1532] : memref<2x2x4x32x128xf32, #tpu.memory_space<vmem>> -> memref<1x1x1x32x128xf32, #tpu.memory_space<vmem>>
      %dma_start3A_1534 = tpu.memref_squeeze %dma_start3A_1533 : memref<1x1x1x32x128xf32, #tpu.memory_space<vmem>> -> memref<32x128xf32, #tpu.memory_space<vmem>>
      %dma_start3A_1535 = arith.constant 0 : i32
      %dma_start3A_1536 = tpu.memref_slice %arg5[%dma_start3A_1535, %multiple_of3A_1448] : memref<32x1000000xf32, #tpu.memory_space<hbm>> -> memref<32x128xf32, #tpu.memory_space<hbm>>
      tpu.enqueue_dma source(%dma_start3A_1536 : memref<32x128xf32, #tpu.memory_space<hbm>>) target(%dma_start3A_1534 : memref<32x128xf32, #tpu.memory_space<vmem>>) target_semaphore(%arg21 : memref<!tpu.dma_semaphore, #tpu.memory_space<semaphore_mem>>)
      %dma_start3A_1537 = arith.constant 1 : i32
      %dma_start3A_1538 = arith.constant 0 : i32
      %dma_start3A_1539 = arith.constant 2 : i32
      %dma_start3A_1540 = arith.constant 0 : i32
      %dma_start3A_1541 = arith.constant 0 : i32
      %dma_start3A_1542 = tpu.memref_slice %arg11[%dma_start3A_1537, %dma_start3A_1538, %dma_start3A_1539, %dma_start3A_1540, %dma_start3A_1541] : memref<2x2x4x32x128xf32, #tpu.memory_space<vmem>> -> memref<1x1x1x32x128xf32, #tpu.memory_space<vmem>>
      %dma_start3A_1543 = tpu.memref_squeeze %dma_start3A_1542 : memref<1x1x1x32x128xf32, #tpu.memory_space<vmem>> -> memref<32x128xf32, #tpu.memory_space<vmem>>
      %dma_start3A_1544 = arith.constant 0 : i32
      %dma_start3A_1545 = tpu.memref_slice %arg4[%dma_start3A_1544, %multiple_of3A_1457] : memref<32x1000000xf32, #tpu.memory_space<hbm>> -> memref<32x128xf32, #tpu.memory_space<hbm>>
      %dma_start3A_1546 = arith.constant 0 : i32
      %dma_start3A_1547 = arith.constant 0 : i32
      %dma_start3A_1548 = tpu.memref_slice %arg11[%dma_start3A_1537, %dma_start3A_1538, %dma_start3A_1539, %dma_start3A_1546, %dma_start3A_1547] : memref<2x2x4x32x128xf32, #tpu.memory_space<vmem>> -> memref<1x1x1x32x128xf32, #tpu.memory_space<vmem>>
      %dma_start3A_1549 = tpu.memref_squeeze %dma_start3A_1548 : memref<1x1x1x32x128xf32, #tpu.memory_space<vmem>> -> memref<32x128xf32, #tpu.memory_space<vmem>>
      %dma_start3A_1550 = arith.constant 0 : i32
      %dma_start3A_1551 = tpu.memref_slice %arg4[%dma_start3A_1550, %multiple_of3A_1457] : memref<32x1000000xf32, #tpu.memory_space<hbm>> -> memref<32x128xf32, #tpu.memory_space<hbm>>
      tpu.enqueue_dma source(%dma_start3A_1551 : memref<32x128xf32, #tpu.memory_space<hbm>>) target(%dma_start3A_1549 : memref<32x128xf32, #tpu.memory_space<vmem>>) target_semaphore(%arg21 : memref<!tpu.dma_semaphore, #tpu.memory_space<semaphore_mem>>)
      %dma_start3A_1552 = arith.constant 1 : i32
      %dma_start3A_1553 = arith.constant 1 : i32
      %dma_start3A_1554 = arith.constant 2 : i32
      %dma_start3A_1555 = arith.constant 0 : i32
      %dma_start3A_1556 = arith.constant 0 : i32
      %dma_start3A_1557 = tpu.memref_slice %arg11[%dma_start3A_1552, %dma_start3A_1553, %dma_start3A_1554, %dma_start3A_1555, %dma_start3A_1556] : memref<2x2x4x32x128xf32, #tpu.memory_space<vmem>> -> memref<1x1x1x32x128xf32, #tpu.memory_space<vmem>>
      %dma_start3A_1558 = tpu.memref_squeeze %dma_start3A_1557 : memref<1x1x1x32x128xf32, #tpu.memory_space<vmem>> -> memref<32x128xf32, #tpu.memory_space<vmem>>
      %dma_start3A_1559 = arith.constant 0 : i32
      %dma_start3A_1560 = tpu.memref_slice %arg5[%dma_start3A_1559, %multiple_of3A_1462] : memref<32x1000000xf32, #tpu.memory_space<hbm>> -> memref<32x128xf32, #tpu.memory_space<hbm>>
      %dma_start3A_1561 = arith.constant 0 : i32
      %dma_start3A_1562 = arith.constant 0 : i32
      %dma_start3A_1563 = tpu.memref_slice %arg11[%dma_start3A_1552, %dma_start3A_1553, %dma_start3A_1554, %dma_start3A_1561, %dma_start3A_1562] : memref<2x2x4x32x128xf32, #tpu.memory_space<vmem>> -> memref<1x1x1x32x128xf32, #tpu.memory_space<vmem>>
      %dma_start3A_1564 = tpu.memref_squeeze %dma_start3A_1563 : memref<1x1x1x32x128xf32, #tpu.memory_space<vmem>> -> memref<32x128xf32, #tpu.memory_space<vmem>>
      %dma_start3A_1565 = arith.constant 0 : i32
      %dma_start3A_1566 = tpu.memref_slice %arg5[%dma_start3A_1565, %multiple_of3A_1462] : memref<32x1000000xf32, #tpu.memory_space<hbm>> -> memref<32x128xf32, #tpu.memory_space<hbm>>
      tpu.enqueue_dma source(%dma_start3A_1566 : memref<32x128xf32, #tpu.memory_space<hbm>>) target(%dma_start3A_1564 : memref<32x128xf32, #tpu.memory_space<vmem>>) target_semaphore(%arg21 : memref<!tpu.dma_semaphore, #tpu.memory_space<semaphore_mem>>)
      %dma_start3A_1567 = arith.constant 1 : i32
      %dma_start3A_1568 = arith.constant 0 : i32
      %dma_start3A_1569 = arith.constant 3 : i32
      %dma_start3A_1570 = arith.constant 0 : i32
      %dma_start3A_1571 = arith.constant 0 : i32
      %dma_start3A_1572 = tpu.memref_slice %arg11[%dma_start3A_1567, %dma_start3A_1568, %dma_start3A_1569, %dma_start3A_1570, %dma_start3A_1571] : memref<2x2x4x32x128xf32, #tpu.memory_space<vmem>> -> memref<1x1x1x32x128xf32, #tpu.memory_space<vmem>>
      %dma_start3A_1573 = tpu.memref_squeeze %dma_start3A_1572 : memref<1x1x1x32x128xf32, #tpu.memory_space<vmem>> -> memref<32x128xf32, #tpu.memory_space<vmem>>
      %dma_start3A_1574 = arith.constant 0 : i32
      %dma_start3A_1575 = tpu.memref_slice %arg4[%dma_start3A_1574, %multiple_of3A_1471] : memref<32x1000000xf32, #tpu.memory_space<hbm>> -> memref<32x128xf32, #tpu.memory_space<hbm>>
      %dma_start3A_1576 = arith.constant 0 : i32
      %dma_start3A_1577 = arith.constant 0 : i32
      %dma_start3A_1578 = tpu.memref_slice %arg11[%dma_start3A_1567, %dma_start3A_1568, %dma_start3A_1569, %dma_start3A_1576, %dma_start3A_1577] : memref<2x2x4x32x128xf32, #tpu.memory_space<vmem>> -> memref<1x1x1x32x128xf32, #tpu.memory_space<vmem>>
      %dma_start3A_1579 = tpu.memref_squeeze %dma_start3A_1578 : memref<1x1x1x32x128xf32, #tpu.memory_space<vmem>> -> memref<32x128xf32, #tpu.memory_space<vmem>>
      %dma_start3A_1580 = arith.constant 0 : i32
      %dma_start3A_1581 = tpu.memref_slice %arg4[%dma_start3A_1580, %multiple_of3A_1471] : memref<32x1000000xf32, #tpu.memory_space<hbm>> -> memref<32x128xf32, #tpu.memory_space<hbm>>
      tpu.enqueue_dma source(%dma_start3A_1581 : memref<32x128xf32, #tpu.memory_space<hbm>>) target(%dma_start3A_1579 : memref<32x128xf32, #tpu.memory_space<vmem>>) target_semaphore(%arg21 : memref<!tpu.dma_semaphore, #tpu.memory_space<semaphore_mem>>)
      %dma_start3A_1582 = arith.constant 1 : i32
      %dma_start3A_1583 = arith.constant 1 : i32
      %dma_start3A_1584 = arith.constant 3 : i32
      %dma_start3A_1585 = arith.constant 0 : i32
      %dma_start3A_1586 = arith.constant 0 : i32
      %dma_start3A_1587 = tpu.memref_slice %arg11[%dma_start3A_1582, %dma_start3A_1583, %dma_start3A_1584, %dma_start3A_1585, %dma_start3A_1586] : memref<2x2x4x32x128xf32, #tpu.memory_space<vmem>> -> memref<1x1x1x32x128xf32, #tpu.memory_space<vmem>>
      %dma_start3A_1588 = tpu.memref_squeeze %dma_start3A_1587 : memref<1x1x1x32x128xf32, #tpu.memory_space<vmem>> -> memref<32x128xf32, #tpu.memory_space<vmem>>
      %dma_start3A_1589 = arith.constant 0 : i32
      %dma_start3A_1590 = tpu.memref_slice %arg5[%dma_start3A_1589, %multiple_of3A_1476] : memref<32x1000000xf32, #tpu.memory_space<hbm>> -> memref<32x128xf32, #tpu.memory_space<hbm>>
      %dma_start3A_1591 = arith.constant 0 : i32
      %dma_start3A_1592 = arith.constant 0 : i32
      %dma_start3A_1593 = tpu.memref_slice %arg11[%dma_start3A_1582, %dma_start3A_1583, %dma_start3A_1584, %dma_start3A_1591, %dma_start3A_1592] : memref<2x2x4x32x128xf32, #tpu.memory_space<vmem>> -> memref<1x1x1x32x128xf32, #tpu.memory_space<vmem>>
      %dma_start3A_1594 = tpu.memref_squeeze %dma_start3A_1593 : memref<1x1x1x32x128xf32, #tpu.memory_space<vmem>> -> memref<32x128xf32, #tpu.memory_space<vmem>>
      %dma_start3A_1595 = arith.constant 0 : i32
      %dma_start3A_1596 = tpu.memref_slice %arg5[%dma_start3A_1595, %multiple_of3A_1476] : memref<32x1000000xf32, #tpu.memory_space<hbm>> -> memref<32x128xf32, #tpu.memory_space<hbm>>
      tpu.enqueue_dma source(%dma_start3A_1596 : memref<32x128xf32, #tpu.memory_space<hbm>>) target(%dma_start3A_1594 : memref<32x128xf32, #tpu.memory_space<vmem>>) target_semaphore(%arg21 : memref<!tpu.dma_semaphore, #tpu.memory_space<semaphore_mem>>)
      %dma_wait3A_1597 = arith.constant 0 : i32
      %dma_wait3A_1598 = arith.constant 0 : i32
      %dma_wait3A_1599 = arith.constant 0 : i32
      %dma_wait3A_1600 = arith.constant 0 : i32
      %dma_wait3A_1601 = arith.constant 0 : i32
      %dma_wait3A_1602 = tpu.memref_slice %arg11[%dma_wait3A_1597, %dma_wait3A_1598, %dma_wait3A_1599, %dma_wait3A_1600, %dma_wait3A_1601] : memref<2x2x4x32x128xf32, #tpu.memory_space<vmem>> -> memref<1x1x1x32x128xf32, #tpu.memory_space<vmem>>
      %dma_wait3A_1603 = tpu.memref_squeeze %dma_wait3A_1602 : memref<1x1x1x32x128xf32, #tpu.memory_space<vmem>> -> memref<32x128xf32, #tpu.memory_space<vmem>>
      %dma_wait3A_1604 = arith.constant 0 : i32
      %dma_wait3A_1605 = arith.constant 0 : i32
      %dma_wait3A_1606 = tpu.memref_slice %arg4[%dma_wait3A_1604, %dma_wait3A_1605] : memref<32x1000000xf32, #tpu.memory_space<hbm>> -> memref<32x128xf32, #tpu.memory_space<hbm>>
      %dma_wait3A_1607 = arith.constant 0 : i32
      %dma_wait3A_1608 = arith.constant 0 : i32
      %dma_wait3A_1609 = tpu.memref_slice %arg11[%dma_wait3A_1597, %dma_wait3A_1598, %dma_wait3A_1599, %dma_wait3A_1607, %dma_wait3A_1608] : memref<2x2x4x32x128xf32, #tpu.memory_space<vmem>> -> memref<1x1x1x32x128xf32, #tpu.memory_space<vmem>>
      %dma_wait3A_1610 = tpu.memref_squeeze %dma_wait3A_1609 : memref<1x1x1x32x128xf32, #tpu.memory_space<vmem>> -> memref<32x128xf32, #tpu.memory_space<vmem>>
      %dma_wait3A_1611 = arith.constant 0 : i32
      %dma_wait3A_1612 = arith.constant 0 : i32
      %dma_wait3A_1613 = tpu.memref_slice %arg4[%dma_wait3A_1611, %dma_wait3A_1612] : memref<32x1000000xf32, #tpu.memory_space<hbm>> -> memref<32x128xf32, #tpu.memory_space<hbm>>
      tpu.wait_dma2 semaphore(%arg20 : memref<!tpu.dma_semaphore, #tpu.memory_space<semaphore_mem>>) src(%dma_wait3A_1613 : memref<32x128xf32, #tpu.memory_space<hbm>>) dst(%dma_wait3A_1610 : memref<32x128xf32, #tpu.memory_space<vmem>>)
      %dma_wait3A_1614 = arith.constant 0 : i32
      %dma_wait3A_1615 = arith.constant 1 : i32
      %dma_wait3A_1616 = arith.constant 0 : i32
      %dma_wait3A_1617 = arith.constant 0 : i32
      %dma_wait3A_1618 = arith.constant 0 : i32
      %dma_wait3A_1619 = tpu.memref_slice %arg11[%dma_wait3A_1614, %dma_wait3A_1615, %dma_wait3A_1616, %dma_wait3A_1617, %dma_wait3A_1618] : memref<2x2x4x32x128xf32, #tpu.memory_space<vmem>> -> memref<1x1x1x32x128xf32, #tpu.memory_space<vmem>>
      %dma_wait3A_1620 = tpu.memref_squeeze %dma_wait3A_1619 : memref<1x1x1x32x128xf32, #tpu.memory_space<vmem>> -> memref<32x128xf32, #tpu.memory_space<vmem>>
      %dma_wait3A_1621 = arith.constant 0 : i32
      %dma_wait3A_1622 = arith.constant 0 : i32
      %dma_wait3A_1623 = tpu.memref_slice %arg4[%dma_wait3A_1621, %dma_wait3A_1622] : memref<32x1000000xf32, #tpu.memory_space<hbm>> -> memref<32x128xf32, #tpu.memory_space<hbm>>
      %dma_wait3A_1624 = arith.constant 0 : i32
      %dma_wait3A_1625 = arith.constant 0 : i32
      %dma_wait3A_1626 = tpu.memref_slice %arg11[%dma_wait3A_1614, %dma_wait3A_1615, %dma_wait3A_1616, %dma_wait3A_1624, %dma_wait3A_1625] : memref<2x2x4x32x128xf32, #tpu.memory_space<vmem>> -> memref<1x1x1x32x128xf32, #tpu.memory_space<vmem>>
      %dma_wait3A_1627 = tpu.memref_squeeze %dma_wait3A_1626 : memref<1x1x1x32x128xf32, #tpu.memory_space<vmem>> -> memref<32x128xf32, #tpu.memory_space<vmem>>
      %dma_wait3A_1628 = arith.constant 0 : i32
      %dma_wait3A_1629 = arith.constant 0 : i32
      %dma_wait3A_1630 = tpu.memref_slice %arg4[%dma_wait3A_1628, %dma_wait3A_1629] : memref<32x1000000xf32, #tpu.memory_space<hbm>> -> memref<32x128xf32, #tpu.memory_space<hbm>>
      tpu.wait_dma2 semaphore(%arg20 : memref<!tpu.dma_semaphore, #tpu.memory_space<semaphore_mem>>) src(%dma_wait3A_1630 : memref<32x128xf32, #tpu.memory_space<hbm>>) dst(%dma_wait3A_1627 : memref<32x128xf32, #tpu.memory_space<vmem>>)
      %dma_wait3A_1631 = arith.constant 0 : i32
      %dma_wait3A_1632 = arith.constant 0 : i32
      %dma_wait3A_1633 = arith.constant 1 : i32
      %dma_wait3A_1634 = arith.constant 0 : i32
      %dma_wait3A_1635 = arith.constant 0 : i32
      %dma_wait3A_1636 = tpu.memref_slice %arg11[%dma_wait3A_1631, %dma_wait3A_1632, %dma_wait3A_1633, %dma_wait3A_1634, %dma_wait3A_1635] : memref<2x2x4x32x128xf32, #tpu.memory_space<vmem>> -> memref<1x1x1x32x128xf32, #tpu.memory_space<vmem>>
      %dma_wait3A_1637 = tpu.memref_squeeze %dma_wait3A_1636 : memref<1x1x1x32x128xf32, #tpu.memory_space<vmem>> -> memref<32x128xf32, #tpu.memory_space<vmem>>
      %dma_wait3A_1638 = arith.constant 0 : i32
      %dma_wait3A_1639 = arith.constant 0 : i32
      %dma_wait3A_1640 = tpu.memref_slice %arg4[%dma_wait3A_1638, %dma_wait3A_1639] : memref<32x1000000xf32, #tpu.memory_space<hbm>> -> memref<32x128xf32, #tpu.memory_space<hbm>>
      %dma_wait3A_1641 = arith.constant 0 : i32
      %dma_wait3A_1642 = arith.constant 0 : i32
      %dma_wait3A_1643 = tpu.memref_slice %arg11[%dma_wait3A_1631, %dma_wait3A_1632, %dma_wait3A_1633, %dma_wait3A_1641, %dma_wait3A_1642] : memref<2x2x4x32x128xf32, #tpu.memory_space<vmem>> -> memref<1x1x1x32x128xf32, #tpu.memory_space<vmem>>
      %dma_wait3A_1644 = tpu.memref_squeeze %dma_wait3A_1643 : memref<1x1x1x32x128xf32, #tpu.memory_space<vmem>> -> memref<32x128xf32, #tpu.memory_space<vmem>>
      %dma_wait3A_1645 = arith.constant 0 : i32
      %dma_wait3A_1646 = arith.constant 0 : i32
      %dma_wait3A_1647 = tpu.memref_slice %arg4[%dma_wait3A_1645, %dma_wait3A_1646] : memref<32x1000000xf32, #tpu.memory_space<hbm>> -> memref<32x128xf32, #tpu.memory_space<hbm>>
      tpu.wait_dma2 semaphore(%arg20 : memref<!tpu.dma_semaphore, #tpu.memory_space<semaphore_mem>>) src(%dma_wait3A_1647 : memref<32x128xf32, #tpu.memory_space<hbm>>) dst(%dma_wait3A_1644 : memref<32x128xf32, #tpu.memory_space<vmem>>)
      %dma_wait3A_1648 = arith.constant 0 : i32
      %dma_wait3A_1649 = arith.constant 1 : i32
      %dma_wait3A_1650 = arith.constant 1 : i32
      %dma_wait3A_1651 = arith.constant 0 : i32
      %dma_wait3A_1652 = arith.constant 0 : i32
      %dma_wait3A_1653 = tpu.memref_slice %arg11[%dma_wait3A_1648, %dma_wait3A_1649, %dma_wait3A_1650, %dma_wait3A_1651, %dma_wait3A_1652] : memref<2x2x4x32x128xf32, #tpu.memory_space<vmem>> -> memref<1x1x1x32x128xf32, #tpu.memory_space<vmem>>
      %dma_wait3A_1654 = tpu.memref_squeeze %dma_wait3A_1653 : memref<1x1x1x32x128xf32, #tpu.memory_space<vmem>> -> memref<32x128xf32, #tpu.memory_space<vmem>>
      %dma_wait3A_1655 = arith.constant 0 : i32
      %dma_wait3A_1656 = arith.constant 0 : i32
      %dma_wait3A_1657 = tpu.memref_slice %arg4[%dma_wait3A_1655, %dma_wait3A_1656] : memref<32x1000000xf32, #tpu.memory_space<hbm>> -> memref<32x128xf32, #tpu.memory_space<hbm>>
      %dma_wait3A_1658 = arith.constant 0 : i32
      %dma_wait3A_1659 = arith.constant 0 : i32
      %dma_wait3A_1660 = tpu.memref_slice %arg11[%dma_wait3A_1648, %dma_wait3A_1649, %dma_wait3A_1650, %dma_wait3A_1658, %dma_wait3A_1659] : memref<2x2x4x32x128xf32, #tpu.memory_space<vmem>> -> memref<1x1x1x32x128xf32, #tpu.memory_space<vmem>>
      %dma_wait3A_1661 = tpu.memref_squeeze %dma_wait3A_1660 : memref<1x1x1x32x128xf32, #tpu.memory_space<vmem>> -> memref<32x128xf32, #tpu.memory_space<vmem>>
      %dma_wait3A_1662 = arith.constant 0 : i32
      %dma_wait3A_1663 = arith.constant 0 : i32
      %dma_wait3A_1664 = tpu.memref_slice %arg4[%dma_wait3A_1662, %dma_wait3A_1663] : memref<32x1000000xf32, #tpu.memory_space<hbm>> -> memref<32x128xf32, #tpu.memory_space<hbm>>
      tpu.wait_dma2 semaphore(%arg20 : memref<!tpu.dma_semaphore, #tpu.memory_space<semaphore_mem>>) src(%dma_wait3A_1664 : memref<32x128xf32, #tpu.memory_space<hbm>>) dst(%dma_wait3A_1661 : memref<32x128xf32, #tpu.memory_space<vmem>>)
      %dma_wait3A_1665 = arith.constant 0 : i32
      %dma_wait3A_1666 = arith.constant 0 : i32
      %dma_wait3A_1667 = arith.constant 2 : i32
      %dma_wait3A_1668 = arith.constant 0 : i32
      %dma_wait3A_1669 = arith.constant 0 : i32
      %dma_wait3A_1670 = tpu.memref_slice %arg11[%dma_wait3A_1665, %dma_wait3A_1666, %dma_wait3A_1667, %dma_wait3A_1668, %dma_wait3A_1669] : memref<2x2x4x32x128xf32, #tpu.memory_space<vmem>> -> memref<1x1x1x32x128xf32, #tpu.memory_space<vmem>>
      %dma_wait3A_1671 = tpu.memref_squeeze %dma_wait3A_1670 : memref<1x1x1x32x128xf32, #tpu.memory_space<vmem>> -> memref<32x128xf32, #tpu.memory_space<vmem>>
      %dma_wait3A_1672 = arith.constant 0 : i32
      %dma_wait3A_1673 = arith.constant 0 : i32
      %dma_wait3A_1674 = tpu.memref_slice %arg4[%dma_wait3A_1672, %dma_wait3A_1673] : memref<32x1000000xf32, #tpu.memory_space<hbm>> -> memref<32x128xf32, #tpu.memory_space<hbm>>
      %dma_wait3A_1675 = arith.constant 0 : i32
      %dma_wait3A_1676 = arith.constant 0 : i32
      %dma_wait3A_1677 = tpu.memref_slice %arg11[%dma_wait3A_1665, %dma_wait3A_1666, %dma_wait3A_1667, %dma_wait3A_1675, %dma_wait3A_1676] : memref<2x2x4x32x128xf32, #tpu.memory_space<vmem>> -> memref<1x1x1x32x128xf32, #tpu.memory_space<vmem>>
      %dma_wait3A_1678 = tpu.memref_squeeze %dma_wait3A_1677 : memref<1x1x1x32x128xf32, #tpu.memory_space<vmem>> -> memref<32x128xf32, #tpu.memory_space<vmem>>
      %dma_wait3A_1679 = arith.constant 0 : i32
      %dma_wait3A_1680 = arith.constant 0 : i32
      %dma_wait3A_1681 = tpu.memref_slice %arg4[%dma_wait3A_1679, %dma_wait3A_1680] : memref<32x1000000xf32, #tpu.memory_space<hbm>> -> memref<32x128xf32, #tpu.memory_space<hbm>>
      tpu.wait_dma2 semaphore(%arg20 : memref<!tpu.dma_semaphore, #tpu.memory_space<semaphore_mem>>) src(%dma_wait3A_1681 : memref<32x128xf32, #tpu.memory_space<hbm>>) dst(%dma_wait3A_1678 : memref<32x128xf32, #tpu.memory_space<vmem>>)
      %dma_wait3A_1682 = arith.constant 0 : i32
      %dma_wait3A_1683 = arith.constant 1 : i32
      %dma_wait3A_1684 = arith.constant 2 : i32
      %dma_wait3A_1685 = arith.constant 0 : i32
      %dma_wait3A_1686 = arith.constant 0 : i32
      %dma_wait3A_1687 = tpu.memref_slice %arg11[%dma_wait3A_1682, %dma_wait3A_1683, %dma_wait3A_1684, %dma_wait3A_1685, %dma_wait3A_1686] : memref<2x2x4x32x128xf32, #tpu.memory_space<vmem>> -> memref<1x1x1x32x128xf32, #tpu.memory_space<vmem>>
      %dma_wait3A_1688 = tpu.memref_squeeze %dma_wait3A_1687 : memref<1x1x1x32x128xf32, #tpu.memory_space<vmem>> -> memref<32x128xf32, #tpu.memory_space<vmem>>
      %dma_wait3A_1689 = arith.constant 0 : i32
      %dma_wait3A_1690 = arith.constant 0 : i32
      %dma_wait3A_1691 = tpu.memref_slice %arg4[%dma_wait3A_1689, %dma_wait3A_1690] : memref<32x1000000xf32, #tpu.memory_space<hbm>> -> memref<32x128xf32, #tpu.memory_space<hbm>>
      %dma_wait3A_1692 = arith.constant 0 : i32
      %dma_wait3A_1693 = arith.constant 0 : i32
      %dma_wait3A_1694 = tpu.memref_slice %arg11[%dma_wait3A_1682, %dma_wait3A_1683, %dma_wait3A_1684, %dma_wait3A_1692, %dma_wait3A_1693] : memref<2x2x4x32x128xf32, #tpu.memory_space<vmem>> -> memref<1x1x1x32x128xf32, #tpu.memory_space<vmem>>
      %dma_wait3A_1695 = tpu.memref_squeeze %dma_wait3A_1694 : memref<1x1x1x32x128xf32, #tpu.memory_space<vmem>> -> memref<32x128xf32, #tpu.memory_space<vmem>>
      %dma_wait3A_1696 = arith.constant 0 : i32
      %dma_wait3A_1697 = arith.constant 0 : i32
      %dma_wait3A_1698 = tpu.memref_slice %arg4[%dma_wait3A_1696, %dma_wait3A_1697] : memref<32x1000000xf32, #tpu.memory_space<hbm>> -> memref<32x128xf32, #tpu.memory_space<hbm>>
      tpu.wait_dma2 semaphore(%arg20 : memref<!tpu.dma_semaphore, #tpu.memory_space<semaphore_mem>>) src(%dma_wait3A_1698 : memref<32x128xf32, #tpu.memory_space<hbm>>) dst(%dma_wait3A_1695 : memref<32x128xf32, #tpu.memory_space<vmem>>)
      %dma_wait3A_1699 = arith.constant 0 : i32
      %dma_wait3A_1700 = arith.constant 0 : i32
      %dma_wait3A_1701 = arith.constant 3 : i32
      %dma_wait3A_1702 = arith.constant 0 : i32
      %dma_wait3A_1703 = arith.constant 0 : i32
      %dma_wait3A_1704 = tpu.memref_slice %arg11[%dma_wait3A_1699, %dma_wait3A_1700, %dma_wait3A_1701, %dma_wait3A_1702, %dma_wait3A_1703] : memref<2x2x4x32x128xf32, #tpu.memory_space<vmem>> -> memref<1x1x1x32x128xf32, #tpu.memory_space<vmem>>
      %dma_wait3A_1705 = tpu.memref_squeeze %dma_wait3A_1704 : memref<1x1x1x32x128xf32, #tpu.memory_space<vmem>> -> memref<32x128xf32, #tpu.memory_space<vmem>>
      %dma_wait3A_1706 = arith.constant 0 : i32
      %dma_wait3A_1707 = arith.constant 0 : i32
      %dma_wait3A_1708 = tpu.memref_slice %arg4[%dma_wait3A_1706, %dma_wait3A_1707] : memref<32x1000000xf32, #tpu.memory_space<hbm>> -> memref<32x128xf32, #tpu.memory_space<hbm>>
      %dma_wait3A_1709 = arith.constant 0 : i32
      %dma_wait3A_1710 = arith.constant 0 : i32
      %dma_wait3A_1711 = tpu.memref_slice %arg11[%dma_wait3A_1699, %dma_wait3A_1700, %dma_wait3A_1701, %dma_wait3A_1709, %dma_wait3A_1710] : memref<2x2x4x32x128xf32, #tpu.memory_space<vmem>> -> memref<1x1x1x32x128xf32, #tpu.memory_space<vmem>>
      %dma_wait3A_1712 = tpu.memref_squeeze %dma_wait3A_1711 : memref<1x1x1x32x128xf32, #tpu.memory_space<vmem>> -> memref<32x128xf32, #tpu.memory_space<vmem>>
      %dma_wait3A_1713 = arith.constant 0 : i32
      %dma_wait3A_1714 = arith.constant 0 : i32
      %dma_wait3A_1715 = tpu.memref_slice %arg4[%dma_wait3A_1713, %dma_wait3A_1714] : memref<32x1000000xf32, #tpu.memory_space<hbm>> -> memref<32x128xf32, #tpu.memory_space<hbm>>
      tpu.wait_dma2 semaphore(%arg20 : memref<!tpu.dma_semaphore, #tpu.memory_space<semaphore_mem>>) src(%dma_wait3A_1715 : memref<32x128xf32, #tpu.memory_space<hbm>>) dst(%dma_wait3A_1712 : memref<32x128xf32, #tpu.memory_space<vmem>>)
      %dma_wait3A_1716 = arith.constant 0 : i32
      %dma_wait3A_1717 = arith.constant 1 : i32
      %dma_wait3A_1718 = arith.constant 3 : i32
      %dma_wait3A_1719 = arith.constant 0 : i32
      %dma_wait3A_1720 = arith.constant 0 : i32
      %dma_wait3A_1721 = tpu.memref_slice %arg11[%dma_wait3A_1716, %dma_wait3A_1717, %dma_wait3A_1718, %dma_wait3A_1719, %dma_wait3A_1720] : memref<2x2x4x32x128xf32, #tpu.memory_space<vmem>> -> memref<1x1x1x32x128xf32, #tpu.memory_space<vmem>>
      %dma_wait3A_1722 = tpu.memref_squeeze %dma_wait3A_1721 : memref<1x1x1x32x128xf32, #tpu.memory_space<vmem>> -> memref<32x128xf32, #tpu.memory_space<vmem>>
      %dma_wait3A_1723 = arith.constant 0 : i32
      %dma_wait3A_1724 = arith.constant 0 : i32
      %dma_wait3A_1725 = tpu.memref_slice %arg4[%dma_wait3A_1723, %dma_wait3A_1724] : memref<32x1000000xf32, #tpu.memory_space<hbm>> -> memref<32x128xf32, #tpu.memory_space<hbm>>
      %dma_wait3A_1726 = arith.constant 0 : i32
      %dma_wait3A_1727 = arith.constant 0 : i32
      %dma_wait3A_1728 = tpu.memref_slice %arg11[%dma_wait3A_1716, %dma_wait3A_1717, %dma_wait3A_1718, %dma_wait3A_1726, %dma_wait3A_1727] : memref<2x2x4x32x128xf32, #tpu.memory_space<vmem>> -> memref<1x1x1x32x128xf32, #tpu.memory_space<vmem>>
      %dma_wait3A_1729 = tpu.memref_squeeze %dma_wait3A_1728 : memref<1x1x1x32x128xf32, #tpu.memory_space<vmem>> -> memref<32x128xf32, #tpu.memory_space<vmem>>
      %dma_wait3A_1730 = arith.constant 0 : i32
      %dma_wait3A_1731 = arith.constant 0 : i32
      %dma_wait3A_1732 = tpu.memref_slice %arg4[%dma_wait3A_1730, %dma_wait3A_1731] : memref<32x1000000xf32, #tpu.memory_space<hbm>> -> memref<32x128xf32, #tpu.memory_space<hbm>>
      tpu.wait_dma2 semaphore(%arg20 : memref<!tpu.dma_semaphore, #tpu.memory_space<semaphore_mem>>) src(%dma_wait3A_1732 : memref<32x128xf32, #tpu.memory_space<hbm>>) dst(%dma_wait3A_1729 : memref<32x128xf32, #tpu.memory_space<vmem>>)
      %mul3A_1733 = arith.constant 8 : i32
      %mul3A_1734 = arith.muli %scan3A_1413, %mul3A_1733 : i32
      %multiple_of3A_1735 = tpu.assume_multiple %mul3A_1734, 8 : i32
      %get3A_1736 = arith.index_cast %multiple_of3A_1735 : i32 to index
      %get3A_1737 = tpu.vector_load %arg9[%get3A_1736] {strides = array<i32>} : memref<528xi32, #tpu.memory_space<vmem>>, vector<16xi32>,
      %get3A_1738 = arith.index_cast %multiple_of3A_1735 : i32 to index
      %get3A_1739 = tpu.vector_load %arg10[%get3A_1738] {strides = array<i32>} : memref<528xi32, #tpu.memory_space<vmem>>, vector<16xi32>,
      %slice3A_1740 = vector.extract_strided_slice %get3A_1737 {offsets = [0], sizes = [1], strides = [1]} : vector<16xi32> to vector<1xi32>
      %squeeze3A_1741 = vector.extract %slice3A_1740[0] : i32 from vector<1xi32>
      %and3A_1742 = arith.constant 127 : i32
      %and3A_1743 = arith.andi %squeeze3A_1741, %and3A_1742 : i32
      %add3A_1744 = vector.broadcast %and3A_1743 : i32 to vector<16xi32>
      %add3A_1745 = arith.addi %mul3A_5, %add3A_1744 : vector<16xi32>
      %slice3A_1746 = vector.extract_strided_slice %get3A_1739 {offsets = [0], sizes = [1], strides = [1]} : vector<16xi32> to vector<1xi32>
      %squeeze3A_1747 = vector.extract %slice3A_1746[0] : i32 from vector<1xi32>
      %and3A_1748 = arith.constant 127 : i32
      %and3A_1749 = arith.andi %squeeze3A_1747, %and3A_1748 : i32
      %add3A_1750 = vector.broadcast %and3A_1749 : i32 to vector<16xi32>
      %add3A_1751 = arith.addi %mul3A_5, %add3A_1750 : vector<16xi32>
      %add3A_1752 = arith.constant 0 : i32
      %add3A_1753 = vector.broadcast %add3A_1752 : i32 to vector<16xi32>
      %add3A_1754 = arith.addi %mul3A_5, %add3A_1753 : vector<16xi32>
      %add3A_1755 = arith.constant 0 : i32
      %add3A_1756 = vector.broadcast %add3A_1755 : i32 to vector<16xi32>
      %add3A_1757 = arith.addi %mul3A_5, %add3A_1756 : vector<16xi32>
      %gather3A_1758 = tpu.vector_load_idx %arg11[%add3A_1754, %mul3A_5, %add3A_1757, %iota3A, %add3A_1745] : memref<2x2x4x32x128xf32, #tpu.memory_space<vmem>>[vector<16xi32>, vector<16xi32>, vector<16xi32>, vector<16xi32>, vector<16xi32>], vector<16xf32>,
      %add3A_1759 = arith.constant 0 : i32
      %add3A_1760 = vector.broadcast %add3A_1759 : i32 to vector<16xi32>
      %add3A_1761 = arith.addi %mul3A_5, %add3A_1760 : vector<16xi32>
      %add3A_1762 = arith.constant 0 : i32
      %add3A_1763 = vector.broadcast %add3A_1762 : i32 to vector<16xi32>
      %add3A_1764 = arith.addi %mul3A_5, %add3A_1763 : vector<16xi32>
      %add3A_1765 = arith.constant 16 : i32
      %add3A_1766 = vector.broadcast %add3A_1765 : i32 to vector<16xi32>
      %add3A_1767 = arith.addi %iota3A, %add3A_1766 : vector<16xi32>
      %gather3A_1768 = tpu.vector_load_idx %arg11[%add3A_1761, %mul3A_5, %add3A_1764, %add3A_1767, %add3A_1745] : memref<2x2x4x32x128xf32, #tpu.memory_space<vmem>>[vector<16xi32>, vector<16xi32>, vector<16xi32>, vector<16xi32>, vector<16xi32>], vector<16xf32>,
      %add3A_1769 = arith.constant 0 : i32
      %add3A_1770 = vector.broadcast %add3A_1769 : i32 to vector<16xi32>
      %add3A_1771 = arith.addi %mul3A_5, %add3A_1770 : vector<16xi32>
      %add3A_1772 = arith.constant 1 : i32
      %add3A_1773 = vector.broadcast %add3A_1772 : i32 to vector<16xi32>
      %add3A_1774 = arith.addi %mul3A_5, %add3A_1773 : vector<16xi32>
      %add3A_1775 = arith.constant 0 : i32
      %add3A_1776 = vector.broadcast %add3A_1775 : i32 to vector<16xi32>
      %add3A_1777 = arith.addi %mul3A_5, %add3A_1776 : vector<16xi32>
      %gather3A_1778 = tpu.vector_load_idx %arg11[%add3A_1771, %add3A_1774, %add3A_1777, %iota3A, %add3A_1751] : memref<2x2x4x32x128xf32, #tpu.memory_space<vmem>>[vector<16xi32>, vector<16xi32>, vector<16xi32>, vector<16xi32>, vector<16xi32>], vector<16xf32>,
      %add3A_1779 = arith.constant 0 : i32
      %add3A_1780 = vector.broadcast %add3A_1779 : i32 to vector<16xi32>
      %add3A_1781 = arith.addi %mul3A_5, %add3A_1780 : vector<16xi32>
      %add3A_1782 = arith.constant 1 : i32
      %add3A_1783 = vector.broadcast %add3A_1782 : i32 to vector<16xi32>
      %add3A_1784 = arith.addi %mul3A_5, %add3A_1783 : vector<16xi32>
      %add3A_1785 = arith.constant 0 : i32
      %add3A_1786 = vector.broadcast %add3A_1785 : i32 to vector<16xi32>
      %add3A_1787 = arith.addi %mul3A_5, %add3A_1786 : vector<16xi32>
      %add3A_1788 = arith.constant 16 : i32
      %add3A_1789 = vector.broadcast %add3A_1788 : i32 to vector<16xi32>
      %add3A_1790 = arith.addi %iota3A, %add3A_1789 : vector<16xi32>
      %gather3A_1791 = tpu.vector_load_idx %arg11[%add3A_1781, %add3A_1784, %add3A_1787, %add3A_1790, %add3A_1751] : memref<2x2x4x32x128xf32, #tpu.memory_space<vmem>>[vector<16xi32>, vector<16xi32>, vector<16xi32>, vector<16xi32>, vector<16xi32>], vector<16xf32>,
      %mul3A_1792 = arith.constant 8 : i32
      %mul3A_1793 = arith.muli %scan3A_1413, %mul3A_1792 : i32
      %add3A_1794 = arith.constant 0 : i32
      %add3A_1795 = arith.addi %mul3A_1793, %add3A_1794 : i32
      %add3A_1796 = arith.constant 0 : i32
      %add3A_1797 = arith.addi %add3A_1795, %add3A_1796 : i32
      %mul3A_1798 = arith.constant 16 : i32
      %mul3A_1799 = arith.muli %add3A_1797, %mul3A_1798 : i32
      %multiple_of3A_1800 = tpu.assume_multiple %mul3A_1799, 16 : i32
      %mul3A_1801 = arith.mulf %gather3A_1758, %gather3A_1778 : vector<16xf32>
      %mul3A_1802 = arith.mulf %gather3A_1768, %gather3A_1791 : vector<16xf32>
      %add3A_1803 = arith.addf %mul3A_1801, %mul3A_1802 : vector<16xf32>
      %swap3A_1804 = arith.index_cast %multiple_of3A_1800 : i32 to index
      %swap3A_1805 = tpu.vector_load %arg16[%swap3A_1804] {strides = array<i32>} : memref<8192xf32, #tpu.memory_space<vmem>>, vector<16xf32>,
      tpu.vector_store %arg16[%swap3A_1804], %add3A_1803 {strides = array<i32>} : memref<8192xf32, #tpu.memory_space<vmem>>, vector<16xf32>,
      %slice3A_1806 = vector.extract_strided_slice %get3A_1737 {offsets = [1], sizes = [1], strides = [1]} : vector<16xi32> to vector<1xi32>
      %squeeze3A_1807 = vector.extract %slice3A_1806[0] : i32 from vector<1xi32>
      %and3A_1808 = arith.constant 127 : i32
      %and3A_1809 = arith.andi %squeeze3A_1807, %and3A_1808 : i32
      %add3A_1810 = vector.broadcast %and3A_1809 : i32 to vector<16xi32>
      %add3A_1811 = arith.addi %mul3A_5, %add3A_1810 : vector<16xi32>
      %slice3A_1812 = vector.extract_strided_slice %get3A_1739 {offsets = [1], sizes = [1], strides = [1]} : vector<16xi32> to vector<1xi32>
      %squeeze3A_1813 = vector.extract %slice3A_1812[0] : i32 from vector<1xi32>
      %and3A_1814 = arith.constant 127 : i32
      %and3A_1815 = arith.andi %squeeze3A_1813, %and3A_1814 : i32
      %add3A_1816 = vector.broadcast %and3A_1815 : i32 to vector<16xi32>
      %add3A_1817 = arith.addi %mul3A_5, %add3A_1816 : vector<16xi32>
      %add3A_1818 = arith.constant 0 : i32
      %add3A_1819 = vector.broadcast %add3A_1818 : i32 to vector<16xi32>
      %add3A_1820 = arith.addi %mul3A_5, %add3A_1819 : vector<16xi32>
      %add3A_1821 = arith.constant 1 : i32
      %add3A_1822 = vector.broadcast %add3A_1821 : i32 to vector<16xi32>
      %add3A_1823 = arith.addi %mul3A_5, %add3A_1822 : vector<16xi32>
      %gather3A_1824 = tpu.vector_load_idx %arg11[%add3A_1820, %mul3A_5, %add3A_1823, %iota3A, %add3A_1811] : memref<2x2x4x32x128xf32, #tpu.memory_space<vmem>>[vector<16xi32>, vector<16xi32>, vector<16xi32>, vector<16xi32>, vector<16xi32>], vector<16xf32>,
      %add3A_1825 = arith.constant 0 : i32
      %add3A_1826 = vector.broadcast %add3A_1825 : i32 to vector<16xi32>
      %add3A_1827 = arith.addi %mul3A_5, %add3A_1826 : vector<16xi32>
      %add3A_1828 = arith.constant 1 : i32
      %add3A_1829 = vector.broadcast %add3A_1828 : i32 to vector<16xi32>
      %add3A_1830 = arith.addi %mul3A_5, %add3A_1829 : vector<16xi32>
      %add3A_1831 = arith.constant 16 : i32
      %add3A_1832 = vector.broadcast %add3A_1831 : i32 to vector<16xi32>
      %add3A_1833 = arith.addi %iota3A, %add3A_1832 : vector<16xi32>
      %gather3A_1834 = tpu.vector_load_idx %arg11[%add3A_1827, %mul3A_5, %add3A_1830, %add3A_1833, %add3A_1811] : memref<2x2x4x32x128xf32, #tpu.memory_space<vmem>>[vector<16xi32>, vector<16xi32>, vector<16xi32>, vector<16xi32>, vector<16xi32>], vector<16xf32>,
      %add3A_1835 = arith.constant 0 : i32
      %add3A_1836 = vector.broadcast %add3A_1835 : i32 to vector<16xi32>
      %add3A_1837 = arith.addi %mul3A_5, %add3A_1836 : vector<16xi32>
      %add3A_1838 = arith.constant 1 : i32
      %add3A_1839 = vector.broadcast %add3A_1838 : i32 to vector<16xi32>
      %add3A_1840 = arith.addi %mul3A_5, %add3A_1839 : vector<16xi32>
      %add3A_1841 = arith.constant 1 : i32
      %add3A_1842 = vector.broadcast %add3A_1841 : i32 to vector<16xi32>
      %add3A_1843 = arith.addi %mul3A_5, %add3A_1842 : vector<16xi32>
      %gather3A_1844 = tpu.vector_load_idx %arg11[%add3A_1837, %add3A_1840, %add3A_1843, %iota3A, %add3A_1817] : memref<2x2x4x32x128xf32, #tpu.memory_space<vmem>>[vector<16xi32>, vector<16xi32>, vector<16xi32>, vector<16xi32>, vector<16xi32>], vector<16xf32>,
      %add3A_1845 = arith.constant 0 : i32
      %add3A_1846 = vector.broadcast %add3A_1845 : i32 to vector<16xi32>
      %add3A_1847 = arith.addi %mul3A_5, %add3A_1846 : vector<16xi32>
      %add3A_1848 = arith.constant 1 : i32
      %add3A_1849 = vector.broadcast %add3A_1848 : i32 to vector<16xi32>
      %add3A_1850 = arith.addi %mul3A_5, %add3A_1849 : vector<16xi32>
      %add3A_1851 = arith.constant 1 : i32
      %add3A_1852 = vector.broadcast %add3A_1851 : i32 to vector<16xi32>
      %add3A_1853 = arith.addi %mul3A_5, %add3A_1852 : vector<16xi32>
      %add3A_1854 = arith.constant 16 : i32
      %add3A_1855 = vector.broadcast %add3A_1854 : i32 to vector<16xi32>
      %add3A_1856 = arith.addi %iota3A, %add3A_1855 : vector<16xi32>
      %gather3A_1857 = tpu.vector_load_idx %arg11[%add3A_1847, %add3A_1850, %add3A_1853, %add3A_1856, %add3A_1817] : memref<2x2x4x32x128xf32, #tpu.memory_space<vmem>>[vector<16xi32>, vector<16xi32>, vector<16xi32>, vector<16xi32>, vector<16xi32>], vector<16xf32>,
      %mul3A_1858 = arith.constant 8 : i32
      %mul3A_1859 = arith.muli %scan3A_1413, %mul3A_1858 : i32
      %add3A_1860 = arith.constant 0 : i32
      %add3A_1861 = arith.addi %mul3A_1859, %add3A_1860 : i32
      %add3A_1862 = arith.constant 1 : i32
      %add3A_1863 = arith.addi %add3A_1861, %add3A_1862 : i32
      %mul3A_1864 = arith.constant 16 : i32
      %mul3A_1865 = arith.muli %add3A_1863, %mul3A_1864 : i32
      %multiple_of3A_1866 = tpu.assume_multiple %mul3A_1865, 16 : i32
      %mul3A_1867 = arith.mulf %gather3A_1824, %gather3A_1844 : vector<16xf32>
      %mul3A_1868 = arith.mulf %gather3A_1834, %gather3A_1857 : vector<16xf32>
      %add3A_1869 = arith.addf %mul3A_1867, %mul3A_1868 : vector<16xf32>
      %swap3A_1870 = arith.index_cast %multiple_of3A_1866 : i32 to index
      %swap3A_1871 = tpu.vector_load %arg16[%swap3A_1870] {strides = array<i32>} : memref<8192xf32, #tpu.memory_space<vmem>>, vector<16xf32>,
      tpu.vector_store %arg16[%swap3A_1870], %add3A_1869 {strides = array<i32>} : memref<8192xf32, #tpu.memory_space<vmem>>, vector<16xf32>,
      %slice3A_1872 = vector.extract_strided_slice %get3A_1737 {offsets = [2], sizes = [1], strides = [1]} : vector<16xi32> to vector<1xi32>
      %squeeze3A_1873 = vector.extract %slice3A_1872[0] : i32 from vector<1xi32>
      %and3A_1874 = arith.constant 127 : i32
      %and3A_1875 = arith.andi %squeeze3A_1873, %and3A_1874 : i32
      %add3A_1876 = vector.broadcast %and3A_1875 : i32 to vector<16xi32>
      %add3A_1877 = arith.addi %mul3A_5, %add3A_1876 : vector<16xi32>
      %slice3A_1878 = vector.extract_strided_slice %get3A_1739 {offsets = [2], sizes = [1], strides = [1]} : vector<16xi32> to vector<1xi32>
      %squeeze3A_1879 = vector.extract %slice3A_1878[0] : i32 from vector<1xi32>
      %and3A_1880 = arith.constant 127 : i32
      %and3A_1881 = arith.andi %squeeze3A_1879, %and3A_1880 : i32
      %add3A_1882 = vector.broadcast %and3A_1881 : i32 to vector<16xi32>
      %add3A_1883 = arith.addi %mul3A_5, %add3A_1882 : vector<16xi32>
      %add3A_1884 = arith.constant 0 : i32
      %add3A_1885 = vector.broadcast %add3A_1884 : i32 to vector<16xi32>
      %add3A_1886 = arith.addi %mul3A_5, %add3A_1885 : vector<16xi32>
      %add3A_1887 = arith.constant 2 : i32
      %add3A_1888 = vector.broadcast %add3A_1887 : i32 to vector<16xi32>
      %add3A_1889 = arith.addi %mul3A_5, %add3A_1888 : vector<16xi32>
      %gather3A_1890 = tpu.vector_load_idx %arg11[%add3A_1886, %mul3A_5, %add3A_1889, %iota3A, %add3A_1877] : memref<2x2x4x32x128xf32, #tpu.memory_space<vmem>>[vector<16xi32>, vector<16xi32>, vector<16xi32>, vector<16xi32>, vector<16xi32>], vector<16xf32>,
      %add3A_1891 = arith.constant 0 : i32
      %add3A_1892 = vector.broadcast %add3A_1891 : i32 to vector<16xi32>
      %add3A_1893 = arith.addi %mul3A_5, %add3A_1892 : vector<16xi32>
      %add3A_1894 = arith.constant 2 : i32
      %add3A_1895 = vector.broadcast %add3A_1894 : i32 to vector<16xi32>
      %add3A_1896 = arith.addi %mul3A_5, %add3A_1895 : vector<16xi32>
      %add3A_1897 = arith.constant 16 : i32
      %add3A_1898 = vector.broadcast %add3A_1897 : i32 to vector<16xi32>
      %add3A_1899 = arith.addi %iota3A, %add3A_1898 : vector<16xi32>
      %gather3A_1900 = tpu.vector_load_idx %arg11[%add3A_1893, %mul3A_5, %add3A_1896, %add3A_1899, %add3A_1877] : memref<2x2x4x32x128xf32, #tpu.memory_space<vmem>>[vector<16xi32>, vector<16xi32>, vector<16xi32>, vector<16xi32>, vector<16xi32>], vector<16xf32>,
      %add3A_1901 = arith.constant 0 : i32
      %add3A_1902 = vector.broadcast %add3A_1901 : i32 to vector<16xi32>
      %add3A_1903 = arith.addi %mul3A_5, %add3A_1902 : vector<16xi32>
      %add3A_1904 = arith.constant 1 : i32
      %add3A_1905 = vector.broadcast %add3A_1904 : i32 to vector<16xi32>
      %add3A_1906 = arith.addi %mul3A_5, %add3A_1905 : vector<16xi32>
      %add3A_1907 = arith.constant 2 : i32
      %add3A_1908 = vector.broadcast %add3A_1907 : i32 to vector<16xi32>
      %add3A_1909 = arith.addi %mul3A_5, %add3A_1908 : vector<16xi32>
      %gather3A_1910 = tpu.vector_load_idx %arg11[%add3A_1903, %add3A_1906, %add3A_1909, %iota3A, %add3A_1883] : memref<2x2x4x32x128xf32, #tpu.memory_space<vmem>>[vector<16xi32>, vector<16xi32>, vector<16xi32>, vector<16xi32>, vector<16xi32>], vector<16xf32>,
      %add3A_1911 = arith.constant 0 : i32
      %add3A_1912 = vector.broadcast %add3A_1911 : i32 to vector<16xi32>
      %add3A_1913 = arith.addi %mul3A_5, %add3A_1912 : vector<16xi32>
      %add3A_1914 = arith.constant 1 : i32
      %add3A_1915 = vector.broadcast %add3A_1914 : i32 to vector<16xi32>
      %add3A_1916 = arith.addi %mul3A_5, %add3A_1915 : vector<16xi32>
      %add3A_1917 = arith.constant 2 : i32
      %add3A_1918 = vector.broadcast %add3A_1917 : i32 to vector<16xi32>
      %add3A_1919 = arith.addi %mul3A_5, %add3A_1918 : vector<16xi32>
      %add3A_1920 = arith.constant 16 : i32
      %add3A_1921 = vector.broadcast %add3A_1920 : i32 to vector<16xi32>
      %add3A_1922 = arith.addi %iota3A, %add3A_1921 : vector<16xi32>
      %gather3A_1923 = tpu.vector_load_idx %arg11[%add3A_1913, %add3A_1916, %add3A_1919, %add3A_1922, %add3A_1883] : memref<2x2x4x32x128xf32, #tpu.memory_space<vmem>>[vector<16xi32>, vector<16xi32>, vector<16xi32>, vector<16xi32>, vector<16xi32>], vector<16xf32>,
      %mul3A_1924 = arith.constant 8 : i32
      %mul3A_1925 = arith.muli %scan3A_1413, %mul3A_1924 : i32
      %add3A_1926 = arith.constant 0 : i32
      %add3A_1927 = arith.addi %mul3A_1925, %add3A_1926 : i32
      %add3A_1928 = arith.constant 2 : i32
      %add3A_1929 = arith.addi %add3A_1927, %add3A_1928 : i32
      %mul3A_1930 = arith.constant 16 : i32
      %mul3A_1931 = arith.muli %add3A_1929, %mul3A_1930 : i32
      %multiple_of3A_1932 = tpu.assume_multiple %mul3A_1931, 16 : i32
      %mul3A_1933 = arith.mulf %gather3A_1890, %gather3A_1910 : vector<16xf32>
      %mul3A_1934 = arith.mulf %gather3A_1900, %gather3A_1923 : vector<16xf32>
      %add3A_1935 = arith.addf %mul3A_1933, %mul3A_1934 : vector<16xf32>
      %swap3A_1936 = arith.index_cast %multiple_of3A_1932 : i32 to index
      %swap3A_1937 = tpu.vector_load %arg16[%swap3A_1936] {strides = array<i32>} : memref<8192xf32, #tpu.memory_space<vmem>>, vector<16xf32>,
      tpu.vector_store %arg16[%swap3A_1936], %add3A_1935 {strides = array<i32>} : memref<8192xf32, #tpu.memory_space<vmem>>, vector<16xf32>,
      %slice3A_1938 = vector.extract_strided_slice %get3A_1737 {offsets = [3], sizes = [1], strides = [1]} : vector<16xi32> to vector<1xi32>
      %squeeze3A_1939 = vector.extract %slice3A_1938[0] : i32 from vector<1xi32>
      %and3A_1940 = arith.constant 127 : i32
      %and3A_1941 = arith.andi %squeeze3A_1939, %and3A_1940 : i32
      %add3A_1942 = vector.broadcast %and3A_1941 : i32 to vector<16xi32>
      %add3A_1943 = arith.addi %mul3A_5, %add3A_1942 : vector<16xi32>
      %slice3A_1944 = vector.extract_strided_slice %get3A_1739 {offsets = [3], sizes = [1], strides = [1]} : vector<16xi32> to vector<1xi32>
      %squeeze3A_1945 = vector.extract %slice3A_1944[0] : i32 from vector<1xi32>
      %and3A_1946 = arith.constant 127 : i32
      %and3A_1947 = arith.andi %squeeze3A_1945, %and3A_1946 : i32
      %add3A_1948 = vector.broadcast %and3A_1947 : i32 to vector<16xi32>
      %add3A_1949 = arith.addi %mul3A_5, %add3A_1948 : vector<16xi32>
      %add3A_1950 = arith.constant 0 : i32
      %add3A_1951 = vector.broadcast %add3A_1950 : i32 to vector<16xi32>
      %add3A_1952 = arith.addi %mul3A_5, %add3A_1951 : vector<16xi32>
      %add3A_1953 = arith.constant 3 : i32
      %add3A_1954 = vector.broadcast %add3A_1953 : i32 to vector<16xi32>
      %add3A_1955 = arith.addi %mul3A_5, %add3A_1954 : vector<16xi32>
      %gather3A_1956 = tpu.vector_load_idx %arg11[%add3A_1952, %mul3A_5, %add3A_1955, %iota3A, %add3A_1943] : memref<2x2x4x32x128xf32, #tpu.memory_space<vmem>>[vector<16xi32>, vector<16xi32>, vector<16xi32>, vector<16xi32>, vector<16xi32>], vector<16xf32>,
      %add3A_1957 = arith.constant 0 : i32
      %add3A_1958 = vector.broadcast %add3A_1957 : i32 to vector<16xi32>
      %add3A_1959 = arith.addi %mul3A_5, %add3A_1958 : vector<16xi32>
      %add3A_1960 = arith.constant 3 : i32
      %add3A_1961 = vector.broadcast %add3A_1960 : i32 to vector<16xi32>
      %add3A_1962 = arith.addi %mul3A_5, %add3A_1961 : vector<16xi32>
      %add3A_1963 = arith.constant 16 : i32
      %add3A_1964 = vector.broadcast %add3A_1963 : i32 to vector<16xi32>
      %add3A_1965 = arith.addi %iota3A, %add3A_1964 : vector<16xi32>
      %gather3A_1966 = tpu.vector_load_idx %arg11[%add3A_1959, %mul3A_5, %add3A_1962, %add3A_1965, %add3A_1943] : memref<2x2x4x32x128xf32, #tpu.memory_space<vmem>>[vector<16xi32>, vector<16xi32>, vector<16xi32>, vector<16xi32>, vector<16xi32>], vector<16xf32>,
      %add3A_1967 = arith.constant 0 : i32
      %add3A_1968 = vector.broadcast %add3A_1967 : i32 to vector<16xi32>
      %add3A_1969 = arith.addi %mul3A_5, %add3A_1968 : vector<16xi32>
      %add3A_1970 = arith.constant 1 : i32
      %add3A_1971 = vector.broadcast %add3A_1970 : i32 to vector<16xi32>
      %add3A_1972 = arith.addi %mul3A_5, %add3A_1971 : vector<16xi32>
      %add3A_1973 = arith.constant 3 : i32
      %add3A_1974 = vector.broadcast %add3A_1973 : i32 to vector<16xi32>
      %add3A_1975 = arith.addi %mul3A_5, %add3A_1974 : vector<16xi32>
      %gather3A_1976 = tpu.vector_load_idx %arg11[%add3A_1969, %add3A_1972, %add3A_1975, %iota3A, %add3A_1949] : memref<2x2x4x32x128xf32, #tpu.memory_space<vmem>>[vector<16xi32>, vector<16xi32>, vector<16xi32>, vector<16xi32>, vector<16xi32>], vector<16xf32>,
      %add3A_1977 = arith.constant 0 : i32
      %add3A_1978 = vector.broadcast %add3A_1977 : i32 to vector<16xi32>
      %add3A_1979 = arith.addi %mul3A_5, %add3A_1978 : vector<16xi32>
      %add3A_1980 = arith.constant 1 : i32
      %add3A_1981 = vector.broadcast %add3A_1980 : i32 to vector<16xi32>
      %add3A_1982 = arith.addi %mul3A_5, %add3A_1981 : vector<16xi32>
      %add3A_1983 = arith.constant 3 : i32
      %add3A_1984 = vector.broadcast %add3A_1983 : i32 to vector<16xi32>
      %add3A_1985 = arith.addi %mul3A_5, %add3A_1984 : vector<16xi32>
      %add3A_1986 = arith.constant 16 : i32
      %add3A_1987 = vector.broadcast %add3A_1986 : i32 to vector<16xi32>
      %add3A_1988 = arith.addi %iota3A, %add3A_1987 : vector<16xi32>
      %gather3A_1989 = tpu.vector_load_idx %arg11[%add3A_1979, %add3A_1982, %add3A_1985, %add3A_1988, %add3A_1949] : memref<2x2x4x32x128xf32, #tpu.memory_space<vmem>>[vector<16xi32>, vector<16xi32>, vector<16xi32>, vector<16xi32>, vector<16xi32>], vector<16xf32>,
      %mul3A_1990 = arith.constant 8 : i32
      %mul3A_1991 = arith.muli %scan3A_1413, %mul3A_1990 : i32
      %add3A_1992 = arith.constant 0 : i32
      %add3A_1993 = arith.addi %mul3A_1991, %add3A_1992 : i32
      %add3A_1994 = arith.constant 3 : i32
      %add3A_1995 = arith.addi %add3A_1993, %add3A_1994 : i32
      %mul3A_1996 = arith.constant 16 : i32
      %mul3A_1997 = arith.muli %add3A_1995, %mul3A_1996 : i32
      %multiple_of3A_1998 = tpu.assume_multiple %mul3A_1997, 16 : i32
      %mul3A_1999 = arith.mulf %gather3A_1956, %gather3A_1976 : vector<16xf32>
      %mul3A_2000 = arith.mulf %gather3A_1966, %gather3A_1989 : vector<16xf32>
      %add3A_2001 = arith.addf %mul3A_1999, %mul3A_2000 : vector<16xf32>
      %swap3A_2002 = arith.index_cast %multiple_of3A_1998 : i32 to index
      %swap3A_2003 = tpu.vector_load %arg16[%swap3A_2002] {strides = array<i32>} : memref<8192xf32, #tpu.memory_space<vmem>>, vector<16xf32>,
      tpu.vector_store %arg16[%swap3A_2002], %add3A_2001 {strides = array<i32>} : memref<8192xf32, #tpu.memory_space<vmem>>, vector<16xf32>,
      %lt3A = arith.constant 63 : i32
      %lt3A_2004 = arith.cmpi slt, %scan3A_1413, %lt3A : i32
      %convert_element_type3A = arith.extui %lt3A_2004 : i1 to i32
      %cond3A = arith.constant 0 : i32
      %cond3A_2005 = arith.cmpi ne, %convert_element_type3A, %cond3A : i32
      scf.if %cond3A_2005 {
        %add3A_2413 = arith.constant 1 : i32
        %add3A_2414 = arith.addi %scan3A_1413, %add3A_2413 : i32
        %mul3A_2415 = arith.constant 8 : i32
        %mul3A_2416 = arith.muli %add3A_2414, %mul3A_2415 : i32
        %multiple_of3A_2417 = tpu.assume_multiple %mul3A_2416, 8 : i32
        %get3A_2418 = arith.index_cast %multiple_of3A_2417 : i32 to index
        %get3A_2419 = tpu.vector_load %arg9[%get3A_2418] {strides = array<i32>} : memref<528xi32, #tpu.memory_space<vmem>>, vector<16xi32>,
        %get3A_2420 = arith.index_cast %multiple_of3A_2417 : i32 to index
        %get3A_2421 = tpu.vector_load %arg10[%get3A_2420] {strides = array<i32>} : memref<528xi32, #tpu.memory_space<vmem>>, vector<16xi32>,
        %slice3A_2422 = vector.extract_strided_slice %get3A_2419 {offsets = [0], sizes = [1], strides = [1]} : vector<16xi32> to vector<1xi32>
        %squeeze3A_2423 = vector.extract %slice3A_2422[0] : i32 from vector<1xi32>
        %slice3A_2424 = vector.extract_strided_slice %get3A_2421 {offsets = [0], sizes = [1], strides = [1]} : vector<16xi32> to vector<1xi32>
        %squeeze3A_2425 = vector.extract %slice3A_2424[0] : i32 from vector<1xi32>
        %shift_right_arithmetic3A_2426 = arith.constant 7 : i32
        %shift_right_arithmetic3A_2427 = arith.shrsi %squeeze3A_2423, %shift_right_arithmetic3A_2426 : i32
        %mul3A_2428 = arith.constant 128 : i32
        %mul3A_2429 = arith.muli %shift_right_arithmetic3A_2427, %mul3A_2428 : i32
        %multiple_of3A_2430 = tpu.assume_multiple %mul3A_2429, 128 : i32
        %shift_right_arithmetic3A_2431 = arith.constant 7 : i32
        %shift_right_arithmetic3A_2432 = arith.shrsi %squeeze3A_2425, %shift_right_arithmetic3A_2431 : i32
        %mul3A_2433 = arith.constant 128 : i32
        %mul3A_2434 = arith.muli %shift_right_arithmetic3A_2432, %mul3A_2433 : i32
        %multiple_of3A_2435 = tpu.assume_multiple %mul3A_2434, 128 : i32
        %slice3A_2436 = vector.extract_strided_slice %get3A_2419 {offsets = [1], sizes = [1], strides = [1]} : vector<16xi32> to vector<1xi32>
        %squeeze3A_2437 = vector.extract %slice3A_2436[0] : i32 from vector<1xi32>
        %slice3A_2438 = vector.extract_strided_slice %get3A_2421 {offsets = [1], sizes = [1], strides = [1]} : vector<16xi32> to vector<1xi32>
        %squeeze3A_2439 = vector.extract %slice3A_2438[0] : i32 from vector<1xi32>
        %shift_right_arithmetic3A_2440 = arith.constant 7 : i32
        %shift_right_arithmetic3A_2441 = arith.shrsi %squeeze3A_2437, %shift_right_arithmetic3A_2440 : i32
        %mul3A_2442 = arith.constant 128 : i32
        %mul3A_2443 = arith.muli %shift_right_arithmetic3A_2441, %mul3A_2442 : i32
        %multiple_of3A_2444 = tpu.assume_multiple %mul3A_2443, 128 : i32
        %shift_right_arithmetic3A_2445 = arith.constant 7 : i32
        %shift_right_arithmetic3A_2446 = arith.shrsi %squeeze3A_2439, %shift_right_arithmetic3A_2445 : i32
        %mul3A_2447 = arith.constant 128 : i32
        %mul3A_2448 = arith.muli %shift_right_arithmetic3A_2446, %mul3A_2447 : i32
        %multiple_of3A_2449 = tpu.assume_multiple %mul3A_2448, 128 : i32
        %slice3A_2450 = vector.extract_strided_slice %get3A_2419 {offsets = [2], sizes = [1], strides = [1]} : vector<16xi32> to vector<1xi32>
        %squeeze3A_2451 = vector.extract %slice3A_2450[0] : i32 from vector<1xi32>
        %slice3A_2452 = vector.extract_strided_slice %get3A_2421 {offsets = [2], sizes = [1], strides = [1]} : vector<16xi32> to vector<1xi32>
        %squeeze3A_2453 = vector.extract %slice3A_2452[0] : i32 from vector<1xi32>
        %shift_right_arithmetic3A_2454 = arith.constant 7 : i32
        %shift_right_arithmetic3A_2455 = arith.shrsi %squeeze3A_2451, %shift_right_arithmetic3A_2454 : i32
        %mul3A_2456 = arith.constant 128 : i32
        %mul3A_2457 = arith.muli %shift_right_arithmetic3A_2455, %mul3A_2456 : i32
        %multiple_of3A_2458 = tpu.assume_multiple %mul3A_2457, 128 : i32
        %shift_right_arithmetic3A_2459 = arith.constant 7 : i32
        %shift_right_arithmetic3A_2460 = arith.shrsi %squeeze3A_2453, %shift_right_arithmetic3A_2459 : i32
        %mul3A_2461 = arith.constant 128 : i32
        %mul3A_2462 = arith.muli %shift_right_arithmetic3A_2460, %mul3A_2461 : i32
        %multiple_of3A_2463 = tpu.assume_multiple %mul3A_2462, 128 : i32
        %slice3A_2464 = vector.extract_strided_slice %get3A_2419 {offsets = [3], sizes = [1], strides = [1]} : vector<16xi32> to vector<1xi32>
        %squeeze3A_2465 = vector.extract %slice3A_2464[0] : i32 from vector<1xi32>
        %slice3A_2466 = vector.extract_strided_slice %get3A_2421 {offsets = [3], sizes = [1], strides = [1]} : vector<16xi32> to vector<1xi32>
        %squeeze3A_2467 = vector.extract %slice3A_2466[0] : i32 from vector<1xi32>
        %shift_right_arithmetic3A_2468 = arith.constant 7 : i32
        %shift_right_arithmetic3A_2469 = arith.shrsi %squeeze3A_2465, %shift_right_arithmetic3A_2468 : i32
        %mul3A_2470 = arith.constant 128 : i32
        %mul3A_2471 = arith.muli %shift_right_arithmetic3A_2469, %mul3A_2470 : i32
        %multiple_of3A_2472 = tpu.assume_multiple %mul3A_2471, 128 : i32
        %shift_right_arithmetic3A_2473 = arith.constant 7 : i32
        %shift_right_arithmetic3A_2474 = arith.shrsi %squeeze3A_2467, %shift_right_arithmetic3A_2473 : i32
        %mul3A_2475 = arith.constant 128 : i32
        %mul3A_2476 = arith.muli %shift_right_arithmetic3A_2474, %mul3A_2475 : i32
        %multiple_of3A_2477 = tpu.assume_multiple %mul3A_2476, 128 : i32
        %dma_start3A_2478 = arith.constant 0 : i32
        %dma_start3A_2479 = arith.constant 0 : i32
        %dma_start3A_2480 = arith.constant 0 : i32
        %dma_start3A_2481 = arith.constant 0 : i32
        %dma_start3A_2482 = arith.constant 0 : i32
        %dma_start3A_2483 = tpu.memref_slice %arg11[%dma_start3A_2478, %dma_start3A_2479, %dma_start3A_2480, %dma_start3A_2481, %dma_start3A_2482] : memref<2x2x4x32x128xf32, #tpu.memory_space<vmem>> -> memref<1x1x1x32x128xf32, #tpu.memory_space<vmem>>
        %dma_start3A_2484 = tpu.memref_squeeze %dma_start3A_2483 : memref<1x1x1x32x128xf32, #tpu.memory_space<vmem>> -> memref<32x128xf32, #tpu.memory_space<vmem>>
        %dma_start3A_2485 = arith.constant 0 : i32
        %dma_start3A_2486 = tpu.memref_slice %arg4[%dma_start3A_2485, %multiple_of3A_2430] : memref<32x1000000xf32, #tpu.memory_space<hbm>> -> memref<32x128xf32, #tpu.memory_space<hbm>>
        %dma_start3A_2487 = arith.constant 0 : i32
        %dma_start3A_2488 = arith.constant 0 : i32
        %dma_start3A_2489 = tpu.memref_slice %arg11[%dma_start3A_2478, %dma_start3A_2479, %dma_start3A_2480, %dma_start3A_2487, %dma_start3A_2488] : memref<2x2x4x32x128xf32, #tpu.memory_space<vmem>> -> memref<1x1x1x32x128xf32, #tpu.memory_space<vmem>>
        %dma_start3A_2490 = tpu.memref_squeeze %dma_start3A_2489 : memref<1x1x1x32x128xf32, #tpu.memory_space<vmem>> -> memref<32x128xf32, #tpu.memory_space<vmem>>
        %dma_start3A_2491 = arith.constant 0 : i32
        %dma_start3A_2492 = tpu.memref_slice %arg4[%dma_start3A_2491, %multiple_of3A_2430] : memref<32x1000000xf32, #tpu.memory_space<hbm>> -> memref<32x128xf32, #tpu.memory_space<hbm>>
        tpu.enqueue_dma source(%dma_start3A_2492 : memref<32x128xf32, #tpu.memory_space<hbm>>) target(%dma_start3A_2490 : memref<32x128xf32, #tpu.memory_space<vmem>>) target_semaphore(%arg20 : memref<!tpu.dma_semaphore, #tpu.memory_space<semaphore_mem>>)
        %dma_start3A_2493 = arith.constant 0 : i32
        %dma_start3A_2494 = arith.constant 1 : i32
        %dma_start3A_2495 = arith.constant 0 : i32
        %dma_start3A_2496 = arith.constant 0 : i32
        %dma_start3A_2497 = arith.constant 0 : i32
        %dma_start3A_2498 = tpu.memref_slice %arg11[%dma_start3A_2493, %dma_start3A_2494, %dma_start3A_2495, %dma_start3A_2496, %dma_start3A_2497] : memref<2x2x4x32x128xf32, #tpu.memory_space<vmem>> -> memref<1x1x1x32x128xf32, #tpu.memory_space<vmem>>
        %dma_start3A_2499 = tpu.memref_squeeze %dma_start3A_2498 : memref<1x1x1x32x128xf32, #tpu.memory_space<vmem>> -> memref<32x128xf32, #tpu.memory_space<vmem>>
        %dma_start3A_2500 = arith.constant 0 : i32
        %dma_start3A_2501 = tpu.memref_slice %arg5[%dma_start3A_2500, %multiple_of3A_2435] : memref<32x1000000xf32, #tpu.memory_space<hbm>> -> memref<32x128xf32, #tpu.memory_space<hbm>>
        %dma_start3A_2502 = arith.constant 0 : i32
        %dma_start3A_2503 = arith.constant 0 : i32
        %dma_start3A_2504 = tpu.memref_slice %arg11[%dma_start3A_2493, %dma_start3A_2494, %dma_start3A_2495, %dma_start3A_2502, %dma_start3A_2503] : memref<2x2x4x32x128xf32, #tpu.memory_space<vmem>> -> memref<1x1x1x32x128xf32, #tpu.memory_space<vmem>>
        %dma_start3A_2505 = tpu.memref_squeeze %dma_start3A_2504 : memref<1x1x1x32x128xf32, #tpu.memory_space<vmem>> -> memref<32x128xf32, #tpu.memory_space<vmem>>
        %dma_start3A_2506 = arith.constant 0 : i32
        %dma_start3A_2507 = tpu.memref_slice %arg5[%dma_start3A_2506, %multiple_of3A_2435] : memref<32x1000000xf32, #tpu.memory_space<hbm>> -> memref<32x128xf32, #tpu.memory_space<hbm>>
        tpu.enqueue_dma source(%dma_start3A_2507 : memref<32x128xf32, #tpu.memory_space<hbm>>) target(%dma_start3A_2505 : memref<32x128xf32, #tpu.memory_space<vmem>>) target_semaphore(%arg20 : memref<!tpu.dma_semaphore, #tpu.memory_space<semaphore_mem>>)
        %dma_start3A_2508 = arith.constant 0 : i32
        %dma_start3A_2509 = arith.constant 0 : i32
        %dma_start3A_2510 = arith.constant 1 : i32
        %dma_start3A_2511 = arith.constant 0 : i32
        %dma_start3A_2512 = arith.constant 0 : i32
        %dma_start3A_2513 = tpu.memref_slice %arg11[%dma_start3A_2508, %dma_start3A_2509, %dma_start3A_2510, %dma_start3A_2511, %dma_start3A_2512] : memref<2x2x4x32x128xf32, #tpu.memory_space<vmem>> -> memref<1x1x1x32x128xf32, #tpu.memory_space<vmem>>
        %dma_start3A_2514 = tpu.memref_squeeze %dma_start3A_2513 : memref<1x1x1x32x128xf32, #tpu.memory_space<vmem>> -> memref<32x128xf32, #tpu.memory_space<vmem>>
        %dma_start3A_2515 = arith.constant 0 : i32
        %dma_start3A_2516 = tpu.memref_slice %arg4[%dma_start3A_2515, %multiple_of3A_2444] : memref<32x1000000xf32, #tpu.memory_space<hbm>> -> memref<32x128xf32, #tpu.memory_space<hbm>>
        %dma_start3A_2517 = arith.constant 0 : i32
        %dma_start3A_2518 = arith.constant 0 : i32
        %dma_start3A_2519 = tpu.memref_slice %arg11[%dma_start3A_2508, %dma_start3A_2509, %dma_start3A_2510, %dma_start3A_2517, %dma_start3A_2518] : memref<2x2x4x32x128xf32, #tpu.memory_space<vmem>> -> memref<1x1x1x32x128xf32, #tpu.memory_space<vmem>>
        %dma_start3A_2520 = tpu.memref_squeeze %dma_start3A_2519 : memref<1x1x1x32x128xf32, #tpu.memory_space<vmem>> -> memref<32x128xf32, #tpu.memory_space<vmem>>
        %dma_start3A_2521 = arith.constant 0 : i32
        %dma_start3A_2522 = tpu.memref_slice %arg4[%dma_start3A_2521, %multiple_of3A_2444] : memref<32x1000000xf32, #tpu.memory_space<hbm>> -> memref<32x128xf32, #tpu.memory_space<hbm>>
        tpu.enqueue_dma source(%dma_start3A_2522 : memref<32x128xf32, #tpu.memory_space<hbm>>) target(%dma_start3A_2520 : memref<32x128xf32, #tpu.memory_space<vmem>>) target_semaphore(%arg20 : memref<!tpu.dma_semaphore, #tpu.memory_space<semaphore_mem>>)
        %dma_start3A_2523 = arith.constant 0 : i32
        %dma_start3A_2524 = arith.constant 1 : i32
        %dma_start3A_2525 = arith.constant 1 : i32
        %dma_start3A_2526 = arith.constant 0 : i32
        %dma_start3A_2527 = arith.constant 0 : i32
        %dma_start3A_2528 = tpu.memref_slice %arg11[%dma_start3A_2523, %dma_start3A_2524, %dma_start3A_2525, %dma_start3A_2526, %dma_start3A_2527] : memref<2x2x4x32x128xf32, #tpu.memory_space<vmem>> -> memref<1x1x1x32x128xf32, #tpu.memory_space<vmem>>
        %dma_start3A_2529 = tpu.memref_squeeze %dma_start3A_2528 : memref<1x1x1x32x128xf32, #tpu.memory_space<vmem>> -> memref<32x128xf32, #tpu.memory_space<vmem>>
        %dma_start3A_2530 = arith.constant 0 : i32
        %dma_start3A_2531 = tpu.memref_slice %arg5[%dma_start3A_2530, %multiple_of3A_2449] : memref<32x1000000xf32, #tpu.memory_space<hbm>> -> memref<32x128xf32, #tpu.memory_space<hbm>>
        %dma_start3A_2532 = arith.constant 0 : i32
        %dma_start3A_2533 = arith.constant 0 : i32
        %dma_start3A_2534 = tpu.memref_slice %arg11[%dma_start3A_2523, %dma_start3A_2524, %dma_start3A_2525, %dma_start3A_2532, %dma_start3A_2533] : memref<2x2x4x32x128xf32, #tpu.memory_space<vmem>> -> memref<1x1x1x32x128xf32, #tpu.memory_space<vmem>>
        %dma_start3A_2535 = tpu.memref_squeeze %dma_start3A_2534 : memref<1x1x1x32x128xf32, #tpu.memory_space<vmem>> -> memref<32x128xf32, #tpu.memory_space<vmem>>
        %dma_start3A_2536 = arith.constant 0 : i32
        %dma_start3A_2537 = tpu.memref_slice %arg5[%dma_start3A_2536, %multiple_of3A_2449] : memref<32x1000000xf32, #tpu.memory_space<hbm>> -> memref<32x128xf32, #tpu.memory_space<hbm>>
        tpu.enqueue_dma source(%dma_start3A_2537 : memref<32x128xf32, #tpu.memory_space<hbm>>) target(%dma_start3A_2535 : memref<32x128xf32, #tpu.memory_space<vmem>>) target_semaphore(%arg20 : memref<!tpu.dma_semaphore, #tpu.memory_space<semaphore_mem>>)
        %dma_start3A_2538 = arith.constant 0 : i32
        %dma_start3A_2539 = arith.constant 0 : i32
        %dma_start3A_2540 = arith.constant 2 : i32
        %dma_start3A_2541 = arith.constant 0 : i32
        %dma_start3A_2542 = arith.constant 0 : i32
        %dma_start3A_2543 = tpu.memref_slice %arg11[%dma_start3A_2538, %dma_start3A_2539, %dma_start3A_2540, %dma_start3A_2541, %dma_start3A_2542] : memref<2x2x4x32x128xf32, #tpu.memory_space<vmem>> -> memref<1x1x1x32x128xf32, #tpu.memory_space<vmem>>
        %dma_start3A_2544 = tpu.memref_squeeze %dma_start3A_2543 : memref<1x1x1x32x128xf32, #tpu.memory_space<vmem>> -> memref<32x128xf32, #tpu.memory_space<vmem>>
        %dma_start3A_2545 = arith.constant 0 : i32
        %dma_start3A_2546 = tpu.memref_slice %arg4[%dma_start3A_2545, %multiple_of3A_2458] : memref<32x1000000xf32, #tpu.memory_space<hbm>> -> memref<32x128xf32, #tpu.memory_space<hbm>>
        %dma_start3A_2547 = arith.constant 0 : i32
        %dma_start3A_2548 = arith.constant 0 : i32
        %dma_start3A_2549 = tpu.memref_slice %arg11[%dma_start3A_2538, %dma_start3A_2539, %dma_start3A_2540, %dma_start3A_2547, %dma_start3A_2548] : memref<2x2x4x32x128xf32, #tpu.memory_space<vmem>> -> memref<1x1x1x32x128xf32, #tpu.memory_space<vmem>>
        %dma_start3A_2550 = tpu.memref_squeeze %dma_start3A_2549 : memref<1x1x1x32x128xf32, #tpu.memory_space<vmem>> -> memref<32x128xf32, #tpu.memory_space<vmem>>
        %dma_start3A_2551 = arith.constant 0 : i32
        %dma_start3A_2552 = tpu.memref_slice %arg4[%dma_start3A_2551, %multiple_of3A_2458] : memref<32x1000000xf32, #tpu.memory_space<hbm>> -> memref<32x128xf32, #tpu.memory_space<hbm>>
        tpu.enqueue_dma source(%dma_start3A_2552 : memref<32x128xf32, #tpu.memory_space<hbm>>) target(%dma_start3A_2550 : memref<32x128xf32, #tpu.memory_space<vmem>>) target_semaphore(%arg20 : memref<!tpu.dma_semaphore, #tpu.memory_space<semaphore_mem>>)
        %dma_start3A_2553 = arith.constant 0 : i32
        %dma_start3A_2554 = arith.constant 1 : i32
        %dma_start3A_2555 = arith.constant 2 : i32
        %dma_start3A_2556 = arith.constant 0 : i32
        %dma_start3A_2557 = arith.constant 0 : i32
        %dma_start3A_2558 = tpu.memref_slice %arg11[%dma_start3A_2553, %dma_start3A_2554, %dma_start3A_2555, %dma_start3A_2556, %dma_start3A_2557] : memref<2x2x4x32x128xf32, #tpu.memory_space<vmem>> -> memref<1x1x1x32x128xf32, #tpu.memory_space<vmem>>
        %dma_start3A_2559 = tpu.memref_squeeze %dma_start3A_2558 : memref<1x1x1x32x128xf32, #tpu.memory_space<vmem>> -> memref<32x128xf32, #tpu.memory_space<vmem>>
        %dma_start3A_2560 = arith.constant 0 : i32
        %dma_start3A_2561 = tpu.memref_slice %arg5[%dma_start3A_2560, %multiple_of3A_2463] : memref<32x1000000xf32, #tpu.memory_space<hbm>> -> memref<32x128xf32, #tpu.memory_space<hbm>>
        %dma_start3A_2562 = arith.constant 0 : i32
        %dma_start3A_2563 = arith.constant 0 : i32
        %dma_start3A_2564 = tpu.memref_slice %arg11[%dma_start3A_2553, %dma_start3A_2554, %dma_start3A_2555, %dma_start3A_2562, %dma_start3A_2563] : memref<2x2x4x32x128xf32, #tpu.memory_space<vmem>> -> memref<1x1x1x32x128xf32, #tpu.memory_space<vmem>>
        %dma_start3A_2565 = tpu.memref_squeeze %dma_start3A_2564 : memref<1x1x1x32x128xf32, #tpu.memory_space<vmem>> -> memref<32x128xf32, #tpu.memory_space<vmem>>
        %dma_start3A_2566 = arith.constant 0 : i32
        %dma_start3A_2567 = tpu.memref_slice %arg5[%dma_start3A_2566, %multiple_of3A_2463] : memref<32x1000000xf32, #tpu.memory_space<hbm>> -> memref<32x128xf32, #tpu.memory_space<hbm>>
        tpu.enqueue_dma source(%dma_start3A_2567 : memref<32x128xf32, #tpu.memory_space<hbm>>) target(%dma_start3A_2565 : memref<32x128xf32, #tpu.memory_space<vmem>>) target_semaphore(%arg20 : memref<!tpu.dma_semaphore, #tpu.memory_space<semaphore_mem>>)
        %dma_start3A_2568 = arith.constant 0 : i32
        %dma_start3A_2569 = arith.constant 0 : i32
        %dma_start3A_2570 = arith.constant 3 : i32
        %dma_start3A_2571 = arith.constant 0 : i32
        %dma_start3A_2572 = arith.constant 0 : i32
        %dma_start3A_2573 = tpu.memref_slice %arg11[%dma_start3A_2568, %dma_start3A_2569, %dma_start3A_2570, %dma_start3A_2571, %dma_start3A_2572] : memref<2x2x4x32x128xf32, #tpu.memory_space<vmem>> -> memref<1x1x1x32x128xf32, #tpu.memory_space<vmem>>
        %dma_start3A_2574 = tpu.memref_squeeze %dma_start3A_2573 : memref<1x1x1x32x128xf32, #tpu.memory_space<vmem>> -> memref<32x128xf32, #tpu.memory_space<vmem>>
        %dma_start3A_2575 = arith.constant 0 : i32
        %dma_start3A_2576 = tpu.memref_slice %arg4[%dma_start3A_2575, %multiple_of3A_2472] : memref<32x1000000xf32, #tpu.memory_space<hbm>> -> memref<32x128xf32, #tpu.memory_space<hbm>>
        %dma_start3A_2577 = arith.constant 0 : i32
        %dma_start3A_2578 = arith.constant 0 : i32
        %dma_start3A_2579 = tpu.memref_slice %arg11[%dma_start3A_2568, %dma_start3A_2569, %dma_start3A_2570, %dma_start3A_2577, %dma_start3A_2578] : memref<2x2x4x32x128xf32, #tpu.memory_space<vmem>> -> memref<1x1x1x32x128xf32, #tpu.memory_space<vmem>>
        %dma_start3A_2580 = tpu.memref_squeeze %dma_start3A_2579 : memref<1x1x1x32x128xf32, #tpu.memory_space<vmem>> -> memref<32x128xf32, #tpu.memory_space<vmem>>
        %dma_start3A_2581 = arith.constant 0 : i32
        %dma_start3A_2582 = tpu.memref_slice %arg4[%dma_start3A_2581, %multiple_of3A_2472] : memref<32x1000000xf32, #tpu.memory_space<hbm>> -> memref<32x128xf32, #tpu.memory_space<hbm>>
        tpu.enqueue_dma source(%dma_start3A_2582 : memref<32x128xf32, #tpu.memory_space<hbm>>) target(%dma_start3A_2580 : memref<32x128xf32, #tpu.memory_space<vmem>>) target_semaphore(%arg20 : memref<!tpu.dma_semaphore, #tpu.memory_space<semaphore_mem>>)
        %dma_start3A_2583 = arith.constant 0 : i32
        %dma_start3A_2584 = arith.constant 1 : i32
        %dma_start3A_2585 = arith.constant 3 : i32
        %dma_start3A_2586 = arith.constant 0 : i32
        %dma_start3A_2587 = arith.constant 0 : i32
        %dma_start3A_2588 = tpu.memref_slice %arg11[%dma_start3A_2583, %dma_start3A_2584, %dma_start3A_2585, %dma_start3A_2586, %dma_start3A_2587] : memref<2x2x4x32x128xf32, #tpu.memory_space<vmem>> -> memref<1x1x1x32x128xf32, #tpu.memory_space<vmem>>
        %dma_start3A_2589 = tpu.memref_squeeze %dma_start3A_2588 : memref<1x1x1x32x128xf32, #tpu.memory_space<vmem>> -> memref<32x128xf32, #tpu.memory_space<vmem>>
        %dma_start3A_2590 = arith.constant 0 : i32
        %dma_start3A_2591 = tpu.memref_slice %arg5[%dma_start3A_2590, %multiple_of3A_2477] : memref<32x1000000xf32, #tpu.memory_space<hbm>> -> memref<32x128xf32, #tpu.memory_space<hbm>>
        %dma_start3A_2592 = arith.constant 0 : i32
        %dma_start3A_2593 = arith.constant 0 : i32
        %dma_start3A_2594 = tpu.memref_slice %arg11[%dma_start3A_2583, %dma_start3A_2584, %dma_start3A_2585, %dma_start3A_2592, %dma_start3A_2593] : memref<2x2x4x32x128xf32, #tpu.memory_space<vmem>> -> memref<1x1x1x32x128xf32, #tpu.memory_space<vmem>>
        %dma_start3A_2595 = tpu.memref_squeeze %dma_start3A_2594 : memref<1x1x1x32x128xf32, #tpu.memory_space<vmem>> -> memref<32x128xf32, #tpu.memory_space<vmem>>
        %dma_start3A_2596 = arith.constant 0 : i32
        %dma_start3A_2597 = tpu.memref_slice %arg5[%dma_start3A_2596, %multiple_of3A_2477] : memref<32x1000000xf32, #tpu.memory_space<hbm>> -> memref<32x128xf32, #tpu.memory_space<hbm>>
        tpu.enqueue_dma source(%dma_start3A_2597 : memref<32x128xf32, #tpu.memory_space<hbm>>) target(%dma_start3A_2595 : memref<32x128xf32, #tpu.memory_space<vmem>>) target_semaphore(%arg20 : memref<!tpu.dma_semaphore, #tpu.memory_space<semaphore_mem>>)
      } else {
      }
      %dma_wait3A_2006 = arith.constant 1 : i32
      %dma_wait3A_2007 = arith.constant 0 : i32
      %dma_wait3A_2008 = arith.constant 0 : i32
      %dma_wait3A_2009 = arith.constant 0 : i32
      %dma_wait3A_2010 = arith.constant 0 : i32
      %dma_wait3A_2011 = tpu.memref_slice %arg11[%dma_wait3A_2006, %dma_wait3A_2007, %dma_wait3A_2008, %dma_wait3A_2009, %dma_wait3A_2010] : memref<2x2x4x32x128xf32, #tpu.memory_space<vmem>> -> memref<1x1x1x32x128xf32, #tpu.memory_space<vmem>>
      %dma_wait3A_2012 = tpu.memref_squeeze %dma_wait3A_2011 : memref<1x1x1x32x128xf32, #tpu.memory_space<vmem>> -> memref<32x128xf32, #tpu.memory_space<vmem>>
      %dma_wait3A_2013 = arith.constant 0 : i32
      %dma_wait3A_2014 = arith.constant 0 : i32
      %dma_wait3A_2015 = tpu.memref_slice %arg4[%dma_wait3A_2013, %dma_wait3A_2014] : memref<32x1000000xf32, #tpu.memory_space<hbm>> -> memref<32x128xf32, #tpu.memory_space<hbm>>
      %dma_wait3A_2016 = arith.constant 0 : i32
      %dma_wait3A_2017 = arith.constant 0 : i32
      %dma_wait3A_2018 = tpu.memref_slice %arg11[%dma_wait3A_2006, %dma_wait3A_2007, %dma_wait3A_2008, %dma_wait3A_2016, %dma_wait3A_2017] : memref<2x2x4x32x128xf32, #tpu.memory_space<vmem>> -> memref<1x1x1x32x128xf32, #tpu.memory_space<vmem>>
      %dma_wait3A_2019 = tpu.memref_squeeze %dma_wait3A_2018 : memref<1x1x1x32x128xf32, #tpu.memory_space<vmem>> -> memref<32x128xf32, #tpu.memory_space<vmem>>
      %dma_wait3A_2020 = arith.constant 0 : i32
      %dma_wait3A_2021 = arith.constant 0 : i32
      %dma_wait3A_2022 = tpu.memref_slice %arg4[%dma_wait3A_2020, %dma_wait3A_2021] : memref<32x1000000xf32, #tpu.memory_space<hbm>> -> memref<32x128xf32, #tpu.memory_space<hbm>>
      tpu.wait_dma2 semaphore(%arg21 : memref<!tpu.dma_semaphore, #tpu.memory_space<semaphore_mem>>) src(%dma_wait3A_2022 : memref<32x128xf32, #tpu.memory_space<hbm>>) dst(%dma_wait3A_2019 : memref<32x128xf32, #tpu.memory_space<vmem>>)
      %dma_wait3A_2023 = arith.constant 1 : i32
      %dma_wait3A_2024 = arith.constant 1 : i32
      %dma_wait3A_2025 = arith.constant 0 : i32
      %dma_wait3A_2026 = arith.constant 0 : i32
      %dma_wait3A_2027 = arith.constant 0 : i32
      %dma_wait3A_2028 = tpu.memref_slice %arg11[%dma_wait3A_2023, %dma_wait3A_2024, %dma_wait3A_2025, %dma_wait3A_2026, %dma_wait3A_2027] : memref<2x2x4x32x128xf32, #tpu.memory_space<vmem>> -> memref<1x1x1x32x128xf32, #tpu.memory_space<vmem>>
      %dma_wait3A_2029 = tpu.memref_squeeze %dma_wait3A_2028 : memref<1x1x1x32x128xf32, #tpu.memory_space<vmem>> -> memref<32x128xf32, #tpu.memory_space<vmem>>
      %dma_wait3A_2030 = arith.constant 0 : i32
      %dma_wait3A_2031 = arith.constant 0 : i32
      %dma_wait3A_2032 = tpu.memref_slice %arg4[%dma_wait3A_2030, %dma_wait3A_2031] : memref<32x1000000xf32, #tpu.memory_space<hbm>> -> memref<32x128xf32, #tpu.memory_space<hbm>>
      %dma_wait3A_2033 = arith.constant 0 : i32
      %dma_wait3A_2034 = arith.constant 0 : i32
      %dma_wait3A_2035 = tpu.memref_slice %arg11[%dma_wait3A_2023, %dma_wait3A_2024, %dma_wait3A_2025, %dma_wait3A_2033, %dma_wait3A_2034] : memref<2x2x4x32x128xf32, #tpu.memory_space<vmem>> -> memref<1x1x1x32x128xf32, #tpu.memory_space<vmem>>
      %dma_wait3A_2036 = tpu.memref_squeeze %dma_wait3A_2035 : memref<1x1x1x32x128xf32, #tpu.memory_space<vmem>> -> memref<32x128xf32, #tpu.memory_space<vmem>>
      %dma_wait3A_2037 = arith.constant 0 : i32
      %dma_wait3A_2038 = arith.constant 0 : i32
      %dma_wait3A_2039 = tpu.memref_slice %arg4[%dma_wait3A_2037, %dma_wait3A_2038] : memref<32x1000000xf32, #tpu.memory_space<hbm>> -> memref<32x128xf32, #tpu.memory_space<hbm>>
      tpu.wait_dma2 semaphore(%arg21 : memref<!tpu.dma_semaphore, #tpu.memory_space<semaphore_mem>>) src(%dma_wait3A_2039 : memref<32x128xf32, #tpu.memory_space<hbm>>) dst(%dma_wait3A_2036 : memref<32x128xf32, #tpu.memory_space<vmem>>)
      %dma_wait3A_2040 = arith.constant 1 : i32
      %dma_wait3A_2041 = arith.constant 0 : i32
      %dma_wait3A_2042 = arith.constant 1 : i32
      %dma_wait3A_2043 = arith.constant 0 : i32
      %dma_wait3A_2044 = arith.constant 0 : i32
      %dma_wait3A_2045 = tpu.memref_slice %arg11[%dma_wait3A_2040, %dma_wait3A_2041, %dma_wait3A_2042, %dma_wait3A_2043, %dma_wait3A_2044] : memref<2x2x4x32x128xf32, #tpu.memory_space<vmem>> -> memref<1x1x1x32x128xf32, #tpu.memory_space<vmem>>
      %dma_wait3A_2046 = tpu.memref_squeeze %dma_wait3A_2045 : memref<1x1x1x32x128xf32, #tpu.memory_space<vmem>> -> memref<32x128xf32, #tpu.memory_space<vmem>>
      %dma_wait3A_2047 = arith.constant 0 : i32
      %dma_wait3A_2048 = arith.constant 0 : i32
      %dma_wait3A_2049 = tpu.memref_slice %arg4[%dma_wait3A_2047, %dma_wait3A_2048] : memref<32x1000000xf32, #tpu.memory_space<hbm>> -> memref<32x128xf32, #tpu.memory_space<hbm>>
      %dma_wait3A_2050 = arith.constant 0 : i32
      %dma_wait3A_2051 = arith.constant 0 : i32
      %dma_wait3A_2052 = tpu.memref_slice %arg11[%dma_wait3A_2040, %dma_wait3A_2041, %dma_wait3A_2042, %dma_wait3A_2050, %dma_wait3A_2051] : memref<2x2x4x32x128xf32, #tpu.memory_space<vmem>> -> memref<1x1x1x32x128xf32, #tpu.memory_space<vmem>>
      %dma_wait3A_2053 = tpu.memref_squeeze %dma_wait3A_2052 : memref<1x1x1x32x128xf32, #tpu.memory_space<vmem>> -> memref<32x128xf32, #tpu.memory_space<vmem>>
      %dma_wait3A_2054 = arith.constant 0 : i32
      %dma_wait3A_2055 = arith.constant 0 : i32
      %dma_wait3A_2056 = tpu.memref_slice %arg4[%dma_wait3A_2054, %dma_wait3A_2055] : memref<32x1000000xf32, #tpu.memory_space<hbm>> -> memref<32x128xf32, #tpu.memory_space<hbm>>
      tpu.wait_dma2 semaphore(%arg21 : memref<!tpu.dma_semaphore, #tpu.memory_space<semaphore_mem>>) src(%dma_wait3A_2056 : memref<32x128xf32, #tpu.memory_space<hbm>>) dst(%dma_wait3A_2053 : memref<32x128xf32, #tpu.memory_space<vmem>>)
      %dma_wait3A_2057 = arith.constant 1 : i32
      %dma_wait3A_2058 = arith.constant 1 : i32
      %dma_wait3A_2059 = arith.constant 1 : i32
      %dma_wait3A_2060 = arith.constant 0 : i32
      %dma_wait3A_2061 = arith.constant 0 : i32
      %dma_wait3A_2062 = tpu.memref_slice %arg11[%dma_wait3A_2057, %dma_wait3A_2058, %dma_wait3A_2059, %dma_wait3A_2060, %dma_wait3A_2061] : memref<2x2x4x32x128xf32, #tpu.memory_space<vmem>> -> memref<1x1x1x32x128xf32, #tpu.memory_space<vmem>>
      %dma_wait3A_2063 = tpu.memref_squeeze %dma_wait3A_2062 : memref<1x1x1x32x128xf32, #tpu.memory_space<vmem>> -> memref<32x128xf32, #tpu.memory_space<vmem>>
      %dma_wait3A_2064 = arith.constant 0 : i32
      %dma_wait3A_2065 = arith.constant 0 : i32
      %dma_wait3A_2066 = tpu.memref_slice %arg4[%dma_wait3A_2064, %dma_wait3A_2065] : memref<32x1000000xf32, #tpu.memory_space<hbm>> -> memref<32x128xf32, #tpu.memory_space<hbm>>
      %dma_wait3A_2067 = arith.constant 0 : i32
      %dma_wait3A_2068 = arith.constant 0 : i32
      %dma_wait3A_2069 = tpu.memref_slice %arg11[%dma_wait3A_2057, %dma_wait3A_2058, %dma_wait3A_2059, %dma_wait3A_2067, %dma_wait3A_2068] : memref<2x2x4x32x128xf32, #tpu.memory_space<vmem>> -> memref<1x1x1x32x128xf32, #tpu.memory_space<vmem>>
      %dma_wait3A_2070 = tpu.memref_squeeze %dma_wait3A_2069 : memref<1x1x1x32x128xf32, #tpu.memory_space<vmem>> -> memref<32x128xf32, #tpu.memory_space<vmem>>
      %dma_wait3A_2071 = arith.constant 0 : i32
      %dma_wait3A_2072 = arith.constant 0 : i32
      %dma_wait3A_2073 = tpu.memref_slice %arg4[%dma_wait3A_2071, %dma_wait3A_2072] : memref<32x1000000xf32, #tpu.memory_space<hbm>> -> memref<32x128xf32, #tpu.memory_space<hbm>>
      tpu.wait_dma2 semaphore(%arg21 : memref<!tpu.dma_semaphore, #tpu.memory_space<semaphore_mem>>) src(%dma_wait3A_2073 : memref<32x128xf32, #tpu.memory_space<hbm>>) dst(%dma_wait3A_2070 : memref<32x128xf32, #tpu.memory_space<vmem>>)
      %dma_wait3A_2074 = arith.constant 1 : i32
      %dma_wait3A_2075 = arith.constant 0 : i32
      %dma_wait3A_2076 = arith.constant 2 : i32
      %dma_wait3A_2077 = arith.constant 0 : i32
      %dma_wait3A_2078 = arith.constant 0 : i32
      %dma_wait3A_2079 = tpu.memref_slice %arg11[%dma_wait3A_2074, %dma_wait3A_2075, %dma_wait3A_2076, %dma_wait3A_2077, %dma_wait3A_2078] : memref<2x2x4x32x128xf32, #tpu.memory_space<vmem>> -> memref<1x1x1x32x128xf32, #tpu.memory_space<vmem>>
      %dma_wait3A_2080 = tpu.memref_squeeze %dma_wait3A_2079 : memref<1x1x1x32x128xf32, #tpu.memory_space<vmem>> -> memref<32x128xf32, #tpu.memory_space<vmem>>
      %dma_wait3A_2081 = arith.constant 0 : i32
      %dma_wait3A_2082 = arith.constant 0 : i32
      %dma_wait3A_2083 = tpu.memref_slice %arg4[%dma_wait3A_2081, %dma_wait3A_2082] : memref<32x1000000xf32, #tpu.memory_space<hbm>> -> memref<32x128xf32, #tpu.memory_space<hbm>>
      %dma_wait3A_2084 = arith.constant 0 : i32
      %dma_wait3A_2085 = arith.constant 0 : i32
      %dma_wait3A_2086 = tpu.memref_slice %arg11[%dma_wait3A_2074, %dma_wait3A_2075, %dma_wait3A_2076, %dma_wait3A_2084, %dma_wait3A_2085] : memref<2x2x4x32x128xf32, #tpu.memory_space<vmem>> -> memref<1x1x1x32x128xf32, #tpu.memory_space<vmem>>
      %dma_wait3A_2087 = tpu.memref_squeeze %dma_wait3A_2086 : memref<1x1x1x32x128xf32, #tpu.memory_space<vmem>> -> memref<32x128xf32, #tpu.memory_space<vmem>>
      %dma_wait3A_2088 = arith.constant 0 : i32
      %dma_wait3A_2089 = arith.constant 0 : i32
      %dma_wait3A_2090 = tpu.memref_slice %arg4[%dma_wait3A_2088, %dma_wait3A_2089] : memref<32x1000000xf32, #tpu.memory_space<hbm>> -> memref<32x128xf32, #tpu.memory_space<hbm>>
      tpu.wait_dma2 semaphore(%arg21 : memref<!tpu.dma_semaphore, #tpu.memory_space<semaphore_mem>>) src(%dma_wait3A_2090 : memref<32x128xf32, #tpu.memory_space<hbm>>) dst(%dma_wait3A_2087 : memref<32x128xf32, #tpu.memory_space<vmem>>)
      %dma_wait3A_2091 = arith.constant 1 : i32
      %dma_wait3A_2092 = arith.constant 1 : i32
      %dma_wait3A_2093 = arith.constant 2 : i32
      %dma_wait3A_2094 = arith.constant 0 : i32
      %dma_wait3A_2095 = arith.constant 0 : i32
      %dma_wait3A_2096 = tpu.memref_slice %arg11[%dma_wait3A_2091, %dma_wait3A_2092, %dma_wait3A_2093, %dma_wait3A_2094, %dma_wait3A_2095] : memref<2x2x4x32x128xf32, #tpu.memory_space<vmem>> -> memref<1x1x1x32x128xf32, #tpu.memory_space<vmem>>
      %dma_wait3A_2097 = tpu.memref_squeeze %dma_wait3A_2096 : memref<1x1x1x32x128xf32, #tpu.memory_space<vmem>> -> memref<32x128xf32, #tpu.memory_space<vmem>>
      %dma_wait3A_2098 = arith.constant 0 : i32
      %dma_wait3A_2099 = arith.constant 0 : i32
      %dma_wait3A_2100 = tpu.memref_slice %arg4[%dma_wait3A_2098, %dma_wait3A_2099] : memref<32x1000000xf32, #tpu.memory_space<hbm>> -> memref<32x128xf32, #tpu.memory_space<hbm>>
      %dma_wait3A_2101 = arith.constant 0 : i32
      %dma_wait3A_2102 = arith.constant 0 : i32
      %dma_wait3A_2103 = tpu.memref_slice %arg11[%dma_wait3A_2091, %dma_wait3A_2092, %dma_wait3A_2093, %dma_wait3A_2101, %dma_wait3A_2102] : memref<2x2x4x32x128xf32, #tpu.memory_space<vmem>> -> memref<1x1x1x32x128xf32, #tpu.memory_space<vmem>>
      %dma_wait3A_2104 = tpu.memref_squeeze %dma_wait3A_2103 : memref<1x1x1x32x128xf32, #tpu.memory_space<vmem>> -> memref<32x128xf32, #tpu.memory_space<vmem>>
      %dma_wait3A_2105 = arith.constant 0 : i32
      %dma_wait3A_2106 = arith.constant 0 : i32
      %dma_wait3A_2107 = tpu.memref_slice %arg4[%dma_wait3A_2105, %dma_wait3A_2106] : memref<32x1000000xf32, #tpu.memory_space<hbm>> -> memref<32x128xf32, #tpu.memory_space<hbm>>
      tpu.wait_dma2 semaphore(%arg21 : memref<!tpu.dma_semaphore, #tpu.memory_space<semaphore_mem>>) src(%dma_wait3A_2107 : memref<32x128xf32, #tpu.memory_space<hbm>>) dst(%dma_wait3A_2104 : memref<32x128xf32, #tpu.memory_space<vmem>>)
      %dma_wait3A_2108 = arith.constant 1 : i32
      %dma_wait3A_2109 = arith.constant 0 : i32
      %dma_wait3A_2110 = arith.constant 3 : i32
      %dma_wait3A_2111 = arith.constant 0 : i32
      %dma_wait3A_2112 = arith.constant 0 : i32
      %dma_wait3A_2113 = tpu.memref_slice %arg11[%dma_wait3A_2108, %dma_wait3A_2109, %dma_wait3A_2110, %dma_wait3A_2111, %dma_wait3A_2112] : memref<2x2x4x32x128xf32, #tpu.memory_space<vmem>> -> memref<1x1x1x32x128xf32, #tpu.memory_space<vmem>>
      %dma_wait3A_2114 = tpu.memref_squeeze %dma_wait3A_2113 : memref<1x1x1x32x128xf32, #tpu.memory_space<vmem>> -> memref<32x128xf32, #tpu.memory_space<vmem>>
      %dma_wait3A_2115 = arith.constant 0 : i32
      %dma_wait3A_2116 = arith.constant 0 : i32
      %dma_wait3A_2117 = tpu.memref_slice %arg4[%dma_wait3A_2115, %dma_wait3A_2116] : memref<32x1000000xf32, #tpu.memory_space<hbm>> -> memref<32x128xf32, #tpu.memory_space<hbm>>
      %dma_wait3A_2118 = arith.constant 0 : i32
      %dma_wait3A_2119 = arith.constant 0 : i32
      %dma_wait3A_2120 = tpu.memref_slice %arg11[%dma_wait3A_2108, %dma_wait3A_2109, %dma_wait3A_2110, %dma_wait3A_2118, %dma_wait3A_2119] : memref<2x2x4x32x128xf32, #tpu.memory_space<vmem>> -> memref<1x1x1x32x128xf32, #tpu.memory_space<vmem>>
      %dma_wait3A_2121 = tpu.memref_squeeze %dma_wait3A_2120 : memref<1x1x1x32x128xf32, #tpu.memory_space<vmem>> -> memref<32x128xf32, #tpu.memory_space<vmem>>
      %dma_wait3A_2122 = arith.constant 0 : i32
      %dma_wait3A_2123 = arith.constant 0 : i32
      %dma_wait3A_2124 = tpu.memref_slice %arg4[%dma_wait3A_2122, %dma_wait3A_2123] : memref<32x1000000xf32, #tpu.memory_space<hbm>> -> memref<32x128xf32, #tpu.memory_space<hbm>>
      tpu.wait_dma2 semaphore(%arg21 : memref<!tpu.dma_semaphore, #tpu.memory_space<semaphore_mem>>) src(%dma_wait3A_2124 : memref<32x128xf32, #tpu.memory_space<hbm>>) dst(%dma_wait3A_2121 : memref<32x128xf32, #tpu.memory_space<vmem>>)
      %dma_wait3A_2125 = arith.constant 1 : i32
      %dma_wait3A_2126 = arith.constant 1 : i32
      %dma_wait3A_2127 = arith.constant 3 : i32
      %dma_wait3A_2128 = arith.constant 0 : i32
      %dma_wait3A_2129 = arith.constant 0 : i32
      %dma_wait3A_2130 = tpu.memref_slice %arg11[%dma_wait3A_2125, %dma_wait3A_2126, %dma_wait3A_2127, %dma_wait3A_2128, %dma_wait3A_2129] : memref<2x2x4x32x128xf32, #tpu.memory_space<vmem>> -> memref<1x1x1x32x128xf32, #tpu.memory_space<vmem>>
      %dma_wait3A_2131 = tpu.memref_squeeze %dma_wait3A_2130 : memref<1x1x1x32x128xf32, #tpu.memory_space<vmem>> -> memref<32x128xf32, #tpu.memory_space<vmem>>
      %dma_wait3A_2132 = arith.constant 0 : i32
      %dma_wait3A_2133 = arith.constant 0 : i32
      %dma_wait3A_2134 = tpu.memref_slice %arg4[%dma_wait3A_2132, %dma_wait3A_2133] : memref<32x1000000xf32, #tpu.memory_space<hbm>> -> memref<32x128xf32, #tpu.memory_space<hbm>>
      %dma_wait3A_2135 = arith.constant 0 : i32
      %dma_wait3A_2136 = arith.constant 0 : i32
      %dma_wait3A_2137 = tpu.memref_slice %arg11[%dma_wait3A_2125, %dma_wait3A_2126, %dma_wait3A_2127, %dma_wait3A_2135, %dma_wait3A_2136] : memref<2x2x4x32x128xf32, #tpu.memory_space<vmem>> -> memref<1x1x1x32x128xf32, #tpu.memory_space<vmem>>
      %dma_wait3A_2138 = tpu.memref_squeeze %dma_wait3A_2137 : memref<1x1x1x32x128xf32, #tpu.memory_space<vmem>> -> memref<32x128xf32, #tpu.memory_space<vmem>>
      %dma_wait3A_2139 = arith.constant 0 : i32
      %dma_wait3A_2140 = arith.constant 0 : i32
      %dma_wait3A_2141 = tpu.memref_slice %arg4[%dma_wait3A_2139, %dma_wait3A_2140] : memref<32x1000000xf32, #tpu.memory_space<hbm>> -> memref<32x128xf32, #tpu.memory_space<hbm>>
      tpu.wait_dma2 semaphore(%arg21 : memref<!tpu.dma_semaphore, #tpu.memory_space<semaphore_mem>>) src(%dma_wait3A_2141 : memref<32x128xf32, #tpu.memory_space<hbm>>) dst(%dma_wait3A_2138 : memref<32x128xf32, #tpu.memory_space<vmem>>)
      %mul3A_2142 = arith.constant 8 : i32
      %mul3A_2143 = arith.muli %scan3A_1413, %mul3A_2142 : i32
      %multiple_of3A_2144 = tpu.assume_multiple %mul3A_2143, 8 : i32
      %get3A_2145 = arith.index_cast %multiple_of3A_2144 : i32 to index
      %get3A_2146 = tpu.vector_load %arg9[%get3A_2145] {strides = array<i32>} : memref<528xi32, #tpu.memory_space<vmem>>, vector<16xi32>,
      %get3A_2147 = arith.index_cast %multiple_of3A_2144 : i32 to index
      %get3A_2148 = tpu.vector_load %arg10[%get3A_2147] {strides = array<i32>} : memref<528xi32, #tpu.memory_space<vmem>>, vector<16xi32>,
      %slice3A_2149 = vector.extract_strided_slice %get3A_2146 {offsets = [4], sizes = [1], strides = [1]} : vector<16xi32> to vector<1xi32>
      %squeeze3A_2150 = vector.extract %slice3A_2149[0] : i32 from vector<1xi32>
      %and3A_2151 = arith.constant 127 : i32
      %and3A_2152 = arith.andi %squeeze3A_2150, %and3A_2151 : i32
      %add3A_2153 = vector.broadcast %and3A_2152 : i32 to vector<16xi32>
      %add3A_2154 = arith.addi %mul3A_5, %add3A_2153 : vector<16xi32>
      %slice3A_2155 = vector.extract_strided_slice %get3A_2148 {offsets = [4], sizes = [1], strides = [1]} : vector<16xi32> to vector<1xi32>
      %squeeze3A_2156 = vector.extract %slice3A_2155[0] : i32 from vector<1xi32>
      %and3A_2157 = arith.constant 127 : i32
      %and3A_2158 = arith.andi %squeeze3A_2156, %and3A_2157 : i32
      %add3A_2159 = vector.broadcast %and3A_2158 : i32 to vector<16xi32>
      %add3A_2160 = arith.addi %mul3A_5, %add3A_2159 : vector<16xi32>
      %add3A_2161 = arith.constant 1 : i32
      %add3A_2162 = vector.broadcast %add3A_2161 : i32 to vector<16xi32>
      %add3A_2163 = arith.addi %mul3A_5, %add3A_2162 : vector<16xi32>
      %add3A_2164 = arith.constant 0 : i32
      %add3A_2165 = vector.broadcast %add3A_2164 : i32 to vector<16xi32>
      %add3A_2166 = arith.addi %mul3A_5, %add3A_2165 : vector<16xi32>
      %gather3A_2167 = tpu.vector_load_idx %arg11[%add3A_2163, %mul3A_5, %add3A_2166, %iota3A, %add3A_2154] : memref<2x2x4x32x128xf32, #tpu.memory_space<vmem>>[vector<16xi32>, vector<16xi32>, vector<16xi32>, vector<16xi32>, vector<16xi32>], vector<16xf32>,
      %add3A_2168 = arith.constant 1 : i32
      %add3A_2169 = vector.broadcast %add3A_2168 : i32 to vector<16xi32>
      %add3A_2170 = arith.addi %mul3A_5, %add3A_2169 : vector<16xi32>
      %add3A_2171 = arith.constant 0 : i32
      %add3A_2172 = vector.broadcast %add3A_2171 : i32 to vector<16xi32>
      %add3A_2173 = arith.addi %mul3A_5, %add3A_2172 : vector<16xi32>
      %add3A_2174 = arith.constant 16 : i32
      %add3A_2175 = vector.broadcast %add3A_2174 : i32 to vector<16xi32>
      %add3A_2176 = arith.addi %iota3A, %add3A_2175 : vector<16xi32>
      %gather3A_2177 = tpu.vector_load_idx %arg11[%add3A_2170, %mul3A_5, %add3A_2173, %add3A_2176, %add3A_2154] : memref<2x2x4x32x128xf32, #tpu.memory_space<vmem>>[vector<16xi32>, vector<16xi32>, vector<16xi32>, vector<16xi32>, vector<16xi32>], vector<16xf32>,
      %add3A_2178 = arith.constant 1 : i32
      %add3A_2179 = vector.broadcast %add3A_2178 : i32 to vector<16xi32>
      %add3A_2180 = arith.addi %mul3A_5, %add3A_2179 : vector<16xi32>
      %add3A_2181 = arith.constant 1 : i32
      %add3A_2182 = vector.broadcast %add3A_2181 : i32 to vector<16xi32>
      %add3A_2183 = arith.addi %mul3A_5, %add3A_2182 : vector<16xi32>
      %add3A_2184 = arith.constant 0 : i32
      %add3A_2185 = vector.broadcast %add3A_2184 : i32 to vector<16xi32>
      %add3A_2186 = arith.addi %mul3A_5, %add3A_2185 : vector<16xi32>
      %gather3A_2187 = tpu.vector_load_idx %arg11[%add3A_2180, %add3A_2183, %add3A_2186, %iota3A, %add3A_2160] : memref<2x2x4x32x128xf32, #tpu.memory_space<vmem>>[vector<16xi32>, vector<16xi32>, vector<16xi32>, vector<16xi32>, vector<16xi32>], vector<16xf32>,
      %add3A_2188 = arith.constant 1 : i32
      %add3A_2189 = vector.broadcast %add3A_2188 : i32 to vector<16xi32>
      %add3A_2190 = arith.addi %mul3A_5, %add3A_2189 : vector<16xi32>
      %add3A_2191 = arith.constant 1 : i32
      %add3A_2192 = vector.broadcast %add3A_2191 : i32 to vector<16xi32>
      %add3A_2193 = arith.addi %mul3A_5, %add3A_2192 : vector<16xi32>
      %add3A_2194 = arith.constant 0 : i32
      %add3A_2195 = vector.broadcast %add3A_2194 : i32 to vector<16xi32>
      %add3A_2196 = arith.addi %mul3A_5, %add3A_2195 : vector<16xi32>
      %add3A_2197 = arith.constant 16 : i32
      %add3A_2198 = vector.broadcast %add3A_2197 : i32 to vector<16xi32>
      %add3A_2199 = arith.addi %iota3A, %add3A_2198 : vector<16xi32>
      %gather3A_2200 = tpu.vector_load_idx %arg11[%add3A_2190, %add3A_2193, %add3A_2196, %add3A_2199, %add3A_2160] : memref<2x2x4x32x128xf32, #tpu.memory_space<vmem>>[vector<16xi32>, vector<16xi32>, vector<16xi32>, vector<16xi32>, vector<16xi32>], vector<16xf32>,
      %mul3A_2201 = arith.constant 8 : i32
      %mul3A_2202 = arith.muli %scan3A_1413, %mul3A_2201 : i32
      %add3A_2203 = arith.constant 4 : i32
      %add3A_2204 = arith.addi %mul3A_2202, %add3A_2203 : i32
      %add3A_2205 = arith.constant 0 : i32
      %add3A_2206 = arith.addi %add3A_2204, %add3A_2205 : i32
      %mul3A_2207 = arith.constant 16 : i32
      %mul3A_2208 = arith.muli %add3A_2206, %mul3A_2207 : i32
      %multiple_of3A_2209 = tpu.assume_multiple %mul3A_2208, 16 : i32
      %mul3A_2210 = arith.mulf %gather3A_2167, %gather3A_2187 : vector<16xf32>
      %mul3A_2211 = arith.mulf %gather3A_2177, %gather3A_2200 : vector<16xf32>
      %add3A_2212 = arith.addf %mul3A_2210, %mul3A_2211 : vector<16xf32>
      %swap3A_2213 = arith.index_cast %multiple_of3A_2209 : i32 to index
      %swap3A_2214 = tpu.vector_load %arg16[%swap3A_2213] {strides = array<i32>} : memref<8192xf32, #tpu.memory_space<vmem>>, vector<16xf32>,
      tpu.vector_store %arg16[%swap3A_2213], %add3A_2212 {strides = array<i32>} : memref<8192xf32, #tpu.memory_space<vmem>>, vector<16xf32>,
      %slice3A_2215 = vector.extract_strided_slice %get3A_2146 {offsets = [5], sizes = [1], strides = [1]} : vector<16xi32> to vector<1xi32>
      %squeeze3A_2216 = vector.extract %slice3A_2215[0] : i32 from vector<1xi32>
      %and3A_2217 = arith.constant 127 : i32
      %and3A_2218 = arith.andi %squeeze3A_2216, %and3A_2217 : i32
      %add3A_2219 = vector.broadcast %and3A_2218 : i32 to vector<16xi32>
      %add3A_2220 = arith.addi %mul3A_5, %add3A_2219 : vector<16xi32>
      %slice3A_2221 = vector.extract_strided_slice %get3A_2148 {offsets = [5], sizes = [1], strides = [1]} : vector<16xi32> to vector<1xi32>
      %squeeze3A_2222 = vector.extract %slice3A_2221[0] : i32 from vector<1xi32>
      %and3A_2223 = arith.constant 127 : i32
      %and3A_2224 = arith.andi %squeeze3A_2222, %and3A_2223 : i32
      %add3A_2225 = vector.broadcast %and3A_2224 : i32 to vector<16xi32>
      %add3A_2226 = arith.addi %mul3A_5, %add3A_2225 : vector<16xi32>
      %add3A_2227 = arith.constant 1 : i32
      %add3A_2228 = vector.broadcast %add3A_2227 : i32 to vector<16xi32>
      %add3A_2229 = arith.addi %mul3A_5, %add3A_2228 : vector<16xi32>
      %add3A_2230 = arith.constant 1 : i32
      %add3A_2231 = vector.broadcast %add3A_2230 : i32 to vector<16xi32>
      %add3A_2232 = arith.addi %mul3A_5, %add3A_2231 : vector<16xi32>
      %gather3A_2233 = tpu.vector_load_idx %arg11[%add3A_2229, %mul3A_5, %add3A_2232, %iota3A, %add3A_2220] : memref<2x2x4x32x128xf32, #tpu.memory_space<vmem>>[vector<16xi32>, vector<16xi32>, vector<16xi32>, vector<16xi32>, vector<16xi32>], vector<16xf32>,
      %add3A_2234 = arith.constant 1 : i32
      %add3A_2235 = vector.broadcast %add3A_2234 : i32 to vector<16xi32>
      %add3A_2236 = arith.addi %mul3A_5, %add3A_2235 : vector<16xi32>
      %add3A_2237 = arith.constant 1 : i32
      %add3A_2238 = vector.broadcast %add3A_2237 : i32 to vector<16xi32>
      %add3A_2239 = arith.addi %mul3A_5, %add3A_2238 : vector<16xi32>
      %add3A_2240 = arith.constant 16 : i32
      %add3A_2241 = vector.broadcast %add3A_2240 : i32 to vector<16xi32>
      %add3A_2242 = arith.addi %iota3A, %add3A_2241 : vector<16xi32>
      %gather3A_2243 = tpu.vector_load_idx %arg11[%add3A_2236, %mul3A_5, %add3A_2239, %add3A_2242, %add3A_2220] : memref<2x2x4x32x128xf32, #tpu.memory_space<vmem>>[vector<16xi32>, vector<16xi32>, vector<16xi32>, vector<16xi32>, vector<16xi32>], vector<16xf32>,
      %add3A_2244 = arith.constant 1 : i32
      %add3A_2245 = vector.broadcast %add3A_2244 : i32 to vector<16xi32>
      %add3A_2246 = arith.addi %mul3A_5, %add3A_2245 : vector<16xi32>
      %add3A_2247 = arith.constant 1 : i32
      %add3A_2248 = vector.broadcast %add3A_2247 : i32 to vector<16xi32>
      %add3A_2249 = arith.addi %mul3A_5, %add3A_2248 : vector<16xi32>
      %add3A_2250 = arith.constant 1 : i32
      %add3A_2251 = vector.broadcast %add3A_2250 : i32 to vector<16xi32>
      %add3A_2252 = arith.addi %mul3A_5, %add3A_2251 : vector<16xi32>
      %gather3A_2253 = tpu.vector_load_idx %arg11[%add3A_2246, %add3A_2249, %add3A_2252, %iota3A, %add3A_2226] : memref<2x2x4x32x128xf32, #tpu.memory_space<vmem>>[vector<16xi32>, vector<16xi32>, vector<16xi32>, vector<16xi32>, vector<16xi32>], vector<16xf32>,
      %add3A_2254 = arith.constant 1 : i32
      %add3A_2255 = vector.broadcast %add3A_2254 : i32 to vector<16xi32>
      %add3A_2256 = arith.addi %mul3A_5, %add3A_2255 : vector<16xi32>
      %add3A_2257 = arith.constant 1 : i32
      %add3A_2258 = vector.broadcast %add3A_2257 : i32 to vector<16xi32>
      %add3A_2259 = arith.addi %mul3A_5, %add3A_2258 : vector<16xi32>
      %add3A_2260 = arith.constant 1 : i32
      %add3A_2261 = vector.broadcast %add3A_2260 : i32 to vector<16xi32>
      %add3A_2262 = arith.addi %mul3A_5, %add3A_2261 : vector<16xi32>
      %add3A_2263 = arith.constant 16 : i32
      %add3A_2264 = vector.broadcast %add3A_2263 : i32 to vector<16xi32>
      %add3A_2265 = arith.addi %iota3A, %add3A_2264 : vector<16xi32>
      %gather3A_2266 = tpu.vector_load_idx %arg11[%add3A_2256, %add3A_2259, %add3A_2262, %add3A_2265, %add3A_2226] : memref<2x2x4x32x128xf32, #tpu.memory_space<vmem>>[vector<16xi32>, vector<16xi32>, vector<16xi32>, vector<16xi32>, vector<16xi32>], vector<16xf32>,
      %mul3A_2267 = arith.constant 8 : i32
      %mul3A_2268 = arith.muli %scan3A_1413, %mul3A_2267 : i32
      %add3A_2269 = arith.constant 4 : i32
      %add3A_2270 = arith.addi %mul3A_2268, %add3A_2269 : i32
      %add3A_2271 = arith.constant 1 : i32
      %add3A_2272 = arith.addi %add3A_2270, %add3A_2271 : i32
      %mul3A_2273 = arith.constant 16 : i32
      %mul3A_2274 = arith.muli %add3A_2272, %mul3A_2273 : i32
      %multiple_of3A_2275 = tpu.assume_multiple %mul3A_2274, 16 : i32
      %mul3A_2276 = arith.mulf %gather3A_2233, %gather3A_2253 : vector<16xf32>
      %mul3A_2277 = arith.mulf %gather3A_2243, %gather3A_2266 : vector<16xf32>
      %add3A_2278 = arith.addf %mul3A_2276, %mul3A_2277 : vector<16xf32>
      %swap3A_2279 = arith.index_cast %multiple_of3A_2275 : i32 to index
      %swap3A_2280 = tpu.vector_load %arg16[%swap3A_2279] {strides = array<i32>} : memref<8192xf32, #tpu.memory_space<vmem>>, vector<16xf32>,
      tpu.vector_store %arg16[%swap3A_2279], %add3A_2278 {strides = array<i32>} : memref<8192xf32, #tpu.memory_space<vmem>>, vector<16xf32>,
      %slice3A_2281 = vector.extract_strided_slice %get3A_2146 {offsets = [6], sizes = [1], strides = [1]} : vector<16xi32> to vector<1xi32>
      %squeeze3A_2282 = vector.extract %slice3A_2281[0] : i32 from vector<1xi32>
      %and3A_2283 = arith.constant 127 : i32
      %and3A_2284 = arith.andi %squeeze3A_2282, %and3A_2283 : i32
      %add3A_2285 = vector.broadcast %and3A_2284 : i32 to vector<16xi32>
      %add3A_2286 = arith.addi %mul3A_5, %add3A_2285 : vector<16xi32>
      %slice3A_2287 = vector.extract_strided_slice %get3A_2148 {offsets = [6], sizes = [1], strides = [1]} : vector<16xi32> to vector<1xi32>
      %squeeze3A_2288 = vector.extract %slice3A_2287[0] : i32 from vector<1xi32>
      %and3A_2289 = arith.constant 127 : i32
      %and3A_2290 = arith.andi %squeeze3A_2288, %and3A_2289 : i32
      %add3A_2291 = vector.broadcast %and3A_2290 : i32 to vector<16xi32>
      %add3A_2292 = arith.addi %mul3A_5, %add3A_2291 : vector<16xi32>
      %add3A_2293 = arith.constant 1 : i32
      %add3A_2294 = vector.broadcast %add3A_2293 : i32 to vector<16xi32>
      %add3A_2295 = arith.addi %mul3A_5, %add3A_2294 : vector<16xi32>
      %add3A_2296 = arith.constant 2 : i32
      %add3A_2297 = vector.broadcast %add3A_2296 : i32 to vector<16xi32>
      %add3A_2298 = arith.addi %mul3A_5, %add3A_2297 : vector<16xi32>
      %gather3A_2299 = tpu.vector_load_idx %arg11[%add3A_2295, %mul3A_5, %add3A_2298, %iota3A, %add3A_2286] : memref<2x2x4x32x128xf32, #tpu.memory_space<vmem>>[vector<16xi32>, vector<16xi32>, vector<16xi32>, vector<16xi32>, vector<16xi32>], vector<16xf32>,
      %add3A_2300 = arith.constant 1 : i32
      %add3A_2301 = vector.broadcast %add3A_2300 : i32 to vector<16xi32>
      %add3A_2302 = arith.addi %mul3A_5, %add3A_2301 : vector<16xi32>
      %add3A_2303 = arith.constant 2 : i32
      %add3A_2304 = vector.broadcast %add3A_2303 : i32 to vector<16xi32>
      %add3A_2305 = arith.addi %mul3A_5, %add3A_2304 : vector<16xi32>
      %add3A_2306 = arith.constant 16 : i32
      %add3A_2307 = vector.broadcast %add3A_2306 : i32 to vector<16xi32>
      %add3A_2308 = arith.addi %iota3A, %add3A_2307 : vector<16xi32>
      %gather3A_2309 = tpu.vector_load_idx %arg11[%add3A_2302, %mul3A_5, %add3A_2305, %add3A_2308, %add3A_2286] : memref<2x2x4x32x128xf32, #tpu.memory_space<vmem>>[vector<16xi32>, vector<16xi32>, vector<16xi32>, vector<16xi32>, vector<16xi32>], vector<16xf32>,
      %add3A_2310 = arith.constant 1 : i32
      %add3A_2311 = vector.broadcast %add3A_2310 : i32 to vector<16xi32>
      %add3A_2312 = arith.addi %mul3A_5, %add3A_2311 : vector<16xi32>
      %add3A_2313 = arith.constant 1 : i32
      %add3A_2314 = vector.broadcast %add3A_2313 : i32 to vector<16xi32>
      %add3A_2315 = arith.addi %mul3A_5, %add3A_2314 : vector<16xi32>
      %add3A_2316 = arith.constant 2 : i32
      %add3A_2317 = vector.broadcast %add3A_2316 : i32 to vector<16xi32>
      %add3A_2318 = arith.addi %mul3A_5, %add3A_2317 : vector<16xi32>
      %gather3A_2319 = tpu.vector_load_idx %arg11[%add3A_2312, %add3A_2315, %add3A_2318, %iota3A, %add3A_2292] : memref<2x2x4x32x128xf32, #tpu.memory_space<vmem>>[vector<16xi32>, vector<16xi32>, vector<16xi32>, vector<16xi32>, vector<16xi32>], vector<16xf32>,
      %add3A_2320 = arith.constant 1 : i32
      %add3A_2321 = vector.broadcast %add3A_2320 : i32 to vector<16xi32>
      %add3A_2322 = arith.addi %mul3A_5, %add3A_2321 : vector<16xi32>
      %add3A_2323 = arith.constant 1 : i32
      %add3A_2324 = vector.broadcast %add3A_2323 : i32 to vector<16xi32>
      %add3A_2325 = arith.addi %mul3A_5, %add3A_2324 : vector<16xi32>
      %add3A_2326 = arith.constant 2 : i32
      %add3A_2327 = vector.broadcast %add3A_2326 : i32 to vector<16xi32>
      %add3A_2328 = arith.addi %mul3A_5, %add3A_2327 : vector<16xi32>
      %add3A_2329 = arith.constant 16 : i32
      %add3A_2330 = vector.broadcast %add3A_2329 : i32 to vector<16xi32>
      %add3A_2331 = arith.addi %iota3A, %add3A_2330 : vector<16xi32>
      %gather3A_2332 = tpu.vector_load_idx %arg11[%add3A_2322, %add3A_2325, %add3A_2328, %add3A_2331, %add3A_2292] : memref<2x2x4x32x128xf32, #tpu.memory_space<vmem>>[vector<16xi32>, vector<16xi32>, vector<16xi32>, vector<16xi32>, vector<16xi32>], vector<16xf32>,
      %mul3A_2333 = arith.constant 8 : i32
      %mul3A_2334 = arith.muli %scan3A_1413, %mul3A_2333 : i32
      %add3A_2335 = arith.constant 4 : i32
      %add3A_2336 = arith.addi %mul3A_2334, %add3A_2335 : i32
      %add3A_2337 = arith.constant 2 : i32
      %add3A_2338 = arith.addi %add3A_2336, %add3A_2337 : i32
      %mul3A_2339 = arith.constant 16 : i32
      %mul3A_2340 = arith.muli %add3A_2338, %mul3A_2339 : i32
      %multiple_of3A_2341 = tpu.assume_multiple %mul3A_2340, 16 : i32
      %mul3A_2342 = arith.mulf %gather3A_2299, %gather3A_2319 : vector<16xf32>
      %mul3A_2343 = arith.mulf %gather3A_2309, %gather3A_2332 : vector<16xf32>
      %add3A_2344 = arith.addf %mul3A_2342, %mul3A_2343 : vector<16xf32>
      %swap3A_2345 = arith.index_cast %multiple_of3A_2341 : i32 to index
      %swap3A_2346 = tpu.vector_load %arg16[%swap3A_2345] {strides = array<i32>} : memref<8192xf32, #tpu.memory_space<vmem>>, vector<16xf32>,
      tpu.vector_store %arg16[%swap3A_2345], %add3A_2344 {strides = array<i32>} : memref<8192xf32, #tpu.memory_space<vmem>>, vector<16xf32>,
      %slice3A_2347 = vector.extract_strided_slice %get3A_2146 {offsets = [7], sizes = [1], strides = [1]} : vector<16xi32> to vector<1xi32>
      %squeeze3A_2348 = vector.extract %slice3A_2347[0] : i32 from vector<1xi32>
      %and3A_2349 = arith.constant 127 : i32
      %and3A_2350 = arith.andi %squeeze3A_2348, %and3A_2349 : i32
      %add3A_2351 = vector.broadcast %and3A_2350 : i32 to vector<16xi32>
      %add3A_2352 = arith.addi %mul3A_5, %add3A_2351 : vector<16xi32>
      %slice3A_2353 = vector.extract_strided_slice %get3A_2148 {offsets = [7], sizes = [1], strides = [1]} : vector<16xi32> to vector<1xi32>
      %squeeze3A_2354 = vector.extract %slice3A_2353[0] : i32 from vector<1xi32>
      %and3A_2355 = arith.constant 127 : i32
      %and3A_2356 = arith.andi %squeeze3A_2354, %and3A_2355 : i32
      %add3A_2357 = vector.broadcast %and3A_2356 : i32 to vector<16xi32>
      %add3A_2358 = arith.addi %mul3A_5, %add3A_2357 : vector<16xi32>
      %add3A_2359 = arith.constant 1 : i32
      %add3A_2360 = vector.broadcast %add3A_2359 : i32 to vector<16xi32>
      %add3A_2361 = arith.addi %mul3A_5, %add3A_2360 : vector<16xi32>
      %add3A_2362 = arith.constant 3 : i32
      %add3A_2363 = vector.broadcast %add3A_2362 : i32 to vector<16xi32>
      %add3A_2364 = arith.addi %mul3A_5, %add3A_2363 : vector<16xi32>
      %gather3A_2365 = tpu.vector_load_idx %arg11[%add3A_2361, %mul3A_5, %add3A_2364, %iota3A, %add3A_2352] : memref<2x2x4x32x128xf32, #tpu.memory_space<vmem>>[vector<16xi32>, vector<16xi32>, vector<16xi32>, vector<16xi32>, vector<16xi32>], vector<16xf32>,
      %add3A_2366 = arith.constant 1 : i32
      %add3A_2367 = vector.broadcast %add3A_2366 : i32 to vector<16xi32>
      %add3A_2368 = arith.addi %mul3A_5, %add3A_2367 : vector<16xi32>
      %add3A_2369 = arith.constant 3 : i32
      %add3A_2370 = vector.broadcast %add3A_2369 : i32 to vector<16xi32>
      %add3A_2371 = arith.addi %mul3A_5, %add3A_2370 : vector<16xi32>
      %add3A_2372 = arith.constant 16 : i32
      %add3A_2373 = vector.broadcast %add3A_2372 : i32 to vector<16xi32>
      %add3A_2374 = arith.addi %iota3A, %add3A_2373 : vector<16xi32>
      %gather3A_2375 = tpu.vector_load_idx %arg11[%add3A_2368, %mul3A_5, %add3A_2371, %add3A_2374, %add3A_2352] : memref<2x2x4x32x128xf32, #tpu.memory_space<vmem>>[vector<16xi32>, vector<16xi32>, vector<16xi32>, vector<16xi32>, vector<16xi32>], vector<16xf32>,
      %add3A_2376 = arith.constant 1 : i32
      %add3A_2377 = vector.broadcast %add3A_2376 : i32 to vector<16xi32>
      %add3A_2378 = arith.addi %mul3A_5, %add3A_2377 : vector<16xi32>
      %add3A_2379 = arith.constant 1 : i32
      %add3A_2380 = vector.broadcast %add3A_2379 : i32 to vector<16xi32>
      %add3A_2381 = arith.addi %mul3A_5, %add3A_2380 : vector<16xi32>
      %add3A_2382 = arith.constant 3 : i32
      %add3A_2383 = vector.broadcast %add3A_2382 : i32 to vector<16xi32>
      %add3A_2384 = arith.addi %mul3A_5, %add3A_2383 : vector<16xi32>
      %gather3A_2385 = tpu.vector_load_idx %arg11[%add3A_2378, %add3A_2381, %add3A_2384, %iota3A, %add3A_2358] : memref<2x2x4x32x128xf32, #tpu.memory_space<vmem>>[vector<16xi32>, vector<16xi32>, vector<16xi32>, vector<16xi32>, vector<16xi32>], vector<16xf32>,
      %add3A_2386 = arith.constant 1 : i32
      %add3A_2387 = vector.broadcast %add3A_2386 : i32 to vector<16xi32>
      %add3A_2388 = arith.addi %mul3A_5, %add3A_2387 : vector<16xi32>
      %add3A_2389 = arith.constant 1 : i32
      %add3A_2390 = vector.broadcast %add3A_2389 : i32 to vector<16xi32>
      %add3A_2391 = arith.addi %mul3A_5, %add3A_2390 : vector<16xi32>
      %add3A_2392 = arith.constant 3 : i32
      %add3A_2393 = vector.broadcast %add3A_2392 : i32 to vector<16xi32>
      %add3A_2394 = arith.addi %mul3A_5, %add3A_2393 : vector<16xi32>
      %add3A_2395 = arith.constant 16 : i32
      %add3A_2396 = vector.broadcast %add3A_2395 : i32 to vector<16xi32>
      %add3A_2397 = arith.addi %iota3A, %add3A_2396 : vector<16xi32>
      %gather3A_2398 = tpu.vector_load_idx %arg11[%add3A_2388, %add3A_2391, %add3A_2394, %add3A_2397, %add3A_2358] : memref<2x2x4x32x128xf32, #tpu.memory_space<vmem>>[vector<16xi32>, vector<16xi32>, vector<16xi32>, vector<16xi32>, vector<16xi32>], vector<16xf32>,
      %mul3A_2399 = arith.constant 8 : i32
      %mul3A_2400 = arith.muli %scan3A_1413, %mul3A_2399 : i32
      %add3A_2401 = arith.constant 4 : i32
      %add3A_2402 = arith.addi %mul3A_2400, %add3A_2401 : i32
      %add3A_2403 = arith.constant 3 : i32
      %add3A_2404 = arith.addi %add3A_2402, %add3A_2403 : i32
      %mul3A_2405 = arith.constant 16 : i32
      %mul3A_2406 = arith.muli %add3A_2404, %mul3A_2405 : i32
      %multiple_of3A_2407 = tpu.assume_multiple %mul3A_2406, 16 : i32
      %mul3A_2408 = arith.mulf %gather3A_2365, %gather3A_2385 : vector<16xf32>
      %mul3A_2409 = arith.mulf %gather3A_2375, %gather3A_2398 : vector<16xf32>
      %add3A_2410 = arith.addf %mul3A_2408, %mul3A_2409 : vector<16xf32>
      %swap3A_2411 = arith.index_cast %multiple_of3A_2407 : i32 to index
      %swap3A_2412 = tpu.vector_load %arg16[%swap3A_2411] {strides = array<i32>} : memref<8192xf32, #tpu.memory_space<vmem>>, vector<16xf32>,
      tpu.vector_store %arg16[%swap3A_2411], %add3A_2410 {strides = array<i32>} : memref<8192xf32, #tpu.memory_space<vmem>>, vector<16xf32>,
    }
    %scan3A_186 = arith.constant 64 : i32
    %get3A_187 = arith.constant 0 : index
    %get3A_188 = tpu.vector_load %arg9[%get3A_187] {strides = array<i32>} : memref<528xi32, #tpu.memory_space<vmem>>, vector<16xi32>,
    %shift_right_arithmetic3A_189 = arith.constant 7 : i32
    %shift_right_arithmetic3A_190 = vector.broadcast %shift_right_arithmetic3A_189 : i32 to vector<16xi32>
    %shift_right_arithmetic3A_191 = arith.shrsi %get3A_188, %shift_right_arithmetic3A_190 : vector<16xi32>
    %swap3A = arith.constant 0 : index
    %swap3A_192 = tpu.vector_load %arg13[%swap3A] {strides = array<i32>} : memref<128xi32, #tpu.memory_space<vmem>>, vector<16xi32>,
    tpu.vector_store %arg13[%swap3A], %shift_right_arithmetic3A_191 {strides = array<i32>} : memref<128xi32, #tpu.memory_space<vmem>>, vector<16xi32>,
    %get3A_193 = arith.constant 16 : index
    %get3A_194 = tpu.vector_load %arg9[%get3A_193] {strides = array<i32>} : memref<528xi32, #tpu.memory_space<vmem>>, vector<16xi32>,
    %shift_right_arithmetic3A_195 = arith.constant 7 : i32
    %shift_right_arithmetic3A_196 = vector.broadcast %shift_right_arithmetic3A_195 : i32 to vector<16xi32>
    %shift_right_arithmetic3A_197 = arith.shrsi %get3A_194, %shift_right_arithmetic3A_196 : vector<16xi32>
    %swap3A_198 = arith.constant 16 : index
    %swap3A_199 = tpu.vector_load %arg13[%swap3A_198] {strides = array<i32>} : memref<128xi32, #tpu.memory_space<vmem>>, vector<16xi32>,
    tpu.vector_store %arg13[%swap3A_198], %shift_right_arithmetic3A_197 {strides = array<i32>} : memref<128xi32, #tpu.memory_space<vmem>>, vector<16xi32>,
    %get3A_200 = arith.constant 32 : index
    %get3A_201 = tpu.vector_load %arg9[%get3A_200] {strides = array<i32>} : memref<528xi32, #tpu.memory_space<vmem>>, vector<16xi32>,
    %shift_right_arithmetic3A_202 = arith.constant 7 : i32
    %shift_right_arithmetic3A_203 = vector.broadcast %shift_right_arithmetic3A_202 : i32 to vector<16xi32>
    %shift_right_arithmetic3A_204 = arith.shrsi %get3A_201, %shift_right_arithmetic3A_203 : vector<16xi32>
    %swap3A_205 = arith.constant 32 : index
    %swap3A_206 = tpu.vector_load %arg13[%swap3A_205] {strides = array<i32>} : memref<128xi32, #tpu.memory_space<vmem>>, vector<16xi32>,
    tpu.vector_store %arg13[%swap3A_205], %shift_right_arithmetic3A_204 {strides = array<i32>} : memref<128xi32, #tpu.memory_space<vmem>>, vector<16xi32>,
    %get3A_207 = arith.constant 48 : index
    %get3A_208 = tpu.vector_load %arg9[%get3A_207] {strides = array<i32>} : memref<528xi32, #tpu.memory_space<vmem>>, vector<16xi32>,
    %shift_right_arithmetic3A_209 = arith.constant 7 : i32
    %shift_right_arithmetic3A_210 = vector.broadcast %shift_right_arithmetic3A_209 : i32 to vector<16xi32>
    %shift_right_arithmetic3A_211 = arith.shrsi %get3A_208, %shift_right_arithmetic3A_210 : vector<16xi32>
    %swap3A_212 = arith.constant 48 : index
    %swap3A_213 = tpu.vector_load %arg13[%swap3A_212] {strides = array<i32>} : memref<128xi32, #tpu.memory_space<vmem>>, vector<16xi32>,
    tpu.vector_store %arg13[%swap3A_212], %shift_right_arithmetic3A_211 {strides = array<i32>} : memref<128xi32, #tpu.memory_space<vmem>>, vector<16xi32>,
    %get3A_214 = arith.constant 64 : index
    %get3A_215 = tpu.vector_load %arg9[%get3A_214] {strides = array<i32>} : memref<528xi32, #tpu.memory_space<vmem>>, vector<16xi32>,
    %shift_right_arithmetic3A_216 = arith.constant 7 : i32
    %shift_right_arithmetic3A_217 = vector.broadcast %shift_right_arithmetic3A_216 : i32 to vector<16xi32>
    %shift_right_arithmetic3A_218 = arith.shrsi %get3A_215, %shift_right_arithmetic3A_217 : vector<16xi32>
    %swap3A_219 = arith.constant 64 : index
    %swap3A_220 = tpu.vector_load %arg13[%swap3A_219] {strides = array<i32>} : memref<128xi32, #tpu.memory_space<vmem>>, vector<16xi32>,
    tpu.vector_store %arg13[%swap3A_219], %shift_right_arithmetic3A_218 {strides = array<i32>} : memref<128xi32, #tpu.memory_space<vmem>>, vector<16xi32>,
    %get3A_221 = arith.constant 80 : index
    %get3A_222 = tpu.vector_load %arg9[%get3A_221] {strides = array<i32>} : memref<528xi32, #tpu.memory_space<vmem>>, vector<16xi32>,
    %shift_right_arithmetic3A_223 = arith.constant 7 : i32
    %shift_right_arithmetic3A_224 = vector.broadcast %shift_right_arithmetic3A_223 : i32 to vector<16xi32>
    %shift_right_arithmetic3A_225 = arith.shrsi %get3A_222, %shift_right_arithmetic3A_224 : vector<16xi32>
    %swap3A_226 = arith.constant 80 : index
    %swap3A_227 = tpu.vector_load %arg13[%swap3A_226] {strides = array<i32>} : memref<128xi32, #tpu.memory_space<vmem>>, vector<16xi32>,
    tpu.vector_store %arg13[%swap3A_226], %shift_right_arithmetic3A_225 {strides = array<i32>} : memref<128xi32, #tpu.memory_space<vmem>>, vector<16xi32>,
    %get3A_228 = arith.constant 96 : index
    %get3A_229 = tpu.vector_load %arg9[%get3A_228] {strides = array<i32>} : memref<528xi32, #tpu.memory_space<vmem>>, vector<16xi32>,
    %shift_right_arithmetic3A_230 = arith.constant 7 : i32
    %shift_right_arithmetic3A_231 = vector.broadcast %shift_right_arithmetic3A_230 : i32 to vector<16xi32>
    %shift_right_arithmetic3A_232 = arith.shrsi %get3A_229, %shift_right_arithmetic3A_231 : vector<16xi32>
    %swap3A_233 = arith.constant 96 : index
    %swap3A_234 = tpu.vector_load %arg13[%swap3A_233] {strides = array<i32>} : memref<128xi32, #tpu.memory_space<vmem>>, vector<16xi32>,
    tpu.vector_store %arg13[%swap3A_233], %shift_right_arithmetic3A_232 {strides = array<i32>} : memref<128xi32, #tpu.memory_space<vmem>>, vector<16xi32>,
    %get3A_235 = arith.constant 112 : index
    %get3A_236 = tpu.vector_load %arg9[%get3A_235] {strides = array<i32>} : memref<528xi32, #tpu.memory_space<vmem>>, vector<16xi32>,
    %shift_right_arithmetic3A_237 = arith.constant 7 : i32
    %shift_right_arithmetic3A_238 = vector.broadcast %shift_right_arithmetic3A_237 : i32 to vector<16xi32>
    %shift_right_arithmetic3A_239 = arith.shrsi %get3A_236, %shift_right_arithmetic3A_238 : vector<16xi32>
    %swap3A_240 = arith.constant 112 : index
    %swap3A_241 = tpu.vector_load %arg13[%swap3A_240] {strides = array<i32>} : memref<128xi32, #tpu.memory_space<vmem>>, vector<16xi32>,
    tpu.vector_store %arg13[%swap3A_240], %shift_right_arithmetic3A_239 {strides = array<i32>} : memref<128xi32, #tpu.memory_space<vmem>>, vector<16xi32>,
    %dma_start3A_242 = arith.constant 0 : i32
    %dma_start3A_243 = arith.constant 0 : i32
    %dma_start3A_244 = tpu.memref_slice %arg6[%dma_start3A_242, %dma_start3A_243] : memref<7816x128xf32, #tpu.memory_space<hbm>> -> memref<7816x128xf32, #tpu.memory_space<hbm>>
    tpu.enqueue_indirect_dma source(%dma_start3A_244 : memref<7816x128xf32, #tpu.memory_space<hbm>>) target(%arg12 : memref<128x128xf32, #tpu.memory_space<vmem>>) offsets(%arg13 : memref<128xi32, #tpu.memory_space<vmem>>) semaphore(%arg20 : memref<!tpu.dma_semaphore, #tpu.memory_space<semaphore_mem>>)
    %dma_wait3A = arith.constant 0 : i32
    %dma_wait3A_245 = arith.constant 0 : i32
    %dma_wait3A_246 = tpu.memref_slice %arg6[%dma_wait3A, %dma_wait3A_245] : memref<7816x128xf32, #tpu.memory_space<hbm>> -> memref<7816x128xf32, #tpu.memory_space<hbm>>
    tpu.wait_indirect_dma semaphore(%arg20 : memref<!tpu.dma_semaphore, #tpu.memory_space<semaphore_mem>>) src(%dma_wait3A_246 : memref<7816x128xf32, #tpu.memory_space<hbm>>) dst(%arg12 : memref<128x128xf32, #tpu.memory_space<vmem>>)
    %get3A_247 = arith.constant 0 : index
    %get3A_248 = tpu.vector_load %arg9[%get3A_247] {strides = array<i32>} : memref<528xi32, #tpu.memory_space<vmem>>, vector<16xi32>,
    %add3A_249 = arith.constant 0 : i32
    %add3A_250 = vector.broadcast %add3A_249 : i32 to vector<16xi32>
    %add3A_251 = arith.addi %add3A_250, %iota3A : vector<16xi32>
    %and3A = arith.constant 127 : i32
    %and3A_252 = vector.broadcast %and3A : i32 to vector<16xi32>
    %and3A_253 = arith.andi %get3A_248, %and3A_252 : vector<16xi32>
    %gather3A = tpu.vector_load_idx %arg12[%add3A_251, %and3A_253] : memref<128x128xf32, #tpu.memory_space<vmem>>[vector<16xi32>, vector<16xi32>], vector<16xf32>,
    %swap3A_254 = arith.constant 0 : index
    %swap3A_255 = tpu.vector_load %arg14[%swap3A_254] {strides = array<i32>} : memref<512xf32, #tpu.memory_space<vmem>>, vector<16xf32>,
    tpu.vector_store %arg14[%swap3A_254], %gather3A {strides = array<i32>} : memref<512xf32, #tpu.memory_space<vmem>>, vector<16xf32>,
    %get3A_256 = arith.constant 16 : index
    %get3A_257 = tpu.vector_load %arg9[%get3A_256] {strides = array<i32>} : memref<528xi32, #tpu.memory_space<vmem>>, vector<16xi32>,
    %add3A_258 = arith.constant 16 : i32
    %add3A_259 = vector.broadcast %add3A_258 : i32 to vector<16xi32>
    %add3A_260 = arith.addi %add3A_259, %iota3A : vector<16xi32>
    %and3A_261 = arith.constant 127 : i32
    %and3A_262 = vector.broadcast %and3A_261 : i32 to vector<16xi32>
    %and3A_263 = arith.andi %get3A_257, %and3A_262 : vector<16xi32>
    %gather3A_264 = tpu.vector_load_idx %arg12[%add3A_260, %and3A_263] : memref<128x128xf32, #tpu.memory_space<vmem>>[vector<16xi32>, vector<16xi32>], vector<16xf32>,
    %swap3A_265 = arith.constant 16 : index
    %swap3A_266 = tpu.vector_load %arg14[%swap3A_265] {strides = array<i32>} : memref<512xf32, #tpu.memory_space<vmem>>, vector<16xf32>,
    tpu.vector_store %arg14[%swap3A_265], %gather3A_264 {strides = array<i32>} : memref<512xf32, #tpu.memory_space<vmem>>, vector<16xf32>,
    %get3A_267 = arith.constant 32 : index
    %get3A_268 = tpu.vector_load %arg9[%get3A_267] {strides = array<i32>} : memref<528xi32, #tpu.memory_space<vmem>>, vector<16xi32>,
    %add3A_269 = arith.constant 32 : i32
    %add3A_270 = vector.broadcast %add3A_269 : i32 to vector<16xi32>
    %add3A_271 = arith.addi %add3A_270, %iota3A : vector<16xi32>
    %and3A_272 = arith.constant 127 : i32
    %and3A_273 = vector.broadcast %and3A_272 : i32 to vector<16xi32>
    %and3A_274 = arith.andi %get3A_268, %and3A_273 : vector<16xi32>
    %gather3A_275 = tpu.vector_load_idx %arg12[%add3A_271, %and3A_274] : memref<128x128xf32, #tpu.memory_space<vmem>>[vector<16xi32>, vector<16xi32>], vector<16xf32>,
    %swap3A_276 = arith.constant 32 : index
    %swap3A_277 = tpu.vector_load %arg14[%swap3A_276] {strides = array<i32>} : memref<512xf32, #tpu.memory_space<vmem>>, vector<16xf32>,
    tpu.vector_store %arg14[%swap3A_276], %gather3A_275 {strides = array<i32>} : memref<512xf32, #tpu.memory_space<vmem>>, vector<16xf32>,
    %get3A_278 = arith.constant 48 : index
    %get3A_279 = tpu.vector_load %arg9[%get3A_278] {strides = array<i32>} : memref<528xi32, #tpu.memory_space<vmem>>, vector<16xi32>,
    %add3A_280 = arith.constant 48 : i32
    %add3A_281 = vector.broadcast %add3A_280 : i32 to vector<16xi32>
    %add3A_282 = arith.addi %add3A_281, %iota3A : vector<16xi32>
    %and3A_283 = arith.constant 127 : i32
    %and3A_284 = vector.broadcast %and3A_283 : i32 to vector<16xi32>
    %and3A_285 = arith.andi %get3A_279, %and3A_284 : vector<16xi32>
    %gather3A_286 = tpu.vector_load_idx %arg12[%add3A_282, %and3A_285] : memref<128x128xf32, #tpu.memory_space<vmem>>[vector<16xi32>, vector<16xi32>], vector<16xf32>,
    %swap3A_287 = arith.constant 48 : index
    %swap3A_288 = tpu.vector_load %arg14[%swap3A_287] {strides = array<i32>} : memref<512xf32, #tpu.memory_space<vmem>>, vector<16xf32>,
    tpu.vector_store %arg14[%swap3A_287], %gather3A_286 {strides = array<i32>} : memref<512xf32, #tpu.memory_space<vmem>>, vector<16xf32>,
    %get3A_289 = arith.constant 64 : index
    %get3A_290 = tpu.vector_load %arg9[%get3A_289] {strides = array<i32>} : memref<528xi32, #tpu.memory_space<vmem>>, vector<16xi32>,
    %add3A_291 = arith.constant 64 : i32
    %add3A_292 = vector.broadcast %add3A_291 : i32 to vector<16xi32>
    %add3A_293 = arith.addi %add3A_292, %iota3A : vector<16xi32>
    %and3A_294 = arith.constant 127 : i32
    %and3A_295 = vector.broadcast %and3A_294 : i32 to vector<16xi32>
    %and3A_296 = arith.andi %get3A_290, %and3A_295 : vector<16xi32>
    %gather3A_297 = tpu.vector_load_idx %arg12[%add3A_293, %and3A_296] : memref<128x128xf32, #tpu.memory_space<vmem>>[vector<16xi32>, vector<16xi32>], vector<16xf32>,
    %swap3A_298 = arith.constant 64 : index
    %swap3A_299 = tpu.vector_load %arg14[%swap3A_298] {strides = array<i32>} : memref<512xf32, #tpu.memory_space<vmem>>, vector<16xf32>,
    tpu.vector_store %arg14[%swap3A_298], %gather3A_297 {strides = array<i32>} : memref<512xf32, #tpu.memory_space<vmem>>, vector<16xf32>,
    %get3A_300 = arith.constant 80 : index
    %get3A_301 = tpu.vector_load %arg9[%get3A_300] {strides = array<i32>} : memref<528xi32, #tpu.memory_space<vmem>>, vector<16xi32>,
    %add3A_302 = arith.constant 80 : i32
    %add3A_303 = vector.broadcast %add3A_302 : i32 to vector<16xi32>
    %add3A_304 = arith.addi %add3A_303, %iota3A : vector<16xi32>
    %and3A_305 = arith.constant 127 : i32
    %and3A_306 = vector.broadcast %and3A_305 : i32 to vector<16xi32>
    %and3A_307 = arith.andi %get3A_301, %and3A_306 : vector<16xi32>
    %gather3A_308 = tpu.vector_load_idx %arg12[%add3A_304, %and3A_307] : memref<128x128xf32, #tpu.memory_space<vmem>>[vector<16xi32>, vector<16xi32>], vector<16xf32>,
    %swap3A_309 = arith.constant 80 : index
    %swap3A_310 = tpu.vector_load %arg14[%swap3A_309] {strides = array<i32>} : memref<512xf32, #tpu.memory_space<vmem>>, vector<16xf32>,
    tpu.vector_store %arg14[%swap3A_309], %gather3A_308 {strides = array<i32>} : memref<512xf32, #tpu.memory_space<vmem>>, vector<16xf32>,
    %get3A_311 = arith.constant 96 : index
    %get3A_312 = tpu.vector_load %arg9[%get3A_311] {strides = array<i32>} : memref<528xi32, #tpu.memory_space<vmem>>, vector<16xi32>,
    %add3A_313 = arith.constant 96 : i32
    %add3A_314 = vector.broadcast %add3A_313 : i32 to vector<16xi32>
    %add3A_315 = arith.addi %add3A_314, %iota3A : vector<16xi32>
    %and3A_316 = arith.constant 127 : i32
    %and3A_317 = vector.broadcast %and3A_316 : i32 to vector<16xi32>
    %and3A_318 = arith.andi %get3A_312, %and3A_317 : vector<16xi32>
    %gather3A_319 = tpu.vector_load_idx %arg12[%add3A_315, %and3A_318] : memref<128x128xf32, #tpu.memory_space<vmem>>[vector<16xi32>, vector<16xi32>], vector<16xf32>,
    %swap3A_320 = arith.constant 96 : index
    %swap3A_321 = tpu.vector_load %arg14[%swap3A_320] {strides = array<i32>} : memref<512xf32, #tpu.memory_space<vmem>>, vector<16xf32>,
    tpu.vector_store %arg14[%swap3A_320], %gather3A_319 {strides = array<i32>} : memref<512xf32, #tpu.memory_space<vmem>>, vector<16xf32>,
    %get3A_322 = arith.constant 112 : index
    %get3A_323 = tpu.vector_load %arg9[%get3A_322] {strides = array<i32>} : memref<528xi32, #tpu.memory_space<vmem>>, vector<16xi32>,
    %add3A_324 = arith.constant 112 : i32
    %add3A_325 = vector.broadcast %add3A_324 : i32 to vector<16xi32>
    %add3A_326 = arith.addi %add3A_325, %iota3A : vector<16xi32>
    %and3A_327 = arith.constant 127 : i32
    %and3A_328 = vector.broadcast %and3A_327 : i32 to vector<16xi32>
    %and3A_329 = arith.andi %get3A_323, %and3A_328 : vector<16xi32>
    %gather3A_330 = tpu.vector_load_idx %arg12[%add3A_326, %and3A_329] : memref<128x128xf32, #tpu.memory_space<vmem>>[vector<16xi32>, vector<16xi32>], vector<16xf32>,
    %swap3A_331 = arith.constant 112 : index
    %swap3A_332 = tpu.vector_load %arg14[%swap3A_331] {strides = array<i32>} : memref<512xf32, #tpu.memory_space<vmem>>, vector<16xf32>,
    tpu.vector_store %arg14[%swap3A_331], %gather3A_330 {strides = array<i32>} : memref<512xf32, #tpu.memory_space<vmem>>, vector<16xf32>,
    %get3A_333 = arith.constant 128 : index
    %get3A_334 = tpu.vector_load %arg9[%get3A_333] {strides = array<i32>} : memref<528xi32, #tpu.memory_space<vmem>>, vector<16xi32>,
    %shift_right_arithmetic3A_335 = arith.constant 7 : i32
    %shift_right_arithmetic3A_336 = vector.broadcast %shift_right_arithmetic3A_335 : i32 to vector<16xi32>
    %shift_right_arithmetic3A_337 = arith.shrsi %get3A_334, %shift_right_arithmetic3A_336 : vector<16xi32>
    %swap3A_338 = arith.constant 0 : index
    %swap3A_339 = tpu.vector_load %arg13[%swap3A_338] {strides = array<i32>} : memref<128xi32, #tpu.memory_space<vmem>>, vector<16xi32>,
    tpu.vector_store %arg13[%swap3A_338], %shift_right_arithmetic3A_337 {strides = array<i32>} : memref<128xi32, #tpu.memory_space<vmem>>, vector<16xi32>,
    %get3A_340 = arith.constant 144 : index
    %get3A_341 = tpu.vector_load %arg9[%get3A_340] {strides = array<i32>} : memref<528xi32, #tpu.memory_space<vmem>>, vector<16xi32>,
    %shift_right_arithmetic3A_342 = arith.constant 7 : i32
    %shift_right_arithmetic3A_343 = vector.broadcast %shift_right_arithmetic3A_342 : i32 to vector<16xi32>
    %shift_right_arithmetic3A_344 = arith.shrsi %get3A_341, %shift_right_arithmetic3A_343 : vector<16xi32>
    %swap3A_345 = arith.constant 16 : index
    %swap3A_346 = tpu.vector_load %arg13[%swap3A_345] {strides = array<i32>} : memref<128xi32, #tpu.memory_space<vmem>>, vector<16xi32>,
    tpu.vector_store %arg13[%swap3A_345], %shift_right_arithmetic3A_344 {strides = array<i32>} : memref<128xi32, #tpu.memory_space<vmem>>, vector<16xi32>,
    %get3A_347 = arith.constant 160 : index
    %get3A_348 = tpu.vector_load %arg9[%get3A_347] {strides = array<i32>} : memref<528xi32, #tpu.memory_space<vmem>>, vector<16xi32>,
    %shift_right_arithmetic3A_349 = arith.constant 7 : i32
    %shift_right_arithmetic3A_350 = vector.broadcast %shift_right_arithmetic3A_349 : i32 to vector<16xi32>
    %shift_right_arithmetic3A_351 = arith.shrsi %get3A_348, %shift_right_arithmetic3A_350 : vector<16xi32>
    %swap3A_352 = arith.constant 32 : index
    %swap3A_353 = tpu.vector_load %arg13[%swap3A_352] {strides = array<i32>} : memref<128xi32, #tpu.memory_space<vmem>>, vector<16xi32>,
    tpu.vector_store %arg13[%swap3A_352], %shift_right_arithmetic3A_351 {strides = array<i32>} : memref<128xi32, #tpu.memory_space<vmem>>, vector<16xi32>,
    %get3A_354 = arith.constant 176 : index
    %get3A_355 = tpu.vector_load %arg9[%get3A_354] {strides = array<i32>} : memref<528xi32, #tpu.memory_space<vmem>>, vector<16xi32>,
    %shift_right_arithmetic3A_356 = arith.constant 7 : i32
    %shift_right_arithmetic3A_357 = vector.broadcast %shift_right_arithmetic3A_356 : i32 to vector<16xi32>
    %shift_right_arithmetic3A_358 = arith.shrsi %get3A_355, %shift_right_arithmetic3A_357 : vector<16xi32>
    %swap3A_359 = arith.constant 48 : index
    %swap3A_360 = tpu.vector_load %arg13[%swap3A_359] {strides = array<i32>} : memref<128xi32, #tpu.memory_space<vmem>>, vector<16xi32>,
    tpu.vector_store %arg13[%swap3A_359], %shift_right_arithmetic3A_358 {strides = array<i32>} : memref<128xi32, #tpu.memory_space<vmem>>, vector<16xi32>,
    %get3A_361 = arith.constant 192 : index
    %get3A_362 = tpu.vector_load %arg9[%get3A_361] {strides = array<i32>} : memref<528xi32, #tpu.memory_space<vmem>>, vector<16xi32>,
    %shift_right_arithmetic3A_363 = arith.constant 7 : i32
    %shift_right_arithmetic3A_364 = vector.broadcast %shift_right_arithmetic3A_363 : i32 to vector<16xi32>
    %shift_right_arithmetic3A_365 = arith.shrsi %get3A_362, %shift_right_arithmetic3A_364 : vector<16xi32>
    %swap3A_366 = arith.constant 64 : index
    %swap3A_367 = tpu.vector_load %arg13[%swap3A_366] {strides = array<i32>} : memref<128xi32, #tpu.memory_space<vmem>>, vector<16xi32>,
    tpu.vector_store %arg13[%swap3A_366], %shift_right_arithmetic3A_365 {strides = array<i32>} : memref<128xi32, #tpu.memory_space<vmem>>, vector<16xi32>,
    %get3A_368 = arith.constant 208 : index
    %get3A_369 = tpu.vector_load %arg9[%get3A_368] {strides = array<i32>} : memref<528xi32, #tpu.memory_space<vmem>>, vector<16xi32>,
    %shift_right_arithmetic3A_370 = arith.constant 7 : i32
    %shift_right_arithmetic3A_371 = vector.broadcast %shift_right_arithmetic3A_370 : i32 to vector<16xi32>
    %shift_right_arithmetic3A_372 = arith.shrsi %get3A_369, %shift_right_arithmetic3A_371 : vector<16xi32>
    %swap3A_373 = arith.constant 80 : index
    %swap3A_374 = tpu.vector_load %arg13[%swap3A_373] {strides = array<i32>} : memref<128xi32, #tpu.memory_space<vmem>>, vector<16xi32>,
    tpu.vector_store %arg13[%swap3A_373], %shift_right_arithmetic3A_372 {strides = array<i32>} : memref<128xi32, #tpu.memory_space<vmem>>, vector<16xi32>,
    %get3A_375 = arith.constant 224 : index
    %get3A_376 = tpu.vector_load %arg9[%get3A_375] {strides = array<i32>} : memref<528xi32, #tpu.memory_space<vmem>>, vector<16xi32>,
    %shift_right_arithmetic3A_377 = arith.constant 7 : i32
    %shift_right_arithmetic3A_378 = vector.broadcast %shift_right_arithmetic3A_377 : i32 to vector<16xi32>
    %shift_right_arithmetic3A_379 = arith.shrsi %get3A_376, %shift_right_arithmetic3A_378 : vector<16xi32>
    %swap3A_380 = arith.constant 96 : index
    %swap3A_381 = tpu.vector_load %arg13[%swap3A_380] {strides = array<i32>} : memref<128xi32, #tpu.memory_space<vmem>>, vector<16xi32>,
    tpu.vector_store %arg13[%swap3A_380], %shift_right_arithmetic3A_379 {strides = array<i32>} : memref<128xi32, #tpu.memory_space<vmem>>, vector<16xi32>,
    %get3A_382 = arith.constant 240 : index
    %get3A_383 = tpu.vector_load %arg9[%get3A_382] {strides = array<i32>} : memref<528xi32, #tpu.memory_space<vmem>>, vector<16xi32>,
    %shift_right_arithmetic3A_384 = arith.constant 7 : i32
    %shift_right_arithmetic3A_385 = vector.broadcast %shift_right_arithmetic3A_384 : i32 to vector<16xi32>
    %shift_right_arithmetic3A_386 = arith.shrsi %get3A_383, %shift_right_arithmetic3A_385 : vector<16xi32>
    %swap3A_387 = arith.constant 112 : index
    %swap3A_388 = tpu.vector_load %arg13[%swap3A_387] {strides = array<i32>} : memref<128xi32, #tpu.memory_space<vmem>>, vector<16xi32>,
    tpu.vector_store %arg13[%swap3A_387], %shift_right_arithmetic3A_386 {strides = array<i32>} : memref<128xi32, #tpu.memory_space<vmem>>, vector<16xi32>,
    %dma_start3A_389 = arith.constant 0 : i32
    %dma_start3A_390 = arith.constant 0 : i32
    %dma_start3A_391 = tpu.memref_slice %arg6[%dma_start3A_389, %dma_start3A_390] : memref<7816x128xf32, #tpu.memory_space<hbm>> -> memref<7816x128xf32, #tpu.memory_space<hbm>>
    tpu.enqueue_indirect_dma source(%dma_start3A_391 : memref<7816x128xf32, #tpu.memory_space<hbm>>) target(%arg12 : memref<128x128xf32, #tpu.memory_space<vmem>>) offsets(%arg13 : memref<128xi32, #tpu.memory_space<vmem>>) semaphore(%arg20 : memref<!tpu.dma_semaphore, #tpu.memory_space<semaphore_mem>>)
    %dma_wait3A_392 = arith.constant 0 : i32
    %dma_wait3A_393 = arith.constant 0 : i32
    %dma_wait3A_394 = tpu.memref_slice %arg6[%dma_wait3A_392, %dma_wait3A_393] : memref<7816x128xf32, #tpu.memory_space<hbm>> -> memref<7816x128xf32, #tpu.memory_space<hbm>>
    tpu.wait_indirect_dma semaphore(%arg20 : memref<!tpu.dma_semaphore, #tpu.memory_space<semaphore_mem>>) src(%dma_wait3A_394 : memref<7816x128xf32, #tpu.memory_space<hbm>>) dst(%arg12 : memref<128x128xf32, #tpu.memory_space<vmem>>)
    %get3A_395 = arith.constant 128 : index
    %get3A_396 = tpu.vector_load %arg9[%get3A_395] {strides = array<i32>} : memref<528xi32, #tpu.memory_space<vmem>>, vector<16xi32>,
    %add3A_397 = arith.constant 0 : i32
    %add3A_398 = vector.broadcast %add3A_397 : i32 to vector<16xi32>
    %add3A_399 = arith.addi %add3A_398, %iota3A : vector<16xi32>
    %and3A_400 = arith.constant 127 : i32
    %and3A_401 = vector.broadcast %and3A_400 : i32 to vector<16xi32>
    %and3A_402 = arith.andi %get3A_396, %and3A_401 : vector<16xi32>
    %gather3A_403 = tpu.vector_load_idx %arg12[%add3A_399, %and3A_402] : memref<128x128xf32, #tpu.memory_space<vmem>>[vector<16xi32>, vector<16xi32>], vector<16xf32>,
    %swap3A_404 = arith.constant 128 : index
    %swap3A_405 = tpu.vector_load %arg14[%swap3A_404] {strides = array<i32>} : memref<512xf32, #tpu.memory_space<vmem>>, vector<16xf32>,
    tpu.vector_store %arg14[%swap3A_404], %gather3A_403 {strides = array<i32>} : memref<512xf32, #tpu.memory_space<vmem>>, vector<16xf32>,
    %get3A_406 = arith.constant 144 : index
    %get3A_407 = tpu.vector_load %arg9[%get3A_406] {strides = array<i32>} : memref<528xi32, #tpu.memory_space<vmem>>, vector<16xi32>,
    %add3A_408 = arith.constant 16 : i32
    %add3A_409 = vector.broadcast %add3A_408 : i32 to vector<16xi32>
    %add3A_410 = arith.addi %add3A_409, %iota3A : vector<16xi32>
    %and3A_411 = arith.constant 127 : i32
    %and3A_412 = vector.broadcast %and3A_411 : i32 to vector<16xi32>
    %and3A_413 = arith.andi %get3A_407, %and3A_412 : vector<16xi32>
    %gather3A_414 = tpu.vector_load_idx %arg12[%add3A_410, %and3A_413] : memref<128x128xf32, #tpu.memory_space<vmem>>[vector<16xi32>, vector<16xi32>], vector<16xf32>,
    %swap3A_415 = arith.constant 144 : index
    %swap3A_416 = tpu.vector_load %arg14[%swap3A_415] {strides = array<i32>} : memref<512xf32, #tpu.memory_space<vmem>>, vector<16xf32>,
    tpu.vector_store %arg14[%swap3A_415], %gather3A_414 {strides = array<i32>} : memref<512xf32, #tpu.memory_space<vmem>>, vector<16xf32>,
    %get3A_417 = arith.constant 160 : index
    %get3A_418 = tpu.vector_load %arg9[%get3A_417] {strides = array<i32>} : memref<528xi32, #tpu.memory_space<vmem>>, vector<16xi32>,
    %add3A_419 = arith.constant 32 : i32
    %add3A_420 = vector.broadcast %add3A_419 : i32 to vector<16xi32>
    %add3A_421 = arith.addi %add3A_420, %iota3A : vector<16xi32>
    %and3A_422 = arith.constant 127 : i32
    %and3A_423 = vector.broadcast %and3A_422 : i32 to vector<16xi32>
    %and3A_424 = arith.andi %get3A_418, %and3A_423 : vector<16xi32>
    %gather3A_425 = tpu.vector_load_idx %arg12[%add3A_421, %and3A_424] : memref<128x128xf32, #tpu.memory_space<vmem>>[vector<16xi32>, vector<16xi32>], vector<16xf32>,
    %swap3A_426 = arith.constant 160 : index
    %swap3A_427 = tpu.vector_load %arg14[%swap3A_426] {strides = array<i32>} : memref<512xf32, #tpu.memory_space<vmem>>, vector<16xf32>,
    tpu.vector_store %arg14[%swap3A_426], %gather3A_425 {strides = array<i32>} : memref<512xf32, #tpu.memory_space<vmem>>, vector<16xf32>,
    %get3A_428 = arith.constant 176 : index
    %get3A_429 = tpu.vector_load %arg9[%get3A_428] {strides = array<i32>} : memref<528xi32, #tpu.memory_space<vmem>>, vector<16xi32>,
    %add3A_430 = arith.constant 48 : i32
    %add3A_431 = vector.broadcast %add3A_430 : i32 to vector<16xi32>
    %add3A_432 = arith.addi %add3A_431, %iota3A : vector<16xi32>
    %and3A_433 = arith.constant 127 : i32
    %and3A_434 = vector.broadcast %and3A_433 : i32 to vector<16xi32>
    %and3A_435 = arith.andi %get3A_429, %and3A_434 : vector<16xi32>
    %gather3A_436 = tpu.vector_load_idx %arg12[%add3A_432, %and3A_435] : memref<128x128xf32, #tpu.memory_space<vmem>>[vector<16xi32>, vector<16xi32>], vector<16xf32>,
    %swap3A_437 = arith.constant 176 : index
    %swap3A_438 = tpu.vector_load %arg14[%swap3A_437] {strides = array<i32>} : memref<512xf32, #tpu.memory_space<vmem>>, vector<16xf32>,
    tpu.vector_store %arg14[%swap3A_437], %gather3A_436 {strides = array<i32>} : memref<512xf32, #tpu.memory_space<vmem>>, vector<16xf32>,
    %get3A_439 = arith.constant 192 : index
    %get3A_440 = tpu.vector_load %arg9[%get3A_439] {strides = array<i32>} : memref<528xi32, #tpu.memory_space<vmem>>, vector<16xi32>,
    %add3A_441 = arith.constant 64 : i32
    %add3A_442 = vector.broadcast %add3A_441 : i32 to vector<16xi32>
    %add3A_443 = arith.addi %add3A_442, %iota3A : vector<16xi32>
    %and3A_444 = arith.constant 127 : i32
    %and3A_445 = vector.broadcast %and3A_444 : i32 to vector<16xi32>
    %and3A_446 = arith.andi %get3A_440, %and3A_445 : vector<16xi32>
    %gather3A_447 = tpu.vector_load_idx %arg12[%add3A_443, %and3A_446] : memref<128x128xf32, #tpu.memory_space<vmem>>[vector<16xi32>, vector<16xi32>], vector<16xf32>,
    %swap3A_448 = arith.constant 192 : index
    %swap3A_449 = tpu.vector_load %arg14[%swap3A_448] {strides = array<i32>} : memref<512xf32, #tpu.memory_space<vmem>>, vector<16xf32>,
    tpu.vector_store %arg14[%swap3A_448], %gather3A_447 {strides = array<i32>} : memref<512xf32, #tpu.memory_space<vmem>>, vector<16xf32>,
    %get3A_450 = arith.constant 208 : index
    %get3A_451 = tpu.vector_load %arg9[%get3A_450] {strides = array<i32>} : memref<528xi32, #tpu.memory_space<vmem>>, vector<16xi32>,
    %add3A_452 = arith.constant 80 : i32
    %add3A_453 = vector.broadcast %add3A_452 : i32 to vector<16xi32>
    %add3A_454 = arith.addi %add3A_453, %iota3A : vector<16xi32>
    %and3A_455 = arith.constant 127 : i32
    %and3A_456 = vector.broadcast %and3A_455 : i32 to vector<16xi32>
    %and3A_457 = arith.andi %get3A_451, %and3A_456 : vector<16xi32>
    %gather3A_458 = tpu.vector_load_idx %arg12[%add3A_454, %and3A_457] : memref<128x128xf32, #tpu.memory_space<vmem>>[vector<16xi32>, vector<16xi32>], vector<16xf32>,
    %swap3A_459 = arith.constant 208 : index
    %swap3A_460 = tpu.vector_load %arg14[%swap3A_459] {strides = array<i32>} : memref<512xf32, #tpu.memory_space<vmem>>, vector<16xf32>,
    tpu.vector_store %arg14[%swap3A_459], %gather3A_458 {strides = array<i32>} : memref<512xf32, #tpu.memory_space<vmem>>, vector<16xf32>,
    %get3A_461 = arith.constant 224 : index
    %get3A_462 = tpu.vector_load %arg9[%get3A_461] {strides = array<i32>} : memref<528xi32, #tpu.memory_space<vmem>>, vector<16xi32>,
    %add3A_463 = arith.constant 96 : i32
    %add3A_464 = vector.broadcast %add3A_463 : i32 to vector<16xi32>
    %add3A_465 = arith.addi %add3A_464, %iota3A : vector<16xi32>
    %and3A_466 = arith.constant 127 : i32
    %and3A_467 = vector.broadcast %and3A_466 : i32 to vector<16xi32>
    %and3A_468 = arith.andi %get3A_462, %and3A_467 : vector<16xi32>
    %gather3A_469 = tpu.vector_load_idx %arg12[%add3A_465, %and3A_468] : memref<128x128xf32, #tpu.memory_space<vmem>>[vector<16xi32>, vector<16xi32>], vector<16xf32>,
    %swap3A_470 = arith.constant 224 : index
    %swap3A_471 = tpu.vector_load %arg14[%swap3A_470] {strides = array<i32>} : memref<512xf32, #tpu.memory_space<vmem>>, vector<16xf32>,
    tpu.vector_store %arg14[%swap3A_470], %gather3A_469 {strides = array<i32>} : memref<512xf32, #tpu.memory_space<vmem>>, vector<16xf32>,
    %get3A_472 = arith.constant 240 : index
    %get3A_473 = tpu.vector_load %arg9[%get3A_472] {strides = array<i32>} : memref<528xi32, #tpu.memory_space<vmem>>, vector<16xi32>,
    %add3A_474 = arith.constant 112 : i32
    %add3A_475 = vector.broadcast %add3A_474 : i32 to vector<16xi32>
    %add3A_476 = arith.addi %add3A_475, %iota3A : vector<16xi32>
    %and3A_477 = arith.constant 127 : i32
    %and3A_478 = vector.broadcast %and3A_477 : i32 to vector<16xi32>
    %and3A_479 = arith.andi %get3A_473, %and3A_478 : vector<16xi32>
    %gather3A_480 = tpu.vector_load_idx %arg12[%add3A_476, %and3A_479] : memref<128x128xf32, #tpu.memory_space<vmem>>[vector<16xi32>, vector<16xi32>], vector<16xf32>,
    %swap3A_481 = arith.constant 240 : index
    %swap3A_482 = tpu.vector_load %arg14[%swap3A_481] {strides = array<i32>} : memref<512xf32, #tpu.memory_space<vmem>>, vector<16xf32>,
    tpu.vector_store %arg14[%swap3A_481], %gather3A_480 {strides = array<i32>} : memref<512xf32, #tpu.memory_space<vmem>>, vector<16xf32>,
    %get3A_483 = arith.constant 256 : index
    %get3A_484 = tpu.vector_load %arg9[%get3A_483] {strides = array<i32>} : memref<528xi32, #tpu.memory_space<vmem>>, vector<16xi32>,
    %shift_right_arithmetic3A_485 = arith.constant 7 : i32
    %shift_right_arithmetic3A_486 = vector.broadcast %shift_right_arithmetic3A_485 : i32 to vector<16xi32>
    %shift_right_arithmetic3A_487 = arith.shrsi %get3A_484, %shift_right_arithmetic3A_486 : vector<16xi32>
    %swap3A_488 = arith.constant 0 : index
    %swap3A_489 = tpu.vector_load %arg13[%swap3A_488] {strides = array<i32>} : memref<128xi32, #tpu.memory_space<vmem>>, vector<16xi32>,
    tpu.vector_store %arg13[%swap3A_488], %shift_right_arithmetic3A_487 {strides = array<i32>} : memref<128xi32, #tpu.memory_space<vmem>>, vector<16xi32>,
    %get3A_490 = arith.constant 272 : index
    %get3A_491 = tpu.vector_load %arg9[%get3A_490] {strides = array<i32>} : memref<528xi32, #tpu.memory_space<vmem>>, vector<16xi32>,
    %shift_right_arithmetic3A_492 = arith.constant 7 : i32
    %shift_right_arithmetic3A_493 = vector.broadcast %shift_right_arithmetic3A_492 : i32 to vector<16xi32>
    %shift_right_arithmetic3A_494 = arith.shrsi %get3A_491, %shift_right_arithmetic3A_493 : vector<16xi32>
    %swap3A_495 = arith.constant 16 : index
    %swap3A_496 = tpu.vector_load %arg13[%swap3A_495] {strides = array<i32>} : memref<128xi32, #tpu.memory_space<vmem>>, vector<16xi32>,
    tpu.vector_store %arg13[%swap3A_495], %shift_right_arithmetic3A_494 {strides = array<i32>} : memref<128xi32, #tpu.memory_space<vmem>>, vector<16xi32>,
    %get3A_497 = arith.constant 288 : index
    %get3A_498 = tpu.vector_load %arg9[%get3A_497] {strides = array<i32>} : memref<528xi32, #tpu.memory_space<vmem>>, vector<16xi32>,
    %shift_right_arithmetic3A_499 = arith.constant 7 : i32
    %shift_right_arithmetic3A_500 = vector.broadcast %shift_right_arithmetic3A_499 : i32 to vector<16xi32>
    %shift_right_arithmetic3A_501 = arith.shrsi %get3A_498, %shift_right_arithmetic3A_500 : vector<16xi32>
    %swap3A_502 = arith.constant 32 : index
    %swap3A_503 = tpu.vector_load %arg13[%swap3A_502] {strides = array<i32>} : memref<128xi32, #tpu.memory_space<vmem>>, vector<16xi32>,
    tpu.vector_store %arg13[%swap3A_502], %shift_right_arithmetic3A_501 {strides = array<i32>} : memref<128xi32, #tpu.memory_space<vmem>>, vector<16xi32>,
    %get3A_504 = arith.constant 304 : index
    %get3A_505 = tpu.vector_load %arg9[%get3A_504] {strides = array<i32>} : memref<528xi32, #tpu.memory_space<vmem>>, vector<16xi32>,
    %shift_right_arithmetic3A_506 = arith.constant 7 : i32
    %shift_right_arithmetic3A_507 = vector.broadcast %shift_right_arithmetic3A_506 : i32 to vector<16xi32>
    %shift_right_arithmetic3A_508 = arith.shrsi %get3A_505, %shift_right_arithmetic3A_507 : vector<16xi32>
    %swap3A_509 = arith.constant 48 : index
    %swap3A_510 = tpu.vector_load %arg13[%swap3A_509] {strides = array<i32>} : memref<128xi32, #tpu.memory_space<vmem>>, vector<16xi32>,
    tpu.vector_store %arg13[%swap3A_509], %shift_right_arithmetic3A_508 {strides = array<i32>} : memref<128xi32, #tpu.memory_space<vmem>>, vector<16xi32>,
    %get3A_511 = arith.constant 320 : index
    %get3A_512 = tpu.vector_load %arg9[%get3A_511] {strides = array<i32>} : memref<528xi32, #tpu.memory_space<vmem>>, vector<16xi32>,
    %shift_right_arithmetic3A_513 = arith.constant 7 : i32
    %shift_right_arithmetic3A_514 = vector.broadcast %shift_right_arithmetic3A_513 : i32 to vector<16xi32>
    %shift_right_arithmetic3A_515 = arith.shrsi %get3A_512, %shift_right_arithmetic3A_514 : vector<16xi32>
    %swap3A_516 = arith.constant 64 : index
    %swap3A_517 = tpu.vector_load %arg13[%swap3A_516] {strides = array<i32>} : memref<128xi32, #tpu.memory_space<vmem>>, vector<16xi32>,
    tpu.vector_store %arg13[%swap3A_516], %shift_right_arithmetic3A_515 {strides = array<i32>} : memref<128xi32, #tpu.memory_space<vmem>>, vector<16xi32>,
    %get3A_518 = arith.constant 336 : index
    %get3A_519 = tpu.vector_load %arg9[%get3A_518] {strides = array<i32>} : memref<528xi32, #tpu.memory_space<vmem>>, vector<16xi32>,
    %shift_right_arithmetic3A_520 = arith.constant 7 : i32
    %shift_right_arithmetic3A_521 = vector.broadcast %shift_right_arithmetic3A_520 : i32 to vector<16xi32>
    %shift_right_arithmetic3A_522 = arith.shrsi %get3A_519, %shift_right_arithmetic3A_521 : vector<16xi32>
    %swap3A_523 = arith.constant 80 : index
    %swap3A_524 = tpu.vector_load %arg13[%swap3A_523] {strides = array<i32>} : memref<128xi32, #tpu.memory_space<vmem>>, vector<16xi32>,
    tpu.vector_store %arg13[%swap3A_523], %shift_right_arithmetic3A_522 {strides = array<i32>} : memref<128xi32, #tpu.memory_space<vmem>>, vector<16xi32>,
    %get3A_525 = arith.constant 352 : index
    %get3A_526 = tpu.vector_load %arg9[%get3A_525] {strides = array<i32>} : memref<528xi32, #tpu.memory_space<vmem>>, vector<16xi32>,
    %shift_right_arithmetic3A_527 = arith.constant 7 : i32
    %shift_right_arithmetic3A_528 = vector.broadcast %shift_right_arithmetic3A_527 : i32 to vector<16xi32>
    %shift_right_arithmetic3A_529 = arith.shrsi %get3A_526, %shift_right_arithmetic3A_528 : vector<16xi32>
    %swap3A_530 = arith.constant 96 : index
    %swap3A_531 = tpu.vector_load %arg13[%swap3A_530] {strides = array<i32>} : memref<128xi32, #tpu.memory_space<vmem>>, vector<16xi32>,
    tpu.vector_store %arg13[%swap3A_530], %shift_right_arithmetic3A_529 {strides = array<i32>} : memref<128xi32, #tpu.memory_space<vmem>>, vector<16xi32>,
    %get3A_532 = arith.constant 368 : index
    %get3A_533 = tpu.vector_load %arg9[%get3A_532] {strides = array<i32>} : memref<528xi32, #tpu.memory_space<vmem>>, vector<16xi32>,
    %shift_right_arithmetic3A_534 = arith.constant 7 : i32
    %shift_right_arithmetic3A_535 = vector.broadcast %shift_right_arithmetic3A_534 : i32 to vector<16xi32>
    %shift_right_arithmetic3A_536 = arith.shrsi %get3A_533, %shift_right_arithmetic3A_535 : vector<16xi32>
    %swap3A_537 = arith.constant 112 : index
    %swap3A_538 = tpu.vector_load %arg13[%swap3A_537] {strides = array<i32>} : memref<128xi32, #tpu.memory_space<vmem>>, vector<16xi32>,
    tpu.vector_store %arg13[%swap3A_537], %shift_right_arithmetic3A_536 {strides = array<i32>} : memref<128xi32, #tpu.memory_space<vmem>>, vector<16xi32>,
    %dma_start3A_539 = arith.constant 0 : i32
    %dma_start3A_540 = arith.constant 0 : i32
    %dma_start3A_541 = tpu.memref_slice %arg6[%dma_start3A_539, %dma_start3A_540] : memref<7816x128xf32, #tpu.memory_space<hbm>> -> memref<7816x128xf32, #tpu.memory_space<hbm>>
    tpu.enqueue_indirect_dma source(%dma_start3A_541 : memref<7816x128xf32, #tpu.memory_space<hbm>>) target(%arg12 : memref<128x128xf32, #tpu.memory_space<vmem>>) offsets(%arg13 : memref<128xi32, #tpu.memory_space<vmem>>) semaphore(%arg20 : memref<!tpu.dma_semaphore, #tpu.memory_space<semaphore_mem>>)
    %dma_wait3A_542 = arith.constant 0 : i32
    %dma_wait3A_543 = arith.constant 0 : i32
    %dma_wait3A_544 = tpu.memref_slice %arg6[%dma_wait3A_542, %dma_wait3A_543] : memref<7816x128xf32, #tpu.memory_space<hbm>> -> memref<7816x128xf32, #tpu.memory_space<hbm>>
    tpu.wait_indirect_dma semaphore(%arg20 : memref<!tpu.dma_semaphore, #tpu.memory_space<semaphore_mem>>) src(%dma_wait3A_544 : memref<7816x128xf32, #tpu.memory_space<hbm>>) dst(%arg12 : memref<128x128xf32, #tpu.memory_space<vmem>>)
    %get3A_545 = arith.constant 256 : index
    %get3A_546 = tpu.vector_load %arg9[%get3A_545] {strides = array<i32>} : memref<528xi32, #tpu.memory_space<vmem>>, vector<16xi32>,
    %add3A_547 = arith.constant 0 : i32
    %add3A_548 = vector.broadcast %add3A_547 : i32 to vector<16xi32>
    %add3A_549 = arith.addi %add3A_548, %iota3A : vector<16xi32>
    %and3A_550 = arith.constant 127 : i32
    %and3A_551 = vector.broadcast %and3A_550 : i32 to vector<16xi32>
    %and3A_552 = arith.andi %get3A_546, %and3A_551 : vector<16xi32>
    %gather3A_553 = tpu.vector_load_idx %arg12[%add3A_549, %and3A_552] : memref<128x128xf32, #tpu.memory_space<vmem>>[vector<16xi32>, vector<16xi32>], vector<16xf32>,
    %swap3A_554 = arith.constant 256 : index
    %swap3A_555 = tpu.vector_load %arg14[%swap3A_554] {strides = array<i32>} : memref<512xf32, #tpu.memory_space<vmem>>, vector<16xf32>,
    tpu.vector_store %arg14[%swap3A_554], %gather3A_553 {strides = array<i32>} : memref<512xf32, #tpu.memory_space<vmem>>, vector<16xf32>,
    %get3A_556 = arith.constant 272 : index
    %get3A_557 = tpu.vector_load %arg9[%get3A_556] {strides = array<i32>} : memref<528xi32, #tpu.memory_space<vmem>>, vector<16xi32>,
    %add3A_558 = arith.constant 16 : i32
    %add3A_559 = vector.broadcast %add3A_558 : i32 to vector<16xi32>
    %add3A_560 = arith.addi %add3A_559, %iota3A : vector<16xi32>
    %and3A_561 = arith.constant 127 : i32
    %and3A_562 = vector.broadcast %and3A_561 : i32 to vector<16xi32>
    %and3A_563 = arith.andi %get3A_557, %and3A_562 : vector<16xi32>
    %gather3A_564 = tpu.vector_load_idx %arg12[%add3A_560, %and3A_563] : memref<128x128xf32, #tpu.memory_space<vmem>>[vector<16xi32>, vector<16xi32>], vector<16xf32>,
    %swap3A_565 = arith.constant 272 : index
    %swap3A_566 = tpu.vector_load %arg14[%swap3A_565] {strides = array<i32>} : memref<512xf32, #tpu.memory_space<vmem>>, vector<16xf32>,
    tpu.vector_store %arg14[%swap3A_565], %gather3A_564 {strides = array<i32>} : memref<512xf32, #tpu.memory_space<vmem>>, vector<16xf32>,
    %get3A_567 = arith.constant 288 : index
    %get3A_568 = tpu.vector_load %arg9[%get3A_567] {strides = array<i32>} : memref<528xi32, #tpu.memory_space<vmem>>, vector<16xi32>,
    %add3A_569 = arith.constant 32 : i32
    %add3A_570 = vector.broadcast %add3A_569 : i32 to vector<16xi32>
    %add3A_571 = arith.addi %add3A_570, %iota3A : vector<16xi32>
    %and3A_572 = arith.constant 127 : i32
    %and3A_573 = vector.broadcast %and3A_572 : i32 to vector<16xi32>
    %and3A_574 = arith.andi %get3A_568, %and3A_573 : vector<16xi32>
    %gather3A_575 = tpu.vector_load_idx %arg12[%add3A_571, %and3A_574] : memref<128x128xf32, #tpu.memory_space<vmem>>[vector<16xi32>, vector<16xi32>], vector<16xf32>,
    %swap3A_576 = arith.constant 288 : index
    %swap3A_577 = tpu.vector_load %arg14[%swap3A_576] {strides = array<i32>} : memref<512xf32, #tpu.memory_space<vmem>>, vector<16xf32>,
    tpu.vector_store %arg14[%swap3A_576], %gather3A_575 {strides = array<i32>} : memref<512xf32, #tpu.memory_space<vmem>>, vector<16xf32>,
    %get3A_578 = arith.constant 304 : index
    %get3A_579 = tpu.vector_load %arg9[%get3A_578] {strides = array<i32>} : memref<528xi32, #tpu.memory_space<vmem>>, vector<16xi32>,
    %add3A_580 = arith.constant 48 : i32
    %add3A_581 = vector.broadcast %add3A_580 : i32 to vector<16xi32>
    %add3A_582 = arith.addi %add3A_581, %iota3A : vector<16xi32>
    %and3A_583 = arith.constant 127 : i32
    %and3A_584 = vector.broadcast %and3A_583 : i32 to vector<16xi32>
    %and3A_585 = arith.andi %get3A_579, %and3A_584 : vector<16xi32>
    %gather3A_586 = tpu.vector_load_idx %arg12[%add3A_582, %and3A_585] : memref<128x128xf32, #tpu.memory_space<vmem>>[vector<16xi32>, vector<16xi32>], vector<16xf32>,
    %swap3A_587 = arith.constant 304 : index
    %swap3A_588 = tpu.vector_load %arg14[%swap3A_587] {strides = array<i32>} : memref<512xf32, #tpu.memory_space<vmem>>, vector<16xf32>,
    tpu.vector_store %arg14[%swap3A_587], %gather3A_586 {strides = array<i32>} : memref<512xf32, #tpu.memory_space<vmem>>, vector<16xf32>,
    %get3A_589 = arith.constant 320 : index
    %get3A_590 = tpu.vector_load %arg9[%get3A_589] {strides = array<i32>} : memref<528xi32, #tpu.memory_space<vmem>>, vector<16xi32>,
    %add3A_591 = arith.constant 64 : i32
    %add3A_592 = vector.broadcast %add3A_591 : i32 to vector<16xi32>
    %add3A_593 = arith.addi %add3A_592, %iota3A : vector<16xi32>
    %and3A_594 = arith.constant 127 : i32
    %and3A_595 = vector.broadcast %and3A_594 : i32 to vector<16xi32>
    %and3A_596 = arith.andi %get3A_590, %and3A_595 : vector<16xi32>
    %gather3A_597 = tpu.vector_load_idx %arg12[%add3A_593, %and3A_596] : memref<128x128xf32, #tpu.memory_space<vmem>>[vector<16xi32>, vector<16xi32>], vector<16xf32>,
    %swap3A_598 = arith.constant 320 : index
    %swap3A_599 = tpu.vector_load %arg14[%swap3A_598] {strides = array<i32>} : memref<512xf32, #tpu.memory_space<vmem>>, vector<16xf32>,
    tpu.vector_store %arg14[%swap3A_598], %gather3A_597 {strides = array<i32>} : memref<512xf32, #tpu.memory_space<vmem>>, vector<16xf32>,
    %get3A_600 = arith.constant 336 : index
    %get3A_601 = tpu.vector_load %arg9[%get3A_600] {strides = array<i32>} : memref<528xi32, #tpu.memory_space<vmem>>, vector<16xi32>,
    %add3A_602 = arith.constant 80 : i32
    %add3A_603 = vector.broadcast %add3A_602 : i32 to vector<16xi32>
    %add3A_604 = arith.addi %add3A_603, %iota3A : vector<16xi32>
    %and3A_605 = arith.constant 127 : i32
    %and3A_606 = vector.broadcast %and3A_605 : i32 to vector<16xi32>
    %and3A_607 = arith.andi %get3A_601, %and3A_606 : vector<16xi32>
    %gather3A_608 = tpu.vector_load_idx %arg12[%add3A_604, %and3A_607] : memref<128x128xf32, #tpu.memory_space<vmem>>[vector<16xi32>, vector<16xi32>], vector<16xf32>,
    %swap3A_609 = arith.constant 336 : index
    %swap3A_610 = tpu.vector_load %arg14[%swap3A_609] {strides = array<i32>} : memref<512xf32, #tpu.memory_space<vmem>>, vector<16xf32>,
    tpu.vector_store %arg14[%swap3A_609], %gather3A_608 {strides = array<i32>} : memref<512xf32, #tpu.memory_space<vmem>>, vector<16xf32>,
    %get3A_611 = arith.constant 352 : index
    %get3A_612 = tpu.vector_load %arg9[%get3A_611] {strides = array<i32>} : memref<528xi32, #tpu.memory_space<vmem>>, vector<16xi32>,
    %add3A_613 = arith.constant 96 : i32
    %add3A_614 = vector.broadcast %add3A_613 : i32 to vector<16xi32>
    %add3A_615 = arith.addi %add3A_614, %iota3A : vector<16xi32>
    %and3A_616 = arith.constant 127 : i32
    %and3A_617 = vector.broadcast %and3A_616 : i32 to vector<16xi32>
    %and3A_618 = arith.andi %get3A_612, %and3A_617 : vector<16xi32>
    %gather3A_619 = tpu.vector_load_idx %arg12[%add3A_615, %and3A_618] : memref<128x128xf32, #tpu.memory_space<vmem>>[vector<16xi32>, vector<16xi32>], vector<16xf32>,
    %swap3A_620 = arith.constant 352 : index
    %swap3A_621 = tpu.vector_load %arg14[%swap3A_620] {strides = array<i32>} : memref<512xf32, #tpu.memory_space<vmem>>, vector<16xf32>,
    tpu.vector_store %arg14[%swap3A_620], %gather3A_619 {strides = array<i32>} : memref<512xf32, #tpu.memory_space<vmem>>, vector<16xf32>,
    %get3A_622 = arith.constant 368 : index
    %get3A_623 = tpu.vector_load %arg9[%get3A_622] {strides = array<i32>} : memref<528xi32, #tpu.memory_space<vmem>>, vector<16xi32>,
    %add3A_624 = arith.constant 112 : i32
    %add3A_625 = vector.broadcast %add3A_624 : i32 to vector<16xi32>
    %add3A_626 = arith.addi %add3A_625, %iota3A : vector<16xi32>
    %and3A_627 = arith.constant 127 : i32
    %and3A_628 = vector.broadcast %and3A_627 : i32 to vector<16xi32>
    %and3A_629 = arith.andi %get3A_623, %and3A_628 : vector<16xi32>
    %gather3A_630 = tpu.vector_load_idx %arg12[%add3A_626, %and3A_629] : memref<128x128xf32, #tpu.memory_space<vmem>>[vector<16xi32>, vector<16xi32>], vector<16xf32>,
    %swap3A_631 = arith.constant 368 : index
    %swap3A_632 = tpu.vector_load %arg14[%swap3A_631] {strides = array<i32>} : memref<512xf32, #tpu.memory_space<vmem>>, vector<16xf32>,
    tpu.vector_store %arg14[%swap3A_631], %gather3A_630 {strides = array<i32>} : memref<512xf32, #tpu.memory_space<vmem>>, vector<16xf32>,
    %get3A_633 = arith.constant 384 : index
    %get3A_634 = tpu.vector_load %arg9[%get3A_633] {strides = array<i32>} : memref<528xi32, #tpu.memory_space<vmem>>, vector<16xi32>,
    %shift_right_arithmetic3A_635 = arith.constant 7 : i32
    %shift_right_arithmetic3A_636 = vector.broadcast %shift_right_arithmetic3A_635 : i32 to vector<16xi32>
    %shift_right_arithmetic3A_637 = arith.shrsi %get3A_634, %shift_right_arithmetic3A_636 : vector<16xi32>
    %swap3A_638 = arith.constant 0 : index
    %swap3A_639 = tpu.vector_load %arg13[%swap3A_638] {strides = array<i32>} : memref<128xi32, #tpu.memory_space<vmem>>, vector<16xi32>,
    tpu.vector_store %arg13[%swap3A_638], %shift_right_arithmetic3A_637 {strides = array<i32>} : memref<128xi32, #tpu.memory_space<vmem>>, vector<16xi32>,
    %get3A_640 = arith.constant 400 : index
    %get3A_641 = tpu.vector_load %arg9[%get3A_640] {strides = array<i32>} : memref<528xi32, #tpu.memory_space<vmem>>, vector<16xi32>,
    %shift_right_arithmetic3A_642 = arith.constant 7 : i32
    %shift_right_arithmetic3A_643 = vector.broadcast %shift_right_arithmetic3A_642 : i32 to vector<16xi32>
    %shift_right_arithmetic3A_644 = arith.shrsi %get3A_641, %shift_right_arithmetic3A_643 : vector<16xi32>
    %swap3A_645 = arith.constant 16 : index
    %swap3A_646 = tpu.vector_load %arg13[%swap3A_645] {strides = array<i32>} : memref<128xi32, #tpu.memory_space<vmem>>, vector<16xi32>,
    tpu.vector_store %arg13[%swap3A_645], %shift_right_arithmetic3A_644 {strides = array<i32>} : memref<128xi32, #tpu.memory_space<vmem>>, vector<16xi32>,
    %get3A_647 = arith.constant 416 : index
    %get3A_648 = tpu.vector_load %arg9[%get3A_647] {strides = array<i32>} : memref<528xi32, #tpu.memory_space<vmem>>, vector<16xi32>,
    %shift_right_arithmetic3A_649 = arith.constant 7 : i32
    %shift_right_arithmetic3A_650 = vector.broadcast %shift_right_arithmetic3A_649 : i32 to vector<16xi32>
    %shift_right_arithmetic3A_651 = arith.shrsi %get3A_648, %shift_right_arithmetic3A_650 : vector<16xi32>
    %swap3A_652 = arith.constant 32 : index
    %swap3A_653 = tpu.vector_load %arg13[%swap3A_652] {strides = array<i32>} : memref<128xi32, #tpu.memory_space<vmem>>, vector<16xi32>,
    tpu.vector_store %arg13[%swap3A_652], %shift_right_arithmetic3A_651 {strides = array<i32>} : memref<128xi32, #tpu.memory_space<vmem>>, vector<16xi32>,
    %get3A_654 = arith.constant 432 : index
    %get3A_655 = tpu.vector_load %arg9[%get3A_654] {strides = array<i32>} : memref<528xi32, #tpu.memory_space<vmem>>, vector<16xi32>,
    %shift_right_arithmetic3A_656 = arith.constant 7 : i32
    %shift_right_arithmetic3A_657 = vector.broadcast %shift_right_arithmetic3A_656 : i32 to vector<16xi32>
    %shift_right_arithmetic3A_658 = arith.shrsi %get3A_655, %shift_right_arithmetic3A_657 : vector<16xi32>
    %swap3A_659 = arith.constant 48 : index
    %swap3A_660 = tpu.vector_load %arg13[%swap3A_659] {strides = array<i32>} : memref<128xi32, #tpu.memory_space<vmem>>, vector<16xi32>,
    tpu.vector_store %arg13[%swap3A_659], %shift_right_arithmetic3A_658 {strides = array<i32>} : memref<128xi32, #tpu.memory_space<vmem>>, vector<16xi32>,
    %get3A_661 = arith.constant 448 : index
    %get3A_662 = tpu.vector_load %arg9[%get3A_661] {strides = array<i32>} : memref<528xi32, #tpu.memory_space<vmem>>, vector<16xi32>,
    %shift_right_arithmetic3A_663 = arith.constant 7 : i32
    %shift_right_arithmetic3A_664 = vector.broadcast %shift_right_arithmetic3A_663 : i32 to vector<16xi32>
    %shift_right_arithmetic3A_665 = arith.shrsi %get3A_662, %shift_right_arithmetic3A_664 : vector<16xi32>
    %swap3A_666 = arith.constant 64 : index
    %swap3A_667 = tpu.vector_load %arg13[%swap3A_666] {strides = array<i32>} : memref<128xi32, #tpu.memory_space<vmem>>, vector<16xi32>,
    tpu.vector_store %arg13[%swap3A_666], %shift_right_arithmetic3A_665 {strides = array<i32>} : memref<128xi32, #tpu.memory_space<vmem>>, vector<16xi32>,
    %get3A_668 = arith.constant 464 : index
    %get3A_669 = tpu.vector_load %arg9[%get3A_668] {strides = array<i32>} : memref<528xi32, #tpu.memory_space<vmem>>, vector<16xi32>,
    %shift_right_arithmetic3A_670 = arith.constant 7 : i32
    %shift_right_arithmetic3A_671 = vector.broadcast %shift_right_arithmetic3A_670 : i32 to vector<16xi32>
    %shift_right_arithmetic3A_672 = arith.shrsi %get3A_669, %shift_right_arithmetic3A_671 : vector<16xi32>
    %swap3A_673 = arith.constant 80 : index
    %swap3A_674 = tpu.vector_load %arg13[%swap3A_673] {strides = array<i32>} : memref<128xi32, #tpu.memory_space<vmem>>, vector<16xi32>,
    tpu.vector_store %arg13[%swap3A_673], %shift_right_arithmetic3A_672 {strides = array<i32>} : memref<128xi32, #tpu.memory_space<vmem>>, vector<16xi32>,
    %get3A_675 = arith.constant 480 : index
    %get3A_676 = tpu.vector_load %arg9[%get3A_675] {strides = array<i32>} : memref<528xi32, #tpu.memory_space<vmem>>, vector<16xi32>,
    %shift_right_arithmetic3A_677 = arith.constant 7 : i32
    %shift_right_arithmetic3A_678 = vector.broadcast %shift_right_arithmetic3A_677 : i32 to vector<16xi32>
    %shift_right_arithmetic3A_679 = arith.shrsi %get3A_676, %shift_right_arithmetic3A_678 : vector<16xi32>
    %swap3A_680 = arith.constant 96 : index
    %swap3A_681 = tpu.vector_load %arg13[%swap3A_680] {strides = array<i32>} : memref<128xi32, #tpu.memory_space<vmem>>, vector<16xi32>,
    tpu.vector_store %arg13[%swap3A_680], %shift_right_arithmetic3A_679 {strides = array<i32>} : memref<128xi32, #tpu.memory_space<vmem>>, vector<16xi32>,
    %get3A_682 = arith.constant 496 : index
    %get3A_683 = tpu.vector_load %arg9[%get3A_682] {strides = array<i32>} : memref<528xi32, #tpu.memory_space<vmem>>, vector<16xi32>,
    %shift_right_arithmetic3A_684 = arith.constant 7 : i32
    %shift_right_arithmetic3A_685 = vector.broadcast %shift_right_arithmetic3A_684 : i32 to vector<16xi32>
    %shift_right_arithmetic3A_686 = arith.shrsi %get3A_683, %shift_right_arithmetic3A_685 : vector<16xi32>
    %swap3A_687 = arith.constant 112 : index
    %swap3A_688 = tpu.vector_load %arg13[%swap3A_687] {strides = array<i32>} : memref<128xi32, #tpu.memory_space<vmem>>, vector<16xi32>,
    tpu.vector_store %arg13[%swap3A_687], %shift_right_arithmetic3A_686 {strides = array<i32>} : memref<128xi32, #tpu.memory_space<vmem>>, vector<16xi32>,
    %dma_start3A_689 = arith.constant 0 : i32
    %dma_start3A_690 = arith.constant 0 : i32
    %dma_start3A_691 = tpu.memref_slice %arg6[%dma_start3A_689, %dma_start3A_690] : memref<7816x128xf32, #tpu.memory_space<hbm>> -> memref<7816x128xf32, #tpu.memory_space<hbm>>
    tpu.enqueue_indirect_dma source(%dma_start3A_691 : memref<7816x128xf32, #tpu.memory_space<hbm>>) target(%arg12 : memref<128x128xf32, #tpu.memory_space<vmem>>) offsets(%arg13 : memref<128xi32, #tpu.memory_space<vmem>>) semaphore(%arg20 : memref<!tpu.dma_semaphore, #tpu.memory_space<semaphore_mem>>)
    %dma_wait3A_692 = arith.constant 0 : i32
    %dma_wait3A_693 = arith.constant 0 : i32
    %dma_wait3A_694 = tpu.memref_slice %arg6[%dma_wait3A_692, %dma_wait3A_693] : memref<7816x128xf32, #tpu.memory_space<hbm>> -> memref<7816x128xf32, #tpu.memory_space<hbm>>
    tpu.wait_indirect_dma semaphore(%arg20 : memref<!tpu.dma_semaphore, #tpu.memory_space<semaphore_mem>>) src(%dma_wait3A_694 : memref<7816x128xf32, #tpu.memory_space<hbm>>) dst(%arg12 : memref<128x128xf32, #tpu.memory_space<vmem>>)
    %get3A_695 = arith.constant 384 : index
    %get3A_696 = tpu.vector_load %arg9[%get3A_695] {strides = array<i32>} : memref<528xi32, #tpu.memory_space<vmem>>, vector<16xi32>,
    %add3A_697 = arith.constant 0 : i32
    %add3A_698 = vector.broadcast %add3A_697 : i32 to vector<16xi32>
    %add3A_699 = arith.addi %add3A_698, %iota3A : vector<16xi32>
    %and3A_700 = arith.constant 127 : i32
    %and3A_701 = vector.broadcast %and3A_700 : i32 to vector<16xi32>
    %and3A_702 = arith.andi %get3A_696, %and3A_701 : vector<16xi32>
    %gather3A_703 = tpu.vector_load_idx %arg12[%add3A_699, %and3A_702] : memref<128x128xf32, #tpu.memory_space<vmem>>[vector<16xi32>, vector<16xi32>], vector<16xf32>,
    %swap3A_704 = arith.constant 384 : index
    %swap3A_705 = tpu.vector_load %arg14[%swap3A_704] {strides = array<i32>} : memref<512xf32, #tpu.memory_space<vmem>>, vector<16xf32>,
    tpu.vector_store %arg14[%swap3A_704], %gather3A_703 {strides = array<i32>} : memref<512xf32, #tpu.memory_space<vmem>>, vector<16xf32>,
    %get3A_706 = arith.constant 400 : index
    %get3A_707 = tpu.vector_load %arg9[%get3A_706] {strides = array<i32>} : memref<528xi32, #tpu.memory_space<vmem>>, vector<16xi32>,
    %add3A_708 = arith.constant 16 : i32
    %add3A_709 = vector.broadcast %add3A_708 : i32 to vector<16xi32>
    %add3A_710 = arith.addi %add3A_709, %iota3A : vector<16xi32>
    %and3A_711 = arith.constant 127 : i32
    %and3A_712 = vector.broadcast %and3A_711 : i32 to vector<16xi32>
    %and3A_713 = arith.andi %get3A_707, %and3A_712 : vector<16xi32>
    %gather3A_714 = tpu.vector_load_idx %arg12[%add3A_710, %and3A_713] : memref<128x128xf32, #tpu.memory_space<vmem>>[vector<16xi32>, vector<16xi32>], vector<16xf32>,
    %swap3A_715 = arith.constant 400 : index
    %swap3A_716 = tpu.vector_load %arg14[%swap3A_715] {strides = array<i32>} : memref<512xf32, #tpu.memory_space<vmem>>, vector<16xf32>,
    tpu.vector_store %arg14[%swap3A_715], %gather3A_714 {strides = array<i32>} : memref<512xf32, #tpu.memory_space<vmem>>, vector<16xf32>,
    %get3A_717 = arith.constant 416 : index
    %get3A_718 = tpu.vector_load %arg9[%get3A_717] {strides = array<i32>} : memref<528xi32, #tpu.memory_space<vmem>>, vector<16xi32>,
    %add3A_719 = arith.constant 32 : i32
    %add3A_720 = vector.broadcast %add3A_719 : i32 to vector<16xi32>
    %add3A_721 = arith.addi %add3A_720, %iota3A : vector<16xi32>
    %and3A_722 = arith.constant 127 : i32
    %and3A_723 = vector.broadcast %and3A_722 : i32 to vector<16xi32>
    %and3A_724 = arith.andi %get3A_718, %and3A_723 : vector<16xi32>
    %gather3A_725 = tpu.vector_load_idx %arg12[%add3A_721, %and3A_724] : memref<128x128xf32, #tpu.memory_space<vmem>>[vector<16xi32>, vector<16xi32>], vector<16xf32>,
    %swap3A_726 = arith.constant 416 : index
    %swap3A_727 = tpu.vector_load %arg14[%swap3A_726] {strides = array<i32>} : memref<512xf32, #tpu.memory_space<vmem>>, vector<16xf32>,
    tpu.vector_store %arg14[%swap3A_726], %gather3A_725 {strides = array<i32>} : memref<512xf32, #tpu.memory_space<vmem>>, vector<16xf32>,
    %get3A_728 = arith.constant 432 : index
    %get3A_729 = tpu.vector_load %arg9[%get3A_728] {strides = array<i32>} : memref<528xi32, #tpu.memory_space<vmem>>, vector<16xi32>,
    %add3A_730 = arith.constant 48 : i32
    %add3A_731 = vector.broadcast %add3A_730 : i32 to vector<16xi32>
    %add3A_732 = arith.addi %add3A_731, %iota3A : vector<16xi32>
    %and3A_733 = arith.constant 127 : i32
    %and3A_734 = vector.broadcast %and3A_733 : i32 to vector<16xi32>
    %and3A_735 = arith.andi %get3A_729, %and3A_734 : vector<16xi32>
    %gather3A_736 = tpu.vector_load_idx %arg12[%add3A_732, %and3A_735] : memref<128x128xf32, #tpu.memory_space<vmem>>[vector<16xi32>, vector<16xi32>], vector<16xf32>,
    %swap3A_737 = arith.constant 432 : index
    %swap3A_738 = tpu.vector_load %arg14[%swap3A_737] {strides = array<i32>} : memref<512xf32, #tpu.memory_space<vmem>>, vector<16xf32>,
    tpu.vector_store %arg14[%swap3A_737], %gather3A_736 {strides = array<i32>} : memref<512xf32, #tpu.memory_space<vmem>>, vector<16xf32>,
    %get3A_739 = arith.constant 448 : index
    %get3A_740 = tpu.vector_load %arg9[%get3A_739] {strides = array<i32>} : memref<528xi32, #tpu.memory_space<vmem>>, vector<16xi32>,
    %add3A_741 = arith.constant 64 : i32
    %add3A_742 = vector.broadcast %add3A_741 : i32 to vector<16xi32>
    %add3A_743 = arith.addi %add3A_742, %iota3A : vector<16xi32>
    %and3A_744 = arith.constant 127 : i32
    %and3A_745 = vector.broadcast %and3A_744 : i32 to vector<16xi32>
    %and3A_746 = arith.andi %get3A_740, %and3A_745 : vector<16xi32>
    %gather3A_747 = tpu.vector_load_idx %arg12[%add3A_743, %and3A_746] : memref<128x128xf32, #tpu.memory_space<vmem>>[vector<16xi32>, vector<16xi32>], vector<16xf32>,
    %swap3A_748 = arith.constant 448 : index
    %swap3A_749 = tpu.vector_load %arg14[%swap3A_748] {strides = array<i32>} : memref<512xf32, #tpu.memory_space<vmem>>, vector<16xf32>,
    tpu.vector_store %arg14[%swap3A_748], %gather3A_747 {strides = array<i32>} : memref<512xf32, #tpu.memory_space<vmem>>, vector<16xf32>,
    %get3A_750 = arith.constant 464 : index
    %get3A_751 = tpu.vector_load %arg9[%get3A_750] {strides = array<i32>} : memref<528xi32, #tpu.memory_space<vmem>>, vector<16xi32>,
    %add3A_752 = arith.constant 80 : i32
    %add3A_753 = vector.broadcast %add3A_752 : i32 to vector<16xi32>
    %add3A_754 = arith.addi %add3A_753, %iota3A : vector<16xi32>
    %and3A_755 = arith.constant 127 : i32
    %and3A_756 = vector.broadcast %and3A_755 : i32 to vector<16xi32>
    %and3A_757 = arith.andi %get3A_751, %and3A_756 : vector<16xi32>
    %gather3A_758 = tpu.vector_load_idx %arg12[%add3A_754, %and3A_757] : memref<128x128xf32, #tpu.memory_space<vmem>>[vector<16xi32>, vector<16xi32>], vector<16xf32>,
    %swap3A_759 = arith.constant 464 : index
    %swap3A_760 = tpu.vector_load %arg14[%swap3A_759] {strides = array<i32>} : memref<512xf32, #tpu.memory_space<vmem>>, vector<16xf32>,
    tpu.vector_store %arg14[%swap3A_759], %gather3A_758 {strides = array<i32>} : memref<512xf32, #tpu.memory_space<vmem>>, vector<16xf32>,
    %get3A_761 = arith.constant 480 : index
    %get3A_762 = tpu.vector_load %arg9[%get3A_761] {strides = array<i32>} : memref<528xi32, #tpu.memory_space<vmem>>, vector<16xi32>,
    %add3A_763 = arith.constant 96 : i32
    %add3A_764 = vector.broadcast %add3A_763 : i32 to vector<16xi32>
    %add3A_765 = arith.addi %add3A_764, %iota3A : vector<16xi32>
    %and3A_766 = arith.constant 127 : i32
    %and3A_767 = vector.broadcast %and3A_766 : i32 to vector<16xi32>
    %and3A_768 = arith.andi %get3A_762, %and3A_767 : vector<16xi32>
    %gather3A_769 = tpu.vector_load_idx %arg12[%add3A_765, %and3A_768] : memref<128x128xf32, #tpu.memory_space<vmem>>[vector<16xi32>, vector<16xi32>], vector<16xf32>,
    %swap3A_770 = arith.constant 480 : index
    %swap3A_771 = tpu.vector_load %arg14[%swap3A_770] {strides = array<i32>} : memref<512xf32, #tpu.memory_space<vmem>>, vector<16xf32>,
    tpu.vector_store %arg14[%swap3A_770], %gather3A_769 {strides = array<i32>} : memref<512xf32, #tpu.memory_space<vmem>>, vector<16xf32>,
    %get3A_772 = arith.constant 496 : index
    %get3A_773 = tpu.vector_load %arg9[%get3A_772] {strides = array<i32>} : memref<528xi32, #tpu.memory_space<vmem>>, vector<16xi32>,
    %add3A_774 = arith.constant 112 : i32
    %add3A_775 = vector.broadcast %add3A_774 : i32 to vector<16xi32>
    %add3A_776 = arith.addi %add3A_775, %iota3A : vector<16xi32>
    %and3A_777 = arith.constant 127 : i32
    %and3A_778 = vector.broadcast %and3A_777 : i32 to vector<16xi32>
    %and3A_779 = arith.andi %get3A_773, %and3A_778 : vector<16xi32>
    %gather3A_780 = tpu.vector_load_idx %arg12[%add3A_776, %and3A_779] : memref<128x128xf32, #tpu.memory_space<vmem>>[vector<16xi32>, vector<16xi32>], vector<16xf32>,
    %swap3A_781 = arith.constant 496 : index
    %swap3A_782 = tpu.vector_load %arg14[%swap3A_781] {strides = array<i32>} : memref<512xf32, #tpu.memory_space<vmem>>, vector<16xf32>,
    tpu.vector_store %arg14[%swap3A_781], %gather3A_780 {strides = array<i32>} : memref<512xf32, #tpu.memory_space<vmem>>, vector<16xf32>,
    %get3A_783 = arith.constant 0 : index
    %get3A_784 = tpu.vector_load %arg10[%get3A_783] {strides = array<i32>} : memref<528xi32, #tpu.memory_space<vmem>>, vector<16xi32>,
    %shift_right_arithmetic3A_785 = arith.constant 7 : i32
    %shift_right_arithmetic3A_786 = vector.broadcast %shift_right_arithmetic3A_785 : i32 to vector<16xi32>
    %shift_right_arithmetic3A_787 = arith.shrsi %get3A_784, %shift_right_arithmetic3A_786 : vector<16xi32>
    %swap3A_788 = arith.constant 0 : index
    %swap3A_789 = tpu.vector_load %arg13[%swap3A_788] {strides = array<i32>} : memref<128xi32, #tpu.memory_space<vmem>>, vector<16xi32>,
    tpu.vector_store %arg13[%swap3A_788], %shift_right_arithmetic3A_787 {strides = array<i32>} : memref<128xi32, #tpu.memory_space<vmem>>, vector<16xi32>,
    %get3A_790 = arith.constant 16 : index
    %get3A_791 = tpu.vector_load %arg10[%get3A_790] {strides = array<i32>} : memref<528xi32, #tpu.memory_space<vmem>>, vector<16xi32>,
    %shift_right_arithmetic3A_792 = arith.constant 7 : i32
    %shift_right_arithmetic3A_793 = vector.broadcast %shift_right_arithmetic3A_792 : i32 to vector<16xi32>
    %shift_right_arithmetic3A_794 = arith.shrsi %get3A_791, %shift_right_arithmetic3A_793 : vector<16xi32>
    %swap3A_795 = arith.constant 16 : index
    %swap3A_796 = tpu.vector_load %arg13[%swap3A_795] {strides = array<i32>} : memref<128xi32, #tpu.memory_space<vmem>>, vector<16xi32>,
    tpu.vector_store %arg13[%swap3A_795], %shift_right_arithmetic3A_794 {strides = array<i32>} : memref<128xi32, #tpu.memory_space<vmem>>, vector<16xi32>,
    %get3A_797 = arith.constant 32 : index
    %get3A_798 = tpu.vector_load %arg10[%get3A_797] {strides = array<i32>} : memref<528xi32, #tpu.memory_space<vmem>>, vector<16xi32>,
    %shift_right_arithmetic3A_799 = arith.constant 7 : i32
    %shift_right_arithmetic3A_800 = vector.broadcast %shift_right_arithmetic3A_799 : i32 to vector<16xi32>
    %shift_right_arithmetic3A_801 = arith.shrsi %get3A_798, %shift_right_arithmetic3A_800 : vector<16xi32>
    %swap3A_802 = arith.constant 32 : index
    %swap3A_803 = tpu.vector_load %arg13[%swap3A_802] {strides = array<i32>} : memref<128xi32, #tpu.memory_space<vmem>>, vector<16xi32>,
    tpu.vector_store %arg13[%swap3A_802], %shift_right_arithmetic3A_801 {strides = array<i32>} : memref<128xi32, #tpu.memory_space<vmem>>, vector<16xi32>,
    %get3A_804 = arith.constant 48 : index
    %get3A_805 = tpu.vector_load %arg10[%get3A_804] {strides = array<i32>} : memref<528xi32, #tpu.memory_space<vmem>>, vector<16xi32>,
    %shift_right_arithmetic3A_806 = arith.constant 7 : i32
    %shift_right_arithmetic3A_807 = vector.broadcast %shift_right_arithmetic3A_806 : i32 to vector<16xi32>
    %shift_right_arithmetic3A_808 = arith.shrsi %get3A_805, %shift_right_arithmetic3A_807 : vector<16xi32>
    %swap3A_809 = arith.constant 48 : index
    %swap3A_810 = tpu.vector_load %arg13[%swap3A_809] {strides = array<i32>} : memref<128xi32, #tpu.memory_space<vmem>>, vector<16xi32>,
    tpu.vector_store %arg13[%swap3A_809], %shift_right_arithmetic3A_808 {strides = array<i32>} : memref<128xi32, #tpu.memory_space<vmem>>, vector<16xi32>,
    %get3A_811 = arith.constant 64 : index
    %get3A_812 = tpu.vector_load %arg10[%get3A_811] {strides = array<i32>} : memref<528xi32, #tpu.memory_space<vmem>>, vector<16xi32>,
    %shift_right_arithmetic3A_813 = arith.constant 7 : i32
    %shift_right_arithmetic3A_814 = vector.broadcast %shift_right_arithmetic3A_813 : i32 to vector<16xi32>
    %shift_right_arithmetic3A_815 = arith.shrsi %get3A_812, %shift_right_arithmetic3A_814 : vector<16xi32>
    %swap3A_816 = arith.constant 64 : index
    %swap3A_817 = tpu.vector_load %arg13[%swap3A_816] {strides = array<i32>} : memref<128xi32, #tpu.memory_space<vmem>>, vector<16xi32>,
    tpu.vector_store %arg13[%swap3A_816], %shift_right_arithmetic3A_815 {strides = array<i32>} : memref<128xi32, #tpu.memory_space<vmem>>, vector<16xi32>,
    %get3A_818 = arith.constant 80 : index
    %get3A_819 = tpu.vector_load %arg10[%get3A_818] {strides = array<i32>} : memref<528xi32, #tpu.memory_space<vmem>>, vector<16xi32>,
    %shift_right_arithmetic3A_820 = arith.constant 7 : i32
    %shift_right_arithmetic3A_821 = vector.broadcast %shift_right_arithmetic3A_820 : i32 to vector<16xi32>
    %shift_right_arithmetic3A_822 = arith.shrsi %get3A_819, %shift_right_arithmetic3A_821 : vector<16xi32>
    %swap3A_823 = arith.constant 80 : index
    %swap3A_824 = tpu.vector_load %arg13[%swap3A_823] {strides = array<i32>} : memref<128xi32, #tpu.memory_space<vmem>>, vector<16xi32>,
    tpu.vector_store %arg13[%swap3A_823], %shift_right_arithmetic3A_822 {strides = array<i32>} : memref<128xi32, #tpu.memory_space<vmem>>, vector<16xi32>,
    %get3A_825 = arith.constant 96 : index
    %get3A_826 = tpu.vector_load %arg10[%get3A_825] {strides = array<i32>} : memref<528xi32, #tpu.memory_space<vmem>>, vector<16xi32>,
    %shift_right_arithmetic3A_827 = arith.constant 7 : i32
    %shift_right_arithmetic3A_828 = vector.broadcast %shift_right_arithmetic3A_827 : i32 to vector<16xi32>
    %shift_right_arithmetic3A_829 = arith.shrsi %get3A_826, %shift_right_arithmetic3A_828 : vector<16xi32>
    %swap3A_830 = arith.constant 96 : index
    %swap3A_831 = tpu.vector_load %arg13[%swap3A_830] {strides = array<i32>} : memref<128xi32, #tpu.memory_space<vmem>>, vector<16xi32>,
    tpu.vector_store %arg13[%swap3A_830], %shift_right_arithmetic3A_829 {strides = array<i32>} : memref<128xi32, #tpu.memory_space<vmem>>, vector<16xi32>,
    %get3A_832 = arith.constant 112 : index
    %get3A_833 = tpu.vector_load %arg10[%get3A_832] {strides = array<i32>} : memref<528xi32, #tpu.memory_space<vmem>>, vector<16xi32>,
    %shift_right_arithmetic3A_834 = arith.constant 7 : i32
    %shift_right_arithmetic3A_835 = vector.broadcast %shift_right_arithmetic3A_834 : i32 to vector<16xi32>
    %shift_right_arithmetic3A_836 = arith.shrsi %get3A_833, %shift_right_arithmetic3A_835 : vector<16xi32>
    %swap3A_837 = arith.constant 112 : index
    %swap3A_838 = tpu.vector_load %arg13[%swap3A_837] {strides = array<i32>} : memref<128xi32, #tpu.memory_space<vmem>>, vector<16xi32>,
    tpu.vector_store %arg13[%swap3A_837], %shift_right_arithmetic3A_836 {strides = array<i32>} : memref<128xi32, #tpu.memory_space<vmem>>, vector<16xi32>,
    %dma_start3A_839 = arith.constant 0 : i32
    %dma_start3A_840 = arith.constant 0 : i32
    %dma_start3A_841 = tpu.memref_slice %arg7[%dma_start3A_839, %dma_start3A_840] : memref<7816x128xf32, #tpu.memory_space<hbm>> -> memref<7816x128xf32, #tpu.memory_space<hbm>>
    tpu.enqueue_indirect_dma source(%dma_start3A_841 : memref<7816x128xf32, #tpu.memory_space<hbm>>) target(%arg12 : memref<128x128xf32, #tpu.memory_space<vmem>>) offsets(%arg13 : memref<128xi32, #tpu.memory_space<vmem>>) semaphore(%arg20 : memref<!tpu.dma_semaphore, #tpu.memory_space<semaphore_mem>>)
    %dma_wait3A_842 = arith.constant 0 : i32
    %dma_wait3A_843 = arith.constant 0 : i32
    %dma_wait3A_844 = tpu.memref_slice %arg7[%dma_wait3A_842, %dma_wait3A_843] : memref<7816x128xf32, #tpu.memory_space<hbm>> -> memref<7816x128xf32, #tpu.memory_space<hbm>>
    tpu.wait_indirect_dma semaphore(%arg20 : memref<!tpu.dma_semaphore, #tpu.memory_space<semaphore_mem>>) src(%dma_wait3A_844 : memref<7816x128xf32, #tpu.memory_space<hbm>>) dst(%arg12 : memref<128x128xf32, #tpu.memory_space<vmem>>)
    %get3A_845 = arith.constant 0 : index
    %get3A_846 = tpu.vector_load %arg10[%get3A_845] {strides = array<i32>} : memref<528xi32, #tpu.memory_space<vmem>>, vector<16xi32>,
    %add3A_847 = arith.constant 0 : i32
    %add3A_848 = vector.broadcast %add3A_847 : i32 to vector<16xi32>
    %add3A_849 = arith.addi %add3A_848, %iota3A : vector<16xi32>
    %and3A_850 = arith.constant 127 : i32
    %and3A_851 = vector.broadcast %and3A_850 : i32 to vector<16xi32>
    %and3A_852 = arith.andi %get3A_846, %and3A_851 : vector<16xi32>
    %gather3A_853 = tpu.vector_load_idx %arg12[%add3A_849, %and3A_852] : memref<128x128xf32, #tpu.memory_space<vmem>>[vector<16xi32>, vector<16xi32>], vector<16xf32>,
    %swap3A_854 = arith.constant 0 : index
    %swap3A_855 = tpu.vector_load %arg15[%swap3A_854] {strides = array<i32>} : memref<512xf32, #tpu.memory_space<vmem>>, vector<16xf32>,
    tpu.vector_store %arg15[%swap3A_854], %gather3A_853 {strides = array<i32>} : memref<512xf32, #tpu.memory_space<vmem>>, vector<16xf32>,
    %get3A_856 = arith.constant 16 : index
    %get3A_857 = tpu.vector_load %arg10[%get3A_856] {strides = array<i32>} : memref<528xi32, #tpu.memory_space<vmem>>, vector<16xi32>,
    %add3A_858 = arith.constant 16 : i32
    %add3A_859 = vector.broadcast %add3A_858 : i32 to vector<16xi32>
    %add3A_860 = arith.addi %add3A_859, %iota3A : vector<16xi32>
    %and3A_861 = arith.constant 127 : i32
    %and3A_862 = vector.broadcast %and3A_861 : i32 to vector<16xi32>
    %and3A_863 = arith.andi %get3A_857, %and3A_862 : vector<16xi32>
    %gather3A_864 = tpu.vector_load_idx %arg12[%add3A_860, %and3A_863] : memref<128x128xf32, #tpu.memory_space<vmem>>[vector<16xi32>, vector<16xi32>], vector<16xf32>,
    %swap3A_865 = arith.constant 16 : index
    %swap3A_866 = tpu.vector_load %arg15[%swap3A_865] {strides = array<i32>} : memref<512xf32, #tpu.memory_space<vmem>>, vector<16xf32>,
    tpu.vector_store %arg15[%swap3A_865], %gather3A_864 {strides = array<i32>} : memref<512xf32, #tpu.memory_space<vmem>>, vector<16xf32>,
    %get3A_867 = arith.constant 32 : index
    %get3A_868 = tpu.vector_load %arg10[%get3A_867] {strides = array<i32>} : memref<528xi32, #tpu.memory_space<vmem>>, vector<16xi32>,
    %add3A_869 = arith.constant 32 : i32
    %add3A_870 = vector.broadcast %add3A_869 : i32 to vector<16xi32>
    %add3A_871 = arith.addi %add3A_870, %iota3A : vector<16xi32>
    %and3A_872 = arith.constant 127 : i32
    %and3A_873 = vector.broadcast %and3A_872 : i32 to vector<16xi32>
    %and3A_874 = arith.andi %get3A_868, %and3A_873 : vector<16xi32>
    %gather3A_875 = tpu.vector_load_idx %arg12[%add3A_871, %and3A_874] : memref<128x128xf32, #tpu.memory_space<vmem>>[vector<16xi32>, vector<16xi32>], vector<16xf32>,
    %swap3A_876 = arith.constant 32 : index
    %swap3A_877 = tpu.vector_load %arg15[%swap3A_876] {strides = array<i32>} : memref<512xf32, #tpu.memory_space<vmem>>, vector<16xf32>,
    tpu.vector_store %arg15[%swap3A_876], %gather3A_875 {strides = array<i32>} : memref<512xf32, #tpu.memory_space<vmem>>, vector<16xf32>,
    %get3A_878 = arith.constant 48 : index
    %get3A_879 = tpu.vector_load %arg10[%get3A_878] {strides = array<i32>} : memref<528xi32, #tpu.memory_space<vmem>>, vector<16xi32>,
    %add3A_880 = arith.constant 48 : i32
    %add3A_881 = vector.broadcast %add3A_880 : i32 to vector<16xi32>
    %add3A_882 = arith.addi %add3A_881, %iota3A : vector<16xi32>
    %and3A_883 = arith.constant 127 : i32
    %and3A_884 = vector.broadcast %and3A_883 : i32 to vector<16xi32>
    %and3A_885 = arith.andi %get3A_879, %and3A_884 : vector<16xi32>
    %gather3A_886 = tpu.vector_load_idx %arg12[%add3A_882, %and3A_885] : memref<128x128xf32, #tpu.memory_space<vmem>>[vector<16xi32>, vector<16xi32>], vector<16xf32>,
    %swap3A_887 = arith.constant 48 : index
    %swap3A_888 = tpu.vector_load %arg15[%swap3A_887] {strides = array<i32>} : memref<512xf32, #tpu.memory_space<vmem>>, vector<16xf32>,
    tpu.vector_store %arg15[%swap3A_887], %gather3A_886 {strides = array<i32>} : memref<512xf32, #tpu.memory_space<vmem>>, vector<16xf32>,
    %get3A_889 = arith.constant 64 : index
    %get3A_890 = tpu.vector_load %arg10[%get3A_889] {strides = array<i32>} : memref<528xi32, #tpu.memory_space<vmem>>, vector<16xi32>,
    %add3A_891 = arith.constant 64 : i32
    %add3A_892 = vector.broadcast %add3A_891 : i32 to vector<16xi32>
    %add3A_893 = arith.addi %add3A_892, %iota3A : vector<16xi32>
    %and3A_894 = arith.constant 127 : i32
    %and3A_895 = vector.broadcast %and3A_894 : i32 to vector<16xi32>
    %and3A_896 = arith.andi %get3A_890, %and3A_895 : vector<16xi32>
    %gather3A_897 = tpu.vector_load_idx %arg12[%add3A_893, %and3A_896] : memref<128x128xf32, #tpu.memory_space<vmem>>[vector<16xi32>, vector<16xi32>], vector<16xf32>,
    %swap3A_898 = arith.constant 64 : index
    %swap3A_899 = tpu.vector_load %arg15[%swap3A_898] {strides = array<i32>} : memref<512xf32, #tpu.memory_space<vmem>>, vector<16xf32>,
    tpu.vector_store %arg15[%swap3A_898], %gather3A_897 {strides = array<i32>} : memref<512xf32, #tpu.memory_space<vmem>>, vector<16xf32>,
    %get3A_900 = arith.constant 80 : index
    %get3A_901 = tpu.vector_load %arg10[%get3A_900] {strides = array<i32>} : memref<528xi32, #tpu.memory_space<vmem>>, vector<16xi32>,
    %add3A_902 = arith.constant 80 : i32
    %add3A_903 = vector.broadcast %add3A_902 : i32 to vector<16xi32>
    %add3A_904 = arith.addi %add3A_903, %iota3A : vector<16xi32>
    %and3A_905 = arith.constant 127 : i32
    %and3A_906 = vector.broadcast %and3A_905 : i32 to vector<16xi32>
    %and3A_907 = arith.andi %get3A_901, %and3A_906 : vector<16xi32>
    %gather3A_908 = tpu.vector_load_idx %arg12[%add3A_904, %and3A_907] : memref<128x128xf32, #tpu.memory_space<vmem>>[vector<16xi32>, vector<16xi32>], vector<16xf32>,
    %swap3A_909 = arith.constant 80 : index
    %swap3A_910 = tpu.vector_load %arg15[%swap3A_909] {strides = array<i32>} : memref<512xf32, #tpu.memory_space<vmem>>, vector<16xf32>,
    tpu.vector_store %arg15[%swap3A_909], %gather3A_908 {strides = array<i32>} : memref<512xf32, #tpu.memory_space<vmem>>, vector<16xf32>,
    %get3A_911 = arith.constant 96 : index
    %get3A_912 = tpu.vector_load %arg10[%get3A_911] {strides = array<i32>} : memref<528xi32, #tpu.memory_space<vmem>>, vector<16xi32>,
    %add3A_913 = arith.constant 96 : i32
    %add3A_914 = vector.broadcast %add3A_913 : i32 to vector<16xi32>
    %add3A_915 = arith.addi %add3A_914, %iota3A : vector<16xi32>
    %and3A_916 = arith.constant 127 : i32
    %and3A_917 = vector.broadcast %and3A_916 : i32 to vector<16xi32>
    %and3A_918 = arith.andi %get3A_912, %and3A_917 : vector<16xi32>
    %gather3A_919 = tpu.vector_load_idx %arg12[%add3A_915, %and3A_918] : memref<128x128xf32, #tpu.memory_space<vmem>>[vector<16xi32>, vector<16xi32>], vector<16xf32>,
    %swap3A_920 = arith.constant 96 : index
    %swap3A_921 = tpu.vector_load %arg15[%swap3A_920] {strides = array<i32>} : memref<512xf32, #tpu.memory_space<vmem>>, vector<16xf32>,
    tpu.vector_store %arg15[%swap3A_920], %gather3A_919 {strides = array<i32>} : memref<512xf32, #tpu.memory_space<vmem>>, vector<16xf32>,
    %get3A_922 = arith.constant 112 : index
    %get3A_923 = tpu.vector_load %arg10[%get3A_922] {strides = array<i32>} : memref<528xi32, #tpu.memory_space<vmem>>, vector<16xi32>,
    %add3A_924 = arith.constant 112 : i32
    %add3A_925 = vector.broadcast %add3A_924 : i32 to vector<16xi32>
    %add3A_926 = arith.addi %add3A_925, %iota3A : vector<16xi32>
    %and3A_927 = arith.constant 127 : i32
    %and3A_928 = vector.broadcast %and3A_927 : i32 to vector<16xi32>
    %and3A_929 = arith.andi %get3A_923, %and3A_928 : vector<16xi32>
    %gather3A_930 = tpu.vector_load_idx %arg12[%add3A_926, %and3A_929] : memref<128x128xf32, #tpu.memory_space<vmem>>[vector<16xi32>, vector<16xi32>], vector<16xf32>,
    %swap3A_931 = arith.constant 112 : index
    %swap3A_932 = tpu.vector_load %arg15[%swap3A_931] {strides = array<i32>} : memref<512xf32, #tpu.memory_space<vmem>>, vector<16xf32>,
    tpu.vector_store %arg15[%swap3A_931], %gather3A_930 {strides = array<i32>} : memref<512xf32, #tpu.memory_space<vmem>>, vector<16xf32>,
    %get3A_933 = arith.constant 128 : index
    %get3A_934 = tpu.vector_load %arg10[%get3A_933] {strides = array<i32>} : memref<528xi32, #tpu.memory_space<vmem>>, vector<16xi32>,
    %shift_right_arithmetic3A_935 = arith.constant 7 : i32
    %shift_right_arithmetic3A_936 = vector.broadcast %shift_right_arithmetic3A_935 : i32 to vector<16xi32>
    %shift_right_arithmetic3A_937 = arith.shrsi %get3A_934, %shift_right_arithmetic3A_936 : vector<16xi32>
    %swap3A_938 = arith.constant 0 : index
    %swap3A_939 = tpu.vector_load %arg13[%swap3A_938] {strides = array<i32>} : memref<128xi32, #tpu.memory_space<vmem>>, vector<16xi32>,
    tpu.vector_store %arg13[%swap3A_938], %shift_right_arithmetic3A_937 {strides = array<i32>} : memref<128xi32, #tpu.memory_space<vmem>>, vector<16xi32>,
    %get3A_940 = arith.constant 144 : index
    %get3A_941 = tpu.vector_load %arg10[%get3A_940] {strides = array<i32>} : memref<528xi32, #tpu.memory_space<vmem>>, vector<16xi32>,
    %shift_right_arithmetic3A_942 = arith.constant 7 : i32
    %shift_right_arithmetic3A_943 = vector.broadcast %shift_right_arithmetic3A_942 : i32 to vector<16xi32>
    %shift_right_arithmetic3A_944 = arith.shrsi %get3A_941, %shift_right_arithmetic3A_943 : vector<16xi32>
    %swap3A_945 = arith.constant 16 : index
    %swap3A_946 = tpu.vector_load %arg13[%swap3A_945] {strides = array<i32>} : memref<128xi32, #tpu.memory_space<vmem>>, vector<16xi32>,
    tpu.vector_store %arg13[%swap3A_945], %shift_right_arithmetic3A_944 {strides = array<i32>} : memref<128xi32, #tpu.memory_space<vmem>>, vector<16xi32>,
    %get3A_947 = arith.constant 160 : index
    %get3A_948 = tpu.vector_load %arg10[%get3A_947] {strides = array<i32>} : memref<528xi32, #tpu.memory_space<vmem>>, vector<16xi32>,
    %shift_right_arithmetic3A_949 = arith.constant 7 : i32
    %shift_right_arithmetic3A_950 = vector.broadcast %shift_right_arithmetic3A_949 : i32 to vector<16xi32>
    %shift_right_arithmetic3A_951 = arith.shrsi %get3A_948, %shift_right_arithmetic3A_950 : vector<16xi32>
    %swap3A_952 = arith.constant 32 : index
    %swap3A_953 = tpu.vector_load %arg13[%swap3A_952] {strides = array<i32>} : memref<128xi32, #tpu.memory_space<vmem>>, vector<16xi32>,
    tpu.vector_store %arg13[%swap3A_952], %shift_right_arithmetic3A_951 {strides = array<i32>} : memref<128xi32, #tpu.memory_space<vmem>>, vector<16xi32>,
    %get3A_954 = arith.constant 176 : index
    %get3A_955 = tpu.vector_load %arg10[%get3A_954] {strides = array<i32>} : memref<528xi32, #tpu.memory_space<vmem>>, vector<16xi32>,
    %shift_right_arithmetic3A_956 = arith.constant 7 : i32
    %shift_right_arithmetic3A_957 = vector.broadcast %shift_right_arithmetic3A_956 : i32 to vector<16xi32>
    %shift_right_arithmetic3A_958 = arith.shrsi %get3A_955, %shift_right_arithmetic3A_957 : vector<16xi32>
    %swap3A_959 = arith.constant 48 : index
    %swap3A_960 = tpu.vector_load %arg13[%swap3A_959] {strides = array<i32>} : memref<128xi32, #tpu.memory_space<vmem>>, vector<16xi32>,
    tpu.vector_store %arg13[%swap3A_959], %shift_right_arithmetic3A_958 {strides = array<i32>} : memref<128xi32, #tpu.memory_space<vmem>>, vector<16xi32>,
    %get3A_961 = arith.constant 192 : index
    %get3A_962 = tpu.vector_load %arg10[%get3A_961] {strides = array<i32>} : memref<528xi32, #tpu.memory_space<vmem>>, vector<16xi32>,
    %shift_right_arithmetic3A_963 = arith.constant 7 : i32
    %shift_right_arithmetic3A_964 = vector.broadcast %shift_right_arithmetic3A_963 : i32 to vector<16xi32>
    %shift_right_arithmetic3A_965 = arith.shrsi %get3A_962, %shift_right_arithmetic3A_964 : vector<16xi32>
    %swap3A_966 = arith.constant 64 : index
    %swap3A_967 = tpu.vector_load %arg13[%swap3A_966] {strides = array<i32>} : memref<128xi32, #tpu.memory_space<vmem>>, vector<16xi32>,
    tpu.vector_store %arg13[%swap3A_966], %shift_right_arithmetic3A_965 {strides = array<i32>} : memref<128xi32, #tpu.memory_space<vmem>>, vector<16xi32>,
    %get3A_968 = arith.constant 208 : index
    %get3A_969 = tpu.vector_load %arg10[%get3A_968] {strides = array<i32>} : memref<528xi32, #tpu.memory_space<vmem>>, vector<16xi32>,
    %shift_right_arithmetic3A_970 = arith.constant 7 : i32
    %shift_right_arithmetic3A_971 = vector.broadcast %shift_right_arithmetic3A_970 : i32 to vector<16xi32>
    %shift_right_arithmetic3A_972 = arith.shrsi %get3A_969, %shift_right_arithmetic3A_971 : vector<16xi32>
    %swap3A_973 = arith.constant 80 : index
    %swap3A_974 = tpu.vector_load %arg13[%swap3A_973] {strides = array<i32>} : memref<128xi32, #tpu.memory_space<vmem>>, vector<16xi32>,
    tpu.vector_store %arg13[%swap3A_973], %shift_right_arithmetic3A_972 {strides = array<i32>} : memref<128xi32, #tpu.memory_space<vmem>>, vector<16xi32>,
    %get3A_975 = arith.constant 224 : index
    %get3A_976 = tpu.vector_load %arg10[%get3A_975] {strides = array<i32>} : memref<528xi32, #tpu.memory_space<vmem>>, vector<16xi32>,
    %shift_right_arithmetic3A_977 = arith.constant 7 : i32
    %shift_right_arithmetic3A_978 = vector.broadcast %shift_right_arithmetic3A_977 : i32 to vector<16xi32>
    %shift_right_arithmetic3A_979 = arith.shrsi %get3A_976, %shift_right_arithmetic3A_978 : vector<16xi32>
    %swap3A_980 = arith.constant 96 : index
    %swap3A_981 = tpu.vector_load %arg13[%swap3A_980] {strides = array<i32>} : memref<128xi32, #tpu.memory_space<vmem>>, vector<16xi32>,
    tpu.vector_store %arg13[%swap3A_980], %shift_right_arithmetic3A_979 {strides = array<i32>} : memref<128xi32, #tpu.memory_space<vmem>>, vector<16xi32>,
    %get3A_982 = arith.constant 240 : index
    %get3A_983 = tpu.vector_load %arg10[%get3A_982] {strides = array<i32>} : memref<528xi32, #tpu.memory_space<vmem>>, vector<16xi32>,
    %shift_right_arithmetic3A_984 = arith.constant 7 : i32
    %shift_right_arithmetic3A_985 = vector.broadcast %shift_right_arithmetic3A_984 : i32 to vector<16xi32>
    %shift_right_arithmetic3A_986 = arith.shrsi %get3A_983, %shift_right_arithmetic3A_985 : vector<16xi32>
    %swap3A_987 = arith.constant 112 : index
    %swap3A_988 = tpu.vector_load %arg13[%swap3A_987] {strides = array<i32>} : memref<128xi32, #tpu.memory_space<vmem>>, vector<16xi32>,
    tpu.vector_store %arg13[%swap3A_987], %shift_right_arithmetic3A_986 {strides = array<i32>} : memref<128xi32, #tpu.memory_space<vmem>>, vector<16xi32>,
    %dma_start3A_989 = arith.constant 0 : i32
    %dma_start3A_990 = arith.constant 0 : i32
    %dma_start3A_991 = tpu.memref_slice %arg7[%dma_start3A_989, %dma_start3A_990] : memref<7816x128xf32, #tpu.memory_space<hbm>> -> memref<7816x128xf32, #tpu.memory_space<hbm>>
    tpu.enqueue_indirect_dma source(%dma_start3A_991 : memref<7816x128xf32, #tpu.memory_space<hbm>>) target(%arg12 : memref<128x128xf32, #tpu.memory_space<vmem>>) offsets(%arg13 : memref<128xi32, #tpu.memory_space<vmem>>) semaphore(%arg20 : memref<!tpu.dma_semaphore, #tpu.memory_space<semaphore_mem>>)
    %dma_wait3A_992 = arith.constant 0 : i32
    %dma_wait3A_993 = arith.constant 0 : i32
    %dma_wait3A_994 = tpu.memref_slice %arg7[%dma_wait3A_992, %dma_wait3A_993] : memref<7816x128xf32, #tpu.memory_space<hbm>> -> memref<7816x128xf32, #tpu.memory_space<hbm>>
    tpu.wait_indirect_dma semaphore(%arg20 : memref<!tpu.dma_semaphore, #tpu.memory_space<semaphore_mem>>) src(%dma_wait3A_994 : memref<7816x128xf32, #tpu.memory_space<hbm>>) dst(%arg12 : memref<128x128xf32, #tpu.memory_space<vmem>>)
    %get3A_995 = arith.constant 128 : index
    %get3A_996 = tpu.vector_load %arg10[%get3A_995] {strides = array<i32>} : memref<528xi32, #tpu.memory_space<vmem>>, vector<16xi32>,
    %add3A_997 = arith.constant 0 : i32
    %add3A_998 = vector.broadcast %add3A_997 : i32 to vector<16xi32>
    %add3A_999 = arith.addi %add3A_998, %iota3A : vector<16xi32>
    %and3A_1000 = arith.constant 127 : i32
    %and3A_1001 = vector.broadcast %and3A_1000 : i32 to vector<16xi32>
    %and3A_1002 = arith.andi %get3A_996, %and3A_1001 : vector<16xi32>
    %gather3A_1003 = tpu.vector_load_idx %arg12[%add3A_999, %and3A_1002] : memref<128x128xf32, #tpu.memory_space<vmem>>[vector<16xi32>, vector<16xi32>], vector<16xf32>,
    %swap3A_1004 = arith.constant 128 : index
    %swap3A_1005 = tpu.vector_load %arg15[%swap3A_1004] {strides = array<i32>} : memref<512xf32, #tpu.memory_space<vmem>>, vector<16xf32>,
    tpu.vector_store %arg15[%swap3A_1004], %gather3A_1003 {strides = array<i32>} : memref<512xf32, #tpu.memory_space<vmem>>, vector<16xf32>,
    %get3A_1006 = arith.constant 144 : index
    %get3A_1007 = tpu.vector_load %arg10[%get3A_1006] {strides = array<i32>} : memref<528xi32, #tpu.memory_space<vmem>>, vector<16xi32>,
    %add3A_1008 = arith.constant 16 : i32
    %add3A_1009 = vector.broadcast %add3A_1008 : i32 to vector<16xi32>
    %add3A_1010 = arith.addi %add3A_1009, %iota3A : vector<16xi32>
    %and3A_1011 = arith.constant 127 : i32
    %and3A_1012 = vector.broadcast %and3A_1011 : i32 to vector<16xi32>
    %and3A_1013 = arith.andi %get3A_1007, %and3A_1012 : vector<16xi32>
    %gather3A_1014 = tpu.vector_load_idx %arg12[%add3A_1010, %and3A_1013] : memref<128x128xf32, #tpu.memory_space<vmem>>[vector<16xi32>, vector<16xi32>], vector<16xf32>,
    %swap3A_1015 = arith.constant 144 : index
    %swap3A_1016 = tpu.vector_load %arg15[%swap3A_1015] {strides = array<i32>} : memref<512xf32, #tpu.memory_space<vmem>>, vector<16xf32>,
    tpu.vector_store %arg15[%swap3A_1015], %gather3A_1014 {strides = array<i32>} : memref<512xf32, #tpu.memory_space<vmem>>, vector<16xf32>,
    %get3A_1017 = arith.constant 160 : index
    %get3A_1018 = tpu.vector_load %arg10[%get3A_1017] {strides = array<i32>} : memref<528xi32, #tpu.memory_space<vmem>>, vector<16xi32>,
    %add3A_1019 = arith.constant 32 : i32
    %add3A_1020 = vector.broadcast %add3A_1019 : i32 to vector<16xi32>
    %add3A_1021 = arith.addi %add3A_1020, %iota3A : vector<16xi32>
    %and3A_1022 = arith.constant 127 : i32
    %and3A_1023 = vector.broadcast %and3A_1022 : i32 to vector<16xi32>
    %and3A_1024 = arith.andi %get3A_1018, %and3A_1023 : vector<16xi32>
    %gather3A_1025 = tpu.vector_load_idx %arg12[%add3A_1021, %and3A_1024] : memref<128x128xf32, #tpu.memory_space<vmem>>[vector<16xi32>, vector<16xi32>], vector<16xf32>,
    %swap3A_1026 = arith.constant 160 : index
    %swap3A_1027 = tpu.vector_load %arg15[%swap3A_1026] {strides = array<i32>} : memref<512xf32, #tpu.memory_space<vmem>>, vector<16xf32>,
    tpu.vector_store %arg15[%swap3A_1026], %gather3A_1025 {strides = array<i32>} : memref<512xf32, #tpu.memory_space<vmem>>, vector<16xf32>,
    %get3A_1028 = arith.constant 176 : index
    %get3A_1029 = tpu.vector_load %arg10[%get3A_1028] {strides = array<i32>} : memref<528xi32, #tpu.memory_space<vmem>>, vector<16xi32>,
    %add3A_1030 = arith.constant 48 : i32
    %add3A_1031 = vector.broadcast %add3A_1030 : i32 to vector<16xi32>
    %add3A_1032 = arith.addi %add3A_1031, %iota3A : vector<16xi32>
    %and3A_1033 = arith.constant 127 : i32
    %and3A_1034 = vector.broadcast %and3A_1033 : i32 to vector<16xi32>
    %and3A_1035 = arith.andi %get3A_1029, %and3A_1034 : vector<16xi32>
    %gather3A_1036 = tpu.vector_load_idx %arg12[%add3A_1032, %and3A_1035] : memref<128x128xf32, #tpu.memory_space<vmem>>[vector<16xi32>, vector<16xi32>], vector<16xf32>,
    %swap3A_1037 = arith.constant 176 : index
    %swap3A_1038 = tpu.vector_load %arg15[%swap3A_1037] {strides = array<i32>} : memref<512xf32, #tpu.memory_space<vmem>>, vector<16xf32>,
    tpu.vector_store %arg15[%swap3A_1037], %gather3A_1036 {strides = array<i32>} : memref<512xf32, #tpu.memory_space<vmem>>, vector<16xf32>,
    %get3A_1039 = arith.constant 192 : index
    %get3A_1040 = tpu.vector_load %arg10[%get3A_1039] {strides = array<i32>} : memref<528xi32, #tpu.memory_space<vmem>>, vector<16xi32>,
    %add3A_1041 = arith.constant 64 : i32
    %add3A_1042 = vector.broadcast %add3A_1041 : i32 to vector<16xi32>
    %add3A_1043 = arith.addi %add3A_1042, %iota3A : vector<16xi32>
    %and3A_1044 = arith.constant 127 : i32
    %and3A_1045 = vector.broadcast %and3A_1044 : i32 to vector<16xi32>
    %and3A_1046 = arith.andi %get3A_1040, %and3A_1045 : vector<16xi32>
    %gather3A_1047 = tpu.vector_load_idx %arg12[%add3A_1043, %and3A_1046] : memref<128x128xf32, #tpu.memory_space<vmem>>[vector<16xi32>, vector<16xi32>], vector<16xf32>,
    %swap3A_1048 = arith.constant 192 : index
    %swap3A_1049 = tpu.vector_load %arg15[%swap3A_1048] {strides = array<i32>} : memref<512xf32, #tpu.memory_space<vmem>>, vector<16xf32>,
    tpu.vector_store %arg15[%swap3A_1048], %gather3A_1047 {strides = array<i32>} : memref<512xf32, #tpu.memory_space<vmem>>, vector<16xf32>,
    %get3A_1050 = arith.constant 208 : index
    %get3A_1051 = tpu.vector_load %arg10[%get3A_1050] {strides = array<i32>} : memref<528xi32, #tpu.memory_space<vmem>>, vector<16xi32>,
    %add3A_1052 = arith.constant 80 : i32
    %add3A_1053 = vector.broadcast %add3A_1052 : i32 to vector<16xi32>
    %add3A_1054 = arith.addi %add3A_1053, %iota3A : vector<16xi32>
    %and3A_1055 = arith.constant 127 : i32
    %and3A_1056 = vector.broadcast %and3A_1055 : i32 to vector<16xi32>
    %and3A_1057 = arith.andi %get3A_1051, %and3A_1056 : vector<16xi32>
    %gather3A_1058 = tpu.vector_load_idx %arg12[%add3A_1054, %and3A_1057] : memref<128x128xf32, #tpu.memory_space<vmem>>[vector<16xi32>, vector<16xi32>], vector<16xf32>,
    %swap3A_1059 = arith.constant 208 : index
    %swap3A_1060 = tpu.vector_load %arg15[%swap3A_1059] {strides = array<i32>} : memref<512xf32, #tpu.memory_space<vmem>>, vector<16xf32>,
    tpu.vector_store %arg15[%swap3A_1059], %gather3A_1058 {strides = array<i32>} : memref<512xf32, #tpu.memory_space<vmem>>, vector<16xf32>,
    %get3A_1061 = arith.constant 224 : index
    %get3A_1062 = tpu.vector_load %arg10[%get3A_1061] {strides = array<i32>} : memref<528xi32, #tpu.memory_space<vmem>>, vector<16xi32>,
    %add3A_1063 = arith.constant 96 : i32
    %add3A_1064 = vector.broadcast %add3A_1063 : i32 to vector<16xi32>
    %add3A_1065 = arith.addi %add3A_1064, %iota3A : vector<16xi32>
    %and3A_1066 = arith.constant 127 : i32
    %and3A_1067 = vector.broadcast %and3A_1066 : i32 to vector<16xi32>
    %and3A_1068 = arith.andi %get3A_1062, %and3A_1067 : vector<16xi32>
    %gather3A_1069 = tpu.vector_load_idx %arg12[%add3A_1065, %and3A_1068] : memref<128x128xf32, #tpu.memory_space<vmem>>[vector<16xi32>, vector<16xi32>], vector<16xf32>,
    %swap3A_1070 = arith.constant 224 : index
    %swap3A_1071 = tpu.vector_load %arg15[%swap3A_1070] {strides = array<i32>} : memref<512xf32, #tpu.memory_space<vmem>>, vector<16xf32>,
    tpu.vector_store %arg15[%swap3A_1070], %gather3A_1069 {strides = array<i32>} : memref<512xf32, #tpu.memory_space<vmem>>, vector<16xf32>,
    %get3A_1072 = arith.constant 240 : index
    %get3A_1073 = tpu.vector_load %arg10[%get3A_1072] {strides = array<i32>} : memref<528xi32, #tpu.memory_space<vmem>>, vector<16xi32>,
    %add3A_1074 = arith.constant 112 : i32
    %add3A_1075 = vector.broadcast %add3A_1074 : i32 to vector<16xi32>
    %add3A_1076 = arith.addi %add3A_1075, %iota3A : vector<16xi32>
    %and3A_1077 = arith.constant 127 : i32
    %and3A_1078 = vector.broadcast %and3A_1077 : i32 to vector<16xi32>
    %and3A_1079 = arith.andi %get3A_1073, %and3A_1078 : vector<16xi32>
    %gather3A_1080 = tpu.vector_load_idx %arg12[%add3A_1076, %and3A_1079] : memref<128x128xf32, #tpu.memory_space<vmem>>[vector<16xi32>, vector<16xi32>], vector<16xf32>,
    %swap3A_1081 = arith.constant 240 : index
    %swap3A_1082 = tpu.vector_load %arg15[%swap3A_1081] {strides = array<i32>} : memref<512xf32, #tpu.memory_space<vmem>>, vector<16xf32>,
    tpu.vector_store %arg15[%swap3A_1081], %gather3A_1080 {strides = array<i32>} : memref<512xf32, #tpu.memory_space<vmem>>, vector<16xf32>,
    %get3A_1083 = arith.constant 256 : index
    %get3A_1084 = tpu.vector_load %arg10[%get3A_1083] {strides = array<i32>} : memref<528xi32, #tpu.memory_space<vmem>>, vector<16xi32>,
    %shift_right_arithmetic3A_1085 = arith.constant 7 : i32
    %shift_right_arithmetic3A_1086 = vector.broadcast %shift_right_arithmetic3A_1085 : i32 to vector<16xi32>
    %shift_right_arithmetic3A_1087 = arith.shrsi %get3A_1084, %shift_right_arithmetic3A_1086 : vector<16xi32>
    %swap3A_1088 = arith.constant 0 : index
    %swap3A_1089 = tpu.vector_load %arg13[%swap3A_1088] {strides = array<i32>} : memref<128xi32, #tpu.memory_space<vmem>>, vector<16xi32>,
    tpu.vector_store %arg13[%swap3A_1088], %shift_right_arithmetic3A_1087 {strides = array<i32>} : memref<128xi32, #tpu.memory_space<vmem>>, vector<16xi32>,
    %get3A_1090 = arith.constant 272 : index
    %get3A_1091 = tpu.vector_load %arg10[%get3A_1090] {strides = array<i32>} : memref<528xi32, #tpu.memory_space<vmem>>, vector<16xi32>,
    %shift_right_arithmetic3A_1092 = arith.constant 7 : i32
    %shift_right_arithmetic3A_1093 = vector.broadcast %shift_right_arithmetic3A_1092 : i32 to vector<16xi32>
    %shift_right_arithmetic3A_1094 = arith.shrsi %get3A_1091, %shift_right_arithmetic3A_1093 : vector<16xi32>
    %swap3A_1095 = arith.constant 16 : index
    %swap3A_1096 = tpu.vector_load %arg13[%swap3A_1095] {strides = array<i32>} : memref<128xi32, #tpu.memory_space<vmem>>, vector<16xi32>,
    tpu.vector_store %arg13[%swap3A_1095], %shift_right_arithmetic3A_1094 {strides = array<i32>} : memref<128xi32, #tpu.memory_space<vmem>>, vector<16xi32>,
    %get3A_1097 = arith.constant 288 : index
    %get3A_1098 = tpu.vector_load %arg10[%get3A_1097] {strides = array<i32>} : memref<528xi32, #tpu.memory_space<vmem>>, vector<16xi32>,
    %shift_right_arithmetic3A_1099 = arith.constant 7 : i32
    %shift_right_arithmetic3A_1100 = vector.broadcast %shift_right_arithmetic3A_1099 : i32 to vector<16xi32>
    %shift_right_arithmetic3A_1101 = arith.shrsi %get3A_1098, %shift_right_arithmetic3A_1100 : vector<16xi32>
    %swap3A_1102 = arith.constant 32 : index
    %swap3A_1103 = tpu.vector_load %arg13[%swap3A_1102] {strides = array<i32>} : memref<128xi32, #tpu.memory_space<vmem>>, vector<16xi32>,
    tpu.vector_store %arg13[%swap3A_1102], %shift_right_arithmetic3A_1101 {strides = array<i32>} : memref<128xi32, #tpu.memory_space<vmem>>, vector<16xi32>,
    %get3A_1104 = arith.constant 304 : index
    %get3A_1105 = tpu.vector_load %arg10[%get3A_1104] {strides = array<i32>} : memref<528xi32, #tpu.memory_space<vmem>>, vector<16xi32>,
    %shift_right_arithmetic3A_1106 = arith.constant 7 : i32
    %shift_right_arithmetic3A_1107 = vector.broadcast %shift_right_arithmetic3A_1106 : i32 to vector<16xi32>
    %shift_right_arithmetic3A_1108 = arith.shrsi %get3A_1105, %shift_right_arithmetic3A_1107 : vector<16xi32>
    %swap3A_1109 = arith.constant 48 : index
    %swap3A_1110 = tpu.vector_load %arg13[%swap3A_1109] {strides = array<i32>} : memref<128xi32, #tpu.memory_space<vmem>>, vector<16xi32>,
    tpu.vector_store %arg13[%swap3A_1109], %shift_right_arithmetic3A_1108 {strides = array<i32>} : memref<128xi32, #tpu.memory_space<vmem>>, vector<16xi32>,
    %get3A_1111 = arith.constant 320 : index
    %get3A_1112 = tpu.vector_load %arg10[%get3A_1111] {strides = array<i32>} : memref<528xi32, #tpu.memory_space<vmem>>, vector<16xi32>,
    %shift_right_arithmetic3A_1113 = arith.constant 7 : i32
    %shift_right_arithmetic3A_1114 = vector.broadcast %shift_right_arithmetic3A_1113 : i32 to vector<16xi32>
    %shift_right_arithmetic3A_1115 = arith.shrsi %get3A_1112, %shift_right_arithmetic3A_1114 : vector<16xi32>
    %swap3A_1116 = arith.constant 64 : index
    %swap3A_1117 = tpu.vector_load %arg13[%swap3A_1116] {strides = array<i32>} : memref<128xi32, #tpu.memory_space<vmem>>, vector<16xi32>,
    tpu.vector_store %arg13[%swap3A_1116], %shift_right_arithmetic3A_1115 {strides = array<i32>} : memref<128xi32, #tpu.memory_space<vmem>>, vector<16xi32>,
    %get3A_1118 = arith.constant 336 : index
    %get3A_1119 = tpu.vector_load %arg10[%get3A_1118] {strides = array<i32>} : memref<528xi32, #tpu.memory_space<vmem>>, vector<16xi32>,
    %shift_right_arithmetic3A_1120 = arith.constant 7 : i32
    %shift_right_arithmetic3A_1121 = vector.broadcast %shift_right_arithmetic3A_1120 : i32 to vector<16xi32>
    %shift_right_arithmetic3A_1122 = arith.shrsi %get3A_1119, %shift_right_arithmetic3A_1121 : vector<16xi32>
    %swap3A_1123 = arith.constant 80 : index
    %swap3A_1124 = tpu.vector_load %arg13[%swap3A_1123] {strides = array<i32>} : memref<128xi32, #tpu.memory_space<vmem>>, vector<16xi32>,
    tpu.vector_store %arg13[%swap3A_1123], %shift_right_arithmetic3A_1122 {strides = array<i32>} : memref<128xi32, #tpu.memory_space<vmem>>, vector<16xi32>,
    %get3A_1125 = arith.constant 352 : index
    %get3A_1126 = tpu.vector_load %arg10[%get3A_1125] {strides = array<i32>} : memref<528xi32, #tpu.memory_space<vmem>>, vector<16xi32>,
    %shift_right_arithmetic3A_1127 = arith.constant 7 : i32
    %shift_right_arithmetic3A_1128 = vector.broadcast %shift_right_arithmetic3A_1127 : i32 to vector<16xi32>
    %shift_right_arithmetic3A_1129 = arith.shrsi %get3A_1126, %shift_right_arithmetic3A_1128 : vector<16xi32>
    %swap3A_1130 = arith.constant 96 : index
    %swap3A_1131 = tpu.vector_load %arg13[%swap3A_1130] {strides = array<i32>} : memref<128xi32, #tpu.memory_space<vmem>>, vector<16xi32>,
    tpu.vector_store %arg13[%swap3A_1130], %shift_right_arithmetic3A_1129 {strides = array<i32>} : memref<128xi32, #tpu.memory_space<vmem>>, vector<16xi32>,
    %get3A_1132 = arith.constant 368 : index
    %get3A_1133 = tpu.vector_load %arg10[%get3A_1132] {strides = array<i32>} : memref<528xi32, #tpu.memory_space<vmem>>, vector<16xi32>,
    %shift_right_arithmetic3A_1134 = arith.constant 7 : i32
    %shift_right_arithmetic3A_1135 = vector.broadcast %shift_right_arithmetic3A_1134 : i32 to vector<16xi32>
    %shift_right_arithmetic3A_1136 = arith.shrsi %get3A_1133, %shift_right_arithmetic3A_1135 : vector<16xi32>
    %swap3A_1137 = arith.constant 112 : index
    %swap3A_1138 = tpu.vector_load %arg13[%swap3A_1137] {strides = array<i32>} : memref<128xi32, #tpu.memory_space<vmem>>, vector<16xi32>,
    tpu.vector_store %arg13[%swap3A_1137], %shift_right_arithmetic3A_1136 {strides = array<i32>} : memref<128xi32, #tpu.memory_space<vmem>>, vector<16xi32>,
    %dma_start3A_1139 = arith.constant 0 : i32
    %dma_start3A_1140 = arith.constant 0 : i32
    %dma_start3A_1141 = tpu.memref_slice %arg7[%dma_start3A_1139, %dma_start3A_1140] : memref<7816x128xf32, #tpu.memory_space<hbm>> -> memref<7816x128xf32, #tpu.memory_space<hbm>>
    tpu.enqueue_indirect_dma source(%dma_start3A_1141 : memref<7816x128xf32, #tpu.memory_space<hbm>>) target(%arg12 : memref<128x128xf32, #tpu.memory_space<vmem>>) offsets(%arg13 : memref<128xi32, #tpu.memory_space<vmem>>) semaphore(%arg20 : memref<!tpu.dma_semaphore, #tpu.memory_space<semaphore_mem>>)
    %dma_wait3A_1142 = arith.constant 0 : i32
    %dma_wait3A_1143 = arith.constant 0 : i32
    %dma_wait3A_1144 = tpu.memref_slice %arg7[%dma_wait3A_1142, %dma_wait3A_1143] : memref<7816x128xf32, #tpu.memory_space<hbm>> -> memref<7816x128xf32, #tpu.memory_space<hbm>>
    tpu.wait_indirect_dma semaphore(%arg20 : memref<!tpu.dma_semaphore, #tpu.memory_space<semaphore_mem>>) src(%dma_wait3A_1144 : memref<7816x128xf32, #tpu.memory_space<hbm>>) dst(%arg12 : memref<128x128xf32, #tpu.memory_space<vmem>>)
    %get3A_1145 = arith.constant 256 : index
    %get3A_1146 = tpu.vector_load %arg10[%get3A_1145] {strides = array<i32>} : memref<528xi32, #tpu.memory_space<vmem>>, vector<16xi32>,
    %add3A_1147 = arith.constant 0 : i32
    %add3A_1148 = vector.broadcast %add3A_1147 : i32 to vector<16xi32>
    %add3A_1149 = arith.addi %add3A_1148, %iota3A : vector<16xi32>
    %and3A_1150 = arith.constant 127 : i32
    %and3A_1151 = vector.broadcast %and3A_1150 : i32 to vector<16xi32>
    %and3A_1152 = arith.andi %get3A_1146, %and3A_1151 : vector<16xi32>
    %gather3A_1153 = tpu.vector_load_idx %arg12[%add3A_1149, %and3A_1152] : memref<128x128xf32, #tpu.memory_space<vmem>>[vector<16xi32>, vector<16xi32>], vector<16xf32>,
    %swap3A_1154 = arith.constant 256 : index
    %swap3A_1155 = tpu.vector_load %arg15[%swap3A_1154] {strides = array<i32>} : memref<512xf32, #tpu.memory_space<vmem>>, vector<16xf32>,
    tpu.vector_store %arg15[%swap3A_1154], %gather3A_1153 {strides = array<i32>} : memref<512xf32, #tpu.memory_space<vmem>>, vector<16xf32>,
    %get3A_1156 = arith.constant 272 : index
    %get3A_1157 = tpu.vector_load %arg10[%get3A_1156] {strides = array<i32>} : memref<528xi32, #tpu.memory_space<vmem>>, vector<16xi32>,
    %add3A_1158 = arith.constant 16 : i32
    %add3A_1159 = vector.broadcast %add3A_1158 : i32 to vector<16xi32>
    %add3A_1160 = arith.addi %add3A_1159, %iota3A : vector<16xi32>
    %and3A_1161 = arith.constant 127 : i32
    %and3A_1162 = vector.broadcast %and3A_1161 : i32 to vector<16xi32>
    %and3A_1163 = arith.andi %get3A_1157, %and3A_1162 : vector<16xi32>
    %gather3A_1164 = tpu.vector_load_idx %arg12[%add3A_1160, %and3A_1163] : memref<128x128xf32, #tpu.memory_space<vmem>>[vector<16xi32>, vector<16xi32>], vector<16xf32>,
    %swap3A_1165 = arith.constant 272 : index
    %swap3A_1166 = tpu.vector_load %arg15[%swap3A_1165] {strides = array<i32>} : memref<512xf32, #tpu.memory_space<vmem>>, vector<16xf32>,
    tpu.vector_store %arg15[%swap3A_1165], %gather3A_1164 {strides = array<i32>} : memref<512xf32, #tpu.memory_space<vmem>>, vector<16xf32>,
    %get3A_1167 = arith.constant 288 : index
    %get3A_1168 = tpu.vector_load %arg10[%get3A_1167] {strides = array<i32>} : memref<528xi32, #tpu.memory_space<vmem>>, vector<16xi32>,
    %add3A_1169 = arith.constant 32 : i32
    %add3A_1170 = vector.broadcast %add3A_1169 : i32 to vector<16xi32>
    %add3A_1171 = arith.addi %add3A_1170, %iota3A : vector<16xi32>
    %and3A_1172 = arith.constant 127 : i32
    %and3A_1173 = vector.broadcast %and3A_1172 : i32 to vector<16xi32>
    %and3A_1174 = arith.andi %get3A_1168, %and3A_1173 : vector<16xi32>
    %gather3A_1175 = tpu.vector_load_idx %arg12[%add3A_1171, %and3A_1174] : memref<128x128xf32, #tpu.memory_space<vmem>>[vector<16xi32>, vector<16xi32>], vector<16xf32>,
    %swap3A_1176 = arith.constant 288 : index
    %swap3A_1177 = tpu.vector_load %arg15[%swap3A_1176] {strides = array<i32>} : memref<512xf32, #tpu.memory_space<vmem>>, vector<16xf32>,
    tpu.vector_store %arg15[%swap3A_1176], %gather3A_1175 {strides = array<i32>} : memref<512xf32, #tpu.memory_space<vmem>>, vector<16xf32>,
    %get3A_1178 = arith.constant 304 : index
    %get3A_1179 = tpu.vector_load %arg10[%get3A_1178] {strides = array<i32>} : memref<528xi32, #tpu.memory_space<vmem>>, vector<16xi32>,
    %add3A_1180 = arith.constant 48 : i32
    %add3A_1181 = vector.broadcast %add3A_1180 : i32 to vector<16xi32>
    %add3A_1182 = arith.addi %add3A_1181, %iota3A : vector<16xi32>
    %and3A_1183 = arith.constant 127 : i32
    %and3A_1184 = vector.broadcast %and3A_1183 : i32 to vector<16xi32>
    %and3A_1185 = arith.andi %get3A_1179, %and3A_1184 : vector<16xi32>
    %gather3A_1186 = tpu.vector_load_idx %arg12[%add3A_1182, %and3A_1185] : memref<128x128xf32, #tpu.memory_space<vmem>>[vector<16xi32>, vector<16xi32>], vector<16xf32>,
    %swap3A_1187 = arith.constant 304 : index
    %swap3A_1188 = tpu.vector_load %arg15[%swap3A_1187] {strides = array<i32>} : memref<512xf32, #tpu.memory_space<vmem>>, vector<16xf32>,
    tpu.vector_store %arg15[%swap3A_1187], %gather3A_1186 {strides = array<i32>} : memref<512xf32, #tpu.memory_space<vmem>>, vector<16xf32>,
    %get3A_1189 = arith.constant 320 : index
    %get3A_1190 = tpu.vector_load %arg10[%get3A_1189] {strides = array<i32>} : memref<528xi32, #tpu.memory_space<vmem>>, vector<16xi32>,
    %add3A_1191 = arith.constant 64 : i32
    %add3A_1192 = vector.broadcast %add3A_1191 : i32 to vector<16xi32>
    %add3A_1193 = arith.addi %add3A_1192, %iota3A : vector<16xi32>
    %and3A_1194 = arith.constant 127 : i32
    %and3A_1195 = vector.broadcast %and3A_1194 : i32 to vector<16xi32>
    %and3A_1196 = arith.andi %get3A_1190, %and3A_1195 : vector<16xi32>
    %gather3A_1197 = tpu.vector_load_idx %arg12[%add3A_1193, %and3A_1196] : memref<128x128xf32, #tpu.memory_space<vmem>>[vector<16xi32>, vector<16xi32>], vector<16xf32>,
    %swap3A_1198 = arith.constant 320 : index
    %swap3A_1199 = tpu.vector_load %arg15[%swap3A_1198] {strides = array<i32>} : memref<512xf32, #tpu.memory_space<vmem>>, vector<16xf32>,
    tpu.vector_store %arg15[%swap3A_1198], %gather3A_1197 {strides = array<i32>} : memref<512xf32, #tpu.memory_space<vmem>>, vector<16xf32>,
    %get3A_1200 = arith.constant 336 : index
    %get3A_1201 = tpu.vector_load %arg10[%get3A_1200] {strides = array<i32>} : memref<528xi32, #tpu.memory_space<vmem>>, vector<16xi32>,
    %add3A_1202 = arith.constant 80 : i32
    %add3A_1203 = vector.broadcast %add3A_1202 : i32 to vector<16xi32>
    %add3A_1204 = arith.addi %add3A_1203, %iota3A : vector<16xi32>
    %and3A_1205 = arith.constant 127 : i32
    %and3A_1206 = vector.broadcast %and3A_1205 : i32 to vector<16xi32>
    %and3A_1207 = arith.andi %get3A_1201, %and3A_1206 : vector<16xi32>
    %gather3A_1208 = tpu.vector_load_idx %arg12[%add3A_1204, %and3A_1207] : memref<128x128xf32, #tpu.memory_space<vmem>>[vector<16xi32>, vector<16xi32>], vector<16xf32>,
    %swap3A_1209 = arith.constant 336 : index
    %swap3A_1210 = tpu.vector_load %arg15[%swap3A_1209] {strides = array<i32>} : memref<512xf32, #tpu.memory_space<vmem>>, vector<16xf32>,
    tpu.vector_store %arg15[%swap3A_1209], %gather3A_1208 {strides = array<i32>} : memref<512xf32, #tpu.memory_space<vmem>>, vector<16xf32>,
    %get3A_1211 = arith.constant 352 : index
    %get3A_1212 = tpu.vector_load %arg10[%get3A_1211] {strides = array<i32>} : memref<528xi32, #tpu.memory_space<vmem>>, vector<16xi32>,
    %add3A_1213 = arith.constant 96 : i32
    %add3A_1214 = vector.broadcast %add3A_1213 : i32 to vector<16xi32>
    %add3A_1215 = arith.addi %add3A_1214, %iota3A : vector<16xi32>
    %and3A_1216 = arith.constant 127 : i32
    %and3A_1217 = vector.broadcast %and3A_1216 : i32 to vector<16xi32>
    %and3A_1218 = arith.andi %get3A_1212, %and3A_1217 : vector<16xi32>
    %gather3A_1219 = tpu.vector_load_idx %arg12[%add3A_1215, %and3A_1218] : memref<128x128xf32, #tpu.memory_space<vmem>>[vector<16xi32>, vector<16xi32>], vector<16xf32>,
    %swap3A_1220 = arith.constant 352 : index
    %swap3A_1221 = tpu.vector_load %arg15[%swap3A_1220] {strides = array<i32>} : memref<512xf32, #tpu.memory_space<vmem>>, vector<16xf32>,
    tpu.vector_store %arg15[%swap3A_1220], %gather3A_1219 {strides = array<i32>} : memref<512xf32, #tpu.memory_space<vmem>>, vector<16xf32>,
    %get3A_1222 = arith.constant 368 : index
    %get3A_1223 = tpu.vector_load %arg10[%get3A_1222] {strides = array<i32>} : memref<528xi32, #tpu.memory_space<vmem>>, vector<16xi32>,
    %add3A_1224 = arith.constant 112 : i32
    %add3A_1225 = vector.broadcast %add3A_1224 : i32 to vector<16xi32>
    %add3A_1226 = arith.addi %add3A_1225, %iota3A : vector<16xi32>
    %and3A_1227 = arith.constant 127 : i32
    %and3A_1228 = vector.broadcast %and3A_1227 : i32 to vector<16xi32>
    %and3A_1229 = arith.andi %get3A_1223, %and3A_1228 : vector<16xi32>
    %gather3A_1230 = tpu.vector_load_idx %arg12[%add3A_1226, %and3A_1229] : memref<128x128xf32, #tpu.memory_space<vmem>>[vector<16xi32>, vector<16xi32>], vector<16xf32>,
    %swap3A_1231 = arith.constant 368 : index
    %swap3A_1232 = tpu.vector_load %arg15[%swap3A_1231] {strides = array<i32>} : memref<512xf32, #tpu.memory_space<vmem>>, vector<16xf32>,
    tpu.vector_store %arg15[%swap3A_1231], %gather3A_1230 {strides = array<i32>} : memref<512xf32, #tpu.memory_space<vmem>>, vector<16xf32>,
    %get3A_1233 = arith.constant 384 : index
    %get3A_1234 = tpu.vector_load %arg10[%get3A_1233] {strides = array<i32>} : memref<528xi32, #tpu.memory_space<vmem>>, vector<16xi32>,
    %shift_right_arithmetic3A_1235 = arith.constant 7 : i32
    %shift_right_arithmetic3A_1236 = vector.broadcast %shift_right_arithmetic3A_1235 : i32 to vector<16xi32>
    %shift_right_arithmetic3A_1237 = arith.shrsi %get3A_1234, %shift_right_arithmetic3A_1236 : vector<16xi32>
    %swap3A_1238 = arith.constant 0 : index
    %swap3A_1239 = tpu.vector_load %arg13[%swap3A_1238] {strides = array<i32>} : memref<128xi32, #tpu.memory_space<vmem>>, vector<16xi32>,
    tpu.vector_store %arg13[%swap3A_1238], %shift_right_arithmetic3A_1237 {strides = array<i32>} : memref<128xi32, #tpu.memory_space<vmem>>, vector<16xi32>,
    %get3A_1240 = arith.constant 400 : index
    %get3A_1241 = tpu.vector_load %arg10[%get3A_1240] {strides = array<i32>} : memref<528xi32, #tpu.memory_space<vmem>>, vector<16xi32>,
    %shift_right_arithmetic3A_1242 = arith.constant 7 : i32
    %shift_right_arithmetic3A_1243 = vector.broadcast %shift_right_arithmetic3A_1242 : i32 to vector<16xi32>
    %shift_right_arithmetic3A_1244 = arith.shrsi %get3A_1241, %shift_right_arithmetic3A_1243 : vector<16xi32>
    %swap3A_1245 = arith.constant 16 : index
    %swap3A_1246 = tpu.vector_load %arg13[%swap3A_1245] {strides = array<i32>} : memref<128xi32, #tpu.memory_space<vmem>>, vector<16xi32>,
    tpu.vector_store %arg13[%swap3A_1245], %shift_right_arithmetic3A_1244 {strides = array<i32>} : memref<128xi32, #tpu.memory_space<vmem>>, vector<16xi32>,
    %get3A_1247 = arith.constant 416 : index
    %get3A_1248 = tpu.vector_load %arg10[%get3A_1247] {strides = array<i32>} : memref<528xi32, #tpu.memory_space<vmem>>, vector<16xi32>,
    %shift_right_arithmetic3A_1249 = arith.constant 7 : i32
    %shift_right_arithmetic3A_1250 = vector.broadcast %shift_right_arithmetic3A_1249 : i32 to vector<16xi32>
    %shift_right_arithmetic3A_1251 = arith.shrsi %get3A_1248, %shift_right_arithmetic3A_1250 : vector<16xi32>
    %swap3A_1252 = arith.constant 32 : index
    %swap3A_1253 = tpu.vector_load %arg13[%swap3A_1252] {strides = array<i32>} : memref<128xi32, #tpu.memory_space<vmem>>, vector<16xi32>,
    tpu.vector_store %arg13[%swap3A_1252], %shift_right_arithmetic3A_1251 {strides = array<i32>} : memref<128xi32, #tpu.memory_space<vmem>>, vector<16xi32>,
    %get3A_1254 = arith.constant 432 : index
    %get3A_1255 = tpu.vector_load %arg10[%get3A_1254] {strides = array<i32>} : memref<528xi32, #tpu.memory_space<vmem>>, vector<16xi32>,
    %shift_right_arithmetic3A_1256 = arith.constant 7 : i32
    %shift_right_arithmetic3A_1257 = vector.broadcast %shift_right_arithmetic3A_1256 : i32 to vector<16xi32>
    %shift_right_arithmetic3A_1258 = arith.shrsi %get3A_1255, %shift_right_arithmetic3A_1257 : vector<16xi32>
    %swap3A_1259 = arith.constant 48 : index
    %swap3A_1260 = tpu.vector_load %arg13[%swap3A_1259] {strides = array<i32>} : memref<128xi32, #tpu.memory_space<vmem>>, vector<16xi32>,
    tpu.vector_store %arg13[%swap3A_1259], %shift_right_arithmetic3A_1258 {strides = array<i32>} : memref<128xi32, #tpu.memory_space<vmem>>, vector<16xi32>,
    %get3A_1261 = arith.constant 448 : index
    %get3A_1262 = tpu.vector_load %arg10[%get3A_1261] {strides = array<i32>} : memref<528xi32, #tpu.memory_space<vmem>>, vector<16xi32>,
    %shift_right_arithmetic3A_1263 = arith.constant 7 : i32
    %shift_right_arithmetic3A_1264 = vector.broadcast %shift_right_arithmetic3A_1263 : i32 to vector<16xi32>
    %shift_right_arithmetic3A_1265 = arith.shrsi %get3A_1262, %shift_right_arithmetic3A_1264 : vector<16xi32>
    %swap3A_1266 = arith.constant 64 : index
    %swap3A_1267 = tpu.vector_load %arg13[%swap3A_1266] {strides = array<i32>} : memref<128xi32, #tpu.memory_space<vmem>>, vector<16xi32>,
    tpu.vector_store %arg13[%swap3A_1266], %shift_right_arithmetic3A_1265 {strides = array<i32>} : memref<128xi32, #tpu.memory_space<vmem>>, vector<16xi32>,
    %get3A_1268 = arith.constant 464 : index
    %get3A_1269 = tpu.vector_load %arg10[%get3A_1268] {strides = array<i32>} : memref<528xi32, #tpu.memory_space<vmem>>, vector<16xi32>,
    %shift_right_arithmetic3A_1270 = arith.constant 7 : i32
    %shift_right_arithmetic3A_1271 = vector.broadcast %shift_right_arithmetic3A_1270 : i32 to vector<16xi32>
    %shift_right_arithmetic3A_1272 = arith.shrsi %get3A_1269, %shift_right_arithmetic3A_1271 : vector<16xi32>
    %swap3A_1273 = arith.constant 80 : index
    %swap3A_1274 = tpu.vector_load %arg13[%swap3A_1273] {strides = array<i32>} : memref<128xi32, #tpu.memory_space<vmem>>, vector<16xi32>,
    tpu.vector_store %arg13[%swap3A_1273], %shift_right_arithmetic3A_1272 {strides = array<i32>} : memref<128xi32, #tpu.memory_space<vmem>>, vector<16xi32>,
    %get3A_1275 = arith.constant 480 : index
    %get3A_1276 = tpu.vector_load %arg10[%get3A_1275] {strides = array<i32>} : memref<528xi32, #tpu.memory_space<vmem>>, vector<16xi32>,
    %shift_right_arithmetic3A_1277 = arith.constant 7 : i32
    %shift_right_arithmetic3A_1278 = vector.broadcast %shift_right_arithmetic3A_1277 : i32 to vector<16xi32>
    %shift_right_arithmetic3A_1279 = arith.shrsi %get3A_1276, %shift_right_arithmetic3A_1278 : vector<16xi32>
    %swap3A_1280 = arith.constant 96 : index
    %swap3A_1281 = tpu.vector_load %arg13[%swap3A_1280] {strides = array<i32>} : memref<128xi32, #tpu.memory_space<vmem>>, vector<16xi32>,
    tpu.vector_store %arg13[%swap3A_1280], %shift_right_arithmetic3A_1279 {strides = array<i32>} : memref<128xi32, #tpu.memory_space<vmem>>, vector<16xi32>,
    %get3A_1282 = arith.constant 496 : index
    %get3A_1283 = tpu.vector_load %arg10[%get3A_1282] {strides = array<i32>} : memref<528xi32, #tpu.memory_space<vmem>>, vector<16xi32>,
    %shift_right_arithmetic3A_1284 = arith.constant 7 : i32
    %shift_right_arithmetic3A_1285 = vector.broadcast %shift_right_arithmetic3A_1284 : i32 to vector<16xi32>
    %shift_right_arithmetic3A_1286 = arith.shrsi %get3A_1283, %shift_right_arithmetic3A_1285 : vector<16xi32>
    %swap3A_1287 = arith.constant 112 : index
    %swap3A_1288 = tpu.vector_load %arg13[%swap3A_1287] {strides = array<i32>} : memref<128xi32, #tpu.memory_space<vmem>>, vector<16xi32>,
    tpu.vector_store %arg13[%swap3A_1287], %shift_right_arithmetic3A_1286 {strides = array<i32>} : memref<128xi32, #tpu.memory_space<vmem>>, vector<16xi32>,
    %dma_start3A_1289 = arith.constant 0 : i32
    %dma_start3A_1290 = arith.constant 0 : i32
    %dma_start3A_1291 = tpu.memref_slice %arg7[%dma_start3A_1289, %dma_start3A_1290] : memref<7816x128xf32, #tpu.memory_space<hbm>> -> memref<7816x128xf32, #tpu.memory_space<hbm>>
    tpu.enqueue_indirect_dma source(%dma_start3A_1291 : memref<7816x128xf32, #tpu.memory_space<hbm>>) target(%arg12 : memref<128x128xf32, #tpu.memory_space<vmem>>) offsets(%arg13 : memref<128xi32, #tpu.memory_space<vmem>>) semaphore(%arg20 : memref<!tpu.dma_semaphore, #tpu.memory_space<semaphore_mem>>)
    %dma_wait3A_1292 = arith.constant 0 : i32
    %dma_wait3A_1293 = arith.constant 0 : i32
    %dma_wait3A_1294 = tpu.memref_slice %arg7[%dma_wait3A_1292, %dma_wait3A_1293] : memref<7816x128xf32, #tpu.memory_space<hbm>> -> memref<7816x128xf32, #tpu.memory_space<hbm>>
    tpu.wait_indirect_dma semaphore(%arg20 : memref<!tpu.dma_semaphore, #tpu.memory_space<semaphore_mem>>) src(%dma_wait3A_1294 : memref<7816x128xf32, #tpu.memory_space<hbm>>) dst(%arg12 : memref<128x128xf32, #tpu.memory_space<vmem>>)
    %get3A_1295 = arith.constant 384 : index
    %get3A_1296 = tpu.vector_load %arg10[%get3A_1295] {strides = array<i32>} : memref<528xi32, #tpu.memory_space<vmem>>, vector<16xi32>,
    %add3A_1297 = arith.constant 0 : i32
    %add3A_1298 = vector.broadcast %add3A_1297 : i32 to vector<16xi32>
    %add3A_1299 = arith.addi %add3A_1298, %iota3A : vector<16xi32>
    %and3A_1300 = arith.constant 127 : i32
    %and3A_1301 = vector.broadcast %and3A_1300 : i32 to vector<16xi32>
    %and3A_1302 = arith.andi %get3A_1296, %and3A_1301 : vector<16xi32>
    %gather3A_1303 = tpu.vector_load_idx %arg12[%add3A_1299, %and3A_1302] : memref<128x128xf32, #tpu.memory_space<vmem>>[vector<16xi32>, vector<16xi32>], vector<16xf32>,
    %swap3A_1304 = arith.constant 384 : index
    %swap3A_1305 = tpu.vector_load %arg15[%swap3A_1304] {strides = array<i32>} : memref<512xf32, #tpu.memory_space<vmem>>, vector<16xf32>,
    tpu.vector_store %arg15[%swap3A_1304], %gather3A_1303 {strides = array<i32>} : memref<512xf32, #tpu.memory_space<vmem>>, vector<16xf32>,
    %get3A_1306 = arith.constant 400 : index
    %get3A_1307 = tpu.vector_load %arg10[%get3A_1306] {strides = array<i32>} : memref<528xi32, #tpu.memory_space<vmem>>, vector<16xi32>,
    %add3A_1308 = arith.constant 16 : i32
    %add3A_1309 = vector.broadcast %add3A_1308 : i32 to vector<16xi32>
    %add3A_1310 = arith.addi %add3A_1309, %iota3A : vector<16xi32>
    %and3A_1311 = arith.constant 127 : i32
    %and3A_1312 = vector.broadcast %and3A_1311 : i32 to vector<16xi32>
    %and3A_1313 = arith.andi %get3A_1307, %and3A_1312 : vector<16xi32>
    %gather3A_1314 = tpu.vector_load_idx %arg12[%add3A_1310, %and3A_1313] : memref<128x128xf32, #tpu.memory_space<vmem>>[vector<16xi32>, vector<16xi32>], vector<16xf32>,
    %swap3A_1315 = arith.constant 400 : index
    %swap3A_1316 = tpu.vector_load %arg15[%swap3A_1315] {strides = array<i32>} : memref<512xf32, #tpu.memory_space<vmem>>, vector<16xf32>,
    tpu.vector_store %arg15[%swap3A_1315], %gather3A_1314 {strides = array<i32>} : memref<512xf32, #tpu.memory_space<vmem>>, vector<16xf32>,
    %get3A_1317 = arith.constant 416 : index
    %get3A_1318 = tpu.vector_load %arg10[%get3A_1317] {strides = array<i32>} : memref<528xi32, #tpu.memory_space<vmem>>, vector<16xi32>,
    %add3A_1319 = arith.constant 32 : i32
    %add3A_1320 = vector.broadcast %add3A_1319 : i32 to vector<16xi32>
    %add3A_1321 = arith.addi %add3A_1320, %iota3A : vector<16xi32>
    %and3A_1322 = arith.constant 127 : i32
    %and3A_1323 = vector.broadcast %and3A_1322 : i32 to vector<16xi32>
    %and3A_1324 = arith.andi %get3A_1318, %and3A_1323 : vector<16xi32>
    %gather3A_1325 = tpu.vector_load_idx %arg12[%add3A_1321, %and3A_1324] : memref<128x128xf32, #tpu.memory_space<vmem>>[vector<16xi32>, vector<16xi32>], vector<16xf32>,
    %swap3A_1326 = arith.constant 416 : index
    %swap3A_1327 = tpu.vector_load %arg15[%swap3A_1326] {strides = array<i32>} : memref<512xf32, #tpu.memory_space<vmem>>, vector<16xf32>,
    tpu.vector_store %arg15[%swap3A_1326], %gather3A_1325 {strides = array<i32>} : memref<512xf32, #tpu.memory_space<vmem>>, vector<16xf32>,
    %get3A_1328 = arith.constant 432 : index
    %get3A_1329 = tpu.vector_load %arg10[%get3A_1328] {strides = array<i32>} : memref<528xi32, #tpu.memory_space<vmem>>, vector<16xi32>,
    %add3A_1330 = arith.constant 48 : i32
    %add3A_1331 = vector.broadcast %add3A_1330 : i32 to vector<16xi32>
    %add3A_1332 = arith.addi %add3A_1331, %iota3A : vector<16xi32>
    %and3A_1333 = arith.constant 127 : i32
    %and3A_1334 = vector.broadcast %and3A_1333 : i32 to vector<16xi32>
    %and3A_1335 = arith.andi %get3A_1329, %and3A_1334 : vector<16xi32>
    %gather3A_1336 = tpu.vector_load_idx %arg12[%add3A_1332, %and3A_1335] : memref<128x128xf32, #tpu.memory_space<vmem>>[vector<16xi32>, vector<16xi32>], vector<16xf32>,
    %swap3A_1337 = arith.constant 432 : index
    %swap3A_1338 = tpu.vector_load %arg15[%swap3A_1337] {strides = array<i32>} : memref<512xf32, #tpu.memory_space<vmem>>, vector<16xf32>,
    tpu.vector_store %arg15[%swap3A_1337], %gather3A_1336 {strides = array<i32>} : memref<512xf32, #tpu.memory_space<vmem>>, vector<16xf32>,
    %get3A_1339 = arith.constant 448 : index
    %get3A_1340 = tpu.vector_load %arg10[%get3A_1339] {strides = array<i32>} : memref<528xi32, #tpu.memory_space<vmem>>, vector<16xi32>,
    %add3A_1341 = arith.constant 64 : i32
    %add3A_1342 = vector.broadcast %add3A_1341 : i32 to vector<16xi32>
    %add3A_1343 = arith.addi %add3A_1342, %iota3A : vector<16xi32>
    %and3A_1344 = arith.constant 127 : i32
    %and3A_1345 = vector.broadcast %and3A_1344 : i32 to vector<16xi32>
    %and3A_1346 = arith.andi %get3A_1340, %and3A_1345 : vector<16xi32>
    %gather3A_1347 = tpu.vector_load_idx %arg12[%add3A_1343, %and3A_1346] : memref<128x128xf32, #tpu.memory_space<vmem>>[vector<16xi32>, vector<16xi32>], vector<16xf32>,
    %swap3A_1348 = arith.constant 448 : index
    %swap3A_1349 = tpu.vector_load %arg15[%swap3A_1348] {strides = array<i32>} : memref<512xf32, #tpu.memory_space<vmem>>, vector<16xf32>,
    tpu.vector_store %arg15[%swap3A_1348], %gather3A_1347 {strides = array<i32>} : memref<512xf32, #tpu.memory_space<vmem>>, vector<16xf32>,
    %get3A_1350 = arith.constant 464 : index
    %get3A_1351 = tpu.vector_load %arg10[%get3A_1350] {strides = array<i32>} : memref<528xi32, #tpu.memory_space<vmem>>, vector<16xi32>,
    %add3A_1352 = arith.constant 80 : i32
    %add3A_1353 = vector.broadcast %add3A_1352 : i32 to vector<16xi32>
    %add3A_1354 = arith.addi %add3A_1353, %iota3A : vector<16xi32>
    %and3A_1355 = arith.constant 127 : i32
    %and3A_1356 = vector.broadcast %and3A_1355 : i32 to vector<16xi32>
    %and3A_1357 = arith.andi %get3A_1351, %and3A_1356 : vector<16xi32>
    %gather3A_1358 = tpu.vector_load_idx %arg12[%add3A_1354, %and3A_1357] : memref<128x128xf32, #tpu.memory_space<vmem>>[vector<16xi32>, vector<16xi32>], vector<16xf32>,
    %swap3A_1359 = arith.constant 464 : index
    %swap3A_1360 = tpu.vector_load %arg15[%swap3A_1359] {strides = array<i32>} : memref<512xf32, #tpu.memory_space<vmem>>, vector<16xf32>,
    tpu.vector_store %arg15[%swap3A_1359], %gather3A_1358 {strides = array<i32>} : memref<512xf32, #tpu.memory_space<vmem>>, vector<16xf32>,
    %get3A_1361 = arith.constant 480 : index
    %get3A_1362 = tpu.vector_load %arg10[%get3A_1361] {strides = array<i32>} : memref<528xi32, #tpu.memory_space<vmem>>, vector<16xi32>,
    %add3A_1363 = arith.constant 96 : i32
    %add3A_1364 = vector.broadcast %add3A_1363 : i32 to vector<16xi32>
    %add3A_1365 = arith.addi %add3A_1364, %iota3A : vector<16xi32>
    %and3A_1366 = arith.constant 127 : i32
    %and3A_1367 = vector.broadcast %and3A_1366 : i32 to vector<16xi32>
    %and3A_1368 = arith.andi %get3A_1362, %and3A_1367 : vector<16xi32>
    %gather3A_1369 = tpu.vector_load_idx %arg12[%add3A_1365, %and3A_1368] : memref<128x128xf32, #tpu.memory_space<vmem>>[vector<16xi32>, vector<16xi32>], vector<16xf32>,
    %swap3A_1370 = arith.constant 480 : index
    %swap3A_1371 = tpu.vector_load %arg15[%swap3A_1370] {strides = array<i32>} : memref<512xf32, #tpu.memory_space<vmem>>, vector<16xf32>,
    tpu.vector_store %arg15[%swap3A_1370], %gather3A_1369 {strides = array<i32>} : memref<512xf32, #tpu.memory_space<vmem>>, vector<16xf32>,
    %get3A_1372 = arith.constant 496 : index
    %get3A_1373 = tpu.vector_load %arg10[%get3A_1372] {strides = array<i32>} : memref<528xi32, #tpu.memory_space<vmem>>, vector<16xi32>,
    %add3A_1374 = arith.constant 112 : i32
    %add3A_1375 = vector.broadcast %add3A_1374 : i32 to vector<16xi32>
    %add3A_1376 = arith.addi %add3A_1375, %iota3A : vector<16xi32>
    %and3A_1377 = arith.constant 127 : i32
    %and3A_1378 = vector.broadcast %and3A_1377 : i32 to vector<16xi32>
    %and3A_1379 = arith.andi %get3A_1373, %and3A_1378 : vector<16xi32>
    %gather3A_1380 = tpu.vector_load_idx %arg12[%add3A_1376, %and3A_1379] : memref<128x128xf32, #tpu.memory_space<vmem>>[vector<16xi32>, vector<16xi32>], vector<16xf32>,
    %swap3A_1381 = arith.constant 496 : index
    %swap3A_1382 = tpu.vector_load %arg15[%swap3A_1381] {strides = array<i32>} : memref<512xf32, #tpu.memory_space<vmem>>, vector<16xf32>,
    tpu.vector_store %arg15[%swap3A_1381], %gather3A_1380 {strides = array<i32>} : memref<512xf32, #tpu.memory_space<vmem>>, vector<16xf32>,
    %scan3A_1383 = arith.constant 0 : i32
    %scan3A_1384 = arith.constant 0 : i32
    %scan3A_1385 = arith.constant 256 : i32
    %scan3A_1386 = arith.addi %scan3A_1384, %scan3A_1385 : i32
    %scan3A_1387 = arith.constant 4 : i32
    scf.for %scan3A_1413 = %scan3A_1384 to %scan3A_1386 step %scan3A_1387  : i32 {
      %mul3A_1414 = arith.constant 32 : i32
      %mul3A_1415 = arith.muli %scan3A_1413, %mul3A_1414 : i32
      %mul3A_1416 = arith.constant 2 : i32
      %mul3A_1417 = vector.broadcast %mul3A_1416 : i32 to vector<16xi32>
      %mul3A_1418 = arith.muli %iota3A, %mul3A_1417 : vector<16xi32>
      %add3A_1419 = vector.broadcast %mul3A_1415 : i32 to vector<16xi32>
      %add3A_1420 = arith.addi %add3A_1419, %mul3A_1418 : vector<16xi32>
      %gather3A_1421 = tpu.vector_load_idx %arg16[%add3A_1420] : memref<8192xf32, #tpu.memory_space<vmem>>[vector<16xi32>], vector<16xf32>,
      %mul3A_1422 = arith.constant 2 : i32
      %mul3A_1423 = vector.broadcast %mul3A_1422 : i32 to vector<16xi32>
      %mul3A_1424 = arith.muli %iota3A, %mul3A_1423 : vector<16xi32>
      %add3A_1425 = vector.broadcast %mul3A_1415 : i32 to vector<16xi32>
      %add3A_1426 = arith.addi %add3A_1425, %mul3A_1424 : vector<16xi32>
      %add3A_1427 = arith.constant 1 : i32
      %add3A_1428 = vector.broadcast %add3A_1427 : i32 to vector<16xi32>
      %add3A_1429 = arith.addi %add3A_1426, %add3A_1428 : vector<16xi32>
      %gather3A_1430 = tpu.vector_load_idx %arg16[%add3A_1429] : memref<8192xf32, #tpu.memory_space<vmem>>[vector<16xi32>], vector<16xf32>,
      %add3A_1431 = arith.addf %gather3A_1421, %gather3A_1430 : vector<16xf32>
      %mul3A_1432 = arith.constant 16 : i32
      %mul3A_1433 = arith.muli %scan3A_1413, %mul3A_1432 : i32
      %multiple_of3A_1434 = tpu.assume_multiple %mul3A_1433, 16 : i32
      %swap3A_1435 = arith.index_cast %multiple_of3A_1434 : i32 to index
      %swap3A_1436 = tpu.vector_load %arg17[%swap3A_1435] {strides = array<i32>} : memref<4096xf32, #tpu.memory_space<vmem>>, vector<16xf32>,
      tpu.vector_store %arg17[%swap3A_1435], %add3A_1431 {strides = array<i32>} : memref<4096xf32, #tpu.memory_space<vmem>>, vector<16xf32>,
      %scan3A_1437 = arith.constant 1 : i32
      %scan3A_1438 = arith.addi %scan3A_1413, %scan3A_1437 : i32
      %mul3A_1439 = arith.constant 32 : i32
      %mul3A_1440 = arith.muli %scan3A_1438, %mul3A_1439 : i32
      %mul3A_1441 = arith.constant 2 : i32
      %mul3A_1442 = vector.broadcast %mul3A_1441 : i32 to vector<16xi32>
      %mul3A_1443 = arith.muli %iota3A, %mul3A_1442 : vector<16xi32>
      %add3A_1444 = vector.broadcast %mul3A_1440 : i32 to vector<16xi32>
      %add3A_1445 = arith.addi %add3A_1444, %mul3A_1443 : vector<16xi32>
      %gather3A_1446 = tpu.vector_load_idx %arg16[%add3A_1445] : memref<8192xf32, #tpu.memory_space<vmem>>[vector<16xi32>], vector<16xf32>,
      %mul3A_1447 = arith.constant 2 : i32
      %mul3A_1448 = vector.broadcast %mul3A_1447 : i32 to vector<16xi32>
      %mul3A_1449 = arith.muli %iota3A, %mul3A_1448 : vector<16xi32>
      %add3A_1450 = vector.broadcast %mul3A_1440 : i32 to vector<16xi32>
      %add3A_1451 = arith.addi %add3A_1450, %mul3A_1449 : vector<16xi32>
      %add3A_1452 = arith.constant 1 : i32
      %add3A_1453 = vector.broadcast %add3A_1452 : i32 to vector<16xi32>
      %add3A_1454 = arith.addi %add3A_1451, %add3A_1453 : vector<16xi32>
      %gather3A_1455 = tpu.vector_load_idx %arg16[%add3A_1454] : memref<8192xf32, #tpu.memory_space<vmem>>[vector<16xi32>], vector<16xf32>,
      %add3A_1456 = arith.addf %gather3A_1446, %gather3A_1455 : vector<16xf32>
      %mul3A_1457 = arith.constant 16 : i32
      %mul3A_1458 = arith.muli %scan3A_1438, %mul3A_1457 : i32
      %multiple_of3A_1459 = tpu.assume_multiple %mul3A_1458, 16 : i32
      %swap3A_1460 = arith.index_cast %multiple_of3A_1459 : i32 to index
      %swap3A_1461 = tpu.vector_load %arg17[%swap3A_1460] {strides = array<i32>} : memref<4096xf32, #tpu.memory_space<vmem>>, vector<16xf32>,
      tpu.vector_store %arg17[%swap3A_1460], %add3A_1456 {strides = array<i32>} : memref<4096xf32, #tpu.memory_space<vmem>>, vector<16xf32>,
      %scan3A_1462 = arith.constant 2 : i32
      %scan3A_1463 = arith.addi %scan3A_1413, %scan3A_1462 : i32
      %mul3A_1464 = arith.constant 32 : i32
      %mul3A_1465 = arith.muli %scan3A_1463, %mul3A_1464 : i32
      %mul3A_1466 = arith.constant 2 : i32
      %mul3A_1467 = vector.broadcast %mul3A_1466 : i32 to vector<16xi32>
      %mul3A_1468 = arith.muli %iota3A, %mul3A_1467 : vector<16xi32>
      %add3A_1469 = vector.broadcast %mul3A_1465 : i32 to vector<16xi32>
      %add3A_1470 = arith.addi %add3A_1469, %mul3A_1468 : vector<16xi32>
      %gather3A_1471 = tpu.vector_load_idx %arg16[%add3A_1470] : memref<8192xf32, #tpu.memory_space<vmem>>[vector<16xi32>], vector<16xf32>,
      %mul3A_1472 = arith.constant 2 : i32
      %mul3A_1473 = vector.broadcast %mul3A_1472 : i32 to vector<16xi32>
      %mul3A_1474 = arith.muli %iota3A, %mul3A_1473 : vector<16xi32>
      %add3A_1475 = vector.broadcast %mul3A_1465 : i32 to vector<16xi32>
      %add3A_1476 = arith.addi %add3A_1475, %mul3A_1474 : vector<16xi32>
      %add3A_1477 = arith.constant 1 : i32
      %add3A_1478 = vector.broadcast %add3A_1477 : i32 to vector<16xi32>
      %add3A_1479 = arith.addi %add3A_1476, %add3A_1478 : vector<16xi32>
      %gather3A_1480 = tpu.vector_load_idx %arg16[%add3A_1479] : memref<8192xf32, #tpu.memory_space<vmem>>[vector<16xi32>], vector<16xf32>,
      %add3A_1481 = arith.addf %gather3A_1471, %gather3A_1480 : vector<16xf32>
      %mul3A_1482 = arith.constant 16 : i32
      %mul3A_1483 = arith.muli %scan3A_1463, %mul3A_1482 : i32
      %multiple_of3A_1484 = tpu.assume_multiple %mul3A_1483, 16 : i32
      %swap3A_1485 = arith.index_cast %multiple_of3A_1484 : i32 to index
      %swap3A_1486 = tpu.vector_load %arg17[%swap3A_1485] {strides = array<i32>} : memref<4096xf32, #tpu.memory_space<vmem>>, vector<16xf32>,
      tpu.vector_store %arg17[%swap3A_1485], %add3A_1481 {strides = array<i32>} : memref<4096xf32, #tpu.memory_space<vmem>>, vector<16xf32>,
      %scan3A_1487 = arith.constant 3 : i32
      %scan3A_1488 = arith.addi %scan3A_1413, %scan3A_1487 : i32
      %mul3A_1489 = arith.constant 32 : i32
      %mul3A_1490 = arith.muli %scan3A_1488, %mul3A_1489 : i32
      %mul3A_1491 = arith.constant 2 : i32
      %mul3A_1492 = vector.broadcast %mul3A_1491 : i32 to vector<16xi32>
      %mul3A_1493 = arith.muli %iota3A, %mul3A_1492 : vector<16xi32>
      %add3A_1494 = vector.broadcast %mul3A_1490 : i32 to vector<16xi32>
      %add3A_1495 = arith.addi %add3A_1494, %mul3A_1493 : vector<16xi32>
      %gather3A_1496 = tpu.vector_load_idx %arg16[%add3A_1495] : memref<8192xf32, #tpu.memory_space<vmem>>[vector<16xi32>], vector<16xf32>,
      %mul3A_1497 = arith.constant 2 : i32
      %mul3A_1498 = vector.broadcast %mul3A_1497 : i32 to vector<16xi32>
      %mul3A_1499 = arith.muli %iota3A, %mul3A_1498 : vector<16xi32>
      %add3A_1500 = vector.broadcast %mul3A_1490 : i32 to vector<16xi32>
      %add3A_1501 = arith.addi %add3A_1500, %mul3A_1499 : vector<16xi32>
      %add3A_1502 = arith.constant 1 : i32
      %add3A_1503 = vector.broadcast %add3A_1502 : i32 to vector<16xi32>
      %add3A_1504 = arith.addi %add3A_1501, %add3A_1503 : vector<16xi32>
      %gather3A_1505 = tpu.vector_load_idx %arg16[%add3A_1504] : memref<8192xf32, #tpu.memory_space<vmem>>[vector<16xi32>], vector<16xf32>,
      %add3A_1506 = arith.addf %gather3A_1496, %gather3A_1505 : vector<16xf32>
      %mul3A_1507 = arith.constant 16 : i32
      %mul3A_1508 = arith.muli %scan3A_1488, %mul3A_1507 : i32
      %multiple_of3A_1509 = tpu.assume_multiple %mul3A_1508, 16 : i32
      %swap3A_1510 = arith.index_cast %multiple_of3A_1509 : i32 to index
      %swap3A_1511 = tpu.vector_load %arg17[%swap3A_1510] {strides = array<i32>} : memref<4096xf32, #tpu.memory_space<vmem>>, vector<16xf32>,
      tpu.vector_store %arg17[%swap3A_1510], %add3A_1506 {strides = array<i32>} : memref<4096xf32, #tpu.memory_space<vmem>>, vector<16xf32>,
    }
    %scan3A_1388 = arith.constant 256 : i32
    %scan3A_1389 = arith.constant 0 : i32
    %scan3A_1390 = arith.constant 0 : i32
    %scan3A_1391 = arith.constant 128 : i32
    %scan3A_1392 = arith.addi %scan3A_1390, %scan3A_1391 : i32
    %scan3A_1393 = arith.constant 4 : i32
    scf.for %scan3A_1413 = %scan3A_1390 to %scan3A_1392 step %scan3A_1393  : i32 {
      %mul3A_1414 = arith.constant 32 : i32
      %mul3A_1415 = arith.muli %scan3A_1413, %mul3A_1414 : i32
      %mul3A_1416 = arith.constant 2 : i32
      %mul3A_1417 = vector.broadcast %mul3A_1416 : i32 to vector<16xi32>
      %mul3A_1418 = arith.muli %iota3A, %mul3A_1417 : vector<16xi32>
      %add3A_1419 = vector.broadcast %mul3A_1415 : i32 to vector<16xi32>
      %add3A_1420 = arith.addi %add3A_1419, %mul3A_1418 : vector<16xi32>
      %gather3A_1421 = tpu.vector_load_idx %arg17[%add3A_1420] : memref<4096xf32, #tpu.memory_space<vmem>>[vector<16xi32>], vector<16xf32>,
      %mul3A_1422 = arith.constant 2 : i32
      %mul3A_1423 = vector.broadcast %mul3A_1422 : i32 to vector<16xi32>
      %mul3A_1424 = arith.muli %iota3A, %mul3A_1423 : vector<16xi32>
      %add3A_1425 = vector.broadcast %mul3A_1415 : i32 to vector<16xi32>
      %add3A_1426 = arith.addi %add3A_1425, %mul3A_1424 : vector<16xi32>
      %add3A_1427 = arith.constant 1 : i32
      %add3A_1428 = vector.broadcast %add3A_1427 : i32 to vector<16xi32>
      %add3A_1429 = arith.addi %add3A_1426, %add3A_1428 : vector<16xi32>
      %gather3A_1430 = tpu.vector_load_idx %arg17[%add3A_1429] : memref<4096xf32, #tpu.memory_space<vmem>>[vector<16xi32>], vector<16xf32>,
      %add3A_1431 = arith.addf %gather3A_1421, %gather3A_1430 : vector<16xf32>
      %mul3A_1432 = arith.constant 16 : i32
      %mul3A_1433 = arith.muli %scan3A_1413, %mul3A_1432 : i32
      %multiple_of3A_1434 = tpu.assume_multiple %mul3A_1433, 16 : i32
      %swap3A_1435 = arith.index_cast %multiple_of3A_1434 : i32 to index
      %swap3A_1436 = tpu.vector_load %arg16[%swap3A_1435] {strides = array<i32>} : memref<8192xf32, #tpu.memory_space<vmem>>, vector<16xf32>,
      tpu.vector_store %arg16[%swap3A_1435], %add3A_1431 {strides = array<i32>} : memref<8192xf32, #tpu.memory_space<vmem>>, vector<16xf32>,
      %scan3A_1437 = arith.constant 1 : i32
      %scan3A_1438 = arith.addi %scan3A_1413, %scan3A_1437 : i32
      %mul3A_1439 = arith.constant 32 : i32
      %mul3A_1440 = arith.muli %scan3A_1438, %mul3A_1439 : i32
      %mul3A_1441 = arith.constant 2 : i32
      %mul3A_1442 = vector.broadcast %mul3A_1441 : i32 to vector<16xi32>
      %mul3A_1443 = arith.muli %iota3A, %mul3A_1442 : vector<16xi32>
      %add3A_1444 = vector.broadcast %mul3A_1440 : i32 to vector<16xi32>
      %add3A_1445 = arith.addi %add3A_1444, %mul3A_1443 : vector<16xi32>
      %gather3A_1446 = tpu.vector_load_idx %arg17[%add3A_1445] : memref<4096xf32, #tpu.memory_space<vmem>>[vector<16xi32>], vector<16xf32>,
      %mul3A_1447 = arith.constant 2 : i32
      %mul3A_1448 = vector.broadcast %mul3A_1447 : i32 to vector<16xi32>
      %mul3A_1449 = arith.muli %iota3A, %mul3A_1448 : vector<16xi32>
      %add3A_1450 = vector.broadcast %mul3A_1440 : i32 to vector<16xi32>
      %add3A_1451 = arith.addi %add3A_1450, %mul3A_1449 : vector<16xi32>
      %add3A_1452 = arith.constant 1 : i32
      %add3A_1453 = vector.broadcast %add3A_1452 : i32 to vector<16xi32>
      %add3A_1454 = arith.addi %add3A_1451, %add3A_1453 : vector<16xi32>
      %gather3A_1455 = tpu.vector_load_idx %arg17[%add3A_1454] : memref<4096xf32, #tpu.memory_space<vmem>>[vector<16xi32>], vector<16xf32>,
      %add3A_1456 = arith.addf %gather3A_1446, %gather3A_1455 : vector<16xf32>
      %mul3A_1457 = arith.constant 16 : i32
      %mul3A_1458 = arith.muli %scan3A_1438, %mul3A_1457 : i32
      %multiple_of3A_1459 = tpu.assume_multiple %mul3A_1458, 16 : i32
      %swap3A_1460 = arith.index_cast %multiple_of3A_1459 : i32 to index
      %swap3A_1461 = tpu.vector_load %arg16[%swap3A_1460] {strides = array<i32>} : memref<8192xf32, #tpu.memory_space<vmem>>, vector<16xf32>,
      tpu.vector_store %arg16[%swap3A_1460], %add3A_1456 {strides = array<i32>} : memref<8192xf32, #tpu.memory_space<vmem>>, vector<16xf32>,
      %scan3A_1462 = arith.constant 2 : i32
      %scan3A_1463 = arith.addi %scan3A_1413, %scan3A_1462 : i32
      %mul3A_1464 = arith.constant 32 : i32
      %mul3A_1465 = arith.muli %scan3A_1463, %mul3A_1464 : i32
      %mul3A_1466 = arith.constant 2 : i32
      %mul3A_1467 = vector.broadcast %mul3A_1466 : i32 to vector<16xi32>
      %mul3A_1468 = arith.muli %iota3A, %mul3A_1467 : vector<16xi32>
      %add3A_1469 = vector.broadcast %mul3A_1465 : i32 to vector<16xi32>
      %add3A_1470 = arith.addi %add3A_1469, %mul3A_1468 : vector<16xi32>
      %gather3A_1471 = tpu.vector_load_idx %arg17[%add3A_1470] : memref<4096xf32, #tpu.memory_space<vmem>>[vector<16xi32>], vector<16xf32>,
      %mul3A_1472 = arith.constant 2 : i32
      %mul3A_1473 = vector.broadcast %mul3A_1472 : i32 to vector<16xi32>
      %mul3A_1474 = arith.muli %iota3A, %mul3A_1473 : vector<16xi32>
      %add3A_1475 = vector.broadcast %mul3A_1465 : i32 to vector<16xi32>
      %add3A_1476 = arith.addi %add3A_1475, %mul3A_1474 : vector<16xi32>
      %add3A_1477 = arith.constant 1 : i32
      %add3A_1478 = vector.broadcast %add3A_1477 : i32 to vector<16xi32>
      %add3A_1479 = arith.addi %add3A_1476, %add3A_1478 : vector<16xi32>
      %gather3A_1480 = tpu.vector_load_idx %arg17[%add3A_1479] : memref<4096xf32, #tpu.memory_space<vmem>>[vector<16xi32>], vector<16xf32>,
      %add3A_1481 = arith.addf %gather3A_1471, %gather3A_1480 : vector<16xf32>
      %mul3A_1482 = arith.constant 16 : i32
      %mul3A_1483 = arith.muli %scan3A_1463, %mul3A_1482 : i32
      %multiple_of3A_1484 = tpu.assume_multiple %mul3A_1483, 16 : i32
      %swap3A_1485 = arith.index_cast %multiple_of3A_1484 : i32 to index
      %swap3A_1486 = tpu.vector_load %arg16[%swap3A_1485] {strides = array<i32>} : memref<8192xf32, #tpu.memory_space<vmem>>, vector<16xf32>,
      tpu.vector_store %arg16[%swap3A_1485], %add3A_1481 {strides = array<i32>} : memref<8192xf32, #tpu.memory_space<vmem>>, vector<16xf32>,
      %scan3A_1487 = arith.constant 3 : i32
      %scan3A_1488 = arith.addi %scan3A_1413, %scan3A_1487 : i32
      %mul3A_1489 = arith.constant 32 : i32
      %mul3A_1490 = arith.muli %scan3A_1488, %mul3A_1489 : i32
      %mul3A_1491 = arith.constant 2 : i32
      %mul3A_1492 = vector.broadcast %mul3A_1491 : i32 to vector<16xi32>
      %mul3A_1493 = arith.muli %iota3A, %mul3A_1492 : vector<16xi32>
      %add3A_1494 = vector.broadcast %mul3A_1490 : i32 to vector<16xi32>
      %add3A_1495 = arith.addi %add3A_1494, %mul3A_1493 : vector<16xi32>
      %gather3A_1496 = tpu.vector_load_idx %arg17[%add3A_1495] : memref<4096xf32, #tpu.memory_space<vmem>>[vector<16xi32>], vector<16xf32>,
      %mul3A_1497 = arith.constant 2 : i32
      %mul3A_1498 = vector.broadcast %mul3A_1497 : i32 to vector<16xi32>
      %mul3A_1499 = arith.muli %iota3A, %mul3A_1498 : vector<16xi32>
      %add3A_1500 = vector.broadcast %mul3A_1490 : i32 to vector<16xi32>
      %add3A_1501 = arith.addi %add3A_1500, %mul3A_1499 : vector<16xi32>
      %add3A_1502 = arith.constant 1 : i32
      %add3A_1503 = vector.broadcast %add3A_1502 : i32 to vector<16xi32>
      %add3A_1504 = arith.addi %add3A_1501, %add3A_1503 : vector<16xi32>
      %gather3A_1505 = tpu.vector_load_idx %arg17[%add3A_1504] : memref<4096xf32, #tpu.memory_space<vmem>>[vector<16xi32>], vector<16xf32>,
      %add3A_1506 = arith.addf %gather3A_1496, %gather3A_1505 : vector<16xf32>
      %mul3A_1507 = arith.constant 16 : i32
      %mul3A_1508 = arith.muli %scan3A_1488, %mul3A_1507 : i32
      %multiple_of3A_1509 = tpu.assume_multiple %mul3A_1508, 16 : i32
      %swap3A_1510 = arith.index_cast %multiple_of3A_1509 : i32 to index
      %swap3A_1511 = tpu.vector_load %arg16[%swap3A_1510] {strides = array<i32>} : memref<8192xf32, #tpu.memory_space<vmem>>, vector<16xf32>,
      tpu.vector_store %arg16[%swap3A_1510], %add3A_1506 {strides = array<i32>} : memref<8192xf32, #tpu.memory_space<vmem>>, vector<16xf32>,
    }
    %scan3A_1394 = arith.constant 128 : i32
    %scan3A_1395 = arith.constant 0 : i32
    %scan3A_1396 = arith.constant 0 : i32
    %scan3A_1397 = arith.constant 64 : i32
    %scan3A_1398 = arith.addi %scan3A_1396, %scan3A_1397 : i32
    %scan3A_1399 = arith.constant 4 : i32
    scf.for %scan3A_1413 = %scan3A_1396 to %scan3A_1398 step %scan3A_1399  : i32 {
      %mul3A_1414 = arith.constant 32 : i32
      %mul3A_1415 = arith.muli %scan3A_1413, %mul3A_1414 : i32
      %mul3A_1416 = arith.constant 2 : i32
      %mul3A_1417 = vector.broadcast %mul3A_1416 : i32 to vector<16xi32>
      %mul3A_1418 = arith.muli %iota3A, %mul3A_1417 : vector<16xi32>
      %add3A_1419 = vector.broadcast %mul3A_1415 : i32 to vector<16xi32>
      %add3A_1420 = arith.addi %add3A_1419, %mul3A_1418 : vector<16xi32>
      %gather3A_1421 = tpu.vector_load_idx %arg16[%add3A_1420] : memref<8192xf32, #tpu.memory_space<vmem>>[vector<16xi32>], vector<16xf32>,
      %mul3A_1422 = arith.constant 2 : i32
      %mul3A_1423 = vector.broadcast %mul3A_1422 : i32 to vector<16xi32>
      %mul3A_1424 = arith.muli %iota3A, %mul3A_1423 : vector<16xi32>
      %add3A_1425 = vector.broadcast %mul3A_1415 : i32 to vector<16xi32>
      %add3A_1426 = arith.addi %add3A_1425, %mul3A_1424 : vector<16xi32>
      %add3A_1427 = arith.constant 1 : i32
      %add3A_1428 = vector.broadcast %add3A_1427 : i32 to vector<16xi32>
      %add3A_1429 = arith.addi %add3A_1426, %add3A_1428 : vector<16xi32>
      %gather3A_1430 = tpu.vector_load_idx %arg16[%add3A_1429] : memref<8192xf32, #tpu.memory_space<vmem>>[vector<16xi32>], vector<16xf32>,
      %add3A_1431 = arith.addf %gather3A_1421, %gather3A_1430 : vector<16xf32>
      %mul3A_1432 = arith.constant 16 : i32
      %mul3A_1433 = arith.muli %scan3A_1413, %mul3A_1432 : i32
      %multiple_of3A_1434 = tpu.assume_multiple %mul3A_1433, 16 : i32
      %swap3A_1435 = arith.index_cast %multiple_of3A_1434 : i32 to index
      %swap3A_1436 = tpu.vector_load %arg17[%swap3A_1435] {strides = array<i32>} : memref<4096xf32, #tpu.memory_space<vmem>>, vector<16xf32>,
      tpu.vector_store %arg17[%swap3A_1435], %add3A_1431 {strides = array<i32>} : memref<4096xf32, #tpu.memory_space<vmem>>, vector<16xf32>,
      %scan3A_1437 = arith.constant 1 : i32
      %scan3A_1438 = arith.addi %scan3A_1413, %scan3A_1437 : i32
      %mul3A_1439 = arith.constant 32 : i32
      %mul3A_1440 = arith.muli %scan3A_1438, %mul3A_1439 : i32
      %mul3A_1441 = arith.constant 2 : i32
      %mul3A_1442 = vector.broadcast %mul3A_1441 : i32 to vector<16xi32>
      %mul3A_1443 = arith.muli %iota3A, %mul3A_1442 : vector<16xi32>
      %add3A_1444 = vector.broadcast %mul3A_1440 : i32 to vector<16xi32>
      %add3A_1445 = arith.addi %add3A_1444, %mul3A_1443 : vector<16xi32>
      %gather3A_1446 = tpu.vector_load_idx %arg16[%add3A_1445] : memref<8192xf32, #tpu.memory_space<vmem>>[vector<16xi32>], vector<16xf32>,
      %mul3A_1447 = arith.constant 2 : i32
      %mul3A_1448 = vector.broadcast %mul3A_1447 : i32 to vector<16xi32>
      %mul3A_1449 = arith.muli %iota3A, %mul3A_1448 : vector<16xi32>
      %add3A_1450 = vector.broadcast %mul3A_1440 : i32 to vector<16xi32>
      %add3A_1451 = arith.addi %add3A_1450, %mul3A_1449 : vector<16xi32>
      %add3A_1452 = arith.constant 1 : i32
      %add3A_1453 = vector.broadcast %add3A_1452 : i32 to vector<16xi32>
      %add3A_1454 = arith.addi %add3A_1451, %add3A_1453 : vector<16xi32>
      %gather3A_1455 = tpu.vector_load_idx %arg16[%add3A_1454] : memref<8192xf32, #tpu.memory_space<vmem>>[vector<16xi32>], vector<16xf32>,
      %add3A_1456 = arith.addf %gather3A_1446, %gather3A_1455 : vector<16xf32>
      %mul3A_1457 = arith.constant 16 : i32
      %mul3A_1458 = arith.muli %scan3A_1438, %mul3A_1457 : i32
      %multiple_of3A_1459 = tpu.assume_multiple %mul3A_1458, 16 : i32
      %swap3A_1460 = arith.index_cast %multiple_of3A_1459 : i32 to index
      %swap3A_1461 = tpu.vector_load %arg17[%swap3A_1460] {strides = array<i32>} : memref<4096xf32, #tpu.memory_space<vmem>>, vector<16xf32>,
      tpu.vector_store %arg17[%swap3A_1460], %add3A_1456 {strides = array<i32>} : memref<4096xf32, #tpu.memory_space<vmem>>, vector<16xf32>,
      %scan3A_1462 = arith.constant 2 : i32
      %scan3A_1463 = arith.addi %scan3A_1413, %scan3A_1462 : i32
      %mul3A_1464 = arith.constant 32 : i32
      %mul3A_1465 = arith.muli %scan3A_1463, %mul3A_1464 : i32
      %mul3A_1466 = arith.constant 2 : i32
      %mul3A_1467 = vector.broadcast %mul3A_1466 : i32 to vector<16xi32>
      %mul3A_1468 = arith.muli %iota3A, %mul3A_1467 : vector<16xi32>
      %add3A_1469 = vector.broadcast %mul3A_1465 : i32 to vector<16xi32>
      %add3A_1470 = arith.addi %add3A_1469, %mul3A_1468 : vector<16xi32>
      %gather3A_1471 = tpu.vector_load_idx %arg16[%add3A_1470] : memref<8192xf32, #tpu.memory_space<vmem>>[vector<16xi32>], vector<16xf32>,
      %mul3A_1472 = arith.constant 2 : i32
      %mul3A_1473 = vector.broadcast %mul3A_1472 : i32 to vector<16xi32>
      %mul3A_1474 = arith.muli %iota3A, %mul3A_1473 : vector<16xi32>
      %add3A_1475 = vector.broadcast %mul3A_1465 : i32 to vector<16xi32>
      %add3A_1476 = arith.addi %add3A_1475, %mul3A_1474 : vector<16xi32>
      %add3A_1477 = arith.constant 1 : i32
      %add3A_1478 = vector.broadcast %add3A_1477 : i32 to vector<16xi32>
      %add3A_1479 = arith.addi %add3A_1476, %add3A_1478 : vector<16xi32>
      %gather3A_1480 = tpu.vector_load_idx %arg16[%add3A_1479] : memref<8192xf32, #tpu.memory_space<vmem>>[vector<16xi32>], vector<16xf32>,
      %add3A_1481 = arith.addf %gather3A_1471, %gather3A_1480 : vector<16xf32>
      %mul3A_1482 = arith.constant 16 : i32
      %mul3A_1483 = arith.muli %scan3A_1463, %mul3A_1482 : i32
      %multiple_of3A_1484 = tpu.assume_multiple %mul3A_1483, 16 : i32
      %swap3A_1485 = arith.index_cast %multiple_of3A_1484 : i32 to index
      %swap3A_1486 = tpu.vector_load %arg17[%swap3A_1485] {strides = array<i32>} : memref<4096xf32, #tpu.memory_space<vmem>>, vector<16xf32>,
      tpu.vector_store %arg17[%swap3A_1485], %add3A_1481 {strides = array<i32>} : memref<4096xf32, #tpu.memory_space<vmem>>, vector<16xf32>,
      %scan3A_1487 = arith.constant 3 : i32
      %scan3A_1488 = arith.addi %scan3A_1413, %scan3A_1487 : i32
      %mul3A_1489 = arith.constant 32 : i32
      %mul3A_1490 = arith.muli %scan3A_1488, %mul3A_1489 : i32
      %mul3A_1491 = arith.constant 2 : i32
      %mul3A_1492 = vector.broadcast %mul3A_1491 : i32 to vector<16xi32>
      %mul3A_1493 = arith.muli %iota3A, %mul3A_1492 : vector<16xi32>
      %add3A_1494 = vector.broadcast %mul3A_1490 : i32 to vector<16xi32>
      %add3A_1495 = arith.addi %add3A_1494, %mul3A_1493 : vector<16xi32>
      %gather3A_1496 = tpu.vector_load_idx %arg16[%add3A_1495] : memref<8192xf32, #tpu.memory_space<vmem>>[vector<16xi32>], vector<16xf32>,
      %mul3A_1497 = arith.constant 2 : i32
      %mul3A_1498 = vector.broadcast %mul3A_1497 : i32 to vector<16xi32>
      %mul3A_1499 = arith.muli %iota3A, %mul3A_1498 : vector<16xi32>
      %add3A_1500 = vector.broadcast %mul3A_1490 : i32 to vector<16xi32>
      %add3A_1501 = arith.addi %add3A_1500, %mul3A_1499 : vector<16xi32>
      %add3A_1502 = arith.constant 1 : i32
      %add3A_1503 = vector.broadcast %add3A_1502 : i32 to vector<16xi32>
      %add3A_1504 = arith.addi %add3A_1501, %add3A_1503 : vector<16xi32>
      %gather3A_1505 = tpu.vector_load_idx %arg16[%add3A_1504] : memref<8192xf32, #tpu.memory_space<vmem>>[vector<16xi32>], vector<16xf32>,
      %add3A_1506 = arith.addf %gather3A_1496, %gather3A_1505 : vector<16xf32>
      %mul3A_1507 = arith.constant 16 : i32
      %mul3A_1508 = arith.muli %scan3A_1488, %mul3A_1507 : i32
      %multiple_of3A_1509 = tpu.assume_multiple %mul3A_1508, 16 : i32
      %swap3A_1510 = arith.index_cast %multiple_of3A_1509 : i32 to index
      %swap3A_1511 = tpu.vector_load %arg17[%swap3A_1510] {strides = array<i32>} : memref<4096xf32, #tpu.memory_space<vmem>>, vector<16xf32>,
      tpu.vector_store %arg17[%swap3A_1510], %add3A_1506 {strides = array<i32>} : memref<4096xf32, #tpu.memory_space<vmem>>, vector<16xf32>,
    }
    %scan3A_1400 = arith.constant 64 : i32
    %scan3A_1401 = arith.constant 0 : i32
    %scan3A_1402 = arith.constant 0 : i32
    %scan3A_1403 = arith.constant 32 : i32
    %scan3A_1404 = arith.addi %scan3A_1402, %scan3A_1403 : i32
    %scan3A_1405 = arith.constant 4 : i32
    scf.for %scan3A_1413 = %scan3A_1402 to %scan3A_1404 step %scan3A_1405  : i32 {
      %mul3A_1414 = arith.constant 32 : i32
      %mul3A_1415 = arith.muli %scan3A_1413, %mul3A_1414 : i32
      %mul3A_1416 = arith.constant 2 : i32
      %mul3A_1417 = vector.broadcast %mul3A_1416 : i32 to vector<16xi32>
      %mul3A_1418 = arith.muli %iota3A, %mul3A_1417 : vector<16xi32>
      %add3A_1419 = vector.broadcast %mul3A_1415 : i32 to vector<16xi32>
      %add3A_1420 = arith.addi %add3A_1419, %mul3A_1418 : vector<16xi32>
      %gather3A_1421 = tpu.vector_load_idx %arg17[%add3A_1420] : memref<4096xf32, #tpu.memory_space<vmem>>[vector<16xi32>], vector<16xf32>,
      %mul3A_1422 = arith.constant 2 : i32
      %mul3A_1423 = vector.broadcast %mul3A_1422 : i32 to vector<16xi32>
      %mul3A_1424 = arith.muli %iota3A, %mul3A_1423 : vector<16xi32>
      %add3A_1425 = vector.broadcast %mul3A_1415 : i32 to vector<16xi32>
      %add3A_1426 = arith.addi %add3A_1425, %mul3A_1424 : vector<16xi32>
      %add3A_1427 = arith.constant 1 : i32
      %add3A_1428 = vector.broadcast %add3A_1427 : i32 to vector<16xi32>
      %add3A_1429 = arith.addi %add3A_1426, %add3A_1428 : vector<16xi32>
      %gather3A_1430 = tpu.vector_load_idx %arg17[%add3A_1429] : memref<4096xf32, #tpu.memory_space<vmem>>[vector<16xi32>], vector<16xf32>,
      %add3A_1431 = arith.addf %gather3A_1421, %gather3A_1430 : vector<16xf32>
      %mul3A_1432 = arith.constant 16 : i32
      %mul3A_1433 = arith.muli %scan3A_1413, %mul3A_1432 : i32
      %multiple_of3A_1434 = tpu.assume_multiple %mul3A_1433, 16 : i32
      %swap3A_1435 = arith.index_cast %multiple_of3A_1434 : i32 to index
      %swap3A_1436 = tpu.vector_load %arg18[%swap3A_1435] {strides = array<i32>} : memref<512xf32, #tpu.memory_space<vmem>>, vector<16xf32>,
      tpu.vector_store %arg18[%swap3A_1435], %add3A_1431 {strides = array<i32>} : memref<512xf32, #tpu.memory_space<vmem>>, vector<16xf32>,
      %scan3A_1437 = arith.constant 1 : i32
      %scan3A_1438 = arith.addi %scan3A_1413, %scan3A_1437 : i32
      %mul3A_1439 = arith.constant 32 : i32
      %mul3A_1440 = arith.muli %scan3A_1438, %mul3A_1439 : i32
      %mul3A_1441 = arith.constant 2 : i32
      %mul3A_1442 = vector.broadcast %mul3A_1441 : i32 to vector<16xi32>
      %mul3A_1443 = arith.muli %iota3A, %mul3A_1442 : vector<16xi32>
      %add3A_1444 = vector.broadcast %mul3A_1440 : i32 to vector<16xi32>
      %add3A_1445 = arith.addi %add3A_1444, %mul3A_1443 : vector<16xi32>
      %gather3A_1446 = tpu.vector_load_idx %arg17[%add3A_1445] : memref<4096xf32, #tpu.memory_space<vmem>>[vector<16xi32>], vector<16xf32>,
      %mul3A_1447 = arith.constant 2 : i32
      %mul3A_1448 = vector.broadcast %mul3A_1447 : i32 to vector<16xi32>
      %mul3A_1449 = arith.muli %iota3A, %mul3A_1448 : vector<16xi32>
      %add3A_1450 = vector.broadcast %mul3A_1440 : i32 to vector<16xi32>
      %add3A_1451 = arith.addi %add3A_1450, %mul3A_1449 : vector<16xi32>
      %add3A_1452 = arith.constant 1 : i32
      %add3A_1453 = vector.broadcast %add3A_1452 : i32 to vector<16xi32>
      %add3A_1454 = arith.addi %add3A_1451, %add3A_1453 : vector<16xi32>
      %gather3A_1455 = tpu.vector_load_idx %arg17[%add3A_1454] : memref<4096xf32, #tpu.memory_space<vmem>>[vector<16xi32>], vector<16xf32>,
      %add3A_1456 = arith.addf %gather3A_1446, %gather3A_1455 : vector<16xf32>
      %mul3A_1457 = arith.constant 16 : i32
      %mul3A_1458 = arith.muli %scan3A_1438, %mul3A_1457 : i32
      %multiple_of3A_1459 = tpu.assume_multiple %mul3A_1458, 16 : i32
      %swap3A_1460 = arith.index_cast %multiple_of3A_1459 : i32 to index
      %swap3A_1461 = tpu.vector_load %arg18[%swap3A_1460] {strides = array<i32>} : memref<512xf32, #tpu.memory_space<vmem>>, vector<16xf32>,
      tpu.vector_store %arg18[%swap3A_1460], %add3A_1456 {strides = array<i32>} : memref<512xf32, #tpu.memory_space<vmem>>, vector<16xf32>,
      %scan3A_1462 = arith.constant 2 : i32
      %scan3A_1463 = arith.addi %scan3A_1413, %scan3A_1462 : i32
      %mul3A_1464 = arith.constant 32 : i32
      %mul3A_1465 = arith.muli %scan3A_1463, %mul3A_1464 : i32
      %mul3A_1466 = arith.constant 2 : i32
      %mul3A_1467 = vector.broadcast %mul3A_1466 : i32 to vector<16xi32>
      %mul3A_1468 = arith.muli %iota3A, %mul3A_1467 : vector<16xi32>
      %add3A_1469 = vector.broadcast %mul3A_1465 : i32 to vector<16xi32>
      %add3A_1470 = arith.addi %add3A_1469, %mul3A_1468 : vector<16xi32>
      %gather3A_1471 = tpu.vector_load_idx %arg17[%add3A_1470] : memref<4096xf32, #tpu.memory_space<vmem>>[vector<16xi32>], vector<16xf32>,
      %mul3A_1472 = arith.constant 2 : i32
      %mul3A_1473 = vector.broadcast %mul3A_1472 : i32 to vector<16xi32>
      %mul3A_1474 = arith.muli %iota3A, %mul3A_1473 : vector<16xi32>
      %add3A_1475 = vector.broadcast %mul3A_1465 : i32 to vector<16xi32>
      %add3A_1476 = arith.addi %add3A_1475, %mul3A_1474 : vector<16xi32>
      %add3A_1477 = arith.constant 1 : i32
      %add3A_1478 = vector.broadcast %add3A_1477 : i32 to vector<16xi32>
      %add3A_1479 = arith.addi %add3A_1476, %add3A_1478 : vector<16xi32>
      %gather3A_1480 = tpu.vector_load_idx %arg17[%add3A_1479] : memref<4096xf32, #tpu.memory_space<vmem>>[vector<16xi32>], vector<16xf32>,
      %add3A_1481 = arith.addf %gather3A_1471, %gather3A_1480 : vector<16xf32>
      %mul3A_1482 = arith.constant 16 : i32
      %mul3A_1483 = arith.muli %scan3A_1463, %mul3A_1482 : i32
      %multiple_of3A_1484 = tpu.assume_multiple %mul3A_1483, 16 : i32
      %swap3A_1485 = arith.index_cast %multiple_of3A_1484 : i32 to index
      %swap3A_1486 = tpu.vector_load %arg18[%swap3A_1485] {strides = array<i32>} : memref<512xf32, #tpu.memory_space<vmem>>, vector<16xf32>,
      tpu.vector_store %arg18[%swap3A_1485], %add3A_1481 {strides = array<i32>} : memref<512xf32, #tpu.memory_space<vmem>>, vector<16xf32>,
      %scan3A_1487 = arith.constant 3 : i32
      %scan3A_1488 = arith.addi %scan3A_1413, %scan3A_1487 : i32
      %mul3A_1489 = arith.constant 32 : i32
      %mul3A_1490 = arith.muli %scan3A_1488, %mul3A_1489 : i32
      %mul3A_1491 = arith.constant 2 : i32
      %mul3A_1492 = vector.broadcast %mul3A_1491 : i32 to vector<16xi32>
      %mul3A_1493 = arith.muli %iota3A, %mul3A_1492 : vector<16xi32>
      %add3A_1494 = vector.broadcast %mul3A_1490 : i32 to vector<16xi32>
      %add3A_1495 = arith.addi %add3A_1494, %mul3A_1493 : vector<16xi32>
      %gather3A_1496 = tpu.vector_load_idx %arg17[%add3A_1495] : memref<4096xf32, #tpu.memory_space<vmem>>[vector<16xi32>], vector<16xf32>,
      %mul3A_1497 = arith.constant 2 : i32
      %mul3A_1498 = vector.broadcast %mul3A_1497 : i32 to vector<16xi32>
      %mul3A_1499 = arith.muli %iota3A, %mul3A_1498 : vector<16xi32>
      %add3A_1500 = vector.broadcast %mul3A_1490 : i32 to vector<16xi32>
      %add3A_1501 = arith.addi %add3A_1500, %mul3A_1499 : vector<16xi32>
      %add3A_1502 = arith.constant 1 : i32
      %add3A_1503 = vector.broadcast %add3A_1502 : i32 to vector<16xi32>
      %add3A_1504 = arith.addi %add3A_1501, %add3A_1503 : vector<16xi32>
      %gather3A_1505 = tpu.vector_load_idx %arg17[%add3A_1504] : memref<4096xf32, #tpu.memory_space<vmem>>[vector<16xi32>], vector<16xf32>,
      %add3A_1506 = arith.addf %gather3A_1496, %gather3A_1505 : vector<16xf32>
      %mul3A_1507 = arith.constant 16 : i32
      %mul3A_1508 = arith.muli %scan3A_1488, %mul3A_1507 : i32
      %multiple_of3A_1509 = tpu.assume_multiple %mul3A_1508, 16 : i32
      %swap3A_1510 = arith.index_cast %multiple_of3A_1509 : i32 to index
      %swap3A_1511 = tpu.vector_load %arg18[%swap3A_1510] {strides = array<i32>} : memref<512xf32, #tpu.memory_space<vmem>>, vector<16xf32>,
      tpu.vector_store %arg18[%swap3A_1510], %add3A_1506 {strides = array<i32>} : memref<512xf32, #tpu.memory_space<vmem>>, vector<16xf32>,
    }
    %scan3A_1406 = arith.constant 32 : i32
    %scan3A_1407 = arith.constant 0 : i32
    %scan3A_1408 = arith.constant 0 : i32
    %scan3A_1409 = arith.constant 32 : i32
    %scan3A_1410 = arith.addi %scan3A_1408, %scan3A_1409 : i32
    %scan3A_1411 = arith.constant 4 : i32
    scf.for %scan3A_1413 = %scan3A_1408 to %scan3A_1410 step %scan3A_1411  : i32 {
      %mul3A_1414 = arith.constant 16 : i32
      %mul3A_1415 = arith.muli %scan3A_1413, %mul3A_1414 : i32
      %multiple_of3A_1416 = tpu.assume_multiple %mul3A_1415, 16 : i32
      %get3A_1417 = arith.index_cast %multiple_of3A_1416 : i32 to index
      %get3A_1418 = tpu.vector_load %arg18[%get3A_1417] {strides = array<i32>} : memref<512xf32, #tpu.memory_space<vmem>>, vector<16xf32>,
      %get3A_1419 = arith.index_cast %multiple_of3A_1416 : i32 to index
      %get3A_1420 = tpu.vector_load %arg14[%get3A_1419] {strides = array<i32>} : memref<512xf32, #tpu.memory_space<vmem>>, vector<16xf32>,
      %add3A_1421 = arith.addf %get3A_1418, %get3A_1420 : vector<16xf32>
      %get3A_1422 = arith.index_cast %multiple_of3A_1416 : i32 to index
      %get3A_1423 = tpu.vector_load %arg15[%get3A_1422] {strides = array<i32>} : memref<512xf32, #tpu.memory_space<vmem>>, vector<16xf32>,
      %add3A_1424 = arith.addf %add3A_1421, %get3A_1423 : vector<16xf32>
      %neg3A = arith.constant 0.000000e+00 : f32
      %neg3A_1425 = vector.broadcast %neg3A : f32 to vector<16xf32>
      %neg3A_1426 = arith.subf %neg3A_1425, %add3A_1424 : vector<16xf32>
      %exp3A = math.exp %neg3A_1426 : vector<16xf32>
      %add3A_1427 = arith.constant 1.000000e+00 : f32
      %add3A_1428 = vector.broadcast %add3A_1427 : f32 to vector<16xf32>
      %add3A_1429 = arith.addf %add3A_1428, %exp3A : vector<16xf32>
      %div3A = arith.constant 1.000000e+00 : f32
      %div3A_1430 = vector.broadcast %div3A : f32 to vector<16xf32>
      %div3A_1431 = arith.divf %div3A_1430, %add3A_1429 : vector<16xf32>
      %swap3A_1432 = arith.index_cast %multiple_of3A_1416 : i32 to index
      %swap3A_1433 = tpu.vector_load %arg19[%swap3A_1432] {strides = array<i32>} : memref<512xf32, #tpu.memory_space<vmem>>, vector<16xf32>,
      tpu.vector_store %arg19[%swap3A_1432], %div3A_1431 {strides = array<i32>} : memref<512xf32, #tpu.memory_space<vmem>>, vector<16xf32>,
      %scan3A_1434 = arith.constant 1 : i32
      %scan3A_1435 = arith.addi %scan3A_1413, %scan3A_1434 : i32
      %mul3A_1436 = arith.constant 16 : i32
      %mul3A_1437 = arith.muli %scan3A_1435, %mul3A_1436 : i32
      %multiple_of3A_1438 = tpu.assume_multiple %mul3A_1437, 16 : i32
      %get3A_1439 = arith.index_cast %multiple_of3A_1438 : i32 to index
      %get3A_1440 = tpu.vector_load %arg18[%get3A_1439] {strides = array<i32>} : memref<512xf32, #tpu.memory_space<vmem>>, vector<16xf32>,
      %get3A_1441 = arith.index_cast %multiple_of3A_1438 : i32 to index
      %get3A_1442 = tpu.vector_load %arg14[%get3A_1441] {strides = array<i32>} : memref<512xf32, #tpu.memory_space<vmem>>, vector<16xf32>,
      %add3A_1443 = arith.addf %get3A_1440, %get3A_1442 : vector<16xf32>
      %get3A_1444 = arith.index_cast %multiple_of3A_1438 : i32 to index
      %get3A_1445 = tpu.vector_load %arg15[%get3A_1444] {strides = array<i32>} : memref<512xf32, #tpu.memory_space<vmem>>, vector<16xf32>,
      %add3A_1446 = arith.addf %add3A_1443, %get3A_1445 : vector<16xf32>
      %neg3A_1447 = arith.constant 0.000000e+00 : f32
      %neg3A_1448 = vector.broadcast %neg3A_1447 : f32 to vector<16xf32>
      %neg3A_1449 = arith.subf %neg3A_1448, %add3A_1446 : vector<16xf32>
      %exp3A_1450 = math.exp %neg3A_1449 : vector<16xf32>
      %add3A_1451 = arith.constant 1.000000e+00 : f32
      %add3A_1452 = vector.broadcast %add3A_1451 : f32 to vector<16xf32>
      %add3A_1453 = arith.addf %add3A_1452, %exp3A_1450 : vector<16xf32>
      %div3A_1454 = arith.constant 1.000000e+00 : f32
      %div3A_1455 = vector.broadcast %div3A_1454 : f32 to vector<16xf32>
      %div3A_1456 = arith.divf %div3A_1455, %add3A_1453 : vector<16xf32>
      %swap3A_1457 = arith.index_cast %multiple_of3A_1438 : i32 to index
      %swap3A_1458 = tpu.vector_load %arg19[%swap3A_1457] {strides = array<i32>} : memref<512xf32, #tpu.memory_space<vmem>>, vector<16xf32>,
      tpu.vector_store %arg19[%swap3A_1457], %div3A_1456 {strides = array<i32>} : memref<512xf32, #tpu.memory_space<vmem>>, vector<16xf32>,
      %scan3A_1459 = arith.constant 2 : i32
      %scan3A_1460 = arith.addi %scan3A_1413, %scan3A_1459 : i32
      %mul3A_1461 = arith.constant 16 : i32
      %mul3A_1462 = arith.muli %scan3A_1460, %mul3A_1461 : i32
      %multiple_of3A_1463 = tpu.assume_multiple %mul3A_1462, 16 : i32
      %get3A_1464 = arith.index_cast %multiple_of3A_1463 : i32 to index
      %get3A_1465 = tpu.vector_load %arg18[%get3A_1464] {strides = array<i32>} : memref<512xf32, #tpu.memory_space<vmem>>, vector<16xf32>,
      %get3A_1466 = arith.index_cast %multiple_of3A_1463 : i32 to index
      %get3A_1467 = tpu.vector_load %arg14[%get3A_1466] {strides = array<i32>} : memref<512xf32, #tpu.memory_space<vmem>>, vector<16xf32>,
      %add3A_1468 = arith.addf %get3A_1465, %get3A_1467 : vector<16xf32>
      %get3A_1469 = arith.index_cast %multiple_of3A_1463 : i32 to index
      %get3A_1470 = tpu.vector_load %arg15[%get3A_1469] {strides = array<i32>} : memref<512xf32, #tpu.memory_space<vmem>>, vector<16xf32>,
      %add3A_1471 = arith.addf %add3A_1468, %get3A_1470 : vector<16xf32>
      %neg3A_1472 = arith.constant 0.000000e+00 : f32
      %neg3A_1473 = vector.broadcast %neg3A_1472 : f32 to vector<16xf32>
      %neg3A_1474 = arith.subf %neg3A_1473, %add3A_1471 : vector<16xf32>
      %exp3A_1475 = math.exp %neg3A_1474 : vector<16xf32>
      %add3A_1476 = arith.constant 1.000000e+00 : f32
      %add3A_1477 = vector.broadcast %add3A_1476 : f32 to vector<16xf32>
      %add3A_1478 = arith.addf %add3A_1477, %exp3A_1475 : vector<16xf32>
      %div3A_1479 = arith.constant 1.000000e+00 : f32
      %div3A_1480 = vector.broadcast %div3A_1479 : f32 to vector<16xf32>
      %div3A_1481 = arith.divf %div3A_1480, %add3A_1478 : vector<16xf32>
      %swap3A_1482 = arith.index_cast %multiple_of3A_1463 : i32 to index
      %swap3A_1483 = tpu.vector_load %arg19[%swap3A_1482] {strides = array<i32>} : memref<512xf32, #tpu.memory_space<vmem>>, vector<16xf32>,
      tpu.vector_store %arg19[%swap3A_1482], %div3A_1481 {strides = array<i32>} : memref<512xf32, #tpu.memory_space<vmem>>, vector<16xf32>,
      %scan3A_1484 = arith.constant 3 : i32
      %scan3A_1485 = arith.addi %scan3A_1413, %scan3A_1484 : i32
      %mul3A_1486 = arith.constant 16 : i32
      %mul3A_1487 = arith.muli %scan3A_1485, %mul3A_1486 : i32
      %multiple_of3A_1488 = tpu.assume_multiple %mul3A_1487, 16 : i32
      %get3A_1489 = arith.index_cast %multiple_of3A_1488 : i32 to index
      %get3A_1490 = tpu.vector_load %arg18[%get3A_1489] {strides = array<i32>} : memref<512xf32, #tpu.memory_space<vmem>>, vector<16xf32>,
      %get3A_1491 = arith.index_cast %multiple_of3A_1488 : i32 to index
      %get3A_1492 = tpu.vector_load %arg14[%get3A_1491] {strides = array<i32>} : memref<512xf32, #tpu.memory_space<vmem>>, vector<16xf32>,
      %add3A_1493 = arith.addf %get3A_1490, %get3A_1492 : vector<16xf32>
      %get3A_1494 = arith.index_cast %multiple_of3A_1488 : i32 to index
      %get3A_1495 = tpu.vector_load %arg15[%get3A_1494] {strides = array<i32>} : memref<512xf32, #tpu.memory_space<vmem>>, vector<16xf32>,
      %add3A_1496 = arith.addf %add3A_1493, %get3A_1495 : vector<16xf32>
      %neg3A_1497 = arith.constant 0.000000e+00 : f32
      %neg3A_1498 = vector.broadcast %neg3A_1497 : f32 to vector<16xf32>
      %neg3A_1499 = arith.subf %neg3A_1498, %add3A_1496 : vector<16xf32>
      %exp3A_1500 = math.exp %neg3A_1499 : vector<16xf32>
      %add3A_1501 = arith.constant 1.000000e+00 : f32
      %add3A_1502 = vector.broadcast %add3A_1501 : f32 to vector<16xf32>
      %add3A_1503 = arith.addf %add3A_1502, %exp3A_1500 : vector<16xf32>
      %div3A_1504 = arith.constant 1.000000e+00 : f32
      %div3A_1505 = vector.broadcast %div3A_1504 : f32 to vector<16xf32>
      %div3A_1506 = arith.divf %div3A_1505, %add3A_1503 : vector<16xf32>
      %swap3A_1507 = arith.index_cast %multiple_of3A_1488 : i32 to index
      %swap3A_1508 = tpu.vector_load %arg19[%swap3A_1507] {strides = array<i32>} : memref<512xf32, #tpu.memory_space<vmem>>, vector<16xf32>,
      tpu.vector_store %arg19[%swap3A_1507], %div3A_1506 {strides = array<i32>} : memref<512xf32, #tpu.memory_space<vmem>>, vector<16xf32>,
    }
    %scan3A_1412 = arith.constant 32 : i32
    "tpu.region"() ({
      %run_scoped3A = tpu.sem_alloc : memref<!tpu.dma_semaphore, #tpu.memory_space<semaphore_mem>>
      %dma_start3A_1413 = tpu.memref_slice %arg8[%mul3A_2] : memref<16384xf32, #tpu.memory_space<hbm>> -> memref<512xf32, #tpu.memory_space<hbm>>
      %dma_start3A_1414 = tpu.memref_slice %arg8[%mul3A_2] : memref<16384xf32, #tpu.memory_space<hbm>> -> memref<512xf32, #tpu.memory_space<hbm>>
      tpu.enqueue_dma source(%arg19 : memref<512xf32, #tpu.memory_space<vmem>>) target(%dma_start3A_1414 : memref<512xf32, #tpu.memory_space<hbm>>) target_semaphore(%run_scoped3A : memref<!tpu.dma_semaphore, #tpu.memory_space<semaphore_mem>>)
      %dma_wait3A_1415 = tpu.memref_slice %arg8[%mul3A_2] : memref<16384xf32, #tpu.memory_space<hbm>> -> memref<512xf32, #tpu.memory_space<hbm>>
      %dma_wait3A_1416 = tpu.memref_slice %arg8[%mul3A_2] : memref<16384xf32, #tpu.memory_space<hbm>> -> memref<512xf32, #tpu.memory_space<hbm>>
      tpu.wait_dma2 semaphore(%run_scoped3A : memref<!tpu.dma_semaphore, #tpu.memory_space<semaphore_mem>>) src(%arg19 : memref<512xf32, #tpu.memory_space<vmem>>) dst(%dma_wait3A_1416 : memref<512xf32, #tpu.memory_space<hbm>>)
      tpu.yield
    }) : () -> ()
    return
  }
}

</mosaic_0001>

<sc_bundles>
// kernel: _mf_sc.3.cloned.1.call-start
scs
__scs_entry_jumppad:
0x0: {  	(pc) =	sbr.rel $0x88, $3  }
0x1: {  	(tag) =	ssettag $0x0;
	lr =	simm.s32 $0x1  }
0x2: {  	[smem:$0x3F9B] =	sst lr;
	_ =	strace $0xD0000000  }
0x3: {  	_ = 	snop  }
0x4: {  	_ = 	snop  }
0x5: {  	_ = 	snop  }
0x6: {  	_ = 	snop  }
0x7: {  	_ = 	snop  }
__scs_overlays_trampoline_lowered:
0x8: {  	[smem:$0x3FAA] =	sst s0  }
0x9: {  	[smem:$0x3FAB] =	sst s1  }
0xa: {  	[smem:$0x3FAC] =	sst s2  }
0xb: {  	[smem:$0x3FAD] =	sst s3  }
0xc: {  	[smem:$0x3FAE] =	sst s4  }
0xd: {  	[smem:$0x3FAF] =	sst s5  }
0xe: {  	[smem:$0x3FB0] =	sst s6  }
0xf: {  	[smem:$0x3FB1] =	sst s7  }
0x10: {  	[smem:$0x3FB2] =	sst s8  }
0x11: {  	[smem:$0x3FB3] =	sst s9;
	s0 =	simm.s32 @!p0 $0x0  }
0x12: {  	s1 =	sld [smem:$0x3F99];
	s0 =	simm.s32 @p0 $0x1  }
0x13: {  	[smem:$0x3FB4] =	sst s0;
	s0 =	simm.s32 @!p1 $0x0  }
0x14: {  	s2 =	sld [smem:$0x3F98];
	s0 =	simm.s32 @p1 $0x1  }
0x15: {  	[smem:$0x3FB5] =	sst s0;
	s0 =	simm.s32 @!p2 $0x0  }
0x16: {  	s3 =	sld [smem:$0x3FDB];
	s0 =	simm.s32 @p2 $0x1  }
0x17: {  	s4 =	simm.s32 $0x1BF5;
	[smem:$0x3FB7] =	sst s0  }
0x18: {  	s0 =	sld [smem:$0x3F9A];
	_ =	swait.ge [sflag:s4], $0x0  }
0x19: {  	s7 =	sld [smem:$0x3F9B]  }
0x1a: {  	s8 =	sadd.s32 $0xFFFFE003, lr  }
0x1b: {  	s9 =	sadd.s32 $0xFFFFFEF7, lr;
	s5 =	simm.s32 $0xFFFFFFFF;
	p2 =	slt.u32 s8, $0xFFFFF086  }
0x1c: {  	p1 =	slt.u32 s9, $0xF7A;
	s5 =	simm.s32 @!p2 $0x0  }
0x1d: {  	s5 =	simm.s32 @p1 $0x1;
	p0 =	seq.s32 s7, s2  }
0x1e: {  	s7 =	smul.u32 @!p0 $0xF7A, s2;
	p2 =	seq.s32 @!p0 s5, $0x0  }
0x1f: {  	s9 =	smul.u32 $0xF7A, s1;
	s8 =	simm.s32 @!p0 $0x1BF5;
	p2 =	por !p2, p0  }
0x20: {  	[sflag:s8] =	ssyncset.s32 @!p0 $0xFFFFF086;
	s6 =	sadd.s32 @!p0 s3, s7;
	s7 =	simm.s32 @!p0 $0x108  }
0x21: {  	s3 =	sadd.s32 s3, s9;
	s6 =	sadd.s32 @!p0 $0x88, s6;
	s7 =	simm.s32 @p2 $0x1082  }
0x22: {  	[simem:s7], [sflag:s8] =	dma.local @!p0 [hbm:s6], $0xF7A  }
0x23: {  	s9 =	sor.u32 $0xD0000000, s2;
	s6 =	simm.s32 $0x108;
	_ =	swait.ge @!p0 [sflag:s8], $0x0  }
0x24: {  	s3 =	sadd.s32 $0x88, s3;
	s6 =	simm.s32 @!p1 $0x1082;
	[sflag:s4] =	ssyncset.s32 $0xFFFFF086  }
0x25: {  	[simem:s6], [sflag:s4] =	dma.local [hbm:s3], $0xF7A  }
0x26: {  	[smem:$0x3F9B] =	sst s1;
	(tag) =	ssettag s2;
	_ =	strace s9  }
0x27: {  	s1 =	sld [smem:$0x3FAB]  }
0x28: {  	s2 =	sld [smem:$0x3FAC]  }
0x29: {  	s4 =	sld [smem:$0x3FAE]  }
0x2a: {  	p0 =	seq.s32 s5, $0x0;
	s5 =	sld [smem:$0x3FAF]  }
0x2b: {  	s6 =	sld [smem:$0x3FB0]  }
0x2c: {  	s7 =	sld [smem:$0x3FB1]  }
0x2d: {  	s3 =	simm.s32 $0x108;
	s8 =	sld [smem:$0x3FB2]  }
0x2e: {  	s3 =	simm.s32 @!p0 $0x1082;
	s9 =	sld [smem:$0x3FB3]  }
0x2f: {  	lr =	sadd.s32 s0, s3;
	s0 =	sld [smem:$0x3FAA]  }
0x30: {  	s3 =	sld [smem:$0x3FAD]  }
0x31: {  	[smem:$0x3FB6] =	sst s10  }
0x32: {  	s10 =	sld [smem:$0x3FB4];
	_ =	sdelay $0x3  }
0x33: {  	p0 =	seq.s32 s10, $0x1;
	s10 =	sld [smem:$0x3FB6];
	_ =	sdelay $0x3  }
0x34: {  	[smem:$0x3FB6] =	sst s10  }
0x35: {  	s10 =	sld [smem:$0x3FB5];
	_ =	sdelay $0x3  }
0x36: {  	p1 =	seq.s32 s10, $0x1;
	s10 =	sld [smem:$0x3FB6];
	_ =	sdelay $0x3  }
0x37: {  	[smem:$0x3FB6] =	sst s10  }
0x38: {  	s10 =	sld [smem:$0x3FB7]  }
0x39: {  	_ = 	snop;
	(pc) =	sbr.ind lr, $3  }
0x3a: {  	_ = 	snop  }
0x3b: {  	_ = 	snop  }
0x3c: {  	p2 =	seq.s32 s10, $0x1;
	s10 =	sld [smem:$0x3FB6]  }
0x3d: {  	_ =	shalt  }
0x3e: {  	_ =	shalt  }
0x3f: {  	_ =	shalt  }
0x40: {  	_ =	shalt  }
0x41: {  	_ =	shalt  }
0x42: {  	_ =	shalt  }
0x43: {  	_ =	shalt  }
0x44: {  	_ =	shalt  }
0x45: {  	_ =	shalt  }
0x46: {  	_ =	shalt  }
0x47: {  	_ =	shalt  }
0x48: {  	_ =	shalt  }
0x49: {  	_ =	shalt  }
0x4a: {  	_ =	shalt  }
0x4b: {  	_ =	shalt  }
0x4c: {  	_ =	shalt  }
0x4d: {  	_ =	shalt  }
0x4e: {  	_ =	shalt  }
0x4f: {  	_ =	shalt  }
0x50: {  	_ =	shalt  }
0x51: {  	_ =	shalt  }
0x52: {  	_ =	shalt  }
0x53: {  	_ =	shalt  }
0x54: {  	_ =	shalt  }
0x55: {  	_ =	shalt  }
0x56: {  	_ =	shalt  }
0x57: {  	_ =	shalt  }
0x58: {  	_ =	shalt  }
0x59: {  	_ =	shalt  }
0x5a: {  	_ =	shalt  }
0x5b: {  	_ =	shalt  }
0x5c: {  	_ =	shalt  }
0x5d: {  	_ =	shalt  }
0x5e: {  	_ =	shalt  }
0x5f: {  	_ =	shalt  }
0x60: {  	_ =	shalt  }
0x61: {  	_ =	shalt  }
0x62: {  	_ =	shalt  }
0x63: {  	_ =	shalt  }
0x64: {  	_ =	shalt  }
0x65: {  	_ =	shalt  }
0x66: {  	_ =	shalt  }
0x67: {  	_ =	shalt  }
0x68: {  	_ =	shalt  }
0x69: {  	_ =	shalt  }
0x6a: {  	_ =	shalt  }
0x6b: {  	_ =	shalt  }
0x6c: {  	_ =	shalt  }
0x6d: {  	_ =	shalt  }
0x6e: {  	_ =	shalt  }
0x6f: {  	_ =	shalt  }
0x70: {  	_ =	shalt  }
0x71: {  	_ =	shalt  }
0x72: {  	_ =	shalt  }
0x73: {  	_ =	shalt  }
0x74: {  	_ =	shalt  }
0x75: {  	_ =	shalt  }
0x76: {  	_ =	shalt  }
0x77: {  	_ =	shalt  }
0x78: {  	_ =	shalt  }
0x79: {  	_ =	shalt  }
0x7a: {  	_ =	shalt  }
0x7b: {  	_ =	shalt  }
0x7c: {  	_ =	shalt  }
0x7d: {  	_ =	shalt  }
0x7e: {  	_ =	shalt  }
0x7f: {  	_ =	shalt  }
0x80: {  	_ =	shalt  }
0x81: {  	_ =	shalt  }
0x82: {  	_ =	shalt  }
0x83: {  	_ =	shalt  }
0x84: {  	_ =	shalt  }
0x85: {  	_ =	shalt  }
0x86: {  	_ =	shalt  }
0x87: {  	_ =	shalt  }
.Lfunc_end0:
.L_simem_size_0:
called_computation_lowered:
.L_overlay_start_0:
0x88: {  	s2 =	sld [smem:$0x3FD9]  }
0x89: {  	s3 =	sld [smem:$0x3FFE];
	_ =	sdelay $0x1  }
0x8a: {  	s1 =	srdreg.scid  }
0x8b: {  	s0 =	sand.u32 $0x1, s1  }
0x8c: {  	s18 =	sshll.u32 s0, $0xA;
	s2 =	sadd.s32 s3, s2  }
0x8d: {  	s2 =	sadd.s32 s2, s18  }
0x8e: {  	[smem:$0x3FC2] =	sst s2  }
0x8f: {  	_ = 	snop  }
0x90: {  	s2 =	sld [smem:$0x3FC9]  }
0x91: {  	s19 =	sld [smem:$0x3FC8]  }
0x92: {  	s4 =	sld [smem:$0x3FC7]  }
0x93: {  	s5 =	sld [smem:$0x3FC6]  }
0x94: {  	s6 =	sld [smem:$0x3FC5]  }
0x95: {  	s7 =	sld [smem:$0x3FC4]  }
0x96: {  	s8 =	sld [smem:$0x3FD0];
	(tm) =	ssettm $0x1  }
0x97: {  	s9 =	sld [smem:$0x3FFB];
	_ =	sdelay $0x3  }
0x98: {  	_ =	strace s9  }
0x99: {  	s9 =	sld [smem:$0x3FFC];
	_ =	sdelay $0x3  }
0x9a: {  	_ =	strace s9  }
0x9b: {  	s9 =	sld [smem:$0x3FFD];
	_ =	sdelay $0x3  }
0x9c: {  	_ =	strace s9  }
0x9d: {  	_ =	strace $0x8FFFFFFF  }
0x9e: {  	s20 =	sld [smem:$0x3FDB];
	_ =	sdelay $0x1  }
0x9f: {  	s10 =	simm.s32 $_scs_section_size  }
0xa0: {  	s11 =	simm.s32 $_size__tile_overlayer_lowered;
	s12 =	simm.s32 $_tile_overlayer_lowered  }
0xa1: {  	s23 =	simm.s32 $0x1BFF;
	s22 =	sshll.u32 s12, $0x1;
	s9 =	sadd.s32 s10, s20  }
0xa2: {  	s13 =	simm.s32 $0x0;
	s21 =	sshll.u32 s11, $0x1;
	s11 =	sadd.s32 s22, s9  }
0xa3: {  	[timem:s13], [sflag:s23] =	dma.local [hbm:s11], s21  }
0xa4: {  	_ =	swait.ge [sflag:s23], s21  }
0xa5: {  	s10 =	ssub.s32 $0x0, s21;
	[sflag:s23] =	ssyncset.done $0x0  }
0xa6: {  	[sflag:s23] =	ssyncadd.s32 s10;
	_ =	sdelay $0x1  }
0xa7: {  	s24 =	simm.s32 $0x1B8B  }
0xa8: {  	_ =	swait.ge [sflag:s24], $0x1  }
0xa9: {  	[sflag:s24] =	ssyncset.done $0x0  }
0xaa: {  	s25 =	simm.s32 $0x1B8E;
	[sflag:s24] =	ssyncadd.s32 $0xFFFFFFFF  }
0xab: {  	s26 =	simm.s32 $execute0_lowered;
	[smem:$0x3FD2] =	sst s25  }
0xac: {  	s10 =	sshll.u32 s26, $0x1;
	_ =	strace $0x80000046;
	[dreg:$0x1] =	wrdreg $0xFFFFFFFF  }
0xad: {  	s28 =	simm.s32 $_size_execute0_lowered;
	s9 =	sadd.s32 s9, s10;
	[dreg:$0x0] =	wrdreg $0x0  }
0xae: {  	s10 =	sshll.u32 s28, $0x1;
	[dreg:$0x2] =	wrdreg s9  }
0xaf: {  	[dreg:$0x3] =	wrdreg s10  }
0xb0: {  	[dreg:$0x4] =	wrdreg $0xC0  }
0xb1: {  	_ =	task [dreg:s13], $0x5FFFF  }
0xb2: {  	[dreg:$0x1] =	wrdreg $0xFFFFFFFF  }
0xb3: {  	[dreg:$0x0] =	wrdreg $0x60  }
0xb4: {  	[dreg:$0x2] =	wrdreg s2  }
0xb5: {  	[dreg:$0x3] =	wrdreg s19  }
0xb6: {  	[dreg:$0x4] =	wrdreg s4  }
0xb7: {  	[dreg:$0x5] =	wrdreg s5  }
0xb8: {  	[dreg:$0x6] =	wrdreg s6  }
0xb9: {  	[dreg:$0x7] =	wrdreg s7  }
0xba: {  	[dreg:$0x8] =	wrdreg s8  }
0xbb: {  	[dreg:$0x9] =	wrdreg $0x9  }
0xbc: {  	_ =	task.clear_ibuf [dreg:s13], $0xAFFFF;
	_ =	strace $0x90000046  }
0xbd: {  	s29 =	simm.s32 $0x9;
	_ =	strace $0x80000048  }
0xbe: {  	_ =	swait.ge [sflag:s29], $0x1  }
0xbf: {  	[sflag:s29] =	ssyncadd.s32 $0xFFFFFFFF  }
0xc0: {  	_ =	strace $0x90000048  }
0xc1: {  	_ =	sfence  }
0xc2: {  	s30 =	sld [smem:$0x0];
	_ =	sdelay $0x2  }
0xc3: {  	s31 =	sshll.u32 s1, $0xD;
	s1 =	sshrl.u32 s1, $0x2  }
0xc4: {  	s3 =	sand.u32 $0x4000, s31;
	s1 =	sadd.s32 s1, s30  }
0xc5: {  	s0 =	sor.u32 s3, s0;
	s1 =	sshll.u32 s1, $0x11  }
0xc6: {  	s0 =	sor.u32 s1, s0  }
0xc7: {  	s0 =	sadd.s32 $0x8F2B, s0  }
0xc8: {  	[sflag:s0] =	ssyncadd.remote.s32 $0x1  }
0xc9: {  	_ =	sfence.sel $0xFFFF  }
0xca: {  	[dreg:$0x0] =	wrdreg $0xFFFFFFFF;
	(pc) =	sbr.abs _section_cstart, $3  }
0xcb: {  	[dreg:$0x1] =	wrdreg $0xFFFFFFFF  }
0xcc: {  	_ =	task.clear_ibuf [dreg:s13], $0x2FFFF;
	_ =	strace $0x9FFFFFFF  }
0xcd: {  	(tm) =	ssettm $0x7FFFFFFF  }
tec
execute0_lowered:
.L_overlay_start_1:
0x0: {  	(tag) =	ssettag $0x1  }
0x1: {  	s0 =	rddreg [dreg:$0x0]  }
0x2: {  	s5 =	rddreg [dreg:$0x1]  }
0x3: {  	s1 =	rddreg [dreg:$0x2]  }
0x4: {  	s2 =	rddreg [dreg:$0x3]  }
0x5: {  	s3 =	rddreg [dreg:$0x4]  }
0x6: {  	s4 =	rddreg [dreg:$0x5]  }
0x7: {  	s9 =	rddreg [dreg:$0x6]  }
0x8: {  	s12 =	simm.s32 $0x0;
	s7 =	srdreg.scid;
	s6 =	stileid.u32  }
0x9: {  	v27 =	vlaneseq.u32;
	s13 =	simm.s32 $0x400;
	s20 =	simm.s32 $0x8500;
	s14 =	simm.s32 $0x7A1400  }
0xa: {  	s21 =	simm.s32 $0xC500;
	s15 =	simm.s32 $0x500;
	[smem:$0x7FF] =	sst s12;
	v0 =	vmul.u32 $0x80, v27  }
0xb: {  	s22 =	simm.s32 $0x9500;
	_ =	strace $0x80000047;
	[dreg:$0x8] =	wrdreg s20  }
0xc: {  	s23 =	simm.s32 $0xD500;
	s24 =	simm.s32 $0xA500;
	v27 =	vmul.u32 $0x2, v27;
	[dreg:$0x9] =	wrdreg s21;
	v1 =	vor.u32 $0x800, v0;
	v2 =	vor.u32 $0x4000, v0  }
0xd: {  	s25 =	simm.s32 $0xE500;
	s26 =	simm.s32 $0xB500;
	[dreg:$0xa] =	wrdreg s22;
	v3 =	vor.u32 $0x4800, v0;
	v4 =	vor.u32 $0x1000, v0;
	v5 =	vor.u32 $0x1800, v0  }
0xe: {  	s31 =	simm.s32 $0xF500;
	s28 =	simm.s32 $0x10500;
	[dreg:$0xb] =	wrdreg s23;
	v6 =	vor.u32 $0x5000, v0;
	v7 =	vor.u32 $0x5800, v0;
	v8 =	vor.u32 $0x2000, v0  }
0xf: {  	s29 =	simm.s32 $0x14980;
	s30 =	simm.s32 $0x16980;
	[dreg:$0xc] =	wrdreg s24;
	v9 =	vor.u32 $0x2800, v0;
	v10 =	vor.u32 $0x6000, v0;
	v11 =	vor.u32 $0x6800, v0  }
0x10: {  	s7 =	sand.u32 $0x1, s7;
	s10 =	sshll.u32 s6, $0x7;
	[dreg:$0xd] =	wrdreg s25;
	v12 =	vor.u32 $0x3000, v0;
	v13 =	vor.u32 $0x3800, v0;
	v14 =	vor.u32 $0x7000, v0  }
0x11: {  	s8 =	ssub.s32 $0x2, s7;
	s7 =	sshll.u32 s7, $0x6;
	[dreg:$0xe] =	wrdreg s26;
	v15 =	vor.u32 $0x7800, v0;
	v16 =	vor.u32 $0x8000, v0;
	v17 =	vor.u32 $0x8800, v0  }
0x12: {  	[dreg:$0xf] =	wrdreg s31;
	s23 =	simm.s32 $0x1;
	s10 =	sor.u32 s7, s10;
	v18 =	vor.u32 $0xC000, v0;
	v19 =	vor.u32 $0xC800, v0;
	v20 =	vor.u32 $0x9000, v0  }
0x13: {  	s24 =	simm.s32 $0x2;
	s25 =	simm.s32 $0x80;
	v21 =	vor.u32 $0x9800, v0;
	v22 =	vor.u32 $0xD000, v0;
	v23 =	vor.u32 $0xD800, v0;
	s0 =	sadd.s32 s0, s10  }
0x14: {  	s11 =	sshrl.u32 s8, $0x1;
	v24 =	vor.u32 $0xA000, v0;
	v25 =	vor.u32 $0xA800, v0;
	v26 =	vor.u32 $0xE000, v0;
	s17 =	sadd.s32 s5, s10;
	[dreg:$0x10] =	wrdreg s0  }
0x15: {  	v28 =	vor.u32 $0xE800, v0;
	v29 =	vor.u32 $0xB000, v0;
	v30 =	vor.u32 $0xB800, v0;
	s11 =	ssub.s32 s8, s11;
	s18 =	sadd.s32 s9, s10;
	[dreg:$0x11] =	wrdreg s17  }
0x16: {  	s26 =	simm.s32 $0x14500;
	v31 =	vor.u32 $0xF000, v0;
	v32 =	vor.u32 $0xF800, v0;
	v33 =	vor.u32 $0x1, v27;
	[dreg:$0x12] =	wrdreg s18;
	s19 =	smax.u32 s11, $0x1  }
0x17: {  	v34 =	vor.u32 $0x21, v27;
	v35 =	vor.u32 $0x41, v27;
	v36 =	vor.u32 $0x61, v27;
	s11 =	simm.s32 $0x3;
	s0 =	simm.s32 $0x0;
	[dreg:$0x13] =	wrdreg s19  }
.LBB2_1:
0x18: {  	s5 =	rddreg [dreg:$0x10]  }
0x19: {  	[tilespmem:s12], [sflag:$0x3] =	stream.linear.gather [hbm4b:s5+s12], $0x200, $0x38;
	[tilespmem:$0x17D80] =	vst v63  }
0x1a: {  	_ =	swait.ge [sflag:s11], $0x200  }
0x1b: {  	[sflag:s11] =	ssyncset.done $0x0  }
0x1c: {  	s6 =	simm.s32 $0x280;
	s8 =	rddreg [dreg:$0x11];
	[sflag:s11] =	ssyncadd.s32 $0xFFFFFE00  }
0x1d: {  	[tilespmem:s6], [sflag:$0x3] =	stream.linear.gather [hbm4b:s8+s12], $0x200, $0x38;
	[tilespmem:$0x17D80] =	vst v63  }
0x1e: {  	_ =	swait.ge [sflag:s11], $0x200  }
0x1f: {  	[sflag:s11] =	ssyncset.done $0x0  }
0x20: {  	[sflag:s11] =	ssyncadd.s32 $0xFFFFFE00  }
0x21: {  	v37 =	vld [tilespmem:$0x0]  }
0x22: {  	v38 =	vld [tilespmem:$0x280];
	_ =	sdelay $0x3  }
0x23: {  	(v2sf) =	vpush v37, $0x1  }
0x24: {  	(v2sf) =	vpush v38, $0x1  }
0x25: {  	(v2sf) =	vpush v37, $0x2  }
0x26: {  	(v2sf) =	vpush v38, $0x2  }
0x27: {  	(v2sf) =	vpush v37, $0x3  }
0x28: {  	(v2sf) =	vpush v38, $0x3  }
0x29: {  	(v2sf) =	vpush v37, $0x0;
	_ =	sdelay $0x1  }
0x2a: {  	(v2sf) =	vpush v38, $0x0;
	_ =	sdelay $0x6  }
0x2b: {  	s9 =	spop (v2sf)  }
0x2c: {  	s10 =	spop (v2sf)  }
0x2d: {  	s16 =	spop (v2sf)  }
0x2e: {  	s17 =	spop (v2sf)  }
0x2f: {  	s18 =	spop (v2sf)  }
0x30: {  	s19 =	spop (v2sf)  }
0x31: {  	s20 =	spop (v2sf)  }
0x32: {  	s20 =	sand.u32 $0xFFFFF80, s20  }
0x33: {  	s21 =	spop (v2sf);
	s20 =	sadd.s32 s1, s20  }
0x34: {  	[tilespmem:s15], [sflag:$0x1] =	stream.strided.gather [hbm4b:s20+s13], $0x1000, s14, s13, $0x38;
	[tilespmem:$0x17D80] =	vst v63  }
0x35: {  	s20 =	sand.u32 $0xFFFFF80, s21  }
0x36: {  	s22 =	simm.s32 $0x4500;
	s5 =	sand.u32 $0xFFFFF80, s9;
	s20 =	sadd.s32 s2, s20  }
0x37: {  	[tilespmem:s22], [sflag:$0x1] =	stream.strided.gather [hbm4b:s20+s13], $0x1000, s14, s13, $0x38;
	[tilespmem:$0x17D80] =	vst v63  }
0x38: {  	s31 =	simm.s32 $0x1500;
	s5 =	sadd.s32 s1, s5;
	s7 =	sand.u32 $0xFFFFF80, s10  }
0x39: {  	[tilespmem:s31], [sflag:$0x1] =	stream.strided.gather [hbm4b:s5+s13], $0x1000, s14, s13, $0x38;
	[tilespmem:$0x17D80] =	vst v63  }
0x3a: {  	s8 =	simm.s32 $0x5500;
	s9 =	sand.u32 $0xFFFFF80, s16;
	s5 =	sadd.s32 s2, s7  }
0x3b: {  	[tilespmem:s8], [sflag:$0x1] =	stream.strided.gather [hbm4b:s5+s13], $0x1000, s14, s13, $0x38;
	[tilespmem:$0x17D80] =	vst v63  }
0x3c: {  	s10 =	simm.s32 $0x2500;
	s12 =	sand.u32 $0xFFFFF80, s17;
	s5 =	sadd.s32 s1, s9  }
0x3d: {  	[tilespmem:s10], [sflag:$0x1] =	stream.strided.gather [hbm4b:s5+s13], $0x1000, s14, s13, $0x38;
	[tilespmem:$0x17D80] =	vst v63  }
0x3e: {  	s16 =	simm.s32 $0x6500;
	s17 =	sand.u32 $0xFFFFF80, s18;
	s5 =	sadd.s32 s2, s12  }
0x3f: {  	[tilespmem:s16], [sflag:$0x1] =	stream.strided.gather [hbm4b:s5+s13], $0x1000, s14, s13, $0x38;
	[tilespmem:$0x17D80] =	vst v63  }
0x40: {  	s18 =	simm.s32 $0x3500;
	s19 =	sand.u32 $0xFFFFF80, s19;
	s5 =	sadd.s32 s1, s17  }
0x41: {  	[tilespmem:s18], [sflag:$0x1] =	stream.strided.gather [hbm4b:s5+s13], $0x1000, s14, s13, $0x38;
	[tilespmem:$0x17D80] =	vst v63  }
0x42: {  	s20 =	simm.s32 $0x7500;
	s12 =	simm.s32 $0x0;
	s5 =	sadd.s32 s2, s19  }
0x43: {  	[tilespmem:s20], [sflag:$0x1] =	stream.strided.gather [hbm4b:s5+s13], $0x1000, s14, s13, $0x38;
	[tilespmem:$0x17D80] =	vst v63  }
0x44: {  	v47 =	vld [tilespmem:s12+$0x0];
	_ =	sdelay $0x1  }
0x45: {  	v48 =	vld [tilespmem:s12+$0x280];
	_ =	sdelay $0x2  }
0x46: {  	(v2sf) =	vpush v47, $0x4  }
0x47: {  	(v2sf) =	vpush v47, $0x5  }
0x48: {  	(v2sf) =	vpush v48, $0x4;
	_ =	sdelay $0x2  }
0x49: {  	(v2sf) =	vpush v48, $0x5;
	_ =	sdelay $0x1  }
0x4a: {  	(v2sf) =	vpush v47, $0x6;
	_ =	sdelay $0x1  }
0x4b: {  	(v2sf) =	vpush v48, $0x6;
	_ =	sdelay $0x1  }
0x4c: {  	(v2sf) =	vpush v47, $0x7;
	_ =	sdelay $0x1  }
0x4d: {  	(v2sf) =	vpush v48, $0x7  }
0x4e: {  	s22 =	rddreg [dreg:$0x8]  }
0x4f: {  	s7 =	rddreg [dreg:$0x9];
	s21 =	spop (v2sf)  }
0x50: {  	s8 =	rddreg [dreg:$0xa];
	s5 =	sand.u32 $0xFFFFF80, s21;
	s31 =	spop (v2sf)  }
0x51: {  	s20 =	rddreg [dreg:$0xb];
	s5 =	sadd.s32 s1, s5;
	s6 =	spop (v2sf)  }
0x52: {  	[tilespmem:s22], [sflag:$0x2] =	stream.strided.gather [hbm4b:s5+s13], $0x1000, s14, s13, $0x38;
	[tilespmem:$0x17D80] =	vst v63  }
0x53: {  	s21 =	rddreg [dreg:$0xc];
	s18 =	sand.u32 $0xFFFFF80, s31;
	s9 =	sand.u32 $0xFFFFF80, s6  }
0x54: {  	s31 =	rddreg [dreg:$0xd];
	s10 =	spop (v2sf);
	s16 =	sadd.s32 s2, s9  }
0x55: {  	[tilespmem:s7], [sflag:$0x2] =	stream.strided.gather [hbm4b:s16+s13], $0x1000, s14, s13, $0x38;
	[tilespmem:$0x17D80] =	vst v63  }
0x56: {  	s18 =	sadd.s32 s1, s18;
	s19 =	sand.u32 $0xFFFFF80, s10;
	s22 =	spop (v2sf)  }
0x57: {  	[tilespmem:s8], [sflag:$0x2] =	stream.strided.gather [hbm4b:s18+s13], $0x1000, s14, s13, $0x38;
	[tilespmem:$0x17D80] =	vst v63  }
0x58: {  	s16 =	sadd.s32 s2, s19;
	s6 =	spop (v2sf);
	s18 =	sand.u32 $0xFFFFF80, s22  }
0x59: {  	[tilespmem:s20], [sflag:$0x2] =	stream.strided.gather [hbm4b:s16+s13], $0x1000, s14, s13, $0x38;
	[tilespmem:$0x17D80] =	vst v63  }
0x5a: {  	s19 =	sand.u32 $0xFFFFF80, s6;
	s7 =	spop (v2sf);
	s18 =	sadd.s32 s1, s18  }
0x5b: {  	[tilespmem:s21], [sflag:$0x2] =	stream.strided.gather [hbm4b:s18+s13], $0x1000, s14, s13, $0x38;
	[tilespmem:$0x17D80] =	vst v63  }
0x5c: {  	s8 =	sadd.s32 s2, s19;
	s9 =	sand.u32 $0xFFFFF80, s7;
	s10 =	spop (v2sf)  }
0x5d: {  	[tilespmem:s31], [sflag:$0x2] =	stream.strided.gather [hbm4b:s8+s13], $0x1000, s14, s13, $0x38;
	[tilespmem:$0x17D80] =	vst v63  }
0x5e: {  	s17 =	rddreg [dreg:$0xe];
	s16 =	sadd.s32 s1, s9;
	s18 =	sand.u32 $0xFFFFF80, s10  }
0x5f: {  	[tilespmem:s17], [sflag:$0x2] =	stream.strided.gather [hbm4b:s16+s13], $0x1000, s14, s13, $0x38;
	[tilespmem:$0x17D80] =	vst v63  }
0x60: {  	s19 =	rddreg [dreg:$0xf];
	s20 =	sadd.s32 s2, s18  }
0x61: {  	[tilespmem:s19], [sflag:$0x2] =	stream.strided.gather [hbm4b:s20+s13], $0x1000, s14, s13, $0x38;
	[tilespmem:$0x17D80] =	vst v63  }
0x62: {  	_ =	swait.ge [sflag:s23], $0x1000  }
0x63: {  	[sflag:s23] =	ssyncset.done $0x0  }
0x64: {  	[sflag:s23] =	ssyncadd.s32 $0xFFFFF000  }
0x65: {  	_ =	swait.ge [sflag:s23], $0x1000  }
0x66: {  	[sflag:s23] =	ssyncset.done $0x0  }
0x67: {  	[sflag:s23] =	ssyncadd.s32 $0xFFFFF000  }
0x68: {  	_ =	swait.ge [sflag:s23], $0x1000  }
0x69: {  	[sflag:s23] =	ssyncset.done $0x0  }
0x6a: {  	[sflag:s23] =	ssyncadd.s32 $0xFFFFF000  }
0x6b: {  	_ =	swait.ge [sflag:s23], $0x1000  }
0x6c: {  	[sflag:s23] =	ssyncset.done $0x0  }
0x6d: {  	[sflag:s23] =	ssyncadd.s32 $0xFFFFF000  }
0x6e: {  	_ =	swait.ge [sflag:s23], $0x1000  }
0x6f: {  	[sflag:s23] =	ssyncset.done $0x0  }
0x70: {  	[sflag:s23] =	ssyncadd.s32 $0xFFFFF000  }
0x71: {  	_ =	swait.ge [sflag:s23], $0x1000  }
0x72: {  	[sflag:s23] =	ssyncset.done $0x0  }
0x73: {  	[sflag:s23] =	ssyncadd.s32 $0xFFFFF000  }
0x74: {  	_ =	swait.ge [sflag:s23], $0x1000  }
0x75: {  	[sflag:s23] =	ssyncset.done $0x0  }
0x76: {  	[sflag:s23] =	ssyncadd.s32 $0xFFFFF000  }
0x77: {  	_ =	swait.ge [sflag:s23], $0x1000  }
0x78: {  	[sflag:s23] =	ssyncset.done $0x0  }
0x79: {  	[sflag:s23] =	ssyncadd.s32 $0xFFFFF000  }
0x7a: {  	v49 =	vld [tilespmem:s12+$0x0];
	_ =	sdelay $0x1  }
0x7b: {  	v50 =	vld [tilespmem:s12+$0x280];
	_ =	sdelay $0x2  }
0x7c: {  	(v2sf) =	vpush v49, $0x0;
	_ =	sdelay $0x1  }
0x7d: {  	(v2sf) =	vpush v50, $0x0;
	_ =	sdelay $0xa  }
0x7e: {  	(v2sf) =	vpush v50, $0x1  }
0x7f: {  	(v2sf) =	vpush v49, $0x1  }
0x80: {  	s21 =	spop (v2sf)  }
0x81: {  	s5 =	sand.u32 $0x7F, s21  }
0x82: {  	s22 =	spop (v2sf);
	v39 =	vor.u32 s5, v0  }
0x83: {  	s16 =	sand.u32 $0x7F, s22;
	v40 =	vor.u32 s5, v1  }
0x84: {  	v41 =	vor.u32 s16, v2  }
0x85: {  	v42 =	vor.u32 s16, v3;
	_ =	sdelay $0x1  }
0x86: {  	v39 =	vld.idx.msk [tilespmem:v39+s15+$0x0], $0xffff  }
0x87: {  	v40 =	vld.idx.msk [tilespmem:v40+s15+$0x0], $0xffff  }
0x88: {  	v41 =	vld.idx.msk [tilespmem:v41+s15+$0x0], $0xffff  }
0x89: {  	v42 =	vld.idx.msk [tilespmem:v42+s15+$0x0], $0xffff  }
0x8a: {  	(v2sf) =	vpush v49, $0x2;
	_ =	sdelay $0x1  }
0x8b: {  	(v2sf) =	vpush v50, $0x2;
	s31 =	spop (v2sf)  }
0x8c: {  	s5 =	sand.u32 $0x7F, s31;
	s6 =	spop (v2sf)  }
0x8d: {  	s16 =	sand.u32 $0x7F, s6;
	v51 =	vor.u32 s5, v7;
	v39 =	vmul.f32 v41, v39;
	v40 =	vmul.f32 v42, v40  }
0x8e: {  	v52 =	vor.u32 s16, v4  }
0x8f: {  	v53 =	vor.u32 s5, v6;
	v39 =	vadd.f32 v40, v39  }
0x90: {  	s5 =	simm.s32 $0x149C0;
	v43 =	vor.u32 s16, v5  }
0x91: {  	[tilespmem:s5+$0xFFFFFFC0] =	vst v39  }
0x92: {  	v39 =	vld.idx.msk [tilespmem:v51+s15+$0x0], $0xffff  }
0x93: {  	v54 =	vld.idx.msk [tilespmem:v52+s15+$0x0], $0xffff  }
0x94: {  	v40 =	vld.idx.msk [tilespmem:v53+s15+$0x0], $0xffff  }
0x95: {  	v55 =	vld.idx.msk [tilespmem:v43+s15+$0x0], $0xffff  }
0x96: {  	(v2sf) =	vpush v50, $0x3  }
0x97: {  	(v2sf) =	vpush v49, $0x3  }
0x98: {  	s7 =	spop (v2sf)  }
0x99: {  	s16 =	sand.u32 $0x7F, s7  }
0x9a: {  	v58 =	vor.u32 s16, v9;
	s8 =	spop (v2sf);
	v56 =	vmul.f32 v40, v54;
	v57 =	vmul.f32 v39, v55  }
0x9b: {  	v59 =	vor.u32 s16, v8;
	s17 =	sand.u32 $0x7F, s8  }
0x9c: {  	v60 =	vor.u32 s17, v11;
	v37 =	vadd.f32 v57, v56  }
0x9d: {  	v61 =	vor.u32 s17, v10  }
0x9e: {  	[tilespmem:s5+$0xFFFFFFD0] =	vst v37  }
0x9f: {  	v37 =	vld.idx.msk [tilespmem:v58+s15+$0x0], $0xffff  }
0xa0: {  	v62 =	vld.idx.msk [tilespmem:v59+s15+$0x0], $0xffff  }
0xa1: {  	v38 =	vld.idx.msk [tilespmem:v60+s15+$0x0], $0xffff  }
0xa2: {  	v63 =	vld.idx.msk [tilespmem:v61+s15+$0x0], $0xffff;
	_ =	sdelay $0x2  }
0xa3: {  	s9 =	spop (v2sf)  }
0xa4: {  	s16 =	sand.u32 $0x7F, s9;
	s10 =	spop (v2sf)  }
0xa5: {  	s17 =	sand.u32 $0x7F, s10;
	v45 =	vor.u32 s16, v15;
	v37 =	vmul.f32 v38, v37;
	v44 =	vmul.f32 v63, v62  }
0xa6: {  	v46 =	vor.u32 s17, v13  }
0xa7: {  	v47 =	vor.u32 s17, v12;
	v37 =	vadd.f32 v37, v44  }
0xa8: {  	v48 =	vor.u32 s16, v14  }
0xa9: {  	[tilespmem:s5+$0xFFFFFFE0] =	vst v37  }
0xaa: {  	v37 =	vld.idx.msk [tilespmem:v45+s15+$0x0], $0xffff  }
0xab: {  	v49 =	vld.idx.msk [tilespmem:v46+s15+$0x0], $0xffff  }
0xac: {  	v38 =	vld.idx.msk [tilespmem:v47+s15+$0x0], $0xffff  }
0xad: {  	v50 =	vld.idx.msk [tilespmem:v48+s15+$0x0], $0xffff;
	_ =	sdelay $0x4  }
0xae: {  	v37 =	vmul.f32 v37, v49;
	v38 =	vmul.f32 v50, v38;
	_ =	sdelay $0x1  }
0xaf: {  	v37 =	vadd.f32 v37, v38  }
0xb0: {  	p0 =	por $0x0, $0x0  }
0xb1: {  	s16 =	simm.s32 @!p0 $0x0;
	[tilespmem:s5+$0xFFFFFFF0] =	vst v37  }
0xb2: {  	v37 =	vld @!p0 [tilespmem:s16+$0x8];
	_ =	sdelay $0x3  }
0xb3: {  	v38 =	vld @!p0 [tilespmem:s16+$0x288]  }
0xb4: {  	(v2sf) =	vpush @!p0 v37, $0x0;
	_ =	sdelay $0x1  }
0xb5: {  	(v2sf) =	vpush @!p0 v37, $0x1;
	_ =	sdelay $0x1  }
0xb6: {  	(v2sf) =	vpush @!p0 v38, $0x0;
	_ =	sdelay $0x6  }
0xb7: {  	(v2sf) =	vpush @!p0 v38, $0x1;
	_ =	sdelay $0x3  }
0xb8: {  	(v2sf) =	vpush @!p0 v37, $0x2;
	s17 =	spop @!p0 (v2sf)  }
0xb9: {  	s18 =	simm.s32 @!p0 $0x500;
	s19 =	simm.s32 @!p0 $0x400;
	s17 =	sand.u32 @!p0 $0xFFFFF80, s17  }
0xba: {  	s16 =	simm.s32 @!p0 $0x7A1400;
	s20 =	spop @!p0 (v2sf);
	s17 =	sadd.s32 @!p0 s1, s17  }
0xbb: {  	[tilespmem:s18], [sflag:$0x1] =	stream.strided.gather @!p0 [hbm4b:s17+s19], $0x1000, s16, s19, $0x38;
	[tilespmem:$0x17D80] =	vst v63  }
0xbc: {  	(v2sf) =	vpush @!p0 v38, $0x2;
	s17 =	spop @!p0 (v2sf)  }
0xbd: {  	s17 =	sand.u32 @!p0 $0xFFFFF80, s17  }
0xbe: {  	s18 =	simm.s32 @!p0 $0x4500;
	s17 =	sadd.s32 @!p0 s2, s17  }
0xbf: {  	[tilespmem:s18], [sflag:$0x1] =	stream.strided.gather @!p0 [hbm4b:s17+s19], $0x1000, s16, s19, $0x38;
	[tilespmem:$0x17D80] =	vst v63  }
0xc0: {  	(v2sf) =	vpush @!p0 v37, $0x3;
	s17 =	sand.u32 @!p0 $0xFFFFF80, s20  }
0xc1: {  	s18 =	simm.s32 @!p0 $0x1500;
	s17 =	sadd.s32 @!p0 s1, s17  }
0xc2: {  	[tilespmem:s18], [sflag:$0x1] =	stream.strided.gather @!p0 [hbm4b:s17+s19], $0x1000, s16, s19, $0x38;
	[tilespmem:$0x17D80] =	vst v63  }
0xc3: {  	s17 =	spop @!p0 (v2sf)  }
0xc4: {  	(v2sf) =	vpush @!p0 v38, $0x3;
	s17 =	sand.u32 @!p0 $0xFFFFF80, s17  }
0xc5: {  	s18 =	simm.s32 @!p0 $0x5500;
	s17 =	sadd.s32 @!p0 s2, s17  }
0xc6: {  	[tilespmem:s18], [sflag:$0x1] =	stream.strided.gather @!p0 [hbm4b:s17+s19], $0x1000, s16, s19, $0x38;
	[tilespmem:$0x17D80] =	vst v63  }
0xc7: {  	s17 =	spop @!p0 (v2sf)  }
0xc8: {  	s17 =	sand.u32 @!p0 $0xFFFFF80, s17  }
0xc9: {  	s18 =	simm.s32 @!p0 $0x2500;
	s17 =	sadd.s32 @!p0 s1, s17  }
0xca: {  	[tilespmem:s18], [sflag:$0x1] =	stream.strided.gather @!p0 [hbm4b:s17+s19], $0x1000, s16, s19, $0x38;
	[tilespmem:$0x17D80] =	vst v63  }
0xcb: {  	s17 =	spop @!p0 (v2sf)  }
0xcc: {  	s17 =	sand.u32 @!p0 $0xFFFFF80, s17  }
0xcd: {  	s18 =	simm.s32 @!p0 $0x6500;
	s17 =	sadd.s32 @!p0 s2, s17  }
0xce: {  	[tilespmem:s18], [sflag:$0x1] =	stream.strided.gather @!p0 [hbm4b:s17+s19], $0x1000, s16, s19, $0x38;
	[tilespmem:$0x17D80] =	vst v63  }
0xcf: {  	s17 =	spop @!p0 (v2sf)  }
0xd0: {  	s17 =	sand.u32 @!p0 $0xFFFFF80, s17  }
0xd1: {  	s18 =	simm.s32 @!p0 $0x3500;
	s17 =	sadd.s32 @!p0 s1, s17  }
0xd2: {  	[tilespmem:s18], [sflag:$0x1] =	stream.strided.gather @!p0 [hbm4b:s17+s19], $0x1000, s16, s19, $0x38;
	[tilespmem:$0x17D80] =	vst v63  }
0xd3: {  	s17 =	spop @!p0 (v2sf)  }
0xd4: {  	s17 =	sand.u32 @!p0 $0xFFFFF80, s17  }
0xd5: {  	s18 =	simm.s32 @!p0 $0x7500;
	s17 =	sadd.s32 @!p0 s2, s17  }
0xd6: {  	[tilespmem:s18], [sflag:$0x1] =	stream.strided.gather @!p0 [hbm4b:s17+s19], $0x1000, s16, s19, $0x38;
	[tilespmem:$0x17D80] =	vst v63  }
0xd7: {  	_ =	swait.ge [sflag:s24], $0x1000  }
0xd8: {  	[sflag:s24] =	ssyncset.done $0x0  }
0xd9: {  	[sflag:s24] =	ssyncadd.s32 $0xFFFFF000  }
0xda: {  	_ =	swait.ge [sflag:s24], $0x1000  }
0xdb: {  	[sflag:s24] =	ssyncset.done $0x0  }
0xdc: {  	[sflag:s24] =	ssyncadd.s32 $0xFFFFF000  }
0xdd: {  	_ =	swait.ge [sflag:s24], $0x1000  }
0xde: {  	[sflag:s24] =	ssyncset.done $0x0  }
0xdf: {  	[sflag:s24] =	ssyncadd.s32 $0xFFFFF000  }
0xe0: {  	_ =	swait.ge [sflag:s24], $0x1000  }
0xe1: {  	[sflag:s24] =	ssyncset.done $0x0  }
0xe2: {  	[sflag:s24] =	ssyncadd.s32 $0xFFFFF000  }
0xe3: {  	_ =	swait.ge [sflag:s24], $0x1000  }
0xe4: {  	[sflag:s24] =	ssyncset.done $0x0  }
0xe5: {  	[sflag:s24] =	ssyncadd.s32 $0xFFFFF000  }
0xe6: {  	_ =	swait.ge [sflag:s24], $0x1000  }
0xe7: {  	[sflag:s24] =	ssyncset.done $0x0  }
0xe8: {  	[sflag:s24] =	ssyncadd.s32 $0xFFFFF000  }
0xe9: {  	_ =	swait.ge [sflag:s24], $0x1000  }
0xea: {  	[sflag:s24] =	ssyncset.done $0x0  }
0xeb: {  	[sflag:s24] =	ssyncadd.s32 $0xFFFFF000  }
0xec: {  	_ =	swait.ge [sflag:s24], $0x1000  }
0xed: {  	[sflag:s24] =	ssyncset.done $0x0  }
0xee: {  	[sflag:s24] =	ssyncadd.s32 $0xFFFFF000  }
0xef: {  	v51 =	vld [tilespmem:s12+$0x0];
	_ =	sdelay $0x1  }
0xf0: {  	v52 =	vld [tilespmem:s12+$0x280];
	_ =	sdelay $0x2  }
0xf1: {  	(v2sf) =	vpush v51, $0x4;
	_ =	sdelay $0x1  }
0xf2: {  	(v2sf) =	vpush v52, $0x4;
	_ =	sdelay $0xa  }
0xf3: {  	(v2sf) =	vpush v52, $0x5  }
0xf4: {  	(v2sf) =	vpush v51, $0x5  }
0xf5: {  	s16 =	spop (v2sf)  }
0xf6: {  	s12 =	sand.u32 $0x7F, s16  }
0xf7: {  	s17 =	spop (v2sf);
	v53 =	vor.u32 s12, v17  }
0xf8: {  	s16 =	sand.u32 $0x7F, s17;
	v54 =	vor.u32 s12, v16  }
0xf9: {  	v55 =	vor.u32 s16, v19  }
0xfa: {  	v56 =	vor.u32 s16, v18;
	_ =	sdelay $0x1  }
0xfb: {  	v39 =	vld.idx.msk [tilespmem:v53+s15+$0x0], $0xffff  }
0xfc: {  	v40 =	vld.idx.msk [tilespmem:v54+s15+$0x0], $0xffff  }
0xfd: {  	v41 =	vld.idx.msk [tilespmem:v55+s15+$0x0], $0xffff  }
0xfe: {  	v42 =	vld.idx.msk [tilespmem:v56+s15+$0x0], $0xffff  }
0xff: {  	(v2sf) =	vpush v52, $0x6;
	_ =	sdelay $0x1  }
0x100: {  	s18 =	spop (v2sf)  }
0x101: {  	(v2sf) =	vpush v51, $0x6;
	s12 =	sand.u32 $0x7F, s18;
	s19 =	spop (v2sf)  }
0x102: {  	s16 =	sand.u32 $0x7F, s19;
	v57 =	vor.u32 s12, v23;
	v39 =	vmul.f32 v41, v39;
	v40 =	vmul.f32 v42, v40  }
0x103: {  	(v2sf) =	vpush v51, $0x7;
	v58 =	vor.u32 s16, v21  }
0x104: {  	(v2sf) =	vpush v52, $0x7;
	v60 =	vor.u32 s16, v20;
	v59 =	vadd.f32 v39, v40  }
0x105: {  	v61 =	vor.u32 s12, v22  }
0x106: {  	[tilespmem:s5+$0x0] =	vst v59  }
0x107: {  	v38 =	vld.idx.msk [tilespmem:v57+s15+$0x0], $0xffff  }
0x108: {  	v37 =	vld.idx.msk [tilespmem:v58+s15+$0x0], $0xffff  }
0x109: {  	v39 =	vld.idx.msk [tilespmem:v60+s15+$0x0], $0xffff  }
0x10a: {  	v40 =	vld.idx.msk [tilespmem:v61+s15+$0x0], $0xffff;
	_ =	sdelay $0x2  }
0x10b: {  	s20 =	spop (v2sf)  }
0x10c: {  	s12 =	sand.u32 $0x7F, s20  }
0x10d: {  	v63 =	vor.u32 s12, v28;
	v37 =	vmul.f32 v38, v37;
	v62 =	vmul.f32 v40, v39;
	_ =	sdelay $0x1  }
0x10e: {  	s21 =	spop (v2sf);
	v37 =	vadd.f32 v37, v62  }
0x10f: {  	s22 =	spop (v2sf)  }
0x110: {  	s16 =	simm.s32 $0x20;
	s17 =	sand.u32 $0x7F, s21;
	s31 =	spop (v2sf);
	[tilespmem:s5+$0x10] =	vst v37  }
0x111: {  	s19 =	sand.u32 $0x7F, s31;
	v40 =	vor.u32 s17, v24;
	v39 =	vor.u32 s12, v26;
	s12 =	simm.s32 $0x149C0;
	v37 =	vor.u32 s17, v25;
	s17 =	sand.u32 $0x7F, s22;
	v38 =	vld.idx.msk [tilespmem:v63+s15+$0x0], $0xffff  }
.LBB2_2:
0x112: {  	_ =	sdelay $0x3  }
0x113: {  	v40 =	vld.idx.msk [tilespmem:v40+s15+$0x0], $0xffff  }
0x114: {  	v37 =	vld.idx.msk [tilespmem:v37+s15+$0x0], $0xffff  }
0x115: {  	v39 =	vld.idx.msk [tilespmem:v39+s15+$0x0], $0xffff;
	_ =	sdelay $0x4  }
0x116: {  	v60 =	vor.u32 s17, v29;
	v37 =	vmul.f32 v38, v37;
	v59 =	vmul.f32 v39, v40  }
0x117: {  	v61 =	vor.u32 s19, v32  }
0x118: {  	v62 =	vor.u32 s17, v30;
	v37 =	vadd.f32 v37, v59  }
0x119: {  	v41 =	vor.u32 s19, v31  }
0x11a: {  	[tilespmem:s12+$0x20] =	vst v37  }
0x11b: {  	v37 =	vld.idx.msk [tilespmem:v60+s15+$0x0], $0xffff  }
0x11c: {  	v63 =	vld.idx.msk [tilespmem:v61+s15+$0x0], $0xffff  }
0x11d: {  	v38 =	vld.idx.msk [tilespmem:v62+s15+$0x0], $0xffff  }
0x11e: {  	v44 =	vld.idx.msk [tilespmem:v41+s15+$0x0], $0xffff;
	_ =	sdelay $0x4  }
0x11f: {  	v38 =	vmul.f32 v63, v38;
	v37 =	vmul.f32 v44, v37;
	_ =	sdelay $0x1  }
0x120: {  	v37 =	vadd.f32 v38, v37  }
0x121: {  	s18 =	smov.u32 s16  }
0x122: {  	s17 =	sshra.s32 s18, $0x2;
	[tilespmem:s12+$0x30] =	vst v37  }
0x123: {  	v37 =	vld [tilespmem:s17+$0x0];
	_ =	sdelay $0x1  }
0x124: {  	v45 =	vld [tilespmem:s17+$0x280];
	_ =	sdelay $0x2  }
0x125: {  	(v2sf) =	vpush v37, $0x4  }
0x126: {  	(v2sf) =	vpush v37, $0x5  }
0x127: {  	(v2sf) =	vpush v45, $0x4;
	_ =	sdelay $0x2  }
0x128: {  	(v2sf) =	vpush v45, $0x5;
	_ =	sdelay $0x1  }
0x129: {  	(v2sf) =	vpush v37, $0x6;
	_ =	sdelay $0x1  }
0x12a: {  	(v2sf) =	vpush v45, $0x6;
	_ =	sdelay $0x1  }
0x12b: {  	(v2sf) =	vpush v37, $0x7;
	_ =	sdelay $0x1  }
0x12c: {  	s20 =	rddreg [dreg:$0xd];
	(v2sf) =	vpush v45, $0x7  }
0x12d: {  	s21 =	rddreg [dreg:$0xc]  }
0x12e: {  	s31 =	rddreg [dreg:$0x8];
	s22 =	spop (v2sf)  }
0x12f: {  	s8 =	rddreg [dreg:$0xa];
	s7 =	spop (v2sf)  }
0x130: {  	s10 =	rddreg [dreg:$0x9];
	s22 =	sand.u32 $0xFFFFF80, s22;
	s9 =	spop (v2sf)  }
0x131: {  	s22 =	sadd.s32 s1, s22;
	s7 =	sand.u32 $0xFFFFF80, s7;
	s9 =	sand.u32 $0xFFFFF80, s9  }
0x132: {  	[tilespmem:s31], [sflag:$0x2] =	stream.strided.gather [hbm4b:s22+s13], $0x1000, s14, s13, $0x38;
	[tilespmem:$0x17D80] =	vst v63  }
0x133: {  	s6 =	spop (v2sf);
	s7 =	sadd.s32 s1, s7;
	s9 =	sadd.s32 s2, s9  }
0x134: {  	[tilespmem:s10], [sflag:$0x2] =	stream.strided.gather [hbm4b:s9+s13], $0x1000, s14, s13, $0x38;
	[tilespmem:$0x17D80] =	vst v63  }
0x135: {  	s6 =	sand.u32 $0xFFFFF80, s6;
	s31 =	spop (v2sf);
	s9 =	rddreg [dreg:$0xb]  }
0x136: {  	[tilespmem:s8], [sflag:$0x2] =	stream.strided.gather [hbm4b:s7+s13], $0x1000, s14, s13, $0x38;
	[tilespmem:$0x17D80] =	vst v63  }
0x137: {  	s6 =	sadd.s32 s2, s6;
	s22 =	sand.u32 $0xFFFFF80, s31;
	s31 =	spop (v2sf)  }
0x138: {  	[tilespmem:s9], [sflag:$0x2] =	stream.strided.gather [hbm4b:s6+s13], $0x1000, s14, s13, $0x38;
	[tilespmem:$0x17D80] =	vst v63  }
0x139: {  	s10 =	spop (v2sf);
	s7 =	sadd.s32 s1, s22;
	s9 =	sand.u32 $0xFFFFF80, s31  }
0x13a: {  	[tilespmem:s21], [sflag:$0x2] =	stream.strided.gather [hbm4b:s7+s13], $0x1000, s14, s13, $0x38;
	[tilespmem:$0x17D80] =	vst v63  }
0x13b: {  	s22 =	sand.u32 $0xFFFFF80, s10;
	s31 =	spop (v2sf);
	s21 =	sadd.s32 s2, s9  }
0x13c: {  	[tilespmem:s20], [sflag:$0x2] =	stream.strided.gather [hbm4b:s21+s13], $0x1000, s14, s13, $0x38;
	[tilespmem:$0x17D80] =	vst v63  }
0x13d: {  	s19 =	rddreg [dreg:$0xe];
	s10 =	sand.u32 $0xFFFFF80, s31;
	s9 =	sadd.s32 s1, s22  }
0x13e: {  	[tilespmem:s19], [sflag:$0x2] =	stream.strided.gather [hbm4b:s9+s13], $0x1000, s14, s13, $0x38;
	[tilespmem:$0x17D80] =	vst v63  }
0x13f: {  	s20 =	rddreg [dreg:$0xf];
	s21 =	sadd.s32 s2, s10  }
0x140: {  	[tilespmem:s20], [sflag:$0x2] =	stream.strided.gather [hbm4b:s21+s13], $0x1000, s14, s13, $0x38;
	[tilespmem:$0x17D80] =	vst v63  }
0x141: {  	_ =	swait.ge [sflag:s23], $0x1000  }
0x142: {  	[sflag:s23] =	ssyncset.done $0x0  }
0x143: {  	[sflag:s23] =	ssyncadd.s32 $0xFFFFF000  }
0x144: {  	_ =	swait.ge [sflag:s23], $0x1000  }
0x145: {  	[sflag:s23] =	ssyncset.done $0x0  }
0x146: {  	[sflag:s23] =	ssyncadd.s32 $0xFFFFF000  }
0x147: {  	_ =	swait.ge [sflag:s23], $0x1000  }
0x148: {  	[sflag:s23] =	ssyncset.done $0x0  }
0x149: {  	[sflag:s23] =	ssyncadd.s32 $0xFFFFF000  }
0x14a: {  	_ =	swait.ge [sflag:s23], $0x1000  }
0x14b: {  	[sflag:s23] =	ssyncset.done $0x0  }
0x14c: {  	[sflag:s23] =	ssyncadd.s32 $0xFFFFF000  }
0x14d: {  	_ =	swait.ge [sflag:s23], $0x1000  }
0x14e: {  	[sflag:s23] =	ssyncset.done $0x0  }
0x14f: {  	[sflag:s23] =	ssyncadd.s32 $0xFFFFF000  }
0x150: {  	_ =	swait.ge [sflag:s23], $0x1000  }
0x151: {  	[sflag:s23] =	ssyncset.done $0x0  }
0x152: {  	[sflag:s23] =	ssyncadd.s32 $0xFFFFF000  }
0x153: {  	_ =	swait.ge [sflag:s23], $0x1000  }
0x154: {  	[sflag:s23] =	ssyncset.done $0x0  }
0x155: {  	[sflag:s23] =	ssyncadd.s32 $0xFFFFF000  }
0x156: {  	_ =	swait.ge [sflag:s23], $0x1000  }
0x157: {  	[sflag:s23] =	ssyncset.done $0x0  }
0x158: {  	[sflag:s23] =	ssyncadd.s32 $0xFFFFF000  }
0x159: {  	v46 =	vld [tilespmem:s17+$0x0];
	_ =	sdelay $0x1  }
0x15a: {  	v47 =	vld [tilespmem:s17+$0x280];
	_ =	sdelay $0x2  }
0x15b: {  	(v2sf) =	vpush v46, $0x0;
	_ =	sdelay $0x1  }
0x15c: {  	(v2sf) =	vpush v47, $0x0;
	_ =	sdelay $0xa  }
0x15d: {  	(v2sf) =	vpush v47, $0x1  }
0x15e: {  	(v2sf) =	vpush v46, $0x1  }
0x15f: {  	s22 =	spop (v2sf)  }
0x160: {  	s6 =	sand.u32 $0x7F, s22  }
0x161: {  	s31 =	spop (v2sf);
	v48 =	vor.u32 s6, v0  }
0x162: {  	s7 =	sand.u32 $0x7F, s31;
	v49 =	vor.u32 s6, v1  }
0x163: {  	v50 =	vor.u32 s7, v2  }
0x164: {  	v51 =	vor.u32 s7, v3;
	_ =	sdelay $0x1  }
0x165: {  	v37 =	vld.idx.msk [tilespmem:v48+s15+$0x0], $0xffff  }
0x166: {  	v38 =	vld.idx.msk [tilespmem:v49+s15+$0x0], $0xffff  }
0x167: {  	v39 =	vld.idx.msk [tilespmem:v50+s15+$0x0], $0xffff  }
0x168: {  	v40 =	vld.idx.msk [tilespmem:v51+s15+$0x0], $0xffff  }
0x169: {  	(v2sf) =	vpush v46, $0x2;
	_ =	sdelay $0x1  }
0x16a: {  	(v2sf) =	vpush v47, $0x2;
	s8 =	spop (v2sf)  }
0x16b: {  	s6 =	sand.u32 $0x7F, s8;
	s9 =	spop (v2sf)  }
0x16c: {  	s7 =	sand.u32 $0x7F, s9;
	v52 =	vor.u32 s6, v7;
	v37 =	vmul.f32 v39, v37;
	v38 =	vmul.f32 v40, v38  }
0x16d: {  	v53 =	vor.u32 s7, v4  }
0x16e: {  	v54 =	vor.u32 s6, v6;
	v37 =	vadd.f32 v38, v37  }
0x16f: {  	s5 =	sadd.s32 $0x80, s5;
	v55 =	vor.u32 s7, v5  }
0x170: {  	[tilespmem:s5+$0xFFFFFFC0] =	vst v37  }
0x171: {  	v37 =	vld.idx.msk [tilespmem:v52+s15+$0x0], $0xffff  }
0x172: {  	v56 =	vld.idx.msk [tilespmem:v53+s15+$0x0], $0xffff  }
0x173: {  	v38 =	vld.idx.msk [tilespmem:v54+s15+$0x0], $0xffff  }
0x174: {  	v57 =	vld.idx.msk [tilespmem:v55+s15+$0x0], $0xffff  }
0x175: {  	(v2sf) =	vpush v47, $0x3  }
0x176: {  	(v2sf) =	vpush v46, $0x3  }
0x177: {  	s10 =	spop (v2sf)  }
0x178: {  	s8 =	sand.u32 $0x7F, s10  }
0x179: {  	s19 =	spop (v2sf);
	v58 =	vor.u32 s8, v9;
	v38 =	vmul.f32 v38, v56;
	v37 =	vmul.f32 v37, v57  }
0x17a: {  	s9 =	sand.u32 $0x7F, s19;
	v59 =	vor.u32 s8, v8  }
0x17b: {  	v60 =	vor.u32 s9, v11;
	v37 =	vadd.f32 v37, v38  }
0x17c: {  	v61 =	vor.u32 s9, v10  }
0x17d: {  	[tilespmem:s5+$0xFFFFFFD0] =	vst v37  }
0x17e: {  	v37 =	vld.idx.msk [tilespmem:v58+s15+$0x0], $0xffff  }
0x17f: {  	v62 =	vld.idx.msk [tilespmem:v59+s15+$0x0], $0xffff  }
0x180: {  	v38 =	vld.idx.msk [tilespmem:v60+s15+$0x0], $0xffff  }
0x181: {  	v63 =	vld.idx.msk [tilespmem:v61+s15+$0x0], $0xffff;
	_ =	sdelay $0x2  }
0x182: {  	s20 =	spop (v2sf)  }
0x183: {  	s21 =	sand.u32 $0x7F, s20;
	s22 =	spop (v2sf)  }
0x184: {  	s31 =	sand.u32 $0x7F, s22;
	v45 =	vor.u32 s21, v15;
	v37 =	vmul.f32 v38, v37;
	v44 =	vmul.f32 v63, v62  }
0x185: {  	v46 =	vor.u32 s31, v13  }
0x186: {  	v47 =	vor.u32 s31, v12;
	v37 =	vadd.f32 v37, v44  }
0x187: {  	v48 =	vor.u32 s21, v14  }
0x188: {  	[tilespmem:s5+$0xFFFFFFE0] =	vst v37  }
0x189: {  	v37 =	vld.idx.msk [tilespmem:v45+s15+$0x0], $0xffff  }
0x18a: {  	v49 =	vld.idx.msk [tilespmem:v46+s15+$0x0], $0xffff  }
0x18b: {  	v38 =	vld.idx.msk [tilespmem:v47+s15+$0x0], $0xffff  }
0x18c: {  	v50 =	vld.idx.msk [tilespmem:v48+s15+$0x0], $0xffff;
	_ =	sdelay $0x4  }
0x18d: {  	v37 =	vmul.f32 v37, v49;
	v38 =	vmul.f32 v50, v38;
	_ =	sdelay $0x1  }
0x18e: {  	v37 =	vadd.f32 v37, v38  }
0x18f: {  	p1 =	seq.s32 s18, $0x7E0  }
0x190: {  	s6 =	sshra.s32 @!p1 s18, $0x2;
	[tilespmem:s5+$0xFFFFFFF0] =	vst v37  }
0x191: {  	v37 =	vld @!p1 [tilespmem:s6+$0x8];
	_ =	sdelay $0x1  }
0x192: {  	v38 =	vld @!p1 [tilespmem:s6+$0x288];
	_ =	sdelay $0x2  }
0x193: {  	(v2sf) =	vpush @!p1 v37, $0x0  }
0x194: {  	(v2sf) =	vpush @!p1 v37, $0x1  }
0x195: {  	(v2sf) =	vpush @!p1 v38, $0x0;
	_ =	sdelay $0x1  }
0x196: {  	(v2sf) =	vpush @!p1 v38, $0x1  }
0x197: {  	(v2sf) =	vpush @!p1 v37, $0x2;
	_ =	sdelay $0x1  }
0x198: {  	(v2sf) =	vpush @!p1 v38, $0x2;
	_ =	sdelay $0x1  }
0x199: {  	(v2sf) =	vpush @!p1 v37, $0x3;
	_ =	sdelay $0x3  }
0x19a: {  	(v2sf) =	vpush @!p1 v38, $0x3  }
0x19b: {  	s7 =	simm.s32 @!p1 $0x5500;
	s10 =	simm.s32 @!p1 $0x500  }
0x19c: {  	s19 =	simm.s32 @!p1 $0x400;
	s9 =	simm.s32 @!p1 $0x7A1400;
	s18 =	spop @!p1 (v2sf)  }
0x19d: {  	s6 =	simm.s32 @!p1 $0x1500;
	s18 =	sand.u32 @!p1 $0xFFFFF80, s18;
	s20 =	spop @!p1 (v2sf)  }
0x19e: {  	s18 =	sadd.s32 @!p1 s1, s18;
	s20 =	sand.u32 @!p1 $0xFFFFF80, s20;
	s21 =	spop @!p1 (v2sf)  }
0x19f: {  	[tilespmem:s10], [sflag:$0x1] =	stream.strided.gather @!p1 [hbm4b:s18+s19], $0x1000, s9, s19, $0x38;
	[tilespmem:$0x17D80] =	vst v63  }
0x1a0: {  	s10 =	sand.u32 @!p1 $0xFFFFF80, s21;
	s18 =	simm.s32 @!p1 $0x4500;
	s21 =	spop @!p1 (v2sf)  }
0x1a1: {  	s10 =	sadd.s32 @!p1 s2, s10;
	s21 =	sand.u32 @!p1 $0xFFFFF80, s21;
	s22 =	spop @!p1 (v2sf)  }
0x1a2: {  	[tilespmem:s18], [sflag:$0x1] =	stream.strided.gather @!p1 [hbm4b:s10+s19], $0x1000, s9, s19, $0x38;
	[tilespmem:$0x17D80] =	vst v63  }
0x1a3: {  	s10 =	sadd.s32 @!p1 s1, s20;
	s18 =	sand.u32 @!p1 $0xFFFFF80, s22;
	s20 =	spop @!p1 (v2sf)  }
0x1a4: {  	[tilespmem:s6], [sflag:$0x1] =	stream.strided.gather @!p1 [hbm4b:s10+s19], $0x1000, s9, s19, $0x38;
	[tilespmem:$0x17D80] =	vst v63  }
0x1a5: {  	s6 =	sadd.s32 @!p1 s2, s21;
	s10 =	sand.u32 @!p1 $0xFFFFF80, s20;
	s20 =	spop @!p1 (v2sf)  }
0x1a6: {  	[tilespmem:s7], [sflag:$0x1] =	stream.strided.gather @!p1 [hbm4b:s6+s19], $0x1000, s9, s19, $0x38;
	[tilespmem:$0x17D80] =	vst v63  }
0x1a7: {  	s8 =	simm.s32 @!p1 $0x2500;
	s6 =	sadd.s32 @!p1 s1, s18;
	s7 =	sand.u32 @!p1 $0xFFFFF80, s20  }
0x1a8: {  	[tilespmem:s8], [sflag:$0x1] =	stream.strided.gather @!p1 [hbm4b:s6+s19], $0x1000, s9, s19, $0x38;
	[tilespmem:$0x17D80] =	vst v63  }
0x1a9: {  	s18 =	spop @!p1 (v2sf);
	s6 =	sadd.s32 @!p1 s2, s10;
	s8 =	simm.s32 @!p1 $0x6500  }
0x1aa: {  	[tilespmem:s8], [sflag:$0x1] =	stream.strided.gather @!p1 [hbm4b:s6+s19], $0x1000, s9, s19, $0x38;
	[tilespmem:$0x17D80] =	vst v63  }
0x1ab: {  	s10 =	sand.u32 @!p1 $0xFFFFF80, s18;
	s6 =	sadd.s32 @!p1 s1, s7;
	s7 =	simm.s32 @!p1 $0x3500  }
0x1ac: {  	[tilespmem:s7], [sflag:$0x1] =	stream.strided.gather @!p1 [hbm4b:s6+s19], $0x1000, s9, s19, $0x38;
	[tilespmem:$0x17D80] =	vst v63  }
0x1ad: {  	s6 =	sadd.s32 @!p1 s2, s10;
	s7 =	simm.s32 @!p1 $0x7500  }
0x1ae: {  	[tilespmem:s7], [sflag:$0x1] =	stream.strided.gather @!p1 [hbm4b:s6+s19], $0x1000, s9, s19, $0x38;
	[tilespmem:$0x17D80] =	vst v63  }
0x1af: {  	_ =	swait.ge [sflag:s24], $0x1000  }
0x1b0: {  	[sflag:s24] =	ssyncset.done $0x0  }
0x1b1: {  	[sflag:s24] =	ssyncadd.s32 $0xFFFFF000  }
0x1b2: {  	_ =	swait.ge [sflag:s24], $0x1000  }
0x1b3: {  	[sflag:s24] =	ssyncset.done $0x0  }
0x1b4: {  	[sflag:s24] =	ssyncadd.s32 $0xFFFFF000  }
0x1b5: {  	_ =	swait.ge [sflag:s24], $0x1000  }
0x1b6: {  	[sflag:s24] =	ssyncset.done $0x0  }
0x1b7: {  	[sflag:s24] =	ssyncadd.s32 $0xFFFFF000  }
0x1b8: {  	_ =	swait.ge [sflag:s24], $0x1000  }
0x1b9: {  	[sflag:s24] =	ssyncset.done $0x0  }
0x1ba: {  	[sflag:s24] =	ssyncadd.s32 $0xFFFFF000  }
0x1bb: {  	_ =	swait.ge [sflag:s24], $0x1000  }
0x1bc: {  	[sflag:s24] =	ssyncset.done $0x0  }
0x1bd: {  	[sflag:s24] =	ssyncadd.s32 $0xFFFFF000  }
0x1be: {  	_ =	swait.ge [sflag:s24], $0x1000  }
0x1bf: {  	[sflag:s24] =	ssyncset.done $0x0  }
0x1c0: {  	[sflag:s24] =	ssyncadd.s32 $0xFFFFF000  }
0x1c1: {  	_ =	swait.ge [sflag:s24], $0x1000  }
0x1c2: {  	[sflag:s24] =	ssyncset.done $0x0  }
0x1c3: {  	[sflag:s24] =	ssyncadd.s32 $0xFFFFF000  }
0x1c4: {  	_ =	swait.ge [sflag:s24], $0x1000  }
0x1c5: {  	[sflag:s24] =	ssyncset.done $0x0  }
0x1c6: {  	[sflag:s24] =	ssyncadd.s32 $0xFFFFF000  }
0x1c7: {  	v51 =	vld [tilespmem:s17+$0x0];
	_ =	sdelay $0x1  }
0x1c8: {  	v52 =	vld [tilespmem:s17+$0x280];
	_ =	sdelay $0x2  }
0x1c9: {  	(v2sf) =	vpush v51, $0x4;
	_ =	sdelay $0x1  }
0x1ca: {  	(v2sf) =	vpush v52, $0x4;
	_ =	sdelay $0xa  }
0x1cb: {  	(v2sf) =	vpush v52, $0x5  }
0x1cc: {  	(v2sf) =	vpush v51, $0x5  }
0x1cd: {  	s10 =	spop (v2sf)  }
0x1ce: {  	s6 =	sand.u32 $0x7F, s10  }
0x1cf: {  	s17 =	spop (v2sf);
	v54 =	vor.u32 s6, v17  }
0x1d0: {  	s7 =	sand.u32 $0x7F, s17;
	v53 =	vor.u32 s6, v16  }
0x1d1: {  	v56 =	vor.u32 s7, v19  }
0x1d2: {  	v55 =	vor.u32 s7, v18;
	_ =	sdelay $0x1  }
0x1d3: {  	v38 =	vld.idx.msk [tilespmem:v54+s15+$0x0], $0xffff  }
0x1d4: {  	v37 =	vld.idx.msk [tilespmem:v53+s15+$0x0], $0xffff  }
0x1d5: {  	v40 =	vld.idx.msk [tilespmem:v56+s15+$0x0], $0xffff  }
0x1d6: {  	v39 =	vld.idx.msk [tilespmem:v55+s15+$0x0], $0xffff  }
0x1d7: {  	(v2sf) =	vpush v52, $0x6;
	_ =	sdelay $0x1  }
0x1d8: {  	s18 =	spop (v2sf)  }
0x1d9: {  	(v2sf) =	vpush v51, $0x6;
	s6 =	sand.u32 $0x7F, s18;
	s19 =	spop (v2sf)  }
0x1da: {  	s7 =	sand.u32 $0x7F, s19;
	v57 =	vor.u32 s6, v23;
	v38 =	vmul.f32 v40, v38;
	v37 =	vmul.f32 v39, v37  }
0x1db: {  	(v2sf) =	vpush v51, $0x7;
	v58 =	vor.u32 s7, v21  }
0x1dc: {  	(v2sf) =	vpush v52, $0x7;
	v59 =	vor.u32 s7, v20;
	v37 =	vadd.f32 v38, v37  }
0x1dd: {  	v60 =	vor.u32 s6, v22  }
0x1de: {  	[tilespmem:s5+$0x0] =	vst v37  }
0x1df: {  	v37 =	vld.idx.msk [tilespmem:v57+s15+$0x0], $0xffff  }
0x1e0: {  	v61 =	vld.idx.msk [tilespmem:v58+s15+$0x0], $0xffff  }
0x1e1: {  	v38 =	vld.idx.msk [tilespmem:v59+s15+$0x0], $0xffff  }
0x1e2: {  	v62 =	vld.idx.msk [tilespmem:v60+s15+$0x0], $0xffff;
	_ =	sdelay $0x2  }
0x1e3: {  	s20 =	spop (v2sf)  }
0x1e4: {  	s16 =	sadd.s32 $0x20, s16;
	s8 =	sand.u32 $0x7F, s20  }
0x1e5: {  	p0 =	sne.s32 s16, $0x800;
	v63 =	vor.u32 s8, v28;
	v37 =	vmul.f32 v37, v61;
	v38 =	vmul.f32 v62, v38  }
.Ltmp0:
0x1e6: {  	_ = 	snop;
	(pc) =	sbr.rel @p0 .LBB2_2-.Ltmp0, $4  }
0x1e7: {  	s21 =	spop (v2sf);
	v38 =	vadd.f32 v37, v38  }
0x1e8: {  	s22 =	spop (v2sf)  }
0x1e9: {  	s9 =	sand.u32 $0x7F, s21;
	s31 =	spop (v2sf);
	[tilespmem:s5+$0x10] =	vst v38  }
0x1ea: {  	s12 =	smov.u32 s5;
	s17 =	sand.u32 $0x7F, s22;
	s19 =	sand.u32 $0x7F, s31;
	v40 =	vor.u32 s9, v24;
	v39 =	vor.u32 s8, v26;
	v37 =	vor.u32 s9, v25;
	v38 =	vld.idx.msk [tilespmem:v63+s15+$0x0], $0xffff  }
0x1eb: {  	_ =	sdelay $0x3  }
0x1ec: {  	v40 =	vld.idx.msk [tilespmem:v40+s15+$0x0], $0xffff  }
0x1ed: {  	v37 =	vld.idx.msk [tilespmem:v37+s15+$0x0], $0xffff  }
0x1ee: {  	v39 =	vld.idx.msk [tilespmem:v39+s15+$0x0], $0xffff;
	_ =	sdelay $0x4  }
0x1ef: {  	v55 =	vor.u32 s17, v29;
	v37 =	vmul.f32 v38, v37;
	v54 =	vmul.f32 v39, v40  }
0x1f0: {  	v56 =	vor.u32 s19, v32  }
0x1f1: {  	v57 =	vor.u32 s17, v30;
	v37 =	vadd.f32 v37, v54  }
0x1f2: {  	v41 =	vor.u32 s19, v31  }
0x1f3: {  	[tilespmem:s12+$0x20] =	vst v37  }
0x1f4: {  	v37 =	vld.idx.msk [tilespmem:v55+s15+$0x0], $0xffff  }
0x1f5: {  	v58 =	vld.idx.msk [tilespmem:v56+s15+$0x0], $0xffff  }
0x1f6: {  	v38 =	vld.idx.msk [tilespmem:v57+s15+$0x0], $0xffff  }
0x1f7: {  	v59 =	vld.idx.msk [tilespmem:v41+s15+$0x0], $0xffff;
	_ =	sdelay $0x4  }
0x1f8: {  	v38 =	vmul.f32 v58, v38;
	v37 =	vmul.f32 v59, v37;
	_ =	sdelay $0x1  }
0x1f9: {  	v37 =	vadd.f32 v38, v37;
	_ =	sdelay $0x1  }
0x1fa: {  	[tilespmem:s12+$0x30] =	vst v37  }
0x1fb: {  	v37 =	vld [tilespmem:$0x0]  }
0x1fc: {  	v60 =	vld [tilespmem:$0x10]  }
0x1fd: {  	v61 =	vld [tilespmem:$0x20]  }
0x1fe: {  	v62 =	vld [tilespmem:$0x30]  }
0x1ff: {  	v63 =	vld [tilespmem:$0x40]  }
0x200: {  	v42 =	vld [tilespmem:$0x50];
	v37 =	vshra.s32 v37, $0x7  }
0x201: {  	v45 =	vld [tilespmem:$0x60];
	v44 =	vshra.s32 v60, $0x7;
	[tilespmem:$0x14500] =	vst v37  }
0x202: {  	v47 =	vld [tilespmem:$0x70];
	v46 =	vshra.s32 v61, $0x7;
	[tilespmem:$0x14510] =	vst v44  }
0x203: {  	v48 =	vshra.s32 v62, $0x7;
	[tilespmem:$0x14520] =	vst v46  }
0x204: {  	v49 =	vshra.s32 v63, $0x7;
	[tilespmem:$0x14530] =	vst v48  }
0x205: {  	v50 =	vshra.s32 v42, $0x7;
	[tilespmem:$0x14540] =	vst v49  }
0x206: {  	v51 =	vshra.s32 v45, $0x7;
	[tilespmem:$0x14550] =	vst v50  }
0x207: {  	v52 =	vshra.s32 v47, $0x7;
	[tilespmem:$0x14560] =	vst v51  }
0x208: {  	[tilespmem:$0x14570] =	vst v52  }
0x209: {  	[tilespmem:s28], [sflag:$0x1] =	stream.indirect.gather [hbm4b:s3+s25], $0x80, s26, s25, $0xb8;
	[tilespmem:$0x17D80] =	vst v63  }
0x20a: {  	_ =	swait.ge [sflag:s23], $0x4000  }
0x20b: {  	[sflag:s23] =	ssyncset.done $0x0  }
0x20c: {  	[sflag:s23] =	ssyncadd.s32 $0xFFFFC000  }
0x20d: {  	v53 =	vld [tilespmem:$0x0];
	_ =	sdelay $0x4  }
0x20e: {  	v37 =	vand.u32 $0x7F, v53  }
0x20f: {  	v54 =	vld [tilespmem:$0x10];
	v37 =	vor.u32 v0, v37;
	_ =	sdelay $0x4  }
0x210: {  	v38 =	vand.u32 $0x7F, v54;
	v37 =	vld.idx.msk [tilespmem:v37+s28+$0x0], $0xffff  }
0x211: {  	v55 =	vld [tilespmem:$0x20];
	v38 =	vor.u32 v1, v38;
	_ =	sdelay $0x3  }
0x212: {  	[tilespmem:$0x14580] =	vst v37  }
0x213: {  	v56 =	vand.u32 $0x7F, v55;
	v37 =	vld.idx.msk [tilespmem:v38+s28+$0x0], $0xffff  }
0x214: {  	v57 =	vld [tilespmem:$0x30];
	v38 =	vor.u32 v4, v56;
	_ =	sdelay $0x3  }
0x215: {  	[tilespmem:$0x14590] =	vst v37  }
0x216: {  	v58 =	vand.u32 $0x7F, v57;
	v37 =	vld.idx.msk [tilespmem:v38+s28+$0x0], $0xffff  }
0x217: {  	v59 =	vld [tilespmem:$0x40];
	v38 =	vor.u32 v5, v58;
	_ =	sdelay $0x3  }
0x218: {  	[tilespmem:$0x145A0] =	vst v37  }
0x219: {  	v60 =	vand.u32 $0x7F, v59;
	v37 =	vld.idx.msk [tilespmem:v38+s28+$0x0], $0xffff  }
0x21a: {  	v61 =	vld [tilespmem:$0x50];
	v38 =	vor.u32 v8, v60;
	_ =	sdelay $0x3  }
0x21b: {  	[tilespmem:$0x145B0] =	vst v37  }
0x21c: {  	v62 =	vand.u32 $0x7F, v61;
	v37 =	vld.idx.msk [tilespmem:v38+s28+$0x0], $0xffff  }
0x21d: {  	v63 =	vld [tilespmem:$0x60];
	v38 =	vor.u32 v9, v62;
	_ =	sdelay $0x3  }
0x21e: {  	[tilespmem:$0x145C0] =	vst v37  }
0x21f: {  	v42 =	vand.u32 $0x7F, v63;
	v37 =	vld.idx.msk [tilespmem:v38+s28+$0x0], $0xffff  }
0x220: {  	v43 =	vld [tilespmem:$0x70];
	v38 =	vor.u32 v12, v42;
	_ =	sdelay $0x2  }
0x221: {  	v45 =	vld [tilespmem:$0x80]  }
0x222: {  	v46 =	vld [tilespmem:$0x90];
	[tilespmem:$0x145D0] =	vst v37  }
0x223: {  	v44 =	vand.u32 $0x7F, v43;
	v37 =	vld.idx.msk [tilespmem:v38+s28+$0x0], $0xffff  }
0x224: {  	v47 =	vld [tilespmem:$0xA0];
	v38 =	vor.u32 v13, v44  }
0x225: {  	v48 =	vld [tilespmem:$0xB0]  }
0x226: {  	v49 =	vld [tilespmem:$0xC0]  }
0x227: {  	v51 =	vld [tilespmem:$0xD0]  }
0x228: {  	v50 =	vshra.s32 v45, $0x7;
	v53 =	vld [tilespmem:$0xE0];
	[tilespmem:$0x145E0] =	vst v37  }
0x229: {  	v52 =	vshra.s32 v46, $0x7;
	v37 =	vld.idx.msk [tilespmem:v38+s28+$0x0], $0xffff;
	[tilespmem:$0x14500] =	vst v50  }
0x22a: {  	v54 =	vshra.s32 v47, $0x7;
	v55 =	vld [tilespmem:$0xF0];
	[tilespmem:$0x14510] =	vst v52  }
0x22b: {  	v56 =	vshra.s32 v48, $0x7;
	[tilespmem:$0x14520] =	vst v54  }
0x22c: {  	v57 =	vshra.s32 v49, $0x7;
	[tilespmem:$0x14530] =	vst v56  }
0x22d: {  	v58 =	vshra.s32 v51, $0x7;
	[tilespmem:$0x14540] =	vst v57  }
0x22e: {  	v59 =	vshra.s32 v53, $0x7;
	[tilespmem:$0x14550] =	vst v58  }
0x22f: {  	v60 =	vshra.s32 v55, $0x7;
	[tilespmem:$0x14560] =	vst v59  }
0x230: {  	[tilespmem:$0x14570] =	vst v60  }
0x231: {  	[tilespmem:$0x145F0] =	vst v37  }
0x232: {  	[tilespmem:s28], [sflag:$0x1] =	stream.indirect.gather [hbm4b:s3+s25], $0x80, s26, s25, $0xb8;
	[tilespmem:$0x17D80] =	vst v63  }
0x233: {  	_ =	swait.ge [sflag:s23], $0x4000  }
0x234: {  	[sflag:s23] =	ssyncset.done $0x0  }
0x235: {  	[sflag:s23] =	ssyncadd.s32 $0xFFFFC000  }
0x236: {  	v61 =	vld [tilespmem:$0x80];
	_ =	sdelay $0x4  }
0x237: {  	v37 =	vand.u32 $0x7F, v61  }
0x238: {  	v62 =	vld [tilespmem:$0x90];
	v37 =	vor.u32 v0, v37;
	_ =	sdelay $0x4  }
0x239: {  	v38 =	vand.u32 $0x7F, v62;
	v37 =	vld.idx.msk [tilespmem:v37+s28+$0x0], $0xffff  }
0x23a: {  	v63 =	vld [tilespmem:$0xA0];
	v38 =	vor.u32 v1, v38;
	_ =	sdelay $0x3  }
0x23b: {  	[tilespmem:$0x14600] =	vst v37  }
0x23c: {  	v42 =	vand.u32 $0x7F, v63;
	v37 =	vld.idx.msk [tilespmem:v38+s28+$0x0], $0xffff  }
0x23d: {  	v43 =	vld [tilespmem:$0xB0];
	v38 =	vor.u32 v4, v42;
	_ =	sdelay $0x3  }
0x23e: {  	[tilespmem:$0x14610] =	vst v37  }
0x23f: {  	v44 =	vand.u32 $0x7F, v43;
	v37 =	vld.idx.msk [tilespmem:v38+s28+$0x0], $0xffff  }
0x240: {  	v45 =	vld [tilespmem:$0xC0];
	v38 =	vor.u32 v5, v44;
	_ =	sdelay $0x3  }
0x241: {  	[tilespmem:$0x14620] =	vst v37  }
0x242: {  	v46 =	vand.u32 $0x7F, v45;
	v37 =	vld.idx.msk [tilespmem:v38+s28+$0x0], $0xffff  }
0x243: {  	v47 =	vld [tilespmem:$0xD0];
	v38 =	vor.u32 v8, v46;
	_ =	sdelay $0x3  }
0x244: {  	[tilespmem:$0x14630] =	vst v37  }
0x245: {  	v48 =	vand.u32 $0x7F, v47;
	v37 =	vld.idx.msk [tilespmem:v38+s28+$0x0], $0xffff  }
0x246: {  	v49 =	vld [tilespmem:$0xE0];
	v38 =	vor.u32 v9, v48;
	_ =	sdelay $0x3  }
0x247: {  	[tilespmem:$0x14640] =	vst v37  }
0x248: {  	v50 =	vand.u32 $0x7F, v49;
	v37 =	vld.idx.msk [tilespmem:v38+s28+$0x0], $0xffff  }
0x249: {  	v51 =	vld [tilespmem:$0xF0];
	v38 =	vor.u32 v12, v50;
	_ =	sdelay $0x2  }
0x24a: {  	v53 =	vld [tilespmem:$0x100]  }
0x24b: {  	v54 =	vld [tilespmem:$0x110];
	[tilespmem:$0x14650] =	vst v37  }
0x24c: {  	v52 =	vand.u32 $0x7F, v51;
	v37 =	vld.idx.msk [tilespmem:v38+s28+$0x0], $0xffff  }
0x24d: {  	v55 =	vld [tilespmem:$0x120];
	v38 =	vor.u32 v13, v52  }
0x24e: {  	v56 =	vld [tilespmem:$0x130]  }
0x24f: {  	v57 =	vld [tilespmem:$0x140]  }
0x250: {  	v59 =	vld [tilespmem:$0x150]  }
0x251: {  	v58 =	vshra.s32 v53, $0x7;
	v61 =	vld [tilespmem:$0x160];
	[tilespmem:$0x14660] =	vst v37  }
0x252: {  	v60 =	vshra.s32 v54, $0x7;
	v37 =	vld.idx.msk [tilespmem:v38+s28+$0x0], $0xffff;
	[tilespmem:$0x14500] =	vst v58  }
0x253: {  	v62 =	vshra.s32 v55, $0x7;
	v63 =	vld [tilespmem:$0x170];
	[tilespmem:$0x14510] =	vst v60  }
0x254: {  	v43 =	vshra.s32 v56, $0x7;
	[tilespmem:$0x14520] =	vst v62  }
0x255: {  	v44 =	vshra.s32 v57, $0x7;
	[tilespmem:$0x14530] =	vst v43  }
0x256: {  	v45 =	vshra.s32 v59, $0x7;
	[tilespmem:$0x14540] =	vst v44  }
0x257: {  	v46 =	vshra.s32 v61, $0x7;
	[tilespmem:$0x14550] =	vst v45  }
0x258: {  	v47 =	vshra.s32 v63, $0x7;
	[tilespmem:$0x14560] =	vst v46  }
0x259: {  	[tilespmem:$0x14570] =	vst v47  }
0x25a: {  	[tilespmem:$0x14670] =	vst v37  }
0x25b: {  	[tilespmem:s28], [sflag:$0x1] =	stream.indirect.gather [hbm4b:s3+s25], $0x80, s26, s25, $0xb8;
	[tilespmem:$0x17D80] =	vst v63  }
0x25c: {  	_ =	swait.ge [sflag:s23], $0x4000  }
0x25d: {  	[sflag:s23] =	ssyncset.done $0x0  }
0x25e: {  	[sflag:s23] =	ssyncadd.s32 $0xFFFFC000  }
0x25f: {  	v48 =	vld [tilespmem:$0x100];
	_ =	sdelay $0x4  }
0x260: {  	v37 =	vand.u32 $0x7F, v48  }
0x261: {  	v49 =	vld [tilespmem:$0x110];
	v37 =	vor.u32 v0, v37;
	_ =	sdelay $0x4  }
0x262: {  	v38 =	vand.u32 $0x7F, v49;
	v37 =	vld.idx.msk [tilespmem:v37+s28+$0x0], $0xffff  }
0x263: {  	v50 =	vld [tilespmem:$0x120];
	v38 =	vor.u32 v1, v38;
	_ =	sdelay $0x3  }
0x264: {  	[tilespmem:$0x14680] =	vst v37  }
0x265: {  	v51 =	vand.u32 $0x7F, v50;
	v37 =	vld.idx.msk [tilespmem:v38+s28+$0x0], $0xffff  }
0x266: {  	v52 =	vld [tilespmem:$0x130];
	v38 =	vor.u32 v4, v51;
	_ =	sdelay $0x3  }
0x267: {  	[tilespmem:$0x14690] =	vst v37  }
0x268: {  	v53 =	vand.u32 $0x7F, v52;
	v37 =	vld.idx.msk [tilespmem:v38+s28+$0x0], $0xffff  }
0x269: {  	v54 =	vld [tilespmem:$0x140];
	v38 =	vor.u32 v5, v53;
	_ =	sdelay $0x3  }
0x26a: {  	[tilespmem:$0x146A0] =	vst v37  }
0x26b: {  	v55 =	vand.u32 $0x7F, v54;
	v37 =	vld.idx.msk [tilespmem:v38+s28+$0x0], $0xffff  }
0x26c: {  	v56 =	vld [tilespmem:$0x150];
	v38 =	vor.u32 v8, v55;
	_ =	sdelay $0x3  }
0x26d: {  	[tilespmem:$0x146B0] =	vst v37  }
0x26e: {  	v57 =	vand.u32 $0x7F, v56;
	v37 =	vld.idx.msk [tilespmem:v38+s28+$0x0], $0xffff  }
0x26f: {  	v58 =	vld [tilespmem:$0x160];
	v38 =	vor.u32 v9, v57;
	_ =	sdelay $0x3  }
0x270: {  	[tilespmem:$0x146C0] =	vst v37  }
0x271: {  	v59 =	vand.u32 $0x7F, v58;
	v37 =	vld.idx.msk [tilespmem:v38+s28+$0x0], $0xffff  }
0x272: {  	v60 =	vld [tilespmem:$0x170];
	v38 =	vor.u32 v12, v59;
	_ =	sdelay $0x2  }
0x273: {  	v62 =	vld [tilespmem:$0x180]  }
0x274: {  	v63 =	vld [tilespmem:$0x190];
	[tilespmem:$0x146D0] =	vst v37  }
0x275: {  	v61 =	vand.u32 $0x7F, v60;
	v37 =	vld.idx.msk [tilespmem:v38+s28+$0x0], $0xffff  }
0x276: {  	v45 =	vld [tilespmem:$0x1A0];
	v38 =	vor.u32 v13, v61  }
0x277: {  	v46 =	vld [tilespmem:$0x1B0]  }
0x278: {  	v47 =	vld [tilespmem:$0x1C0]  }
0x279: {  	v49 =	vld [tilespmem:$0x1D0]  }
0x27a: {  	v48 =	vshra.s32 v62, $0x7;
	v51 =	vld [tilespmem:$0x1E0];
	[tilespmem:$0x146E0] =	vst v37  }
0x27b: {  	v50 =	vshra.s32 v63, $0x7;
	v37 =	vld.idx.msk [tilespmem:v38+s28+$0x0], $0xffff;
	[tilespmem:$0x14500] =	vst v48  }
0x27c: {  	v52 =	vshra.s32 v45, $0x7;
	v53 =	vld [tilespmem:$0x1F0];
	[tilespmem:$0x14510] =	vst v50  }
0x27d: {  	v54 =	vshra.s32 v46, $0x7;
	[tilespmem:$0x14520] =	vst v52  }
0x27e: {  	v55 =	vshra.s32 v47, $0x7;
	[tilespmem:$0x14530] =	vst v54  }
0x27f: {  	v56 =	vshra.s32 v49, $0x7;
	[tilespmem:$0x14540] =	vst v55  }
0x280: {  	v57 =	vshra.s32 v51, $0x7;
	[tilespmem:$0x14550] =	vst v56  }
0x281: {  	v58 =	vshra.s32 v53, $0x7;
	[tilespmem:$0x14560] =	vst v57  }
0x282: {  	[tilespmem:$0x14570] =	vst v58  }
0x283: {  	[tilespmem:$0x146F0] =	vst v37  }
0x284: {  	[tilespmem:s28], [sflag:$0x1] =	stream.indirect.gather [hbm4b:s3+s25], $0x80, s26, s25, $0xb8;
	[tilespmem:$0x17D80] =	vst v63  }
0x285: {  	_ =	swait.ge [sflag:s23], $0x4000  }
0x286: {  	[sflag:s23] =	ssyncset.done $0x0  }
0x287: {  	[sflag:s23] =	ssyncadd.s32 $0xFFFFC000  }
0x288: {  	v59 =	vld [tilespmem:$0x180];
	_ =	sdelay $0x4  }
0x289: {  	v37 =	vand.u32 $0x7F, v59  }
0x28a: {  	v60 =	vld [tilespmem:$0x190];
	v37 =	vor.u32 v0, v37;
	_ =	sdelay $0x4  }
0x28b: {  	v38 =	vand.u32 $0x7F, v60;
	v37 =	vld.idx.msk [tilespmem:v37+s28+$0x0], $0xffff  }
0x28c: {  	v61 =	vld [tilespmem:$0x1A0];
	v38 =	vor.u32 v1, v38;
	_ =	sdelay $0x3  }
0x28d: {  	[tilespmem:$0x14700] =	vst v37  }
0x28e: {  	v62 =	vand.u32 $0x7F, v61;
	v37 =	vld.idx.msk [tilespmem:v38+s28+$0x0], $0xffff  }
0x28f: {  	v63 =	vld [tilespmem:$0x1B0];
	v38 =	vor.u32 v4, v62;
	_ =	sdelay $0x3  }
0x290: {  	[tilespmem:$0x14710] =	vst v37  }
0x291: {  	v41 =	vand.u32 $0x7F, v63;
	v37 =	vld.idx.msk [tilespmem:v38+s28+$0x0], $0xffff  }
0x292: {  	v42 =	vld [tilespmem:$0x1C0];
	v38 =	vor.u32 v5, v41;
	_ =	sdelay $0x3  }
0x293: {  	[tilespmem:$0x14720] =	vst v37  }
0x294: {  	v43 =	vand.u32 $0x7F, v42;
	v37 =	vld.idx.msk [tilespmem:v38+s28+$0x0], $0xffff  }
0x295: {  	v44 =	vld [tilespmem:$0x1D0];
	v38 =	vor.u32 v8, v43;
	_ =	sdelay $0x3  }
0x296: {  	[tilespmem:$0x14730] =	vst v37  }
0x297: {  	v45 =	vand.u32 $0x7F, v44;
	v37 =	vld.idx.msk [tilespmem:v38+s28+$0x0], $0xffff  }
0x298: {  	v46 =	vld [tilespmem:$0x1E0];
	v38 =	vor.u32 v9, v45;
	_ =	sdelay $0x3  }
0x299: {  	[tilespmem:$0x14740] =	vst v37  }
0x29a: {  	v47 =	vand.u32 $0x7F, v46;
	v37 =	vld.idx.msk [tilespmem:v38+s28+$0x0], $0xffff  }
0x29b: {  	v48 =	vld [tilespmem:$0x1F0];
	v38 =	vor.u32 v12, v47;
	_ =	sdelay $0x2  }
0x29c: {  	v50 =	vld [tilespmem:$0x280]  }
0x29d: {  	v51 =	vld [tilespmem:$0x290];
	[tilespmem:$0x14750] =	vst v37  }
0x29e: {  	v49 =	vand.u32 $0x7F, v48;
	v37 =	vld.idx.msk [tilespmem:v38+s28+$0x0], $0xffff  }
0x29f: {  	v52 =	vld [tilespmem:$0x2A0];
	v38 =	vor.u32 v13, v49  }
0x2a0: {  	v53 =	vld [tilespmem:$0x2B0]  }
0x2a1: {  	v54 =	vld [tilespmem:$0x2C0]  }
0x2a2: {  	v56 =	vld [tilespmem:$0x2D0]  }
0x2a3: {  	v58 =	vld [tilespmem:$0x2E0];
	v55 =	vshra.s32 v50, $0x7;
	[tilespmem:$0x14760] =	vst v37  }
0x2a4: {  	v57 =	vshra.s32 v51, $0x7;
	v37 =	vld.idx.msk [tilespmem:v38+s28+$0x0], $0xffff;
	[tilespmem:$0x14500] =	vst v55  }
0x2a5: {  	v59 =	vshra.s32 v52, $0x7;
	v60 =	vld [tilespmem:$0x2F0];
	[tilespmem:$0x14510] =	vst v57  }
0x2a6: {  	v61 =	vshra.s32 v53, $0x7;
	[tilespmem:$0x14520] =	vst v59  }
0x2a7: {  	v62 =	vshra.s32 v54, $0x7;
	[tilespmem:$0x14530] =	vst v61  }
0x2a8: {  	v63 =	vshra.s32 v56, $0x7;
	[tilespmem:$0x14540] =	vst v62  }
0x2a9: {  	v41 =	vshra.s32 v58, $0x7;
	[tilespmem:$0x14550] =	vst v63  }
0x2aa: {  	v42 =	vshra.s32 v60, $0x7;
	[tilespmem:$0x14560] =	vst v41  }
0x2ab: {  	[tilespmem:$0x14570] =	vst v42  }
0x2ac: {  	[tilespmem:$0x14770] =	vst v37  }
0x2ad: {  	[tilespmem:s28], [sflag:$0x1] =	stream.indirect.gather [hbm4b:s4+s25], $0x80, s26, s25, $0xb8;
	[tilespmem:$0x17D80] =	vst v63  }
0x2ae: {  	_ =	swait.ge [sflag:s23], $0x4000  }
0x2af: {  	[sflag:s23] =	ssyncset.done $0x0  }
0x2b0: {  	[sflag:s23] =	ssyncadd.s32 $0xFFFFC000  }
0x2b1: {  	v43 =	vld [tilespmem:$0x280];
	_ =	sdelay $0x4  }
0x2b2: {  	v37 =	vand.u32 $0x7F, v43  }
0x2b3: {  	v44 =	vld [tilespmem:$0x290];
	v37 =	vor.u32 v0, v37;
	_ =	sdelay $0x4  }
0x2b4: {  	v38 =	vand.u32 $0x7F, v44;
	v37 =	vld.idx.msk [tilespmem:v37+s28+$0x0], $0xffff  }
0x2b5: {  	v45 =	vld [tilespmem:$0x2A0];
	v38 =	vor.u32 v1, v38;
	_ =	sdelay $0x3  }
0x2b6: {  	[tilespmem:$0x14780] =	vst v37  }
0x2b7: {  	v46 =	vand.u32 $0x7F, v45;
	v37 =	vld.idx.msk [tilespmem:v38+s28+$0x0], $0xffff  }
0x2b8: {  	v47 =	vld [tilespmem:$0x2B0];
	v38 =	vor.u32 v4, v46;
	_ =	sdelay $0x3  }
0x2b9: {  	[tilespmem:$0x14790] =	vst v37  }
0x2ba: {  	v48 =	vand.u32 $0x7F, v47;
	v37 =	vld.idx.msk [tilespmem:v38+s28+$0x0], $0xffff  }
0x2bb: {  	v49 =	vld [tilespmem:$0x2C0];
	v38 =	vor.u32 v5, v48;
	_ =	sdelay $0x3  }
0x2bc: {  	[tilespmem:$0x147A0] =	vst v37  }
0x2bd: {  	v50 =	vand.u32 $0x7F, v49;
	v37 =	vld.idx.msk [tilespmem:v38+s28+$0x0], $0xffff  }
0x2be: {  	v51 =	vld [tilespmem:$0x2D0];
	v38 =	vor.u32 v8, v50;
	_ =	sdelay $0x3  }
0x2bf: {  	[tilespmem:$0x147B0] =	vst v37  }
0x2c0: {  	v52 =	vand.u32 $0x7F, v51;
	v37 =	vld.idx.msk [tilespmem:v38+s28+$0x0], $0xffff  }
0x2c1: {  	v53 =	vld [tilespmem:$0x2E0];
	v38 =	vor.u32 v9, v52;
	_ =	sdelay $0x3  }
0x2c2: {  	[tilespmem:$0x147C0] =	vst v37  }
0x2c3: {  	v54 =	vand.u32 $0x7F, v53;
	v37 =	vld.idx.msk [tilespmem:v38+s28+$0x0], $0xffff  }
0x2c4: {  	v55 =	vld [tilespmem:$0x2F0];
	v38 =	vor.u32 v12, v54;
	_ =	sdelay $0x2  }
0x2c5: {  	v57 =	vld [tilespmem:$0x300]  }
0x2c6: {  	v58 =	vld [tilespmem:$0x310];
	[tilespmem:$0x147D0] =	vst v37  }
0x2c7: {  	v56 =	vand.u32 $0x7F, v55;
	v37 =	vld.idx.msk [tilespmem:v38+s28+$0x0], $0xffff  }
0x2c8: {  	v59 =	vld [tilespmem:$0x320];
	v38 =	vor.u32 v13, v56  }
0x2c9: {  	v60 =	vld [tilespmem:$0x330]  }
0x2ca: {  	v61 =	vld [tilespmem:$0x340]  }
0x2cb: {  	v63 =	vld [tilespmem:$0x350]  }
0x2cc: {  	v62 =	vshra.s32 v57, $0x7;
	v45 =	vld [tilespmem:$0x360];
	[tilespmem:$0x147E0] =	vst v37  }
0x2cd: {  	v44 =	vshra.s32 v58, $0x7;
	v37 =	vld.idx.msk [tilespmem:v38+s28+$0x0], $0xffff;
	[tilespmem:$0x14500] =	vst v62  }
0x2ce: {  	v47 =	vld [tilespmem:$0x370];
	v46 =	vshra.s32 v59, $0x7;
	[tilespmem:$0x14510] =	vst v44  }
0x2cf: {  	v48 =	vshra.s32 v60, $0x7;
	[tilespmem:$0x14520] =	vst v46  }
0x2d0: {  	v49 =	vshra.s32 v61, $0x7;
	[tilespmem:$0x14530] =	vst v48  }
0x2d1: {  	v50 =	vshra.s32 v63, $0x7;
	[tilespmem:$0x14540] =	vst v49  }
0x2d2: {  	v51 =	vshra.s32 v45, $0x7;
	[tilespmem:$0x14550] =	vst v50  }
0x2d3: {  	v52 =	vshra.s32 v47, $0x7;
	[tilespmem:$0x14560] =	vst v51  }
0x2d4: {  	[tilespmem:$0x14570] =	vst v52  }
0x2d5: {  	[tilespmem:$0x147F0] =	vst v37  }
0x2d6: {  	[tilespmem:s28], [sflag:$0x1] =	stream.indirect.gather [hbm4b:s4+s25], $0x80, s26, s25, $0xb8;
	[tilespmem:$0x17D80] =	vst v63  }
0x2d7: {  	_ =	swait.ge [sflag:s23], $0x4000  }
0x2d8: {  	[sflag:s23] =	ssyncset.done $0x0  }
0x2d9: {  	[sflag:s23] =	ssyncadd.s32 $0xFFFFC000  }
0x2da: {  	v53 =	vld [tilespmem:$0x300];
	_ =	sdelay $0x4  }
0x2db: {  	v37 =	vand.u32 $0x7F, v53  }
0x2dc: {  	v54 =	vld [tilespmem:$0x310];
	v37 =	vor.u32 v0, v37;
	_ =	sdelay $0x4  }
0x2dd: {  	v38 =	vand.u32 $0x7F, v54;
	v37 =	vld.idx.msk [tilespmem:v37+s28+$0x0], $0xffff  }
0x2de: {  	v55 =	vld [tilespmem:$0x320];
	v38 =	vor.u32 v1, v38;
	_ =	sdelay $0x3  }
0x2df: {  	[tilespmem:$0x14800] =	vst v37  }
0x2e0: {  	v56 =	vand.u32 $0x7F, v55;
	v37 =	vld.idx.msk [tilespmem:v38+s28+$0x0], $0xffff  }
0x2e1: {  	v57 =	vld [tilespmem:$0x330];
	v38 =	vor.u32 v4, v56;
	_ =	sdelay $0x3  }
0x2e2: {  	[tilespmem:$0x14810] =	vst v37  }
0x2e3: {  	v58 =	vand.u32 $0x7F, v57;
	v37 =	vld.idx.msk [tilespmem:v38+s28+$0x0], $0xffff  }
0x2e4: {  	v59 =	vld [tilespmem:$0x340];
	v38 =	vor.u32 v5, v58;
	_ =	sdelay $0x3  }
0x2e5: {  	[tilespmem:$0x14820] =	vst v37  }
0x2e6: {  	v60 =	vand.u32 $0x7F, v59;
	v37 =	vld.idx.msk [tilespmem:v38+s28+$0x0], $0xffff  }
0x2e7: {  	v61 =	vld [tilespmem:$0x350];
	v38 =	vor.u32 v8, v60;
	_ =	sdelay $0x3  }
0x2e8: {  	[tilespmem:$0x14830] =	vst v37  }
0x2e9: {  	v62 =	vand.u32 $0x7F, v61;
	v37 =	vld.idx.msk [tilespmem:v38+s28+$0x0], $0xffff  }
0x2ea: {  	v63 =	vld [tilespmem:$0x360];
	v38 =	vor.u32 v9, v62;
	_ =	sdelay $0x3  }
0x2eb: {  	[tilespmem:$0x14840] =	vst v37  }
0x2ec: {  	v42 =	vand.u32 $0x7F, v63;
	v37 =	vld.idx.msk [tilespmem:v38+s28+$0x0], $0xffff  }
0x2ed: {  	v43 =	vld [tilespmem:$0x370];
	v38 =	vor.u32 v12, v42;
	_ =	sdelay $0x2  }
0x2ee: {  	v45 =	vld [tilespmem:$0x380]  }
0x2ef: {  	v46 =	vld [tilespmem:$0x390];
	[tilespmem:$0x14850] =	vst v37  }
0x2f0: {  	v44 =	vand.u32 $0x7F, v43;
	v37 =	vld.idx.msk [tilespmem:v38+s28+$0x0], $0xffff  }
0x2f1: {  	v47 =	vld [tilespmem:$0x3A0];
	v38 =	vor.u32 v13, v44  }
0x2f2: {  	v48 =	vld [tilespmem:$0x3B0]  }
0x2f3: {  	v49 =	vld [tilespmem:$0x3C0]  }
0x2f4: {  	v51 =	vld [tilespmem:$0x3D0]  }
0x2f5: {  	v50 =	vshra.s32 v45, $0x7;
	v53 =	vld [tilespmem:$0x3E0];
	[tilespmem:$0x14860] =	vst v37  }
0x2f6: {  	v52 =	vshra.s32 v46, $0x7;
	v37 =	vld.idx.msk [tilespmem:v38+s28+$0x0], $0xffff;
	[tilespmem:$0x14500] =	vst v50  }
0x2f7: {  	v54 =	vshra.s32 v47, $0x7;
	v55 =	vld [tilespmem:$0x3F0];
	[tilespmem:$0x14510] =	vst v52  }
0x2f8: {  	v56 =	vshra.s32 v48, $0x7;
	[tilespmem:$0x14520] =	vst v54  }
0x2f9: {  	v57 =	vshra.s32 v49, $0x7;
	[tilespmem:$0x14530] =	vst v56  }
0x2fa: {  	v58 =	vshra.s32 v51, $0x7;
	[tilespmem:$0x14540] =	vst v57  }
0x2fb: {  	v59 =	vshra.s32 v53, $0x7;
	[tilespmem:$0x14550] =	vst v58  }
0x2fc: {  	v60 =	vshra.s32 v55, $0x7;
	[tilespmem:$0x14560] =	vst v59  }
0x2fd: {  	[tilespmem:$0x14570] =	vst v60  }
0x2fe: {  	[tilespmem:$0x14870] =	vst v37  }
0x2ff: {  	[tilespmem:s28], [sflag:$0x1] =	stream.indirect.gather [hbm4b:s4+s25], $0x80, s26, s25, $0xb8;
	[tilespmem:$0x17D80] =	vst v63  }
0x300: {  	_ =	swait.ge [sflag:s23], $0x4000  }
0x301: {  	[sflag:s23] =	ssyncset.done $0x0  }
0x302: {  	[sflag:s23] =	ssyncadd.s32 $0xFFFFC000  }
0x303: {  	v61 =	vld [tilespmem:$0x380];
	_ =	sdelay $0x4  }
0x304: {  	v37 =	vand.u32 $0x7F, v61  }
0x305: {  	v62 =	vld [tilespmem:$0x390];
	v37 =	vor.u32 v0, v37;
	_ =	sdelay $0x4  }
0x306: {  	v38 =	vand.u32 $0x7F, v62;
	v37 =	vld.idx.msk [tilespmem:v37+s28+$0x0], $0xffff  }
0x307: {  	v63 =	vld [tilespmem:$0x3A0];
	v38 =	vor.u32 v1, v38;
	_ =	sdelay $0x3  }
0x308: {  	[tilespmem:$0x14880] =	vst v37  }
0x309: {  	v42 =	vand.u32 $0x7F, v63;
	v37 =	vld.idx.msk [tilespmem:v38+s28+$0x0], $0xffff  }
0x30a: {  	v43 =	vld [tilespmem:$0x3B0];
	v38 =	vor.u32 v4, v42;
	_ =	sdelay $0x3  }
0x30b: {  	[tilespmem:$0x14890] =	vst v37  }
0x30c: {  	v44 =	vand.u32 $0x7F, v43;
	v37 =	vld.idx.msk [tilespmem:v38+s28+$0x0], $0xffff  }
0x30d: {  	v45 =	vld [tilespmem:$0x3C0];
	v38 =	vor.u32 v5, v44;
	_ =	sdelay $0x3  }
0x30e: {  	[tilespmem:$0x148A0] =	vst v37  }
0x30f: {  	v46 =	vand.u32 $0x7F, v45;
	v37 =	vld.idx.msk [tilespmem:v38+s28+$0x0], $0xffff  }
0x310: {  	v47 =	vld [tilespmem:$0x3D0];
	v38 =	vor.u32 v8, v46;
	_ =	sdelay $0x3  }
0x311: {  	[tilespmem:$0x148B0] =	vst v37  }
0x312: {  	v48 =	vand.u32 $0x7F, v47;
	v37 =	vld.idx.msk [tilespmem:v38+s28+$0x0], $0xffff  }
0x313: {  	v49 =	vld [tilespmem:$0x3E0];
	v38 =	vor.u32 v9, v48;
	_ =	sdelay $0x3  }
0x314: {  	[tilespmem:$0x148C0] =	vst v37  }
0x315: {  	v50 =	vand.u32 $0x7F, v49;
	v37 =	vld.idx.msk [tilespmem:v38+s28+$0x0], $0xffff  }
0x316: {  	v51 =	vld [tilespmem:$0x3F0];
	v38 =	vor.u32 v12, v50;
	_ =	sdelay $0x2  }
0x317: {  	v53 =	vld [tilespmem:$0x400]  }
0x318: {  	v54 =	vld [tilespmem:$0x410];
	[tilespmem:$0x148D0] =	vst v37  }
0x319: {  	v52 =	vand.u32 $0x7F, v51;
	v37 =	vld.idx.msk [tilespmem:v38+s28+$0x0], $0xffff  }
0x31a: {  	v55 =	vld [tilespmem:$0x420];
	v38 =	vor.u32 v13, v52  }
0x31b: {  	v56 =	vld [tilespmem:$0x430]  }
0x31c: {  	v57 =	vld [tilespmem:$0x440]  }
0x31d: {  	v59 =	vld [tilespmem:$0x450]  }
0x31e: {  	v58 =	vshra.s32 v53, $0x7;
	v61 =	vld [tilespmem:$0x460];
	[tilespmem:$0x148E0] =	vst v37  }
0x31f: {  	v60 =	vshra.s32 v54, $0x7;
	v37 =	vld.idx.msk [tilespmem:v38+s28+$0x0], $0xffff;
	[tilespmem:$0x14500] =	vst v58  }
0x320: {  	v62 =	vshra.s32 v55, $0x7;
	v63 =	vld [tilespmem:$0x470];
	[tilespmem:$0x14510] =	vst v60  }
0x321: {  	v41 =	vshra.s32 v56, $0x7;
	[tilespmem:$0x14520] =	vst v62  }
0x322: {  	v43 =	vshra.s32 v57, $0x7;
	[tilespmem:$0x14530] =	vst v41  }
0x323: {  	v44 =	vshra.s32 v59, $0x7;
	[tilespmem:$0x14540] =	vst v43  }
0x324: {  	v45 =	vshra.s32 v61, $0x7;
	[tilespmem:$0x14550] =	vst v44  }
0x325: {  	v46 =	vshra.s32 v63, $0x7;
	[tilespmem:$0x14560] =	vst v45  }
0x326: {  	[tilespmem:$0x14570] =	vst v46  }
0x327: {  	[tilespmem:$0x148F0] =	vst v37  }
0x328: {  	[tilespmem:s28], [sflag:$0x1] =	stream.indirect.gather [hbm4b:s4+s25], $0x80, s26, s25, $0xb8;
	[tilespmem:$0x17D80] =	vst v63  }
0x329: {  	_ =	swait.ge [sflag:s23], $0x4000  }
0x32a: {  	[sflag:s23] =	ssyncset.done $0x0  }
0x32b: {  	[sflag:s23] =	ssyncadd.s32 $0xFFFFC000  }
0x32c: {  	v47 =	vld [tilespmem:$0x400];
	_ =	sdelay $0x4  }
0x32d: {  	v37 =	vand.u32 $0x7F, v47  }
0x32e: {  	v48 =	vld [tilespmem:$0x410];
	v37 =	vor.u32 v0, v37;
	_ =	sdelay $0x4  }
0x32f: {  	v38 =	vand.u32 $0x7F, v48;
	v37 =	vld.idx.msk [tilespmem:v37+s28+$0x0], $0xffff  }
0x330: {  	v49 =	vld [tilespmem:$0x420];
	v38 =	vor.u32 v1, v38;
	_ =	sdelay $0x3  }
0x331: {  	[tilespmem:$0x14900] =	vst v37  }
0x332: {  	v50 =	vand.u32 $0x7F, v49;
	v37 =	vld.idx.msk [tilespmem:v38+s28+$0x0], $0xffff  }
0x333: {  	v51 =	vld [tilespmem:$0x430];
	v38 =	vor.u32 v4, v50;
	_ =	sdelay $0x3  }
0x334: {  	[tilespmem:$0x14910] =	vst v37  }
0x335: {  	v52 =	vand.u32 $0x7F, v51;
	v37 =	vld.idx.msk [tilespmem:v38+s28+$0x0], $0xffff  }
0x336: {  	v53 =	vld [tilespmem:$0x440];
	v38 =	vor.u32 v5, v52;
	_ =	sdelay $0x3  }
0x337: {  	[tilespmem:$0x14920] =	vst v37  }
0x338: {  	v54 =	vand.u32 $0x7F, v53;
	v37 =	vld.idx.msk [tilespmem:v38+s28+$0x0], $0xffff  }
0x339: {  	v55 =	vld [tilespmem:$0x450];
	v38 =	vor.u32 v8, v54;
	_ =	sdelay $0x3  }
0x33a: {  	[tilespmem:$0x14930] =	vst v37  }
0x33b: {  	v56 =	vand.u32 $0x7F, v55;
	v37 =	vld.idx.msk [tilespmem:v38+s28+$0x0], $0xffff  }
0x33c: {  	v57 =	vld [tilespmem:$0x460];
	v38 =	vor.u32 v9, v56;
	_ =	sdelay $0x3  }
0x33d: {  	[tilespmem:$0x14940] =	vst v37  }
0x33e: {  	v58 =	vand.u32 $0x7F, v57;
	v37 =	vld.idx.msk [tilespmem:v38+s28+$0x0], $0xffff  }
0x33f: {  	v59 =	vld [tilespmem:$0x470];
	v38 =	vor.u32 v12, v58;
	_ =	sdelay $0x3  }
0x340: {  	[tilespmem:$0x14950] =	vst v37  }
0x341: {  	v60 =	vand.u32 $0x7F, v59;
	v37 =	vld.idx.msk [tilespmem:v38+s28+$0x0], $0xffff  }
0x342: {  	v38 =	vor.u32 v13, v60;
	_ =	sdelay $0x3  }
0x343: {  	[tilespmem:$0x14960] =	vst v37  }
0x344: {  	s5 =	simm.s32 $0x0;
	v61 =	vld.idx.msk [tilespmem:v38+s28+$0x0], $0xffff  }
0x345: {  	v37 =	vor.u32 s5, v27  }
0x346: {  	v38 =	vor.u32 s5, v33;
	_ =	sdelay $0x2  }
0x347: {  	[tilespmem:$0x14970] =	vst v61  }
0x348: {  	v62 =	vld.idx.msk [tilespmem:v37+s29+$0x0], $0xffff  }
0x349: {  	v63 =	vld.idx.msk [tilespmem:v38+s29+$0x0], $0xffff;
	_ =	sdelay $0x1  }
0x34a: {  	s21 =	simm.s32 $0x20  }
0x34b: {  	v39 =	vor.u32 s21, v27  }
0x34c: {  	v40 =	vor.u32 s21, v34  }
0x34d: {  	v41 =	vadd.f32 v63, v62  }
0x34e: {  	s12 =	simm.s32 $0x169A0  }
0x34f: {  	[tilespmem:s12+$0xFFFFFFE0] =	vst v41  }
0x350: {  	v43 =	vld.idx.msk [tilespmem:v39+s29+$0x0], $0xffff  }
0x351: {  	v44 =	vld.idx.msk [tilespmem:v40+s29+$0x0], $0xffff;
	_ =	sdelay $0x1  }
0x352: {  	s22 =	simm.s32 $0x40  }
0x353: {  	v41 =	vor.u32 s22, v27  }
0x354: {  	v42 =	vor.u32 s22, v35  }
0x355: {  	v43 =	vadd.f32 v44, v43;
	_ =	sdelay $0x1  }
0x356: {  	[tilespmem:s12+$0xFFFFFFF0] =	vst v43  }
0x357: {  	v45 =	vld.idx.msk [tilespmem:v41+s29+$0x0], $0xffff  }
0x358: {  	v46 =	vld.idx.msk [tilespmem:v42+s29+$0x0], $0xffff;
	_ =	sdelay $0x1  }
0x359: {  	s31 =	simm.s32 $0x60  }
0x35a: {  	v44 =	vor.u32 s31, v27  }
0x35b: {  	v43 =	vor.u32 s31, v36  }
0x35c: {  	v45 =	vadd.f32 v46, v45;
	_ =	sdelay $0x1  }
0x35d: {  	[tilespmem:s12+$0x0] =	vst v45  }
0x35e: {  	v45 =	vld.idx.msk [tilespmem:v44+s29+$0x0], $0xffff  }
0x35f: {  	v47 =	vld.idx.msk [tilespmem:v43+s29+$0x0], $0xffff;
	_ =	sdelay $0x1  }
0x360: {  	s16 =	simm.s32 $0x80  }
0x361: {  	s17 =	simm.s32 $0x4;
	s18 =	simm.s32 $0x169A0;
	v46 =	vor.u32 s16, v27  }
.LBB2_4:
0x362: {  	s17 =	sadd.s32 $0x4, s17;
	v48 =	vor.u32 s16, v33;
	s12 =	sadd.s32 $0x40, s12;
	s5 =	simm.s32 $0x149A0  }
0x363: {  	v45 =	vadd.f32 v47, v45;
	p0 =	slt.u32 s17, $0xFC;
	_ =	sdelay $0x1  }
0x364: {  	[tilespmem:s18+$0x10] =	vst v45;
	s18 =	smov.u32 s12  }
0x365: {  	v45 =	vld.idx.msk [tilespmem:v46+s29+$0x0], $0xffff  }
0x366: {  	v46 =	vld.idx.msk [tilespmem:v48+s29+$0x0], $0xffff;
	_ =	sdelay $0x2  }
0x367: {  	s6 =	sadd.s32 $0x20, s16  }
0x368: {  	v47 =	vor.u32 s6, v27;
	v48 =	vor.u32 s6, v34;
	_ =	sdelay $0x1  }
0x369: {  	v45 =	vadd.f32 v46, v45;
	_ =	sdelay $0x1  }
0x36a: {  	[tilespmem:s12+$0xFFFFFFE0] =	vst v45  }
0x36b: {  	v45 =	vld.idx.msk [tilespmem:v47+s29+$0x0], $0xffff  }
0x36c: {  	v46 =	vld.idx.msk [tilespmem:v48+s29+$0x0], $0xffff;
	_ =	sdelay $0x2  }
0x36d: {  	s6 =	sadd.s32 $0x40, s16  }
0x36e: {  	v47 =	vor.u32 s6, v27;
	v48 =	vor.u32 s6, v35;
	_ =	sdelay $0x1  }
0x36f: {  	v45 =	vadd.f32 v46, v45;
	_ =	sdelay $0x1  }
0x370: {  	[tilespmem:s12+$0xFFFFFFF0] =	vst v45  }
0x371: {  	v45 =	vld.idx.msk [tilespmem:v47+s29+$0x0], $0xffff  }
0x372: {  	v46 =	vld.idx.msk [tilespmem:v48+s29+$0x0], $0xffff;
	_ =	sdelay $0x2  }
0x373: {  	s6 =	sadd.s32 $0x60, s16  }
0x374: {  	v47 =	vor.u32 s6, v27;
	v48 =	vor.u32 s6, v36;
	_ =	sdelay $0x1  }
0x375: {  	v45 =	vadd.f32 v46, v45;
	_ =	sdelay $0x1  }
0x376: {  	[tilespmem:s12+$0x0] =	vst v45  }
0x377: {  	v45 =	vld.idx.msk [tilespmem:v47+s29+$0x0], $0xffff  }
.Ltmp1:
0x378: {  	s16 =	sadd.s32 $0x80, s16;
	v47 =	vld.idx.msk [tilespmem:v48+s29+$0x0], $0xffff;
	(pc) =	sbr.rel @p0 .LBB2_4-.Ltmp1, $2  }
0x379: {  	_ =	sdelay $0x2  }
0x37a: {  	v46 =	vor.u32 s16, v27  }
0x37b: {  	v48 =	vor.u32 s16, v33  }
0x37c: {  	v45 =	vadd.f32 v47, v45;
	_ =	sdelay $0x1  }
0x37d: {  	[tilespmem:s18+$0x10] =	vst v45  }
0x37e: {  	v45 =	vld.idx.msk [tilespmem:v46+s29+$0x0], $0xffff  }
0x37f: {  	v52 =	vld.idx.msk [tilespmem:v48+s29+$0x0], $0xffff;
	_ =	sdelay $0x1  }
0x380: {  	s6 =	sadd.s32 $0x20, s16  }
0x381: {  	v53 =	vor.u32 s6, v27  }
0x382: {  	v54 =	vor.u32 s6, v34  }
0x383: {  	v45 =	vadd.f32 v52, v45  }
0x384: {  	s22 =	sadd.s32 $0x40, s12  }
0x385: {  	[tilespmem:s22+$0xFFFFFFE0] =	vst v45  }
0x386: {  	v45 =	vld.idx.msk [tilespmem:v53+s29+$0x0], $0xffff  }
0x387: {  	v55 =	vld.idx.msk [tilespmem:v54+s29+$0x0], $0xffff;
	_ =	sdelay $0x1  }
0x388: {  	s7 =	sadd.s32 $0x40, s16  }
0x389: {  	v56 =	vor.u32 s7, v27  }
0x38a: {  	v57 =	vor.u32 s7, v35  }
0x38b: {  	v45 =	vadd.f32 v55, v45;
	_ =	sdelay $0x1  }
0x38c: {  	[tilespmem:s22+$0xFFFFFFF0] =	vst v45  }
0x38d: {  	v45 =	vld.idx.msk [tilespmem:v56+s29+$0x0], $0xffff  }
0x38e: {  	v58 =	vld.idx.msk [tilespmem:v57+s29+$0x0], $0xffff;
	_ =	sdelay $0x1  }
0x38f: {  	s31 =	sadd.s32 $0x60, s16  }
0x390: {  	v59 =	vor.u32 s31, v27  }
0x391: {  	v60 =	vor.u32 s31, v36  }
0x392: {  	v45 =	vadd.f32 v58, v45;
	_ =	sdelay $0x1  }
0x393: {  	[tilespmem:s22+$0x0] =	vst v45  }
0x394: {  	v45 =	vld.idx.msk [tilespmem:v59+s29+$0x0], $0xffff  }
0x395: {  	v61 =	vld.idx.msk [tilespmem:v60+s29+$0x0], $0xffff;
	_ =	sdelay $0x4  }
0x396: {  	v45 =	vadd.f32 v61, v45;
	_ =	sdelay $0x1  }
0x397: {  	[tilespmem:s22+$0x10] =	vst v45  }
0x398: {  	v37 =	vld.idx.msk [tilespmem:v37+s30+$0x0], $0xffff  }
0x399: {  	v38 =	vld.idx.msk [tilespmem:v38+s30+$0x0], $0xffff;
	_ =	sdelay $0x4  }
0x39a: {  	v37 =	vadd.f32 v38, v37;
	_ =	sdelay $0x1  }
0x39b: {  	[tilespmem:s5+$0xFFFFFFE0] =	vst v37  }
0x39c: {  	v37 =	vld.idx.msk [tilespmem:v39+s30+$0x0], $0xffff  }
0x39d: {  	v62 =	vld.idx.msk [tilespmem:v40+s30+$0x0], $0xffff;
	_ =	sdelay $0x4  }
0x39e: {  	v37 =	vadd.f32 v62, v37;
	_ =	sdelay $0x1  }
0x39f: {  	[tilespmem:s5+$0xFFFFFFF0] =	vst v37  }
0x3a0: {  	v37 =	vld.idx.msk [tilespmem:v41+s30+$0x0], $0xffff  }
0x3a1: {  	v63 =	vld.idx.msk [tilespmem:v42+s30+$0x0], $0xffff;
	_ =	sdelay $0x4  }
0x3a2: {  	v37 =	vadd.f32 v63, v37;
	_ =	sdelay $0x1  }
0x3a3: {  	[tilespmem:s5+$0x0] =	vst v37  }
0x3a4: {  	v37 =	vld.idx.msk [tilespmem:v44+s30+$0x0], $0xffff  }
0x3a5: {  	v39 =	vld.idx.msk [tilespmem:v43+s30+$0x0], $0xffff;
	_ =	sdelay $0x1  }
0x3a6: {  	s12 =	simm.s32 $0x80  }
0x3a7: {  	s16 =	simm.s32 $0x4;
	s17 =	simm.s32 $0x149A0;
	v38 =	vor.u32 s12, v27  }
.LBB2_6:
0x3a8: {  	s16 =	sadd.s32 $0x4, s16;
	v40 =	vor.u32 s12, v33;
	s5 =	sadd.s32 $0x40, s5  }
0x3a9: {  	v37 =	vadd.f32 v39, v37;
	p0 =	slt.u32 s16, $0x7C;
	_ =	sdelay $0x1  }
0x3aa: {  	[tilespmem:s17+$0x10] =	vst v37;
	s17 =	smov.u32 s5  }
0x3ab: {  	v37 =	vld.idx.msk [tilespmem:v38+s30+$0x0], $0xffff  }
0x3ac: {  	v38 =	vld.idx.msk [tilespmem:v40+s30+$0x0], $0xffff;
	_ =	sdelay $0x2  }
0x3ad: {  	s6 =	sadd.s32 $0x20, s12  }
0x3ae: {  	v39 =	vor.u32 s6, v27;
	v40 =	vor.u32 s6, v34;
	_ =	sdelay $0x1  }
0x3af: {  	v37 =	vadd.f32 v38, v37;
	_ =	sdelay $0x1  }
0x3b0: {  	[tilespmem:s5+$0xFFFFFFE0] =	vst v37  }
0x3b1: {  	v37 =	vld.idx.msk [tilespmem:v39+s30+$0x0], $0xffff  }
0x3b2: {  	v38 =	vld.idx.msk [tilespmem:v40+s30+$0x0], $0xffff;
	_ =	sdelay $0x2  }
0x3b3: {  	s6 =	sadd.s32 $0x40, s12  }
0x3b4: {  	v39 =	vor.u32 s6, v27;
	v40 =	vor.u32 s6, v35;
	_ =	sdelay $0x1  }
0x3b5: {  	v37 =	vadd.f32 v38, v37;
	_ =	sdelay $0x1  }
0x3b6: {  	[tilespmem:s5+$0xFFFFFFF0] =	vst v37  }
0x3b7: {  	v37 =	vld.idx.msk [tilespmem:v39+s30+$0x0], $0xffff  }
0x3b8: {  	v38 =	vld.idx.msk [tilespmem:v40+s30+$0x0], $0xffff;
	_ =	sdelay $0x2  }
0x3b9: {  	s6 =	sadd.s32 $0x60, s12  }
0x3ba: {  	v39 =	vor.u32 s6, v27;
	v40 =	vor.u32 s6, v36;
	_ =	sdelay $0x1  }
0x3bb: {  	v37 =	vadd.f32 v38, v37;
	_ =	sdelay $0x1  }
0x3bc: {  	[tilespmem:s5+$0x0] =	vst v37  }
0x3bd: {  	v37 =	vld.idx.msk [tilespmem:v39+s30+$0x0], $0xffff  }
.Ltmp2:
0x3be: {  	s12 =	sadd.s32 $0x80, s12;
	v39 =	vld.idx.msk [tilespmem:v40+s30+$0x0], $0xffff;
	(pc) =	sbr.rel @p0 .LBB2_6-.Ltmp2, $2  }
0x3bf: {  	_ =	sdelay $0x2  }
0x3c0: {  	v38 =	vor.u32 s12, v27  }
0x3c1: {  	v40 =	vor.u32 s12, v33  }
0x3c2: {  	v37 =	vadd.f32 v39, v37;
	_ =	sdelay $0x1  }
0x3c3: {  	[tilespmem:s17+$0x10] =	vst v37  }
0x3c4: {  	v37 =	vld.idx.msk [tilespmem:v38+s30+$0x0], $0xffff  }
0x3c5: {  	v55 =	vld.idx.msk [tilespmem:v40+s30+$0x0], $0xffff;
	_ =	sdelay $0x1  }
0x3c6: {  	s6 =	sadd.s32 $0x20, s12  }
0x3c7: {  	v56 =	vor.u32 s6, v27  }
0x3c8: {  	v57 =	vor.u32 s6, v34  }
0x3c9: {  	v37 =	vadd.f32 v55, v37  }
0x3ca: {  	s5 =	sadd.s32 $0x40, s5  }
0x3cb: {  	[tilespmem:s5+$0xFFFFFFE0] =	vst v37  }
0x3cc: {  	v37 =	vld.idx.msk [tilespmem:v56+s30+$0x0], $0xffff  }
0x3cd: {  	v58 =	vld.idx.msk [tilespmem:v57+s30+$0x0], $0xffff;
	_ =	sdelay $0x1  }
0x3ce: {  	s18 =	sadd.s32 $0x40, s12  }
0x3cf: {  	v59 =	vor.u32 s18, v27  }
0x3d0: {  	v60 =	vor.u32 s18, v35  }
0x3d1: {  	v37 =	vadd.f32 v58, v37;
	_ =	sdelay $0x1  }
0x3d2: {  	[tilespmem:s5+$0xFFFFFFF0] =	vst v37  }
0x3d3: {  	v37 =	vld.idx.msk [tilespmem:v59+s30+$0x0], $0xffff  }
0x3d4: {  	v61 =	vld.idx.msk [tilespmem:v60+s30+$0x0], $0xffff;
	_ =	sdelay $0x1  }
0x3d5: {  	s19 =	sadd.s32 $0x60, s12  }
0x3d6: {  	v62 =	vor.u32 s19, v27  }
0x3d7: {  	v63 =	vor.u32 s19, v36  }
0x3d8: {  	v37 =	vadd.f32 v61, v37;
	_ =	sdelay $0x1  }
0x3d9: {  	[tilespmem:s5+$0x0] =	vst v37  }
0x3da: {  	v39 =	vld.idx.msk [tilespmem:v62+s30+$0x0], $0xffff  }
0x3db: {  	v40 =	vld.idx.msk [tilespmem:v63+s30+$0x0], $0xffff;
	_ =	sdelay $0x1  }
0x3dc: {  	s20 =	simm.s32 $0x0  }
0x3dd: {  	v37 =	vor.u32 s20, v27  }
0x3de: {  	v38 =	vor.u32 s20, v33  }
0x3df: {  	v39 =	vadd.f32 v40, v39;
	_ =	sdelay $0x1  }
0x3e0: {  	[tilespmem:s5+$0x10] =	vst v39  }
0x3e1: {  	v41 =	vld.idx.msk [tilespmem:v37+s29+$0x0], $0xffff  }
0x3e2: {  	v42 =	vld.idx.msk [tilespmem:v38+s29+$0x0], $0xffff;
	_ =	sdelay $0x1  }
0x3e3: {  	s21 =	simm.s32 $0x20  }
0x3e4: {  	v39 =	vor.u32 s21, v27  }
0x3e5: {  	v40 =	vor.u32 s21, v34  }
0x3e6: {  	v41 =	vadd.f32 v42, v41  }
0x3e7: {  	s12 =	simm.s32 $0x169A0  }
0x3e8: {  	[tilespmem:s12+$0xFFFFFFE0] =	vst v41  }
0x3e9: {  	v43 =	vld.idx.msk [tilespmem:v39+s29+$0x0], $0xffff  }
0x3ea: {  	v44 =	vld.idx.msk [tilespmem:v40+s29+$0x0], $0xffff;
	_ =	sdelay $0x1  }
0x3eb: {  	s22 =	simm.s32 $0x40  }
0x3ec: {  	v41 =	vor.u32 s22, v27  }
0x3ed: {  	v42 =	vor.u32 s22, v35  }
0x3ee: {  	v43 =	vadd.f32 v44, v43;
	_ =	sdelay $0x1  }
0x3ef: {  	[tilespmem:s12+$0xFFFFFFF0] =	vst v43  }
0x3f0: {  	v45 =	vld.idx.msk [tilespmem:v41+s29+$0x0], $0xffff  }
0x3f1: {  	v46 =	vld.idx.msk [tilespmem:v42+s29+$0x0], $0xffff;
	_ =	sdelay $0x1  }
0x3f2: {  	s31 =	simm.s32 $0x60  }
0x3f3: {  	v44 =	vor.u32 s31, v27  }
0x3f4: {  	v43 =	vor.u32 s31, v36  }
0x3f5: {  	v45 =	vadd.f32 v46, v45;
	_ =	sdelay $0x1  }
0x3f6: {  	[tilespmem:s12+$0x0] =	vst v45  }
0x3f7: {  	v45 =	vld.idx.msk [tilespmem:v44+s29+$0x0], $0xffff  }
0x3f8: {  	v47 =	vld.idx.msk [tilespmem:v43+s29+$0x0], $0xffff;
	_ =	sdelay $0x1  }
0x3f9: {  	s16 =	simm.s32 $0x80  }
0x3fa: {  	s18 =	simm.s32 $0x169A0;
	s17 =	simm.s32 $0x4;
	v46 =	vor.u32 s16, v27  }
.LBB2_8:
0x3fb: {  	s17 =	sadd.s32 $0x4, s17;
	v48 =	vor.u32 s16, v33;
	s12 =	sadd.s32 $0x40, s12;
	s5 =	simm.s32 $0x179A0  }
0x3fc: {  	v45 =	vadd.f32 v47, v45;
	p0 =	slt.u32 s17, $0x3C;
	_ =	sdelay $0x1  }
0x3fd: {  	[tilespmem:s18+$0x10] =	vst v45;
	s18 =	smov.u32 s12  }
0x3fe: {  	v45 =	vld.idx.msk [tilespmem:v46+s29+$0x0], $0xffff  }
0x3ff: {  	v46 =	vld.idx.msk [tilespmem:v48+s29+$0x0], $0xffff;
	_ =	sdelay $0x2  }
0x400: {  	s6 =	sadd.s32 $0x20, s16  }
0x401: {  	v47 =	vor.u32 s6, v27;
	v48 =	vor.u32 s6, v34;
	_ =	sdelay $0x1  }
0x402: {  	v45 =	vadd.f32 v46, v45;
	_ =	sdelay $0x1  }
0x403: {  	[tilespmem:s12+$0xFFFFFFE0] =	vst v45  }
0x404: {  	v45 =	vld.idx.msk [tilespmem:v47+s29+$0x0], $0xffff  }
0x405: {  	v46 =	vld.idx.msk [tilespmem:v48+s29+$0x0], $0xffff;
	_ =	sdelay $0x2  }
0x406: {  	s6 =	sadd.s32 $0x40, s16  }
0x407: {  	v47 =	vor.u32 s6, v27;
	v48 =	vor.u32 s6, v35;
	_ =	sdelay $0x1  }
0x408: {  	v45 =	vadd.f32 v46, v45;
	_ =	sdelay $0x1  }
0x409: {  	[tilespmem:s12+$0xFFFFFFF0] =	vst v45  }
0x40a: {  	v45 =	vld.idx.msk [tilespmem:v47+s29+$0x0], $0xffff  }
0x40b: {  	v46 =	vld.idx.msk [tilespmem:v48+s29+$0x0], $0xffff;
	_ =	sdelay $0x2  }
0x40c: {  	s6 =	sadd.s32 $0x60, s16  }
0x40d: {  	v47 =	vor.u32 s6, v27;
	v48 =	vor.u32 s6, v36;
	_ =	sdelay $0x1  }
0x40e: {  	v45 =	vadd.f32 v46, v45;
	_ =	sdelay $0x1  }
0x40f: {  	[tilespmem:s12+$0x0] =	vst v45  }
0x410: {  	v45 =	vld.idx.msk [tilespmem:v47+s29+$0x0], $0xffff  }
.Ltmp3:
0x411: {  	s16 =	sadd.s32 $0x80, s16;
	v47 =	vld.idx.msk [tilespmem:v48+s29+$0x0], $0xffff;
	(pc) =	sbr.rel @p0 .LBB2_8-.Ltmp3, $2  }
0x412: {  	_ =	sdelay $0x2  }
0x413: {  	v46 =	vor.u32 s16, v27  }
0x414: {  	v48 =	vor.u32 s16, v33  }
0x415: {  	v45 =	vadd.f32 v47, v45;
	_ =	sdelay $0x1  }
0x416: {  	[tilespmem:s18+$0x10] =	vst v45  }
0x417: {  	v45 =	vld.idx.msk [tilespmem:v46+s29+$0x0], $0xffff  }
0x418: {  	v52 =	vld.idx.msk [tilespmem:v48+s29+$0x0], $0xffff;
	_ =	sdelay $0x1  }
0x419: {  	s6 =	sadd.s32 $0x20, s16  }
0x41a: {  	v53 =	vor.u32 s6, v27  }
0x41b: {  	v54 =	vor.u32 s6, v34  }
0x41c: {  	v45 =	vadd.f32 v52, v45  }
0x41d: {  	s22 =	sadd.s32 $0x40, s12  }
0x41e: {  	[tilespmem:s22+$0xFFFFFFE0] =	vst v45  }
0x41f: {  	v45 =	vld.idx.msk [tilespmem:v53+s29+$0x0], $0xffff  }
0x420: {  	v55 =	vld.idx.msk [tilespmem:v54+s29+$0x0], $0xffff;
	_ =	sdelay $0x1  }
0x421: {  	s7 =	sadd.s32 $0x40, s16  }
0x422: {  	v56 =	vor.u32 s7, v27  }
0x423: {  	v57 =	vor.u32 s7, v35  }
0x424: {  	v45 =	vadd.f32 v55, v45;
	_ =	sdelay $0x1  }
0x425: {  	[tilespmem:s22+$0xFFFFFFF0] =	vst v45  }
0x426: {  	v45 =	vld.idx.msk [tilespmem:v56+s29+$0x0], $0xffff  }
0x427: {  	v58 =	vld.idx.msk [tilespmem:v57+s29+$0x0], $0xffff;
	_ =	sdelay $0x1  }
0x428: {  	s31 =	sadd.s32 $0x60, s16  }
0x429: {  	v59 =	vor.u32 s31, v27  }
0x42a: {  	v60 =	vor.u32 s31, v36  }
0x42b: {  	v45 =	vadd.f32 v58, v45;
	_ =	sdelay $0x1  }
0x42c: {  	[tilespmem:s22+$0x0] =	vst v45  }
0x42d: {  	v45 =	vld.idx.msk [tilespmem:v59+s29+$0x0], $0xffff  }
0x42e: {  	v61 =	vld.idx.msk [tilespmem:v60+s29+$0x0], $0xffff;
	_ =	sdelay $0x4  }
0x42f: {  	v45 =	vadd.f32 v61, v45;
	_ =	sdelay $0x1  }
0x430: {  	[tilespmem:s22+$0x10] =	vst v45  }
0x431: {  	v37 =	vld.idx.msk [tilespmem:v37+s30+$0x0], $0xffff  }
0x432: {  	v38 =	vld.idx.msk [tilespmem:v38+s30+$0x0], $0xffff;
	_ =	sdelay $0x4  }
0x433: {  	v37 =	vadd.f32 v38, v37;
	_ =	sdelay $0x1  }
0x434: {  	[tilespmem:s5+$0xFFFFFFE0] =	vst v37  }
0x435: {  	v37 =	vld.idx.msk [tilespmem:v39+s30+$0x0], $0xffff  }
0x436: {  	v62 =	vld.idx.msk [tilespmem:v40+s30+$0x0], $0xffff;
	_ =	sdelay $0x4  }
0x437: {  	v37 =	vadd.f32 v62, v37;
	_ =	sdelay $0x1  }
0x438: {  	[tilespmem:s5+$0xFFFFFFF0] =	vst v37  }
0x439: {  	v37 =	vld.idx.msk [tilespmem:v41+s30+$0x0], $0xffff  }
0x43a: {  	v63 =	vld.idx.msk [tilespmem:v42+s30+$0x0], $0xffff;
	_ =	sdelay $0x4  }
0x43b: {  	v37 =	vadd.f32 v63, v37;
	_ =	sdelay $0x1  }
0x43c: {  	[tilespmem:s5+$0x0] =	vst v37  }
0x43d: {  	v37 =	vld.idx.msk [tilespmem:v44+s30+$0x0], $0xffff  }
0x43e: {  	v39 =	vld.idx.msk [tilespmem:v43+s30+$0x0], $0xffff;
	_ =	sdelay $0x1  }
0x43f: {  	s12 =	simm.s32 $0x80  }
0x440: {  	s17 =	simm.s32 $0x4;
	s16 =	simm.s32 $0x179A0;
	s18 =	simm.s32 $0x179A0;
	v38 =	vor.u32 s12, v27  }
.LBB2_10:
0x441: {  	s17 =	sadd.s32 $0x4, s17;
	v40 =	vor.u32 s12, v33;
	s16 =	sadd.s32 $0x40, s16  }
0x442: {  	v37 =	vadd.f32 v39, v37;
	p0 =	slt.u32 s17, $0x1C;
	_ =	sdelay $0x1  }
0x443: {  	[tilespmem:s18+$0x10] =	vst v37;
	s18 =	smov.u32 s16  }
0x444: {  	v37 =	vld.idx.msk [tilespmem:v38+s30+$0x0], $0xffff  }
0x445: {  	v38 =	vld.idx.msk [tilespmem:v40+s30+$0x0], $0xffff;
	_ =	sdelay $0x2  }
0x446: {  	s6 =	sadd.s32 $0x20, s12  }
0x447: {  	v39 =	vor.u32 s6, v27;
	v40 =	vor.u32 s6, v34;
	_ =	sdelay $0x1  }
0x448: {  	v37 =	vadd.f32 v38, v37;
	_ =	sdelay $0x1  }
0x449: {  	[tilespmem:s16+$0xFFFFFFE0] =	vst v37  }
0x44a: {  	v37 =	vld.idx.msk [tilespmem:v39+s30+$0x0], $0xffff  }
0x44b: {  	v38 =	vld.idx.msk [tilespmem:v40+s30+$0x0], $0xffff;
	_ =	sdelay $0x2  }
0x44c: {  	s6 =	sadd.s32 $0x40, s12  }
0x44d: {  	v39 =	vor.u32 s6, v27;
	v40 =	vor.u32 s6, v35;
	_ =	sdelay $0x1  }
0x44e: {  	v37 =	vadd.f32 v38, v37;
	_ =	sdelay $0x1  }
0x44f: {  	[tilespmem:s16+$0xFFFFFFF0] =	vst v37  }
0x450: {  	v37 =	vld.idx.msk [tilespmem:v39+s30+$0x0], $0xffff  }
0x451: {  	v38 =	vld.idx.msk [tilespmem:v40+s30+$0x0], $0xffff;
	_ =	sdelay $0x2  }
0x452: {  	s6 =	sadd.s32 $0x60, s12  }
0x453: {  	v39 =	vor.u32 s6, v27;
	v40 =	vor.u32 s6, v36;
	_ =	sdelay $0x1  }
0x454: {  	v37 =	vadd.f32 v38, v37;
	_ =	sdelay $0x1  }
0x455: {  	[tilespmem:s16+$0x0] =	vst v37  }
0x456: {  	v37 =	vld.idx.msk [tilespmem:v39+s30+$0x0], $0xffff  }
.Ltmp4:
0x457: {  	s12 =	sadd.s32 $0x80, s12;
	v39 =	vld.idx.msk [tilespmem:v40+s30+$0x0], $0xffff;
	(pc) =	sbr.rel @p0 .LBB2_10-.Ltmp4, $2  }
0x458: {  	_ =	sdelay $0x2  }
0x459: {  	v38 =	vor.u32 s12, v27  }
0x45a: {  	v40 =	vor.u32 s12, v33  }
0x45b: {  	v37 =	vadd.f32 v39, v37;
	_ =	sdelay $0x1  }
0x45c: {  	[tilespmem:s18+$0x10] =	vst v37  }
0x45d: {  	v37 =	vld.idx.msk [tilespmem:v38+s30+$0x0], $0xffff  }
0x45e: {  	v46 =	vld.idx.msk [tilespmem:v40+s30+$0x0], $0xffff;
	_ =	sdelay $0x1  }
0x45f: {  	s6 =	sadd.s32 $0x20, s12  }
0x460: {  	v47 =	vor.u32 s6, v27  }
0x461: {  	v48 =	vor.u32 s6, v34  }
0x462: {  	v37 =	vadd.f32 v46, v37  }
0x463: {  	s21 =	sadd.s32 $0x40, s16  }
0x464: {  	[tilespmem:s21+$0xFFFFFFE0] =	vst v37  }
0x465: {  	v37 =	vld.idx.msk [tilespmem:v47+s30+$0x0], $0xffff  }
0x466: {  	v49 =	vld.idx.msk [tilespmem:v48+s30+$0x0], $0xffff;
	_ =	sdelay $0x1  }
0x467: {  	s7 =	sadd.s32 $0x40, s12  }
0x468: {  	v50 =	vor.u32 s7, v27  }
0x469: {  	v51 =	vor.u32 s7, v35  }
0x46a: {  	v37 =	vadd.f32 v49, v37;
	_ =	sdelay $0x1  }
0x46b: {  	[tilespmem:s21+$0xFFFFFFF0] =	vst v37  }
0x46c: {  	v37 =	vld.idx.msk [tilespmem:v50+s30+$0x0], $0xffff  }
0x46d: {  	v52 =	vld.idx.msk [tilespmem:v51+s30+$0x0], $0xffff;
	_ =	sdelay $0x1  }
0x46e: {  	s22 =	sadd.s32 $0x60, s12  }
0x46f: {  	v53 =	vor.u32 s22, v27  }
0x470: {  	v54 =	vor.u32 s22, v36  }
0x471: {  	v37 =	vadd.f32 v52, v37;
	_ =	sdelay $0x1  }
0x472: {  	[tilespmem:s21+$0x0] =	vst v37  }
0x473: {  	v37 =	vld.idx.msk [tilespmem:v53+s30+$0x0], $0xffff  }
0x474: {  	v55 =	vld.idx.msk [tilespmem:v54+s30+$0x0], $0xffff;
	_ =	sdelay $0x4  }
0x475: {  	v37 =	vadd.f32 v55, v37;
	_ =	sdelay $0x1  }
0x476: {  	s31 =	simm.s32 $0x145A0;
	[tilespmem:s21+$0x10] =	vst v37  }
0x477: {  	v37 =	vld [tilespmem:s31+$0xFFFFFFE0]  }
0x478: {  	v56 =	vld [tilespmem:s5+$0xFFFFFFE0]  }
0x479: {  	s12 =	simm.s32 $0x147A0  }
0x47a: {  	v57 =	vld [tilespmem:s12+$0xFFFFFFE0];
	_ =	sdelay $0x2  }
0x47b: {  	v37 =	vadd.f32 v37, v56;
	_ =	sdelay $0x1  }
0x47c: {  	v37 =	vadd.f32 v57, v37;
	_ =	sdelay $0x1  }
0x47d: {  	v37 =	vsub.f32 $0.0e+00, v37;
	_ =	sdelay $0x1  }
0x47e: {  	v37 =	vmul.f32 $1.442695020e+00, v37;
	_ =	sdelay $0x1  }
0x47f: {  	(erf) = vpow2.f32 v37;
	_ =	sdelay $0x8  }
0x480: {  	v37 =	vpop (erf)  }
0x481: {  	v37 =	vadd.f32 $1.000000000e+00, v37;
	_ =	sdelay $0x1  }
0x482: {  	(erf) = vrcp.f32 v37;
	_ =	sdelay $0x8  }
0x483: {  	s16 =	simm.s32 $0x17BA0;
	v37 =	vpop (erf)  }
0x484: {  	[tilespmem:s16+$0xFFFFFFE0] =	vst v37  }
0x485: {  	v37 =	vld [tilespmem:s5+$0xFFFFFFF0]  }
0x486: {  	v58 =	vld [tilespmem:s31+$0xFFFFFFF0];
	_ =	sdelay $0x1  }
0x487: {  	v59 =	vld [tilespmem:s12+$0xFFFFFFF0];
	_ =	sdelay $0x2  }
0x488: {  	v37 =	vadd.f32 v58, v37;
	_ =	sdelay $0x1  }
0x489: {  	v37 =	vadd.f32 v59, v37;
	_ =	sdelay $0x1  }
0x48a: {  	v37 =	vsub.f32 $0.0e+00, v37;
	_ =	sdelay $0x1  }
0x48b: {  	v37 =	vmul.f32 $1.442695020e+00, v37;
	_ =	sdelay $0x1  }
0x48c: {  	(erf) = vpow2.f32 v37;
	_ =	sdelay $0x8  }
0x48d: {  	v37 =	vpop (erf)  }
0x48e: {  	v37 =	vadd.f32 $1.000000000e+00, v37;
	_ =	sdelay $0x1  }
0x48f: {  	(erf) = vrcp.f32 v37;
	_ =	sdelay $0x8  }
0x490: {  	v37 =	vpop (erf)  }
0x491: {  	[tilespmem:s16+$0xFFFFFFF0] =	vst v37  }
0x492: {  	v37 =	vld [tilespmem:s5+$0x0]  }
0x493: {  	v60 =	vld [tilespmem:s31+$0x0];
	_ =	sdelay $0x1  }
0x494: {  	v61 =	vld [tilespmem:s12+$0x0];
	_ =	sdelay $0x2  }
0x495: {  	v37 =	vadd.f32 v60, v37;
	_ =	sdelay $0x1  }
0x496: {  	v37 =	vadd.f32 v61, v37;
	_ =	sdelay $0x1  }
0x497: {  	v37 =	vsub.f32 $0.0e+00, v37;
	_ =	sdelay $0x1  }
0x498: {  	v37 =	vmul.f32 $1.442695020e+00, v37;
	_ =	sdelay $0x1  }
0x499: {  	(erf) = vpow2.f32 v37;
	_ =	sdelay $0x8  }
0x49a: {  	v37 =	vpop (erf)  }
0x49b: {  	v37 =	vadd.f32 $1.000000000e+00, v37;
	_ =	sdelay $0x1  }
0x49c: {  	(erf) = vrcp.f32 v37;
	_ =	sdelay $0x8  }
0x49d: {  	v37 =	vpop (erf)  }
0x49e: {  	[tilespmem:s16+$0x0] =	vst v37  }
0x49f: {  	v37 =	vld [tilespmem:s5+$0x10]  }
0x4a0: {  	v62 =	vld [tilespmem:s31+$0x10];
	_ =	sdelay $0x1  }
0x4a1: {  	v63 =	vld [tilespmem:s12+$0x10];
	_ =	sdelay $0x2  }
0x4a2: {  	v37 =	vadd.f32 v62, v37;
	_ =	sdelay $0x1  }
0x4a3: {  	v37 =	vadd.f32 v63, v37;
	_ =	sdelay $0x1  }
0x4a4: {  	v37 =	vsub.f32 $0.0e+00, v37;
	_ =	sdelay $0x1  }
0x4a5: {  	v37 =	vmul.f32 $1.442695020e+00, v37;
	_ =	sdelay $0x1  }
0x4a6: {  	(erf) = vpow2.f32 v37;
	_ =	sdelay $0x8  }
0x4a7: {  	v37 =	vpop (erf)  }
0x4a8: {  	v37 =	vadd.f32 $1.000000000e+00, v37;
	_ =	sdelay $0x1  }
0x4a9: {  	(erf) = vrcp.f32 v37;
	_ =	sdelay $0x3  }
0x4aa: {  	s17 =	simm.s32 $0x145E0  }
0x4ab: {  	s19 =	simm.s32 $0x179E0;
	s18 =	simm.s32 $0x17BA0;
	s5 =	simm.s32 $0x0  }
.LBB2_12:
0x4ac: {  	s5 =	sadd.s32 $0x4, s5;
	s16 =	sadd.s32 $0x40, s16;
	s12 =	sadd.s32 $0x40, s12  }
0x4ad: {  	p0 =	slt.u32 s5, $0x1C;
	_ =	sdelay $0x1  }
0x4ae: {  	v37 =	vpop (erf)  }
0x4af: {  	[tilespmem:s18+$0x10] =	vst v37;
	s18 =	smov.u32 s16  }
0x4b0: {  	v37 =	vld [tilespmem:s17+$0xFFFFFFE0]  }
0x4b1: {  	v38 =	vld [tilespmem:s19+$0xFFFFFFE0];
	_ =	sdelay $0x1  }
0x4b2: {  	v39 =	vld [tilespmem:s12+$0xFFFFFFE0];
	_ =	sdelay $0x2  }
0x4b3: {  	v37 =	vadd.f32 v37, v38;
	_ =	sdelay $0x1  }
0x4b4: {  	v37 =	vadd.f32 v39, v37;
	_ =	sdelay $0x1  }
0x4b5: {  	v37 =	vsub.f32 $0.0e+00, v37;
	_ =	sdelay $0x1  }
0x4b6: {  	v37 =	vmul.f32 $1.442695020e+00, v37;
	_ =	sdelay $0x1  }
0x4b7: {  	(erf) = vpow2.f32 v37;
	_ =	sdelay $0x8  }
0x4b8: {  	v37 =	vpop (erf)  }
0x4b9: {  	v37 =	vadd.f32 $1.000000000e+00, v37;
	_ =	sdelay $0x1  }
0x4ba: {  	(erf) = vrcp.f32 v37;
	_ =	sdelay $0x8  }
0x4bb: {  	v37 =	vpop (erf)  }
0x4bc: {  	[tilespmem:s16+$0xFFFFFFE0] =	vst v37  }
0x4bd: {  	v37 =	vld [tilespmem:s19+$0xFFFFFFF0]  }
0x4be: {  	v38 =	vld [tilespmem:s17+$0xFFFFFFF0];
	_ =	sdelay $0x1  }
0x4bf: {  	v39 =	vld [tilespmem:s12+$0xFFFFFFF0];
	_ =	sdelay $0x2  }
0x4c0: {  	v37 =	vadd.f32 v38, v37;
	_ =	sdelay $0x1  }
0x4c1: {  	v37 =	vadd.f32 v39, v37;
	_ =	sdelay $0x1  }
0x4c2: {  	v37 =	vsub.f32 $0.0e+00, v37;
	_ =	sdelay $0x1  }
0x4c3: {  	v37 =	vmul.f32 $1.442695020e+00, v37;
	_ =	sdelay $0x1  }
0x4c4: {  	(erf) = vpow2.f32 v37;
	_ =	sdelay $0x8  }
0x4c5: {  	v37 =	vpop (erf)  }
0x4c6: {  	v37 =	vadd.f32 $1.000000000e+00, v37;
	_ =	sdelay $0x1  }
0x4c7: {  	(erf) = vrcp.f32 v37;
	_ =	sdelay $0x8  }
0x4c8: {  	v37 =	vpop (erf)  }
0x4c9: {  	[tilespmem:s16+$0xFFFFFFF0] =	vst v37  }
0x4ca: {  	v37 =	vld [tilespmem:s19+$0x0]  }
0x4cb: {  	v38 =	vld [tilespmem:s17+$0x0];
	_ =	sdelay $0x1  }
0x4cc: {  	v39 =	vld [tilespmem:s12+$0x0];
	_ =	sdelay $0x2  }
0x4cd: {  	v37 =	vadd.f32 v38, v37;
	_ =	sdelay $0x1  }
0x4ce: {  	v37 =	vadd.f32 v39, v37;
	_ =	sdelay $0x1  }
0x4cf: {  	v37 =	vsub.f32 $0.0e+00, v37;
	_ =	sdelay $0x1  }
0x4d0: {  	v37 =	vmul.f32 $1.442695020e+00, v37;
	_ =	sdelay $0x1  }
0x4d1: {  	(erf) = vpow2.f32 v37;
	_ =	sdelay $0x8  }
0x4d2: {  	v37 =	vpop (erf)  }
0x4d3: {  	v37 =	vadd.f32 $1.000000000e+00, v37;
	_ =	sdelay $0x1  }
0x4d4: {  	(erf) = vrcp.f32 v37;
	_ =	sdelay $0x8  }
0x4d5: {  	v37 =	vpop (erf)  }
0x4d6: {  	[tilespmem:s16+$0x0] =	vst v37  }
0x4d7: {  	v37 =	vld [tilespmem:s19+$0x10]  }
0x4d8: {  	v38 =	vld [tilespmem:s17+$0x10]  }
0x4d9: {  	v39 =	vld [tilespmem:s12+$0x10];
	_ =	sdelay $0x3  }
0x4da: {  	v37 =	vadd.f32 v38, v37;
	_ =	sdelay $0x1  }
0x4db: {  	v37 =	vadd.f32 v39, v37;
	_ =	sdelay $0x1  }
0x4dc: {  	v37 =	vsub.f32 $0.0e+00, v37;
	_ =	sdelay $0x1  }
0x4dd: {  	v37 =	vmul.f32 $1.442695020e+00, v37;
	_ =	sdelay $0x1  }
0x4de: {  	(erf) = vpow2.f32 v37;
	_ =	sdelay $0x8  }
0x4df: {  	v37 =	vpop (erf)  }
0x4e0: {  	v37 =	vadd.f32 $1.000000000e+00, v37;
	_ =	sdelay $0x1  }
0x4e1: {  	(erf) = vrcp.f32 v37  }
.Ltmp5:
0x4e2: {  	(pc) =	sbr.rel @p0 .LBB2_12-.Ltmp5, $2  }
0x4e3: {  	_ =	sdelay $0x2  }
0x4e4: {  	s19 =	sadd.s32 $0x40, s19;
	s17 =	sadd.s32 $0x40, s17  }
0x4e5: {  	_ =	sdelay $0x2  }
0x4e6: {  	v37 =	vpop (erf)  }
0x4e7: {  	s12 =	simm.s32 $0x0;
	s5 =	rddreg [dreg:$0x12];
	s6 =	simm.s32 $0x17B80;
	[tilespmem:s18+$0x10] =	vst v37  }
0x4e8: {  	[hbm4b:s5+s12] =	stream.linear.scatter [tilespmem:s6], [sflag:$0x3], $0x200, $0x38;
	[tilespmem:$0x17D80] =	vst v63  }
0x4e9: {  	_ =	swait.ge [sflag:s11], $0x200  }
0x4ea: {  	s0 =	sadd.s32 $0x1, s0;
	s31 =	rddreg [dreg:$0x13]  }
0x4eb: {  	p0 =	sne.s32 s0, s31  }
.Ltmp6:
0x4ec: {  	_ = 	snop;
	(pc) =	sbr.rel @p0 .LBB2_1-.Ltmp6, $3  }
0x4ed: {  	_ =	sdelay $0x1  }
0x4ee: {  	[sflag:s11] =	ssyncset.done $0x0  }
0x4ef: {  	[sflag:s11] =	ssyncadd.s32 $0xFFFFFE00  }
0x4f0: {  	_ =	sfence.sel $0x180000  }
0x4f1: {  	[bflag:$0x0] =	sbarrier.arrive $0xFFFF  }
0x4f2: {  	_ =	strace $0x90000047  }
0x4f3: {  	s0 =	stileid.u32;
	[bflag:$0x2] =	sbarrier.arrive $0xFFFF  }
0x4f4: {  	p0 =	sne.s32 s0, $0x0;
	s0 =	rddreg [dreg:$0x7]  }
0x4f5: {  	s0 =	sadd.s32 @!p0 $0x100000, s0  }
0x4f6: {  	[sflag:s0] =	ssyncadd.tile.s32 @!p0 $0x1;
	_ =	shalt  }
.Lfunc_end2:
_tile_overlayer_lowered:
.L_overlay_start_2:
0x4f7: {  	(tag) =	ssettag $0x2  }
0x4f8: {  	s0 =	rddreg [dreg:$0x0];
	s2 =	stileid.u32  }
0x4f9: {  	s1 =	rddreg [dreg:$0x1];
	p0 =	sne.s32 s2, $0x0  }
0x4fa: {  	s3 =	rddreg [dreg:$0x2];
	[bflag:$0x3] =	sbarrier.arrive $0xFFFF;
	s2 =	simm.s32 @!p0 $0x1C03  }
0x4fb: {  	[timem:s3], [sflag:s2] =	dma.local @!p0 [hbm:s0], s1  }
0x4fc: {  	s0 =	simm.s32 @!p0 $0x3  }
0x4fd: {  	_ =	swait.ge @!p0 [sflag:s0], s1  }
0x4fe: {  	s1 =	ssub.s32 @!p0 $0x0, s1;
	[sflag:s0] =	ssyncset.done @!p0 $0x0  }
0x4ff: {  	[sflag:s0] =	ssyncadd.s32 @!p0 s1  }
0x500: {  	[bflag:$0x3] =	sbarrier.arrive $0xFFFF  }
0x501: {  	_ =	shalt  }

</sc_bundles>
